<compile_context>
chip_gen: v7x
topology: tpu7x:2x2x1
jax: 0.10.2.dev20260603
libtpu: 0.0.44.dev20260713+nightly
codegen_flags: <defaults>
</compile_context>

<pallas_src>
import functools

import jax
import jax.numpy as jnp
from jax import lax
from jax.experimental import pallas as pl
from jax.experimental.pallas import tpu as pltpu
from jax.experimental.pallas import tpu_sc as plsc

N = 10000
D = 128
E = 320000
DIAG_LAMBDA = 0.2

NC = 2
NS = 16
NW = NC * NS
EPW = E // NW
CHUNK = 96
NFULL = EPW // CHUNK
NCHUNK = 105
EPAD = NCHUNK * CHUNK
VPC = CHUNK // 16
ZD = 128
N_PAD = 10112
RPT = N_PAD // NS
NDB = N_PAD // ZD


def _sc_aggregate(x, row, col):
    mesh = plsc.VectorSubcoreMesh(core_axis_name="c", subcore_axis_name="s")

    @functools.partial(
        pl.kernel,
        out_type=(
            jax.ShapeDtypeStruct((NC * N_PAD, D), jnp.float32),
            jax.ShapeDtypeStruct((NC * N_PAD,), jnp.float32),
        ),
        mesh=mesh,
        scratch_types=[
            pltpu.VMEM((EPAD,), jnp.int32),
            pltpu.VMEM((NCHUNK, CHUNK), jnp.int32),
            pltpu.VMEM((CHUNK, D), jnp.float32),
            pltpu.VMEM((CHUNK, D), jnp.float32),
            pltpu.VMEM((ZD,), jnp.float32),
            pltpu.VMEM((CHUNK,), jnp.float32),
            pltpu.VMEM_SHARED((N_PAD, D), jnp.float32),
            pltpu.VMEM_SHARED((N_PAD,), jnp.float32),
            pltpu.SemaphoreType.DMA,
            pltpu.SemaphoreType.DMA,
        ],
    )
    def sc_kernel(x_hbm, row_hbm, col_hbm, t_out, cnt_out,
                  rraw, mcol, rowbuf, rowbuf_b, zdeg, ones,
                  acc, deg, sem, sem_b):
        cid = lax.axis_index("c")
        sid = lax.axis_index("s")
        wid = cid * NS + sid
        ebase = wid * EPW
        dummy = N + sid

        zv = jnp.zeros((16,), jnp.float32)

        pltpu.sync_copy(col_hbm.at[pl.ds(ebase, EPW)], rraw.at[pl.ds(0, EPW)])

        def col_chunk(j, _):
            def col_vec(l, _):
                mcol[j, pl.ds(l * 16, 16)] = rraw[pl.ds(j * CHUNK + l * 16, 16)]
                return 0
            return lax.fori_loop(0, VPC, col_vec, 0)
        lax.fori_loop(0, NFULL, col_chunk, 0)
        mcol[NFULL, pl.ds(0, 16)] = rraw[pl.ds(NFULL * CHUNK, 16)]

        pltpu.sync_copy(row_hbm.at[pl.ds(ebase, EPW)], rraw.at[pl.ds(0, EPW)])

        dvec = jnp.full((16,), dummy, jnp.int32)

        for i in range((EPAD - EPW) // 16):
            e = EPW + i * 16
            rraw[pl.ds(e, 16)] = jnp.zeros((16,), jnp.int32)
            mcol[e // CHUNK, pl.ds(e % CHUNK, 16)] = dvec

        def mask_chunk(j, _):
            def mask_vec(l, _):
                rv = rraw[pl.ds(j * CHUNK + l * 16, 16)]
                cv = mcol[j, pl.ds(l * 16, 16)]
                mcol[j, pl.ds(l * 16, 16)] = jnp.where(rv != cv, cv, dvec)
                return 0
            return lax.fori_loop(0, VPC, mask_vec, 0)
        lax.fori_loop(0, NFULL, mask_chunk, 0)
        rv_t = rraw[pl.ds(NFULL * CHUNK, 16)]
        cv_t = mcol[NFULL, pl.ds(0, 16)]
        mcol[NFULL, pl.ds(0, 16)] = jnp.where(rv_t != cv_t, cv_t, dvec)

        def zero_rowbuf(r, _):
            def zcol(c, _):
                rowbuf[r, pl.ds(c * 16, 16)] = zv
                return 0
            return lax.fori_loop(0, D // 16, zcol, 0)
        lax.fori_loop(0, CHUNK, zero_rowbuf, 0)

        def zdeg_fill(i, _):
            zdeg[pl.ds(i * 16, 16)] = zv
            return 0
        lax.fori_loop(0, ZD // 16, zdeg_fill, 0)

        def ones_fill(i, _):
            ones[pl.ds(i * 16, 16)] = jnp.ones((16,), jnp.float32)
            return 0
        lax.fori_loop(0, CHUNK // 16, ones_fill, 0)

        def zero_acc(t, _):
            pltpu.sync_copy(rowbuf, acc.at[pl.ds(sid * RPT + t * CHUNK, CHUNK)])
            return 0
        lax.fori_loop(0, RPT // CHUNK, zero_acc, 0)
        REM = RPT - (RPT // CHUNK) * CHUNK
        pltpu.sync_copy(rowbuf.at[pl.ds(0, REM)],
                        acc.at[pl.ds(sid * RPT + RPT - REM, REM)])
        for k in range(NDB):
            @pl.when(sid == k % NS)
            def _():
                pltpu.sync_copy(zdeg, deg.at[pl.ds(k * ZD, ZD)])

        plsc.subcore_barrier()

        HALF = CHUNK // 2

        def gather_start(j, buf, s):
            pltpu.async_copy(
                x_hbm.at[rraw.at[pl.ds(j * CHUNK, HALF)]],
                buf.at[pl.ds(0, HALF)], s)
            pltpu.async_copy(
                x_hbm.at[rraw.at[pl.ds(j * CHUNK + HALF, HALF)]],
                buf.at[pl.ds(HALF, HALF)], s)

        def gather_wait(j, buf, s):
            pltpu.make_async_copy(
                x_hbm.at[rraw.at[pl.ds(j * CHUNK, HALF)]],
                buf.at[pl.ds(0, HALF)], s).wait()
            pltpu.make_async_copy(
                x_hbm.at[rraw.at[pl.ds(j * CHUNK + HALF, HALF)]],
                buf.at[pl.ds(HALF, HALF)], s).wait()

        gather_start(0, rowbuf, sem)
        gather_start(1, rowbuf_b, sem_b)

        def edge_pair(t, _):
            g = t * 2
            for b, (buf, s) in enumerate(((rowbuf, sem), (rowbuf_b, sem_b))):
                j = g + b
                gather_wait(j, buf, s)
                pltpu.sync_copy(buf, acc.at[mcol.at[j]], add=True)

                @pl.when(j + 2 < NCHUNK)
                def _():
                    gather_start(j + 2, buf, s)

                pltpu.sync_copy(ones, deg.at[mcol.at[j]], add=True)
            return 0
        lax.fori_loop(0, NCHUNK // 2, edge_pair, 0)
        gather_wait(NCHUNK - 1, rowbuf, sem)
        pltpu.sync_copy(rowbuf, acc.at[mcol.at[NCHUNK - 1]], add=True)
        pltpu.sync_copy(ones, deg.at[mcol.at[NCHUNK - 1]], add=True)

        plsc.subcore_barrier()

        rbase = sid * RPT
        pltpu.sync_copy(acc.at[pl.ds(rbase, RPT)],
                        t_out.at[pl.ds(cid * N_PAD + rbase, RPT)])

        for k in range(NDB):
            @pl.when(sid == k % NS)
            def _():
                pltpu.sync_copy(deg.at[pl.ds(k * ZD, ZD)],
                                cnt_out.at[pl.ds(cid * N_PAD + k * ZD, ZD)])

    return sc_kernel(x, row, col)


def _tc_combine(t0, t1, c0, c1, x, wout_t, wroot_t, b2d):
    RB = 400
    grid = (N // RB,)

    def tc_kernel(t0_ref, t1_ref, c0_ref, c1_ref, x_ref, wo_ref, wr_ref,
                  b_ref, o_ref):
        cnt = c0_ref[...] + c1_ref[...]
        inv = 1.0 / (cnt + 1.0)
        xb = x_ref[...]
        agg = (t0_ref[...] + t1_ref[...] + (1.0 + DIAG_LAMBDA) * xb) * inv
        acc = jnp.dot(agg, wo_ref[...], preferred_element_type=jnp.float32)
        acc += jnp.dot(xb, wr_ref[...], preferred_element_type=jnp.float32)
        o_ref[...] = jnp.maximum(acc + b_ref[...], 0.0)

    row_spec = pl.BlockSpec((RB, D), lambda i: (i, 0))
    return pl.pallas_call(
        tc_kernel,
        grid=grid,
        in_specs=[
            row_spec,
            row_spec,
            pl.BlockSpec((RB, 1), lambda i: (i, 0)),
            pl.BlockSpec((RB, 1), lambda i: (i, 0)),
            row_spec,
            pl.BlockSpec((D, D), lambda i: (0, 0)),
            pl.BlockSpec((D, D), lambda i: (0, 0)),
            pl.BlockSpec((1, D), lambda i: (0, 0)),
        ],
        out_specs=row_spec,
        out_shape=jax.ShapeDtypeStruct((N, D), jnp.float32),
    )(t0, t1, c0, c1, x, wout_t, wroot_t, b2d)


def kernel(x, x_0, edge_index, W_out, b_out, W_root):
    del x_0
    row = edge_index[0]
    col = edge_index[1]
    t_parts, cnt_parts = _sc_aggregate(x, row, col)
    t0 = t_parts[:N]
    t1 = t_parts[N_PAD:N_PAD + N]
    c0 = cnt_parts[:N].reshape(N, 1)
    c1 = cnt_parts[N_PAD:N_PAD + N].reshape(N, 1)
    return _tc_combine(t0, t1, c0, c1, x, W_out.T, W_root.T,
                       b_out.reshape(1, D))

# --- scband reference (transcript-rebuilt; emitter-appended) ---
"""Pipeline reference for scband-cluster-gcn-conv-6150393168668 (READ-ONLY COPY).

The authoritative reference and input builder live on the scoring server;
editing this copy changes nothing except your own understanding.
"""

import jax, jax.numpy as jnp
import numpy as np

N = 10000
D_IN = 128
D_OUT = 128
E = 320000
DIAG_LAMBDA = 0.2


def setup_inputs(seed: int = 0) -> dict:
    key = jax.random.key(seed)
    k1, k2, k3, k4, k5 = jax.random.split(key, 5)
    x = jax.random.normal(k1, (N, D_IN), dtype=jnp.float32)
    x_0 = jax.random.normal(k2, (N, D_IN), dtype=jnp.float32)
    edge_index = jax.random.randint(k3, (2, E), 0, N, dtype=jnp.int32)
    s = 1.0 / np.sqrt(D_IN)
    W_out = jax.random.normal(k4, (D_OUT, D_IN), dtype=jnp.float32) * s
    b_out = jnp.zeros((D_OUT,), dtype=jnp.float32)
    W_root = jax.random.normal(k5, (D_OUT, D_IN), dtype=jnp.float32) * s
    return {"x": x, "x_0": x_0, "edge_index": edge_index, "W_out": W_out, "b_out": b_out, "W_root": W_root}


def reference(x, x_0, edge_index, W_out, b_out, W_root):
    # ClusterGCNConv (PyG semantics):
    #   remove self loops, add self loops, deg = in-degree (of col),
    #   edge_weight = deg_inv[col]; self-loop weights += diag_lambda * deg_inv
    #   out = lin_out(sum_j w_ji x_j) + lin_root(x); then relu (unlinear). x_0 unused.
    n = x.shape[0]
    e = edge_index.shape[1]
    row, col = edge_index[0], edge_index[1]
    loop = jnp.arange(n, dtype=edge_index.dtype)
    row2 = jnp.concatenate([row, loop])
    col2 = jnp.concatenate([col, loop])
    # zero-out original self loops (equivalent to remove_self_loops), append fresh self loops
    keep = jnp.concatenate([(row != col).astype(x.dtype), jnp.ones((n,), dtype=x.dtype)])
    deg = jax.ops.segment_sum(keep, col2, num_segments=n)
    deg_inv = 1.0 / jnp.maximum(deg, 1.0)
    ew = deg_inv[col2] * keep
    ew = ew.at[e:].add(DIAG_LAMBDA * deg_inv)
    msg = x[row2] * ew[:, None]
    agg = jax.ops.segment_sum(msg, col2, num_segments=n)
    out = agg @ W_out.T + b_out + x @ W_root.T
    return jax.nn.relu(out)

if __name__ == "__main__":
    import jax
    _d = setup_inputs()
    print(jax.jit(kernel)(*tuple(_d.values())))

</pallas_src>

<mosaic_0001>
#map = affine_map<(d0, d1) -> (0, 0)>
#map1 = affine_map<(d0, d1) -> (0)>
module attributes {stable_mosaic.version = 14 : i64} {
  func.func @sc_kernel(%arg0: i32, %arg1: i32, %arg2: memref<10000x128xf32, #tpu.memory_space<hbm>>, %arg3: memref<320000xi32, #tpu.memory_space<hbm>>, %arg4: memref<320000xi32, #tpu.memory_space<hbm>>, %arg5: memref<20224x128xf32, #tpu.memory_space<hbm>>, %arg6: memref<20224xf32, #tpu.memory_space<hbm>>, %arg7: memref<10080xi32, #tpu.memory_space<vmem>>, %arg8: memref<105x96xi32, #tpu.memory_space<vmem>>, %arg9: memref<96x128xf32, #tpu.memory_space<vmem>>, %arg10: memref<96x128xf32, #tpu.memory_space<vmem>>, %arg11: memref<128xf32, #tpu.memory_space<vmem>>, %arg12: memref<96xf32, #tpu.memory_space<vmem>>, %arg13: memref<10112x128xf32, #tpu.memory_space<vmem_shared>>, %arg14: memref<10112xf32, #tpu.memory_space<vmem_shared>>, %arg15: memref<!tpu.dma_semaphore, #tpu.memory_space<semaphore_mem>>, %arg16: memref<!tpu.dma_semaphore, #tpu.memory_space<semaphore_mem>>) attributes {dimension_semantics = [#tpu.dimension_semantics<core_parallel>, #tpu.dimension_semantics<subcore_parallel>], iteration_bounds = array<i64: 2, 16>, scalar_prefetch = 0 : i64, scratch_operands = 10 : i64, tpu.core_type = #tpu.core_type<sc_vector_subcore>, window_params = [{transform_indices = #map}, {transform_indices = #map1}, {transform_indices = #map1}, {transform_indices = #map}, {transform_indices = #map1}]} {
    %mul3A = arith.constant 16 : i32
    %mul3A_0 = arith.muli %arg0, %mul3A : i32
    %add3A = arith.addi %mul3A_0, %arg1 : i32
    %mul3A_1 = arith.constant 10000 : i32
    %mul3A_2 = arith.muli %add3A, %mul3A_1 : i32
    %add3A_3 = arith.constant 10000 : i32
    %add3A_4 = arith.addi %add3A_3, %arg1 : i32
    %broadcast_in_dim3A = arith.constant 0.000000e+00 : f32
    %broadcast_in_dim3A_5 = vector.broadcast %broadcast_in_dim3A : f32 to vector<16xf32>
    "tpu.region"() ({
      %run_scoped3A_981 = tpu.sem_alloc : memref<!tpu.dma_semaphore, #tpu.memory_space<semaphore_mem>>
      %dma_start3A_982 = arith.constant 0 : i32
      %dma_start3A_983 = tpu.memref_slice %arg7[%dma_start3A_982] : memref<10080xi32, #tpu.memory_space<vmem>> -> memref<10000xi32, #tpu.memory_space<vmem>>
      %dma_start3A_984 = tpu.memref_slice %arg4[%mul3A_2] : memref<320000xi32, #tpu.memory_space<hbm>> -> memref<10000xi32, #tpu.memory_space<hbm>>
      %dma_start3A_985 = arith.constant 0 : i32
      %dma_start3A_986 = tpu.memref_slice %arg7[%dma_start3A_985] : memref<10080xi32, #tpu.memory_space<vmem>> -> memref<10000xi32, #tpu.memory_space<vmem>>
      %dma_start3A_987 = tpu.memref_slice %arg4[%mul3A_2] : memref<320000xi32, #tpu.memory_space<hbm>> -> memref<10000xi32, #tpu.memory_space<hbm>>
      tpu.enqueue_dma source(%dma_start3A_987 : memref<10000xi32, #tpu.memory_space<hbm>>) target(%dma_start3A_986 : memref<10000xi32, #tpu.memory_space<vmem>>) target_semaphore(%run_scoped3A_981 : memref<!tpu.dma_semaphore, #tpu.memory_space<semaphore_mem>>)
      %dma_wait3A_988 = arith.constant 0 : i32
      %dma_wait3A_989 = tpu.memref_slice %arg7[%dma_wait3A_988] : memref<10080xi32, #tpu.memory_space<vmem>> -> memref<10000xi32, #tpu.memory_space<vmem>>
      %dma_wait3A_990 = tpu.memref_slice %arg4[%mul3A_2] : memref<320000xi32, #tpu.memory_space<hbm>> -> memref<10000xi32, #tpu.memory_space<hbm>>
      %dma_wait3A_991 = arith.constant 0 : i32
      %dma_wait3A_992 = tpu.memref_slice %arg7[%dma_wait3A_991] : memref<10080xi32, #tpu.memory_space<vmem>> -> memref<10000xi32, #tpu.memory_space<vmem>>
      %dma_wait3A_993 = tpu.memref_slice %arg4[%mul3A_2] : memref<320000xi32, #tpu.memory_space<hbm>> -> memref<10000xi32, #tpu.memory_space<hbm>>
      tpu.wait_dma2 semaphore(%run_scoped3A_981 : memref<!tpu.dma_semaphore, #tpu.memory_space<semaphore_mem>>) src(%dma_wait3A_993 : memref<10000xi32, #tpu.memory_space<hbm>>) dst(%dma_wait3A_992 : memref<10000xi32, #tpu.memory_space<vmem>>)
      tpu.yield
    }) : () -> ()
    %scan3A = arith.constant 0 : i32
    %scan3A_6 = arith.constant 0 : i32
    %scan3A_7 = arith.constant 104 : i32
    %scan3A_8 = arith.addi %scan3A_6, %scan3A_7 : i32
    %scan3A_9 = arith.constant 1 : i32
    %scan3A_10 = scf.for %scan3A_981 = %scan3A_6 to %scan3A_8 step %scan3A_9 iter_args(%scan3A_982 = %scan3A) -> (i32)  : i32 {
      %scan3A_983 = arith.constant 0 : i32
      %scan3A_984 = arith.constant 0 : i32
      %scan3A_985 = arith.constant 6 : i32
      %scan3A_986 = arith.addi %scan3A_984, %scan3A_985 : i32
      %scan3A_987 = arith.constant 1 : i32
      %scan3A_988 = scf.for %scan3A_990 = %scan3A_984 to %scan3A_986 step %scan3A_987 iter_args(%scan3A_991 = %scan3A_983) -> (i32)  : i32 {
        %mul3A_992 = arith.constant 96 : i32
        %mul3A_993 = arith.muli %scan3A_981, %mul3A_992 : i32
        %mul3A_994 = arith.constant 16 : i32
        %mul3A_995 = arith.muli %scan3A_990, %mul3A_994 : i32
        %add3A_996 = arith.addi %mul3A_993, %mul3A_995 : i32
        %get3A_997 = arith.index_cast %add3A_996 : i32 to index
        %get3A_998 = tpu.vector_load %arg7[%get3A_997] {strides = array<i32>} : memref<10080xi32, #tpu.memory_space<vmem>>, vector<16xi32>,
        %get3A_999 = vector.shape_cast %get3A_998 : vector<16xi32> to vector<16xi32>
        %mul3A_1000 = arith.constant 16 : i32
        %mul3A_1001 = arith.muli %scan3A_990, %mul3A_1000 : i32
        %swap3A_1002 = arith.index_cast %scan3A_981 : i32 to index
        %swap3A_1003 = arith.index_cast %mul3A_1001 : i32 to index
        %swap3A_1004 = tpu.vector_load %arg8[%swap3A_1002, %swap3A_1003] {strides = array<i32>} : memref<105x96xi32, #tpu.memory_space<vmem>>, vector<1x16xi32>,
        %swap3A_1005 = vector.shape_cast %swap3A_1004 : vector<1x16xi32> to vector<16xi32>
        %swap3A_1006 = vector.shape_cast %get3A_999 : vector<16xi32> to vector<1x16xi32>
        tpu.vector_store %arg8[%swap3A_1002, %swap3A_1003], %swap3A_1006 {strides = array<i32>} : memref<105x96xi32, #tpu.memory_space<vmem>>, vector<1x16xi32>,
        %scan3A_1007 = arith.constant 0 : i32
        scf.yield %scan3A_1007 : i32
      }
      %scan3A_989 = arith.constant 6 : i32
      scf.yield %scan3A_988 : i32
    }
    %scan3A_11 = arith.constant 104 : i32
    %get3A = arith.constant 9984 : index
    %get3A_12 = tpu.vector_load %arg7[%get3A] {strides = array<i32>} : memref<10080xi32, #tpu.memory_space<vmem>>, vector<16xi32>,
    %get3A_13 = vector.shape_cast %get3A_12 : vector<16xi32> to vector<16xi32>
    %swap3A = arith.constant 104 : i32
    %swap3A_14 = arith.index_cast %swap3A : i32 to index
    %swap3A_15 = arith.constant 0 : index
    %swap3A_16 = tpu.vector_load %arg8[%swap3A_14, %swap3A_15] {strides = array<i32>} : memref<105x96xi32, #tpu.memory_space<vmem>>, vector<1x16xi32>,
    %swap3A_17 = vector.shape_cast %swap3A_16 : vector<1x16xi32> to vector<16xi32>
    %swap3A_18 = vector.shape_cast %get3A_13 : vector<16xi32> to vector<1x16xi32>
    tpu.vector_store %arg8[%swap3A_14, %swap3A_15], %swap3A_18 {strides = array<i32>} : memref<105x96xi32, #tpu.memory_space<vmem>>, vector<1x16xi32>,
    "tpu.region"() ({
      %run_scoped3A_981 = tpu.sem_alloc : memref<!tpu.dma_semaphore, #tpu.memory_space<semaphore_mem>>
      %dma_start3A_982 = arith.constant 0 : i32
      %dma_start3A_983 = tpu.memref_slice %arg7[%dma_start3A_982] : memref<10080xi32, #tpu.memory_space<vmem>> -> memref<10000xi32, #tpu.memory_space<vmem>>
      %dma_start3A_984 = tpu.memref_slice %arg3[%mul3A_2] : memref<320000xi32, #tpu.memory_space<hbm>> -> memref<10000xi32, #tpu.memory_space<hbm>>
      %dma_start3A_985 = arith.constant 0 : i32
      %dma_start3A_986 = tpu.memref_slice %arg7[%dma_start3A_985] : memref<10080xi32, #tpu.memory_space<vmem>> -> memref<10000xi32, #tpu.memory_space<vmem>>
      %dma_start3A_987 = tpu.memref_slice %arg3[%mul3A_2] : memref<320000xi32, #tpu.memory_space<hbm>> -> memref<10000xi32, #tpu.memory_space<hbm>>
      tpu.enqueue_dma source(%dma_start3A_987 : memref<10000xi32, #tpu.memory_space<hbm>>) target(%dma_start3A_986 : memref<10000xi32, #tpu.memory_space<vmem>>) target_semaphore(%run_scoped3A_981 : memref<!tpu.dma_semaphore, #tpu.memory_space<semaphore_mem>>)
      %dma_wait3A_988 = arith.constant 0 : i32
      %dma_wait3A_989 = tpu.memref_slice %arg7[%dma_wait3A_988] : memref<10080xi32, #tpu.memory_space<vmem>> -> memref<10000xi32, #tpu.memory_space<vmem>>
      %dma_wait3A_990 = tpu.memref_slice %arg3[%mul3A_2] : memref<320000xi32, #tpu.memory_space<hbm>> -> memref<10000xi32, #tpu.memory_space<hbm>>
      %dma_wait3A_991 = arith.constant 0 : i32
      %dma_wait3A_992 = tpu.memref_slice %arg7[%dma_wait3A_991] : memref<10080xi32, #tpu.memory_space<vmem>> -> memref<10000xi32, #tpu.memory_space<vmem>>
      %dma_wait3A_993 = tpu.memref_slice %arg3[%mul3A_2] : memref<320000xi32, #tpu.memory_space<hbm>> -> memref<10000xi32, #tpu.memory_space<hbm>>
      tpu.wait_dma2 semaphore(%run_scoped3A_981 : memref<!tpu.dma_semaphore, #tpu.memory_space<semaphore_mem>>) src(%dma_wait3A_993 : memref<10000xi32, #tpu.memory_space<hbm>>) dst(%dma_wait3A_992 : memref<10000xi32, #tpu.memory_space<vmem>>)
      tpu.yield
    }) : () -> ()
    %broadcast_in_dim3A_19 = vector.broadcast %add3A_4 : i32 to vector<16xi32>
    %broadcast_in_dim3A_20 = arith.constant 0 : i32
    %broadcast_in_dim3A_21 = vector.broadcast %broadcast_in_dim3A_20 : i32 to vector<16xi32>
    %swap3A_22 = arith.constant 10000 : index
    %swap3A_23 = tpu.vector_load %arg7[%swap3A_22] {strides = array<i32>} : memref<10080xi32, #tpu.memory_space<vmem>>, vector<16xi32>,
    %swap3A_24 = vector.shape_cast %swap3A_23 : vector<16xi32> to vector<16xi32>
    %swap3A_25 = vector.shape_cast %broadcast_in_dim3A_21 : vector<16xi32> to vector<16xi32>
    tpu.vector_store %arg7[%swap3A_22], %swap3A_25 {strides = array<i32>} : memref<10080xi32, #tpu.memory_space<vmem>>, vector<16xi32>,
    %swap3A_26 = arith.constant 104 : i32
    %swap3A_27 = arith.index_cast %swap3A_26 : i32 to index
    %swap3A_28 = arith.constant 16 : index
    %swap3A_29 = tpu.vector_load %arg8[%swap3A_27, %swap3A_28] {strides = array<i32>} : memref<105x96xi32, #tpu.memory_space<vmem>>, vector<1x16xi32>,
    %swap3A_30 = vector.shape_cast %swap3A_29 : vector<1x16xi32> to vector<16xi32>
    %swap3A_31 = vector.shape_cast %broadcast_in_dim3A_19 : vector<16xi32> to vector<1x16xi32>
    tpu.vector_store %arg8[%swap3A_27, %swap3A_28], %swap3A_31 {strides = array<i32>} : memref<105x96xi32, #tpu.memory_space<vmem>>, vector<1x16xi32>,
    %broadcast_in_dim3A_32 = arith.constant 0 : i32
    %broadcast_in_dim3A_33 = vector.broadcast %broadcast_in_dim3A_32 : i32 to vector<16xi32>
    %swap3A_34 = arith.constant 10016 : index
    %swap3A_35 = tpu.vector_load %arg7[%swap3A_34] {strides = array<i32>} : memref<10080xi32, #tpu.memory_space<vmem>>, vector<16xi32>,
    %swap3A_36 = vector.shape_cast %swap3A_35 : vector<16xi32> to vector<16xi32>
    %swap3A_37 = vector.shape_cast %broadcast_in_dim3A_33 : vector<16xi32> to vector<16xi32>
    tpu.vector_store %arg7[%swap3A_34], %swap3A_37 {strides = array<i32>} : memref<10080xi32, #tpu.memory_space<vmem>>, vector<16xi32>,
    %swap3A_38 = arith.constant 104 : i32
    %swap3A_39 = arith.index_cast %swap3A_38 : i32 to index
    %swap3A_40 = arith.constant 32 : index
    %swap3A_41 = tpu.vector_load %arg8[%swap3A_39, %swap3A_40] {strides = array<i32>} : memref<105x96xi32, #tpu.memory_space<vmem>>, vector<1x16xi32>,
    %swap3A_42 = vector.shape_cast %swap3A_41 : vector<1x16xi32> to vector<16xi32>
    %swap3A_43 = vector.shape_cast %broadcast_in_dim3A_19 : vector<16xi32> to vector<1x16xi32>
    tpu.vector_store %arg8[%swap3A_39, %swap3A_40], %swap3A_43 {strides = array<i32>} : memref<105x96xi32, #tpu.memory_space<vmem>>, vector<1x16xi32>,
    %broadcast_in_dim3A_44 = arith.constant 0 : i32
    %broadcast_in_dim3A_45 = vector.broadcast %broadcast_in_dim3A_44 : i32 to vector<16xi32>
    %swap3A_46 = arith.constant 10032 : index
    %swap3A_47 = tpu.vector_load %arg7[%swap3A_46] {strides = array<i32>} : memref<10080xi32, #tpu.memory_space<vmem>>, vector<16xi32>,
    %swap3A_48 = vector.shape_cast %swap3A_47 : vector<16xi32> to vector<16xi32>
    %swap3A_49 = vector.shape_cast %broadcast_in_dim3A_45 : vector<16xi32> to vector<16xi32>
    tpu.vector_store %arg7[%swap3A_46], %swap3A_49 {strides = array<i32>} : memref<10080xi32, #tpu.memory_space<vmem>>, vector<16xi32>,
    %swap3A_50 = arith.constant 104 : i32
    %swap3A_51 = arith.index_cast %swap3A_50 : i32 to index
    %swap3A_52 = arith.constant 48 : index
    %swap3A_53 = tpu.vector_load %arg8[%swap3A_51, %swap3A_52] {strides = array<i32>} : memref<105x96xi32, #tpu.memory_space<vmem>>, vector<1x16xi32>,
    %swap3A_54 = vector.shape_cast %swap3A_53 : vector<1x16xi32> to vector<16xi32>
    %swap3A_55 = vector.shape_cast %broadcast_in_dim3A_19 : vector<16xi32> to vector<1x16xi32>
    tpu.vector_store %arg8[%swap3A_51, %swap3A_52], %swap3A_55 {strides = array<i32>} : memref<105x96xi32, #tpu.memory_space<vmem>>, vector<1x16xi32>,
    %broadcast_in_dim3A_56 = arith.constant 0 : i32
    %broadcast_in_dim3A_57 = vector.broadcast %broadcast_in_dim3A_56 : i32 to vector<16xi32>
    %swap3A_58 = arith.constant 10048 : index
    %swap3A_59 = tpu.vector_load %arg7[%swap3A_58] {strides = array<i32>} : memref<10080xi32, #tpu.memory_space<vmem>>, vector<16xi32>,
    %swap3A_60 = vector.shape_cast %swap3A_59 : vector<16xi32> to vector<16xi32>
    %swap3A_61 = vector.shape_cast %broadcast_in_dim3A_57 : vector<16xi32> to vector<16xi32>
    tpu.vector_store %arg7[%swap3A_58], %swap3A_61 {strides = array<i32>} : memref<10080xi32, #tpu.memory_space<vmem>>, vector<16xi32>,
    %swap3A_62 = arith.constant 104 : i32
    %swap3A_63 = arith.index_cast %swap3A_62 : i32 to index
    %swap3A_64 = arith.constant 64 : index
    %swap3A_65 = tpu.vector_load %arg8[%swap3A_63, %swap3A_64] {strides = array<i32>} : memref<105x96xi32, #tpu.memory_space<vmem>>, vector<1x16xi32>,
    %swap3A_66 = vector.shape_cast %swap3A_65 : vector<1x16xi32> to vector<16xi32>
    %swap3A_67 = vector.shape_cast %broadcast_in_dim3A_19 : vector<16xi32> to vector<1x16xi32>
    tpu.vector_store %arg8[%swap3A_63, %swap3A_64], %swap3A_67 {strides = array<i32>} : memref<105x96xi32, #tpu.memory_space<vmem>>, vector<1x16xi32>,
    %broadcast_in_dim3A_68 = arith.constant 0 : i32
    %broadcast_in_dim3A_69 = vector.broadcast %broadcast_in_dim3A_68 : i32 to vector<16xi32>
    %swap3A_70 = arith.constant 10064 : index
    %swap3A_71 = tpu.vector_load %arg7[%swap3A_70] {strides = array<i32>} : memref<10080xi32, #tpu.memory_space<vmem>>, vector<16xi32>,
    %swap3A_72 = vector.shape_cast %swap3A_71 : vector<16xi32> to vector<16xi32>
    %swap3A_73 = vector.shape_cast %broadcast_in_dim3A_69 : vector<16xi32> to vector<16xi32>
    tpu.vector_store %arg7[%swap3A_70], %swap3A_73 {strides = array<i32>} : memref<10080xi32, #tpu.memory_space<vmem>>, vector<16xi32>,
    %swap3A_74 = arith.constant 104 : i32
    %swap3A_75 = arith.index_cast %swap3A_74 : i32 to index
    %swap3A_76 = arith.constant 80 : index
    %swap3A_77 = tpu.vector_load %arg8[%swap3A_75, %swap3A_76] {strides = array<i32>} : memref<105x96xi32, #tpu.memory_space<vmem>>, vector<1x16xi32>,
    %swap3A_78 = vector.shape_cast %swap3A_77 : vector<1x16xi32> to vector<16xi32>
    %swap3A_79 = vector.shape_cast %broadcast_in_dim3A_19 : vector<16xi32> to vector<1x16xi32>
    tpu.vector_store %arg8[%swap3A_75, %swap3A_76], %swap3A_79 {strides = array<i32>} : memref<105x96xi32, #tpu.memory_space<vmem>>, vector<1x16xi32>,
    %scan3A_80 = arith.constant 0 : i32
    %scan3A_81 = arith.constant 0 : i32
    %scan3A_82 = arith.constant 104 : i32
    %scan3A_83 = arith.addi %scan3A_81, %scan3A_82 : i32
    %scan3A_84 = arith.constant 1 : i32
    %scan3A_85 = scf.for %scan3A_981 = %scan3A_81 to %scan3A_83 step %scan3A_84 iter_args(%scan3A_982 = %scan3A_80) -> (i32)  : i32 {
      %scan3A_983 = arith.constant 0 : i32
      %scan3A_984 = arith.constant 0 : i32
      %scan3A_985 = arith.constant 6 : i32
      %scan3A_986 = arith.addi %scan3A_984, %scan3A_985 : i32
      %scan3A_987 = arith.constant 1 : i32
      %scan3A_988 = scf.for %scan3A_990 = %scan3A_984 to %scan3A_986 step %scan3A_987 iter_args(%scan3A_991 = %scan3A_983) -> (i32)  : i32 {
        %mul3A_992 = arith.constant 96 : i32
        %mul3A_993 = arith.muli %scan3A_981, %mul3A_992 : i32
        %mul3A_994 = arith.constant 16 : i32
        %mul3A_995 = arith.muli %scan3A_990, %mul3A_994 : i32
        %add3A_996 = arith.addi %mul3A_993, %mul3A_995 : i32
        %get3A_997 = arith.index_cast %add3A_996 : i32 to index
        %get3A_998 = tpu.vector_load %arg7[%get3A_997] {strides = array<i32>} : memref<10080xi32, #tpu.memory_space<vmem>>, vector<16xi32>,
        %get3A_999 = vector.shape_cast %get3A_998 : vector<16xi32> to vector<16xi32>
        %mul3A_1000 = arith.constant 16 : i32
        %mul3A_1001 = arith.muli %scan3A_990, %mul3A_1000 : i32
        %get3A_1002 = arith.index_cast %scan3A_981 : i32 to index
        %get3A_1003 = arith.index_cast %mul3A_1001 : i32 to index
        %get3A_1004 = tpu.vector_load %arg8[%get3A_1002, %get3A_1003] {strides = array<i32>} : memref<105x96xi32, #tpu.memory_space<vmem>>, vector<1x16xi32>,
        %get3A_1005 = vector.shape_cast %get3A_1004 : vector<1x16xi32> to vector<16xi32>
        %ne3A_1006 = arith.cmpi ne, %get3A_999, %get3A_1005 : vector<16xi32>
        %select_n3A_1007 = arith.select %ne3A_1006, %get3A_1005, %broadcast_in_dim3A_19 : vector<16xi1>, vector<16xi32>
        %mul3A_1008 = arith.constant 16 : i32
        %mul3A_1009 = arith.muli %scan3A_990, %mul3A_1008 : i32
        %swap3A_1010 = arith.index_cast %scan3A_981 : i32 to index
        %swap3A_1011 = arith.index_cast %mul3A_1009 : i32 to index
        %swap3A_1012 = tpu.vector_load %arg8[%swap3A_1010, %swap3A_1011] {strides = array<i32>} : memref<105x96xi32, #tpu.memory_space<vmem>>, vector<1x16xi32>,
        %swap3A_1013 = vector.shape_cast %swap3A_1012 : vector<1x16xi32> to vector<16xi32>
        %swap3A_1014 = vector.shape_cast %select_n3A_1007 : vector<16xi32> to vector<1x16xi32>
        tpu.vector_store %arg8[%swap3A_1010, %swap3A_1011], %swap3A_1014 {strides = array<i32>} : memref<105x96xi32, #tpu.memory_space<vmem>>, vector<1x16xi32>,
        %scan3A_1015 = arith.constant 0 : i32
        scf.yield %scan3A_1015 : i32
      }
      %scan3A_989 = arith.constant 6 : i32
      scf.yield %scan3A_988 : i32
    }
    %scan3A_86 = arith.constant 104 : i32
    %get3A_87 = arith.constant 9984 : index
    %get3A_88 = tpu.vector_load %arg7[%get3A_87] {strides = array<i32>} : memref<10080xi32, #tpu.memory_space<vmem>>, vector<16xi32>,
    %get3A_89 = vector.shape_cast %get3A_88 : vector<16xi32> to vector<16xi32>
    %get3A_90 = arith.constant 104 : i32
    %get3A_91 = arith.index_cast %get3A_90 : i32 to index
    %get3A_92 = arith.constant 0 : index
    %get3A_93 = tpu.vector_load %arg8[%get3A_91, %get3A_92] {strides = array<i32>} : memref<105x96xi32, #tpu.memory_space<vmem>>, vector<1x16xi32>,
    %get3A_94 = vector.shape_cast %get3A_93 : vector<1x16xi32> to vector<16xi32>
    %ne3A = arith.cmpi ne, %get3A_89, %get3A_94 : vector<16xi32>
    %select_n3A = arith.select %ne3A, %get3A_94, %broadcast_in_dim3A_19 : vector<16xi1>, vector<16xi32>
    %swap3A_95 = arith.constant 104 : i32
    %swap3A_96 = arith.index_cast %swap3A_95 : i32 to index
    %swap3A_97 = arith.constant 0 : index
    %swap3A_98 = tpu.vector_load %arg8[%swap3A_96, %swap3A_97] {strides = array<i32>} : memref<105x96xi32, #tpu.memory_space<vmem>>, vector<1x16xi32>,
    %swap3A_99 = vector.shape_cast %swap3A_98 : vector<1x16xi32> to vector<16xi32>
    %swap3A_100 = vector.shape_cast %select_n3A : vector<16xi32> to vector<1x16xi32>
    tpu.vector_store %arg8[%swap3A_96, %swap3A_97], %swap3A_100 {strides = array<i32>} : memref<105x96xi32, #tpu.memory_space<vmem>>, vector<1x16xi32>,
    %scan3A_101 = arith.constant 0 : i32
    %scan3A_102 = arith.constant 0 : i32
    %scan3A_103 = arith.constant 96 : i32
    %scan3A_104 = arith.addi %scan3A_102, %scan3A_103 : i32
    %scan3A_105 = arith.constant 1 : i32
    %scan3A_106 = scf.for %scan3A_981 = %scan3A_102 to %scan3A_104 step %scan3A_105 iter_args(%scan3A_982 = %scan3A_101) -> (i32)  : i32 {
      %scan3A_983 = arith.constant 0 : i32
      %scan3A_984 = arith.constant 0 : i32
      %scan3A_985 = arith.constant 8 : i32
      %scan3A_986 = arith.addi %scan3A_984, %scan3A_985 : i32
      %scan3A_987 = arith.constant 1 : i32
      %scan3A_988 = scf.for %scan3A_990 = %scan3A_984 to %scan3A_986 step %scan3A_987 iter_args(%scan3A_991 = %scan3A_983) -> (i32)  : i32 {
        %mul3A_992 = arith.constant 16 : i32
        %mul3A_993 = arith.muli %scan3A_990, %mul3A_992 : i32
        %swap3A_994 = arith.index_cast %scan3A_981 : i32 to index
        %swap3A_995 = arith.index_cast %mul3A_993 : i32 to index
        %swap3A_996 = tpu.vector_load %arg9[%swap3A_994, %swap3A_995] {strides = array<i32>} : memref<96x128xf32, #tpu.memory_space<vmem>>, vector<1x16xf32>,
        %swap3A_997 = vector.shape_cast %swap3A_996 : vector<1x16xf32> to vector<16xf32>
        %swap3A_998 = vector.shape_cast %broadcast_in_dim3A_5 : vector<16xf32> to vector<1x16xf32>
        tpu.vector_store %arg9[%swap3A_994, %swap3A_995], %swap3A_998 {strides = array<i32>} : memref<96x128xf32, #tpu.memory_space<vmem>>, vector<1x16xf32>,
        %scan3A_999 = arith.constant 0 : i32
        scf.yield %scan3A_999 : i32
      }
      %scan3A_989 = arith.constant 8 : i32
      scf.yield %scan3A_988 : i32
    }
    %scan3A_107 = arith.constant 96 : i32
    %scan3A_108 = arith.constant 0 : i32
    %scan3A_109 = arith.constant 0 : i32
    %scan3A_110 = arith.constant 8 : i32
    %scan3A_111 = arith.addi %scan3A_109, %scan3A_110 : i32
    %scan3A_112 = arith.constant 1 : i32
    %scan3A_113 = scf.for %scan3A_981 = %scan3A_109 to %scan3A_111 step %scan3A_112 iter_args(%scan3A_982 = %scan3A_108) -> (i32)  : i32 {
      %mul3A_983 = arith.constant 16 : i32
      %mul3A_984 = arith.muli %scan3A_981, %mul3A_983 : i32
      %swap3A_985 = arith.index_cast %mul3A_984 : i32 to index
      %swap3A_986 = tpu.vector_load %arg11[%swap3A_985] {strides = array<i32>} : memref<128xf32, #tpu.memory_space<vmem>>, vector<16xf32>,
      %swap3A_987 = vector.shape_cast %swap3A_986 : vector<16xf32> to vector<16xf32>
      %swap3A_988 = vector.shape_cast %broadcast_in_dim3A_5 : vector<16xf32> to vector<16xf32>
      tpu.vector_store %arg11[%swap3A_985], %swap3A_988 {strides = array<i32>} : memref<128xf32, #tpu.memory_space<vmem>>, vector<16xf32>,
      %scan3A_989 = arith.constant 0 : i32
      scf.yield %scan3A_989 : i32
    }
    %scan3A_114 = arith.constant 8 : i32
    %scan3A_115 = arith.constant 0 : i32
    %scan3A_116 = arith.constant 0 : i32
    %scan3A_117 = arith.constant 6 : i32
    %scan3A_118 = arith.addi %scan3A_116, %scan3A_117 : i32
    %scan3A_119 = arith.constant 1 : i32
    %scan3A_120 = scf.for %scan3A_981 = %scan3A_116 to %scan3A_118 step %scan3A_119 iter_args(%scan3A_982 = %scan3A_115) -> (i32)  : i32 {
      %broadcast_in_dim3A_983 = arith.constant 1.000000e+00 : f32
      %broadcast_in_dim3A_984 = vector.broadcast %broadcast_in_dim3A_983 : f32 to vector<16xf32>
      %mul3A_985 = arith.constant 16 : i32
      %mul3A_986 = arith.muli %scan3A_981, %mul3A_985 : i32
      %swap3A_987 = arith.index_cast %mul3A_986 : i32 to index
      %swap3A_988 = tpu.vector_load %arg12[%swap3A_987] {strides = array<i32>} : memref<96xf32, #tpu.memory_space<vmem>>, vector<16xf32>,
      %swap3A_989 = vector.shape_cast %swap3A_988 : vector<16xf32> to vector<16xf32>
      %swap3A_990 = vector.shape_cast %broadcast_in_dim3A_984 : vector<16xf32> to vector<16xf32>
      tpu.vector_store %arg12[%swap3A_987], %swap3A_990 {strides = array<i32>} : memref<96xf32, #tpu.memory_space<vmem>>, vector<16xf32>,
      %scan3A_991 = arith.constant 0 : i32
      scf.yield %scan3A_991 : i32
    }
    %scan3A_121 = arith.constant 6 : i32
    %scan3A_122 = arith.constant 0 : i32
    %scan3A_123 = arith.constant 0 : i32
    %scan3A_124 = arith.constant 6 : i32
    %scan3A_125 = arith.addi %scan3A_123, %scan3A_124 : i32
    %scan3A_126 = arith.constant 1 : i32
    %scan3A_127 = scf.for %scan3A_981 = %scan3A_123 to %scan3A_125 step %scan3A_126 iter_args(%scan3A_982 = %scan3A_122) -> (i32)  : i32 {
      %mul3A_983 = arith.constant 632 : i32
      %mul3A_984 = arith.muli %arg1, %mul3A_983 : i32
      %mul3A_985 = arith.constant 96 : i32
      %mul3A_986 = arith.muli %scan3A_981, %mul3A_985 : i32
      %add3A_987 = arith.addi %mul3A_984, %mul3A_986 : i32
      "tpu.region"() ({
        %run_scoped3A_989 = tpu.sem_alloc : memref<!tpu.dma_semaphore, #tpu.memory_space<semaphore_mem>>
        %dma_start3A_990 = arith.constant 0 : i32
        %dma_start3A_991 = tpu.memref_slice %arg13[%add3A_987, %dma_start3A_990] : memref<10112x128xf32, #tpu.memory_space<vmem_shared>> -> memref<96x128xf32, #tpu.memory_space<vmem_shared>>
        %dma_start3A_992 = arith.constant 0 : i32
        %dma_start3A_993 = tpu.memref_slice %arg13[%add3A_987, %dma_start3A_992] : memref<10112x128xf32, #tpu.memory_space<vmem_shared>> -> memref<96x128xf32, #tpu.memory_space<vmem_shared>>
        tpu.enqueue_dma source(%arg9 : memref<96x128xf32, #tpu.memory_space<vmem>>) target(%dma_start3A_993 : memref<96x128xf32, #tpu.memory_space<vmem_shared>>) target_semaphore(%run_scoped3A_989 : memref<!tpu.dma_semaphore, #tpu.memory_space<semaphore_mem>>)
        %dma_wait3A_994 = arith.constant 0 : i32
        %dma_wait3A_995 = tpu.memref_slice %arg13[%add3A_987, %dma_wait3A_994] : memref<10112x128xf32, #tpu.memory_space<vmem_shared>> -> memref<96x128xf32, #tpu.memory_space<vmem_shared>>
        %dma_wait3A_996 = arith.constant 0 : i32
        %dma_wait3A_997 = tpu.memref_slice %arg13[%add3A_987, %dma_wait3A_996] : memref<10112x128xf32, #tpu.memory_space<vmem_shared>> -> memref<96x128xf32, #tpu.memory_space<vmem_shared>>
        tpu.wait_dma2 semaphore(%run_scoped3A_989 : memref<!tpu.dma_semaphore, #tpu.memory_space<semaphore_mem>>) src(%arg9 : memref<96x128xf32, #tpu.memory_space<vmem>>) dst(%dma_wait3A_997 : memref<96x128xf32, #tpu.memory_space<vmem_shared>>)
        tpu.yield
      }) : () -> ()
      %scan3A_988 = arith.constant 0 : i32
      scf.yield %scan3A_988 : i32
    }
    %scan3A_128 = arith.constant 6 : i32
    %mul3A_129 = arith.constant 632 : i32
    %mul3A_130 = arith.muli %arg1, %mul3A_129 : i32
    %add3A_131 = arith.constant 632 : i32
    %add3A_132 = arith.addi %mul3A_130, %add3A_131 : i32
    %sub3A = arith.constant 56 : i32
    %sub3A_133 = arith.subi %add3A_132, %sub3A : i32
    "tpu.region"() ({
      %run_scoped3A_981 = tpu.sem_alloc : memref<!tpu.dma_semaphore, #tpu.memory_space<semaphore_mem>>
      %dma_start3A_982 = arith.constant 0 : i32
      %dma_start3A_983 = arith.constant 0 : i32
      %dma_start3A_984 = tpu.memref_slice %arg9[%dma_start3A_982, %dma_start3A_983] : memref<96x128xf32, #tpu.memory_space<vmem>> -> memref<56x128xf32, #tpu.memory_space<vmem>>
      %dma_start3A_985 = arith.constant 0 : i32
      %dma_start3A_986 = tpu.memref_slice %arg13[%sub3A_133, %dma_start3A_985] : memref<10112x128xf32, #tpu.memory_space<vmem_shared>> -> memref<56x128xf32, #tpu.memory_space<vmem_shared>>
      %dma_start3A_987 = arith.constant 0 : i32
      %dma_start3A_988 = tpu.memref_slice %arg13[%sub3A_133, %dma_start3A_987] : memref<10112x128xf32, #tpu.memory_space<vmem_shared>> -> memref<56x128xf32, #tpu.memory_space<vmem_shared>>
      %dma_start3A_989 = arith.constant 0 : i32
      %dma_start3A_990 = arith.constant 0 : i32
      %dma_start3A_991 = tpu.memref_slice %arg9[%dma_start3A_989, %dma_start3A_990] : memref<96x128xf32, #tpu.memory_space<vmem>> -> memref<56x128xf32, #tpu.memory_space<vmem>>
      tpu.enqueue_dma source(%dma_start3A_991 : memref<56x128xf32, #tpu.memory_space<vmem>>) target(%dma_start3A_988 : memref<56x128xf32, #tpu.memory_space<vmem_shared>>) target_semaphore(%run_scoped3A_981 : memref<!tpu.dma_semaphore, #tpu.memory_space<semaphore_mem>>)
      %dma_wait3A_992 = arith.constant 0 : i32
      %dma_wait3A_993 = arith.constant 0 : i32
      %dma_wait3A_994 = tpu.memref_slice %arg9[%dma_wait3A_992, %dma_wait3A_993] : memref<96x128xf32, #tpu.memory_space<vmem>> -> memref<56x128xf32, #tpu.memory_space<vmem>>
      %dma_wait3A_995 = arith.constant 0 : i32
      %dma_wait3A_996 = tpu.memref_slice %arg13[%sub3A_133, %dma_wait3A_995] : memref<10112x128xf32, #tpu.memory_space<vmem_shared>> -> memref<56x128xf32, #tpu.memory_space<vmem_shared>>
      %dma_wait3A_997 = arith.constant 0 : i32
      %dma_wait3A_998 = tpu.memref_slice %arg13[%sub3A_133, %dma_wait3A_997] : memref<10112x128xf32, #tpu.memory_space<vmem_shared>> -> memref<56x128xf32, #tpu.memory_space<vmem_shared>>
      %dma_wait3A_999 = arith.constant 0 : i32
      %dma_wait3A_1000 = arith.constant 0 : i32
      %dma_wait3A_1001 = tpu.memref_slice %arg9[%dma_wait3A_999, %dma_wait3A_1000] : memref<96x128xf32, #tpu.memory_space<vmem>> -> memref<56x128xf32, #tpu.memory_space<vmem>>
      tpu.wait_dma2 semaphore(%run_scoped3A_981 : memref<!tpu.dma_semaphore, #tpu.memory_space<semaphore_mem>>) src(%dma_wait3A_1001 : memref<56x128xf32, #tpu.memory_space<vmem>>) dst(%dma_wait3A_998 : memref<56x128xf32, #tpu.memory_space<vmem_shared>>)
      tpu.yield
    }) : () -> ()
    %eq3A = arith.constant 0 : i32
    %eq3A_134 = arith.cmpi eq, %arg1, %eq3A : i32
    %convert_element_type3A = arith.extui %eq3A_134 : i1 to i32
    %cond3A = arith.constant 0 : i32
    %cond3A_135 = arith.cmpi ne, %convert_element_type3A, %cond3A : i32
    scf.if %cond3A_135 {
      "tpu.region"() ({
        %run_scoped3A_981 = tpu.sem_alloc : memref<!tpu.dma_semaphore, #tpu.memory_space<semaphore_mem>>
        %dma_start3A_982 = arith.constant 0 : i32
        %dma_start3A_983 = tpu.memref_slice %arg14[%dma_start3A_982] : memref<10112xf32, #tpu.memory_space<vmem_shared>> -> memref<128xf32, #tpu.memory_space<vmem_shared>>
        %dma_start3A_984 = arith.constant 0 : i32
        %dma_start3A_985 = tpu.memref_slice %arg14[%dma_start3A_984] : memref<10112xf32, #tpu.memory_space<vmem_shared>> -> memref<128xf32, #tpu.memory_space<vmem_shared>>
        tpu.enqueue_dma source(%arg11 : memref<128xf32, #tpu.memory_space<vmem>>) target(%dma_start3A_985 : memref<128xf32, #tpu.memory_space<vmem_shared>>) target_semaphore(%run_scoped3A_981 : memref<!tpu.dma_semaphore, #tpu.memory_space<semaphore_mem>>)
        %dma_wait3A_986 = arith.constant 0 : i32
        %dma_wait3A_987 = tpu.memref_slice %arg14[%dma_wait3A_986] : memref<10112xf32, #tpu.memory_space<vmem_shared>> -> memref<128xf32, #tpu.memory_space<vmem_shared>>
        %dma_wait3A_988 = arith.constant 0 : i32
        %dma_wait3A_989 = tpu.memref_slice %arg14[%dma_wait3A_988] : memref<10112xf32, #tpu.memory_space<vmem_shared>> -> memref<128xf32, #tpu.memory_space<vmem_shared>>
        tpu.wait_dma2 semaphore(%run_scoped3A_981 : memref<!tpu.dma_semaphore, #tpu.memory_space<semaphore_mem>>) src(%arg11 : memref<128xf32, #tpu.memory_space<vmem>>) dst(%dma_wait3A_989 : memref<128xf32, #tpu.memory_space<vmem_shared>>)
        tpu.yield
      }) : () -> ()
    } else {
    }
    %eq3A_136 = arith.constant 1 : i32
    %eq3A_137 = arith.cmpi eq, %arg1, %eq3A_136 : i32
    %convert_element_type3A_138 = arith.extui %eq3A_137 : i1 to i32
    %cond3A_139 = arith.constant 0 : i32
    %cond3A_140 = arith.cmpi ne, %convert_element_type3A_138, %cond3A_139 : i32
    scf.if %cond3A_140 {
      "tpu.region"() ({
        %run_scoped3A_981 = tpu.sem_alloc : memref<!tpu.dma_semaphore, #tpu.memory_space<semaphore_mem>>
        %dma_start3A_982 = arith.constant 128 : i32
        %dma_start3A_983 = tpu.memref_slice %arg14[%dma_start3A_982] : memref<10112xf32, #tpu.memory_space<vmem_shared>> -> memref<128xf32, #tpu.memory_space<vmem_shared>>
        %dma_start3A_984 = arith.constant 128 : i32
        %dma_start3A_985 = tpu.memref_slice %arg14[%dma_start3A_984] : memref<10112xf32, #tpu.memory_space<vmem_shared>> -> memref<128xf32, #tpu.memory_space<vmem_shared>>
        tpu.enqueue_dma source(%arg11 : memref<128xf32, #tpu.memory_space<vmem>>) target(%dma_start3A_985 : memref<128xf32, #tpu.memory_space<vmem_shared>>) target_semaphore(%run_scoped3A_981 : memref<!tpu.dma_semaphore, #tpu.memory_space<semaphore_mem>>)
        %dma_wait3A_986 = arith.constant 128 : i32
        %dma_wait3A_987 = tpu.memref_slice %arg14[%dma_wait3A_986] : memref<10112xf32, #tpu.memory_space<vmem_shared>> -> memref<128xf32, #tpu.memory_space<vmem_shared>>
        %dma_wait3A_988 = arith.constant 128 : i32
        %dma_wait3A_989 = tpu.memref_slice %arg14[%dma_wait3A_988] : memref<10112xf32, #tpu.memory_space<vmem_shared>> -> memref<128xf32, #tpu.memory_space<vmem_shared>>
        tpu.wait_dma2 semaphore(%run_scoped3A_981 : memref<!tpu.dma_semaphore, #tpu.memory_space<semaphore_mem>>) src(%arg11 : memref<128xf32, #tpu.memory_space<vmem>>) dst(%dma_wait3A_989 : memref<128xf32, #tpu.memory_space<vmem_shared>>)
        tpu.yield
      }) : () -> ()
    } else {
    }
    %eq3A_141 = arith.constant 2 : i32
    %eq3A_142 = arith.cmpi eq, %arg1, %eq3A_141 : i32
    %convert_element_type3A_143 = arith.extui %eq3A_142 : i1 to i32
    %cond3A_144 = arith.constant 0 : i32
    %cond3A_145 = arith.cmpi ne, %convert_element_type3A_143, %cond3A_144 : i32
    scf.if %cond3A_145 {
      "tpu.region"() ({
        %run_scoped3A_981 = tpu.sem_alloc : memref<!tpu.dma_semaphore, #tpu.memory_space<semaphore_mem>>
        %dma_start3A_982 = arith.constant 256 : i32
        %dma_start3A_983 = tpu.memref_slice %arg14[%dma_start3A_982] : memref<10112xf32, #tpu.memory_space<vmem_shared>> -> memref<128xf32, #tpu.memory_space<vmem_shared>>
        %dma_start3A_984 = arith.constant 256 : i32
        %dma_start3A_985 = tpu.memref_slice %arg14[%dma_start3A_984] : memref<10112xf32, #tpu.memory_space<vmem_shared>> -> memref<128xf32, #tpu.memory_space<vmem_shared>>
        tpu.enqueue_dma source(%arg11 : memref<128xf32, #tpu.memory_space<vmem>>) target(%dma_start3A_985 : memref<128xf32, #tpu.memory_space<vmem_shared>>) target_semaphore(%run_scoped3A_981 : memref<!tpu.dma_semaphore, #tpu.memory_space<semaphore_mem>>)
        %dma_wait3A_986 = arith.constant 256 : i32
        %dma_wait3A_987 = tpu.memref_slice %arg14[%dma_wait3A_986] : memref<10112xf32, #tpu.memory_space<vmem_shared>> -> memref<128xf32, #tpu.memory_space<vmem_shared>>
        %dma_wait3A_988 = arith.constant 256 : i32
        %dma_wait3A_989 = tpu.memref_slice %arg14[%dma_wait3A_988] : memref<10112xf32, #tpu.memory_space<vmem_shared>> -> memref<128xf32, #tpu.memory_space<vmem_shared>>
        tpu.wait_dma2 semaphore(%run_scoped3A_981 : memref<!tpu.dma_semaphore, #tpu.memory_space<semaphore_mem>>) src(%arg11 : memref<128xf32, #tpu.memory_space<vmem>>) dst(%dma_wait3A_989 : memref<128xf32, #tpu.memory_space<vmem_shared>>)
        tpu.yield
      }) : () -> ()
    } else {
    }
    %eq3A_146 = arith.constant 3 : i32
    %eq3A_147 = arith.cmpi eq, %arg1, %eq3A_146 : i32
    %convert_element_type3A_148 = arith.extui %eq3A_147 : i1 to i32
    %cond3A_149 = arith.constant 0 : i32
    %cond3A_150 = arith.cmpi ne, %convert_element_type3A_148, %cond3A_149 : i32
    scf.if %cond3A_150 {
      "tpu.region"() ({
        %run_scoped3A_981 = tpu.sem_alloc : memref<!tpu.dma_semaphore, #tpu.memory_space<semaphore_mem>>
        %dma_start3A_982 = arith.constant 384 : i32
        %dma_start3A_983 = tpu.memref_slice %arg14[%dma_start3A_982] : memref<10112xf32, #tpu.memory_space<vmem_shared>> -> memref<128xf32, #tpu.memory_space<vmem_shared>>
        %dma_start3A_984 = arith.constant 384 : i32
        %dma_start3A_985 = tpu.memref_slice %arg14[%dma_start3A_984] : memref<10112xf32, #tpu.memory_space<vmem_shared>> -> memref<128xf32, #tpu.memory_space<vmem_shared>>
        tpu.enqueue_dma source(%arg11 : memref<128xf32, #tpu.memory_space<vmem>>) target(%dma_start3A_985 : memref<128xf32, #tpu.memory_space<vmem_shared>>) target_semaphore(%run_scoped3A_981 : memref<!tpu.dma_semaphore, #tpu.memory_space<semaphore_mem>>)
        %dma_wait3A_986 = arith.constant 384 : i32
        %dma_wait3A_987 = tpu.memref_slice %arg14[%dma_wait3A_986] : memref<10112xf32, #tpu.memory_space<vmem_shared>> -> memref<128xf32, #tpu.memory_space<vmem_shared>>
        %dma_wait3A_988 = arith.constant 384 : i32
        %dma_wait3A_989 = tpu.memref_slice %arg14[%dma_wait3A_988] : memref<10112xf32, #tpu.memory_space<vmem_shared>> -> memref<128xf32, #tpu.memory_space<vmem_shared>>
        tpu.wait_dma2 semaphore(%run_scoped3A_981 : memref<!tpu.dma_semaphore, #tpu.memory_space<semaphore_mem>>) src(%arg11 : memref<128xf32, #tpu.memory_space<vmem>>) dst(%dma_wait3A_989 : memref<128xf32, #tpu.memory_space<vmem_shared>>)
        tpu.yield
      }) : () -> ()
    } else {
    }
    %eq3A_151 = arith.constant 4 : i32
    %eq3A_152 = arith.cmpi eq, %arg1, %eq3A_151 : i32
    %convert_element_type3A_153 = arith.extui %eq3A_152 : i1 to i32
    %cond3A_154 = arith.constant 0 : i32
    %cond3A_155 = arith.cmpi ne, %convert_element_type3A_153, %cond3A_154 : i32
    scf.if %cond3A_155 {
      "tpu.region"() ({
        %run_scoped3A_981 = tpu.sem_alloc : memref<!tpu.dma_semaphore, #tpu.memory_space<semaphore_mem>>
        %dma_start3A_982 = arith.constant 512 : i32
        %dma_start3A_983 = tpu.memref_slice %arg14[%dma_start3A_982] : memref<10112xf32, #tpu.memory_space<vmem_shared>> -> memref<128xf32, #tpu.memory_space<vmem_shared>>
        %dma_start3A_984 = arith.constant 512 : i32
        %dma_start3A_985 = tpu.memref_slice %arg14[%dma_start3A_984] : memref<10112xf32, #tpu.memory_space<vmem_shared>> -> memref<128xf32, #tpu.memory_space<vmem_shared>>
        tpu.enqueue_dma source(%arg11 : memref<128xf32, #tpu.memory_space<vmem>>) target(%dma_start3A_985 : memref<128xf32, #tpu.memory_space<vmem_shared>>) target_semaphore(%run_scoped3A_981 : memref<!tpu.dma_semaphore, #tpu.memory_space<semaphore_mem>>)
        %dma_wait3A_986 = arith.constant 512 : i32
        %dma_wait3A_987 = tpu.memref_slice %arg14[%dma_wait3A_986] : memref<10112xf32, #tpu.memory_space<vmem_shared>> -> memref<128xf32, #tpu.memory_space<vmem_shared>>
        %dma_wait3A_988 = arith.constant 512 : i32
        %dma_wait3A_989 = tpu.memref_slice %arg14[%dma_wait3A_988] : memref<10112xf32, #tpu.memory_space<vmem_shared>> -> memref<128xf32, #tpu.memory_space<vmem_shared>>
        tpu.wait_dma2 semaphore(%run_scoped3A_981 : memref<!tpu.dma_semaphore, #tpu.memory_space<semaphore_mem>>) src(%arg11 : memref<128xf32, #tpu.memory_space<vmem>>) dst(%dma_wait3A_989 : memref<128xf32, #tpu.memory_space<vmem_shared>>)
        tpu.yield
      }) : () -> ()
    } else {
    }
    %eq3A_156 = arith.constant 5 : i32
    %eq3A_157 = arith.cmpi eq, %arg1, %eq3A_156 : i32
    %convert_element_type3A_158 = arith.extui %eq3A_157 : i1 to i32
    %cond3A_159 = arith.constant 0 : i32
    %cond3A_160 = arith.cmpi ne, %convert_element_type3A_158, %cond3A_159 : i32
    scf.if %cond3A_160 {
      "tpu.region"() ({
        %run_scoped3A_981 = tpu.sem_alloc : memref<!tpu.dma_semaphore, #tpu.memory_space<semaphore_mem>>
        %dma_start3A_982 = arith.constant 640 : i32
        %dma_start3A_983 = tpu.memref_slice %arg14[%dma_start3A_982] : memref<10112xf32, #tpu.memory_space<vmem_shared>> -> memref<128xf32, #tpu.memory_space<vmem_shared>>
        %dma_start3A_984 = arith.constant 640 : i32
        %dma_start3A_985 = tpu.memref_slice %arg14[%dma_start3A_984] : memref<10112xf32, #tpu.memory_space<vmem_shared>> -> memref<128xf32, #tpu.memory_space<vmem_shared>>
        tpu.enqueue_dma source(%arg11 : memref<128xf32, #tpu.memory_space<vmem>>) target(%dma_start3A_985 : memref<128xf32, #tpu.memory_space<vmem_shared>>) target_semaphore(%run_scoped3A_981 : memref<!tpu.dma_semaphore, #tpu.memory_space<semaphore_mem>>)
        %dma_wait3A_986 = arith.constant 640 : i32
        %dma_wait3A_987 = tpu.memref_slice %arg14[%dma_wait3A_986] : memref<10112xf32, #tpu.memory_space<vmem_shared>> -> memref<128xf32, #tpu.memory_space<vmem_shared>>
        %dma_wait3A_988 = arith.constant 640 : i32
        %dma_wait3A_989 = tpu.memref_slice %arg14[%dma_wait3A_988] : memref<10112xf32, #tpu.memory_space<vmem_shared>> -> memref<128xf32, #tpu.memory_space<vmem_shared>>
        tpu.wait_dma2 semaphore(%run_scoped3A_981 : memref<!tpu.dma_semaphore, #tpu.memory_space<semaphore_mem>>) src(%arg11 : memref<128xf32, #tpu.memory_space<vmem>>) dst(%dma_wait3A_989 : memref<128xf32, #tpu.memory_space<vmem_shared>>)
        tpu.yield
      }) : () -> ()
    } else {
    }
    %eq3A_161 = arith.constant 6 : i32
    %eq3A_162 = arith.cmpi eq, %arg1, %eq3A_161 : i32
    %convert_element_type3A_163 = arith.extui %eq3A_162 : i1 to i32
    %cond3A_164 = arith.constant 0 : i32
    %cond3A_165 = arith.cmpi ne, %convert_element_type3A_163, %cond3A_164 : i32
    scf.if %cond3A_165 {
      "tpu.region"() ({
        %run_scoped3A_981 = tpu.sem_alloc : memref<!tpu.dma_semaphore, #tpu.memory_space<semaphore_mem>>
        %dma_start3A_982 = arith.constant 768 : i32
        %dma_start3A_983 = tpu.memref_slice %arg14[%dma_start3A_982] : memref<10112xf32, #tpu.memory_space<vmem_shared>> -> memref<128xf32, #tpu.memory_space<vmem_shared>>
        %dma_start3A_984 = arith.constant 768 : i32
        %dma_start3A_985 = tpu.memref_slice %arg14[%dma_start3A_984] : memref<10112xf32, #tpu.memory_space<vmem_shared>> -> memref<128xf32, #tpu.memory_space<vmem_shared>>
        tpu.enqueue_dma source(%arg11 : memref<128xf32, #tpu.memory_space<vmem>>) target(%dma_start3A_985 : memref<128xf32, #tpu.memory_space<vmem_shared>>) target_semaphore(%run_scoped3A_981 : memref<!tpu.dma_semaphore, #tpu.memory_space<semaphore_mem>>)
        %dma_wait3A_986 = arith.constant 768 : i32
        %dma_wait3A_987 = tpu.memref_slice %arg14[%dma_wait3A_986] : memref<10112xf32, #tpu.memory_space<vmem_shared>> -> memref<128xf32, #tpu.memory_space<vmem_shared>>
        %dma_wait3A_988 = arith.constant 768 : i32
        %dma_wait3A_989 = tpu.memref_slice %arg14[%dma_wait3A_988] : memref<10112xf32, #tpu.memory_space<vmem_shared>> -> memref<128xf32, #tpu.memory_space<vmem_shared>>
        tpu.wait_dma2 semaphore(%run_scoped3A_981 : memref<!tpu.dma_semaphore, #tpu.memory_space<semaphore_mem>>) src(%arg11 : memref<128xf32, #tpu.memory_space<vmem>>) dst(%dma_wait3A_989 : memref<128xf32, #tpu.memory_space<vmem_shared>>)
        tpu.yield
      }) : () -> ()
    } else {
    }
    %eq3A_166 = arith.constant 7 : i32
    %eq3A_167 = arith.cmpi eq, %arg1, %eq3A_166 : i32
    %convert_element_type3A_168 = arith.extui %eq3A_167 : i1 to i32
    %cond3A_169 = arith.constant 0 : i32
    %cond3A_170 = arith.cmpi ne, %convert_element_type3A_168, %cond3A_169 : i32
    scf.if %cond3A_170 {
      "tpu.region"() ({
        %run_scoped3A_981 = tpu.sem_alloc : memref<!tpu.dma_semaphore, #tpu.memory_space<semaphore_mem>>
        %dma_start3A_982 = arith.constant 896 : i32
        %dma_start3A_983 = tpu.memref_slice %arg14[%dma_start3A_982] : memref<10112xf32, #tpu.memory_space<vmem_shared>> -> memref<128xf32, #tpu.memory_space<vmem_shared>>
        %dma_start3A_984 = arith.constant 896 : i32
        %dma_start3A_985 = tpu.memref_slice %arg14[%dma_start3A_984] : memref<10112xf32, #tpu.memory_space<vmem_shared>> -> memref<128xf32, #tpu.memory_space<vmem_shared>>
        tpu.enqueue_dma source(%arg11 : memref<128xf32, #tpu.memory_space<vmem>>) target(%dma_start3A_985 : memref<128xf32, #tpu.memory_space<vmem_shared>>) target_semaphore(%run_scoped3A_981 : memref<!tpu.dma_semaphore, #tpu.memory_space<semaphore_mem>>)
        %dma_wait3A_986 = arith.constant 896 : i32
        %dma_wait3A_987 = tpu.memref_slice %arg14[%dma_wait3A_986] : memref<10112xf32, #tpu.memory_space<vmem_shared>> -> memref<128xf32, #tpu.memory_space<vmem_shared>>
        %dma_wait3A_988 = arith.constant 896 : i32
        %dma_wait3A_989 = tpu.memref_slice %arg14[%dma_wait3A_988] : memref<10112xf32, #tpu.memory_space<vmem_shared>> -> memref<128xf32, #tpu.memory_space<vmem_shared>>
        tpu.wait_dma2 semaphore(%run_scoped3A_981 : memref<!tpu.dma_semaphore, #tpu.memory_space<semaphore_mem>>) src(%arg11 : memref<128xf32, #tpu.memory_space<vmem>>) dst(%dma_wait3A_989 : memref<128xf32, #tpu.memory_space<vmem_shared>>)
        tpu.yield
      }) : () -> ()
    } else {
    }
    %eq3A_171 = arith.constant 8 : i32
    %eq3A_172 = arith.cmpi eq, %arg1, %eq3A_171 : i32
    %convert_element_type3A_173 = arith.extui %eq3A_172 : i1 to i32
    %cond3A_174 = arith.constant 0 : i32
    %cond3A_175 = arith.cmpi ne, %convert_element_type3A_173, %cond3A_174 : i32
    scf.if %cond3A_175 {
      "tpu.region"() ({
        %run_scoped3A_981 = tpu.sem_alloc : memref<!tpu.dma_semaphore, #tpu.memory_space<semaphore_mem>>
        %dma_start3A_982 = arith.constant 1024 : i32
        %dma_start3A_983 = tpu.memref_slice %arg14[%dma_start3A_982] : memref<10112xf32, #tpu.memory_space<vmem_shared>> -> memref<128xf32, #tpu.memory_space<vmem_shared>>
        %dma_start3A_984 = arith.constant 1024 : i32
        %dma_start3A_985 = tpu.memref_slice %arg14[%dma_start3A_984] : memref<10112xf32, #tpu.memory_space<vmem_shared>> -> memref<128xf32, #tpu.memory_space<vmem_shared>>
        tpu.enqueue_dma source(%arg11 : memref<128xf32, #tpu.memory_space<vmem>>) target(%dma_start3A_985 : memref<128xf32, #tpu.memory_space<vmem_shared>>) target_semaphore(%run_scoped3A_981 : memref<!tpu.dma_semaphore, #tpu.memory_space<semaphore_mem>>)
        %dma_wait3A_986 = arith.constant 1024 : i32
        %dma_wait3A_987 = tpu.memref_slice %arg14[%dma_wait3A_986] : memref<10112xf32, #tpu.memory_space<vmem_shared>> -> memref<128xf32, #tpu.memory_space<vmem_shared>>
        %dma_wait3A_988 = arith.constant 1024 : i32
        %dma_wait3A_989 = tpu.memref_slice %arg14[%dma_wait3A_988] : memref<10112xf32, #tpu.memory_space<vmem_shared>> -> memref<128xf32, #tpu.memory_space<vmem_shared>>
        tpu.wait_dma2 semaphore(%run_scoped3A_981 : memref<!tpu.dma_semaphore, #tpu.memory_space<semaphore_mem>>) src(%arg11 : memref<128xf32, #tpu.memory_space<vmem>>) dst(%dma_wait3A_989 : memref<128xf32, #tpu.memory_space<vmem_shared>>)
        tpu.yield
      }) : () -> ()
    } else {
    }
    %eq3A_176 = arith.constant 9 : i32
    %eq3A_177 = arith.cmpi eq, %arg1, %eq3A_176 : i32
    %convert_element_type3A_178 = arith.extui %eq3A_177 : i1 to i32
    %cond3A_179 = arith.constant 0 : i32
    %cond3A_180 = arith.cmpi ne, %convert_element_type3A_178, %cond3A_179 : i32
    scf.if %cond3A_180 {
      "tpu.region"() ({
        %run_scoped3A_981 = tpu.sem_alloc : memref<!tpu.dma_semaphore, #tpu.memory_space<semaphore_mem>>
        %dma_start3A_982 = arith.constant 1152 : i32
        %dma_start3A_983 = tpu.memref_slice %arg14[%dma_start3A_982] : memref<10112xf32, #tpu.memory_space<vmem_shared>> -> memref<128xf32, #tpu.memory_space<vmem_shared>>
        %dma_start3A_984 = arith.constant 1152 : i32
        %dma_start3A_985 = tpu.memref_slice %arg14[%dma_start3A_984] : memref<10112xf32, #tpu.memory_space<vmem_shared>> -> memref<128xf32, #tpu.memory_space<vmem_shared>>
        tpu.enqueue_dma source(%arg11 : memref<128xf32, #tpu.memory_space<vmem>>) target(%dma_start3A_985 : memref<128xf32, #tpu.memory_space<vmem_shared>>) target_semaphore(%run_scoped3A_981 : memref<!tpu.dma_semaphore, #tpu.memory_space<semaphore_mem>>)
        %dma_wait3A_986 = arith.constant 1152 : i32
        %dma_wait3A_987 = tpu.memref_slice %arg14[%dma_wait3A_986] : memref<10112xf32, #tpu.memory_space<vmem_shared>> -> memref<128xf32, #tpu.memory_space<vmem_shared>>
        %dma_wait3A_988 = arith.constant 1152 : i32
        %dma_wait3A_989 = tpu.memref_slice %arg14[%dma_wait3A_988] : memref<10112xf32, #tpu.memory_space<vmem_shared>> -> memref<128xf32, #tpu.memory_space<vmem_shared>>
        tpu.wait_dma2 semaphore(%run_scoped3A_981 : memref<!tpu.dma_semaphore, #tpu.memory_space<semaphore_mem>>) src(%arg11 : memref<128xf32, #tpu.memory_space<vmem>>) dst(%dma_wait3A_989 : memref<128xf32, #tpu.memory_space<vmem_shared>>)
        tpu.yield
      }) : () -> ()
    } else {
    }
    %eq3A_181 = arith.constant 10 : i32
    %eq3A_182 = arith.cmpi eq, %arg1, %eq3A_181 : i32
    %convert_element_type3A_183 = arith.extui %eq3A_182 : i1 to i32
    %cond3A_184 = arith.constant 0 : i32
    %cond3A_185 = arith.cmpi ne, %convert_element_type3A_183, %cond3A_184 : i32
    scf.if %cond3A_185 {
      "tpu.region"() ({
        %run_scoped3A_981 = tpu.sem_alloc : memref<!tpu.dma_semaphore, #tpu.memory_space<semaphore_mem>>
        %dma_start3A_982 = arith.constant 1280 : i32
        %dma_start3A_983 = tpu.memref_slice %arg14[%dma_start3A_982] : memref<10112xf32, #tpu.memory_space<vmem_shared>> -> memref<128xf32, #tpu.memory_space<vmem_shared>>
        %dma_start3A_984 = arith.constant 1280 : i32
        %dma_start3A_985 = tpu.memref_slice %arg14[%dma_start3A_984] : memref<10112xf32, #tpu.memory_space<vmem_shared>> -> memref<128xf32, #tpu.memory_space<vmem_shared>>
        tpu.enqueue_dma source(%arg11 : memref<128xf32, #tpu.memory_space<vmem>>) target(%dma_start3A_985 : memref<128xf32, #tpu.memory_space<vmem_shared>>) target_semaphore(%run_scoped3A_981 : memref<!tpu.dma_semaphore, #tpu.memory_space<semaphore_mem>>)
        %dma_wait3A_986 = arith.constant 1280 : i32
        %dma_wait3A_987 = tpu.memref_slice %arg14[%dma_wait3A_986] : memref<10112xf32, #tpu.memory_space<vmem_shared>> -> memref<128xf32, #tpu.memory_space<vmem_shared>>
        %dma_wait3A_988 = arith.constant 1280 : i32
        %dma_wait3A_989 = tpu.memref_slice %arg14[%dma_wait3A_988] : memref<10112xf32, #tpu.memory_space<vmem_shared>> -> memref<128xf32, #tpu.memory_space<vmem_shared>>
        tpu.wait_dma2 semaphore(%run_scoped3A_981 : memref<!tpu.dma_semaphore, #tpu.memory_space<semaphore_mem>>) src(%arg11 : memref<128xf32, #tpu.memory_space<vmem>>) dst(%dma_wait3A_989 : memref<128xf32, #tpu.memory_space<vmem_shared>>)
        tpu.yield
      }) : () -> ()
    } else {
    }
    %eq3A_186 = arith.constant 11 : i32
    %eq3A_187 = arith.cmpi eq, %arg1, %eq3A_186 : i32
    %convert_element_type3A_188 = arith.extui %eq3A_187 : i1 to i32
    %cond3A_189 = arith.constant 0 : i32
    %cond3A_190 = arith.cmpi ne, %convert_element_type3A_188, %cond3A_189 : i32
    scf.if %cond3A_190 {
      "tpu.region"() ({
        %run_scoped3A_981 = tpu.sem_alloc : memref<!tpu.dma_semaphore, #tpu.memory_space<semaphore_mem>>
        %dma_start3A_982 = arith.constant 1408 : i32
        %dma_start3A_983 = tpu.memref_slice %arg14[%dma_start3A_982] : memref<10112xf32, #tpu.memory_space<vmem_shared>> -> memref<128xf32, #tpu.memory_space<vmem_shared>>
        %dma_start3A_984 = arith.constant 1408 : i32
        %dma_start3A_985 = tpu.memref_slice %arg14[%dma_start3A_984] : memref<10112xf32, #tpu.memory_space<vmem_shared>> -> memref<128xf32, #tpu.memory_space<vmem_shared>>
        tpu.enqueue_dma source(%arg11 : memref<128xf32, #tpu.memory_space<vmem>>) target(%dma_start3A_985 : memref<128xf32, #tpu.memory_space<vmem_shared>>) target_semaphore(%run_scoped3A_981 : memref<!tpu.dma_semaphore, #tpu.memory_space<semaphore_mem>>)
        %dma_wait3A_986 = arith.constant 1408 : i32
        %dma_wait3A_987 = tpu.memref_slice %arg14[%dma_wait3A_986] : memref<10112xf32, #tpu.memory_space<vmem_shared>> -> memref<128xf32, #tpu.memory_space<vmem_shared>>
        %dma_wait3A_988 = arith.constant 1408 : i32
        %dma_wait3A_989 = tpu.memref_slice %arg14[%dma_wait3A_988] : memref<10112xf32, #tpu.memory_space<vmem_shared>> -> memref<128xf32, #tpu.memory_space<vmem_shared>>
        tpu.wait_dma2 semaphore(%run_scoped3A_981 : memref<!tpu.dma_semaphore, #tpu.memory_space<semaphore_mem>>) src(%arg11 : memref<128xf32, #tpu.memory_space<vmem>>) dst(%dma_wait3A_989 : memref<128xf32, #tpu.memory_space<vmem_shared>>)
        tpu.yield
      }) : () -> ()
    } else {
    }
    %eq3A_191 = arith.constant 12 : i32
    %eq3A_192 = arith.cmpi eq, %arg1, %eq3A_191 : i32
    %convert_element_type3A_193 = arith.extui %eq3A_192 : i1 to i32
    %cond3A_194 = arith.constant 0 : i32
    %cond3A_195 = arith.cmpi ne, %convert_element_type3A_193, %cond3A_194 : i32
    scf.if %cond3A_195 {
      "tpu.region"() ({
        %run_scoped3A_981 = tpu.sem_alloc : memref<!tpu.dma_semaphore, #tpu.memory_space<semaphore_mem>>
        %dma_start3A_982 = arith.constant 1536 : i32
        %dma_start3A_983 = tpu.memref_slice %arg14[%dma_start3A_982] : memref<10112xf32, #tpu.memory_space<vmem_shared>> -> memref<128xf32, #tpu.memory_space<vmem_shared>>
        %dma_start3A_984 = arith.constant 1536 : i32
        %dma_start3A_985 = tpu.memref_slice %arg14[%dma_start3A_984] : memref<10112xf32, #tpu.memory_space<vmem_shared>> -> memref<128xf32, #tpu.memory_space<vmem_shared>>
        tpu.enqueue_dma source(%arg11 : memref<128xf32, #tpu.memory_space<vmem>>) target(%dma_start3A_985 : memref<128xf32, #tpu.memory_space<vmem_shared>>) target_semaphore(%run_scoped3A_981 : memref<!tpu.dma_semaphore, #tpu.memory_space<semaphore_mem>>)
        %dma_wait3A_986 = arith.constant 1536 : i32
        %dma_wait3A_987 = tpu.memref_slice %arg14[%dma_wait3A_986] : memref<10112xf32, #tpu.memory_space<vmem_shared>> -> memref<128xf32, #tpu.memory_space<vmem_shared>>
        %dma_wait3A_988 = arith.constant 1536 : i32
        %dma_wait3A_989 = tpu.memref_slice %arg14[%dma_wait3A_988] : memref<10112xf32, #tpu.memory_space<vmem_shared>> -> memref<128xf32, #tpu.memory_space<vmem_shared>>
        tpu.wait_dma2 semaphore(%run_scoped3A_981 : memref<!tpu.dma_semaphore, #tpu.memory_space<semaphore_mem>>) src(%arg11 : memref<128xf32, #tpu.memory_space<vmem>>) dst(%dma_wait3A_989 : memref<128xf32, #tpu.memory_space<vmem_shared>>)
        tpu.yield
      }) : () -> ()
    } else {
    }
    %eq3A_196 = arith.constant 13 : i32
    %eq3A_197 = arith.cmpi eq, %arg1, %eq3A_196 : i32
    %convert_element_type3A_198 = arith.extui %eq3A_197 : i1 to i32
    %cond3A_199 = arith.constant 0 : i32
    %cond3A_200 = arith.cmpi ne, %convert_element_type3A_198, %cond3A_199 : i32
    scf.if %cond3A_200 {
      "tpu.region"() ({
        %run_scoped3A_981 = tpu.sem_alloc : memref<!tpu.dma_semaphore, #tpu.memory_space<semaphore_mem>>
        %dma_start3A_982 = arith.constant 1664 : i32
        %dma_start3A_983 = tpu.memref_slice %arg14[%dma_start3A_982] : memref<10112xf32, #tpu.memory_space<vmem_shared>> -> memref<128xf32, #tpu.memory_space<vmem_shared>>
        %dma_start3A_984 = arith.constant 1664 : i32
        %dma_start3A_985 = tpu.memref_slice %arg14[%dma_start3A_984] : memref<10112xf32, #tpu.memory_space<vmem_shared>> -> memref<128xf32, #tpu.memory_space<vmem_shared>>
        tpu.enqueue_dma source(%arg11 : memref<128xf32, #tpu.memory_space<vmem>>) target(%dma_start3A_985 : memref<128xf32, #tpu.memory_space<vmem_shared>>) target_semaphore(%run_scoped3A_981 : memref<!tpu.dma_semaphore, #tpu.memory_space<semaphore_mem>>)
        %dma_wait3A_986 = arith.constant 1664 : i32
        %dma_wait3A_987 = tpu.memref_slice %arg14[%dma_wait3A_986] : memref<10112xf32, #tpu.memory_space<vmem_shared>> -> memref<128xf32, #tpu.memory_space<vmem_shared>>
        %dma_wait3A_988 = arith.constant 1664 : i32
        %dma_wait3A_989 = tpu.memref_slice %arg14[%dma_wait3A_988] : memref<10112xf32, #tpu.memory_space<vmem_shared>> -> memref<128xf32, #tpu.memory_space<vmem_shared>>
        tpu.wait_dma2 semaphore(%run_scoped3A_981 : memref<!tpu.dma_semaphore, #tpu.memory_space<semaphore_mem>>) src(%arg11 : memref<128xf32, #tpu.memory_space<vmem>>) dst(%dma_wait3A_989 : memref<128xf32, #tpu.memory_space<vmem_shared>>)
        tpu.yield
      }) : () -> ()
    } else {
    }
    %eq3A_201 = arith.constant 14 : i32
    %eq3A_202 = arith.cmpi eq, %arg1, %eq3A_201 : i32
    %convert_element_type3A_203 = arith.extui %eq3A_202 : i1 to i32
    %cond3A_204 = arith.constant 0 : i32
    %cond3A_205 = arith.cmpi ne, %convert_element_type3A_203, %cond3A_204 : i32
    scf.if %cond3A_205 {
      "tpu.region"() ({
        %run_scoped3A_981 = tpu.sem_alloc : memref<!tpu.dma_semaphore, #tpu.memory_space<semaphore_mem>>
        %dma_start3A_982 = arith.constant 1792 : i32
        %dma_start3A_983 = tpu.memref_slice %arg14[%dma_start3A_982] : memref<10112xf32, #tpu.memory_space<vmem_shared>> -> memref<128xf32, #tpu.memory_space<vmem_shared>>
        %dma_start3A_984 = arith.constant 1792 : i32
        %dma_start3A_985 = tpu.memref_slice %arg14[%dma_start3A_984] : memref<10112xf32, #tpu.memory_space<vmem_shared>> -> memref<128xf32, #tpu.memory_space<vmem_shared>>
        tpu.enqueue_dma source(%arg11 : memref<128xf32, #tpu.memory_space<vmem>>) target(%dma_start3A_985 : memref<128xf32, #tpu.memory_space<vmem_shared>>) target_semaphore(%run_scoped3A_981 : memref<!tpu.dma_semaphore, #tpu.memory_space<semaphore_mem>>)
        %dma_wait3A_986 = arith.constant 1792 : i32
        %dma_wait3A_987 = tpu.memref_slice %arg14[%dma_wait3A_986] : memref<10112xf32, #tpu.memory_space<vmem_shared>> -> memref<128xf32, #tpu.memory_space<vmem_shared>>
        %dma_wait3A_988 = arith.constant 1792 : i32
        %dma_wait3A_989 = tpu.memref_slice %arg14[%dma_wait3A_988] : memref<10112xf32, #tpu.memory_space<vmem_shared>> -> memref<128xf32, #tpu.memory_space<vmem_shared>>
        tpu.wait_dma2 semaphore(%run_scoped3A_981 : memref<!tpu.dma_semaphore, #tpu.memory_space<semaphore_mem>>) src(%arg11 : memref<128xf32, #tpu.memory_space<vmem>>) dst(%dma_wait3A_989 : memref<128xf32, #tpu.memory_space<vmem_shared>>)
        tpu.yield
      }) : () -> ()
    } else {
    }
    %eq3A_206 = arith.constant 15 : i32
    %eq3A_207 = arith.cmpi eq, %arg1, %eq3A_206 : i32
    %convert_element_type3A_208 = arith.extui %eq3A_207 : i1 to i32
    %cond3A_209 = arith.constant 0 : i32
    %cond3A_210 = arith.cmpi ne, %convert_element_type3A_208, %cond3A_209 : i32
    scf.if %cond3A_210 {
      "tpu.region"() ({
        %run_scoped3A_981 = tpu.sem_alloc : memref<!tpu.dma_semaphore, #tpu.memory_space<semaphore_mem>>
        %dma_start3A_982 = arith.constant 1920 : i32
        %dma_start3A_983 = tpu.memref_slice %arg14[%dma_start3A_982] : memref<10112xf32, #tpu.memory_space<vmem_shared>> -> memref<128xf32, #tpu.memory_space<vmem_shared>>
        %dma_start3A_984 = arith.constant 1920 : i32
        %dma_start3A_985 = tpu.memref_slice %arg14[%dma_start3A_984] : memref<10112xf32, #tpu.memory_space<vmem_shared>> -> memref<128xf32, #tpu.memory_space<vmem_shared>>
        tpu.enqueue_dma source(%arg11 : memref<128xf32, #tpu.memory_space<vmem>>) target(%dma_start3A_985 : memref<128xf32, #tpu.memory_space<vmem_shared>>) target_semaphore(%run_scoped3A_981 : memref<!tpu.dma_semaphore, #tpu.memory_space<semaphore_mem>>)
        %dma_wait3A_986 = arith.constant 1920 : i32
        %dma_wait3A_987 = tpu.memref_slice %arg14[%dma_wait3A_986] : memref<10112xf32, #tpu.memory_space<vmem_shared>> -> memref<128xf32, #tpu.memory_space<vmem_shared>>
        %dma_wait3A_988 = arith.constant 1920 : i32
        %dma_wait3A_989 = tpu.memref_slice %arg14[%dma_wait3A_988] : memref<10112xf32, #tpu.memory_space<vmem_shared>> -> memref<128xf32, #tpu.memory_space<vmem_shared>>
        tpu.wait_dma2 semaphore(%run_scoped3A_981 : memref<!tpu.dma_semaphore, #tpu.memory_space<semaphore_mem>>) src(%arg11 : memref<128xf32, #tpu.memory_space<vmem>>) dst(%dma_wait3A_989 : memref<128xf32, #tpu.memory_space<vmem_shared>>)
        tpu.yield
      }) : () -> ()
    } else {
    }
    %eq3A_211 = arith.constant 0 : i32
    %eq3A_212 = arith.cmpi eq, %arg1, %eq3A_211 : i32
    %convert_element_type3A_213 = arith.extui %eq3A_212 : i1 to i32
    %cond3A_214 = arith.constant 0 : i32
    %cond3A_215 = arith.cmpi ne, %convert_element_type3A_213, %cond3A_214 : i32
    scf.if %cond3A_215 {
      "tpu.region"() ({
        %run_scoped3A_981 = tpu.sem_alloc : memref<!tpu.dma_semaphore, #tpu.memory_space<semaphore_mem>>
        %dma_start3A_982 = arith.constant 2048 : i32
        %dma_start3A_983 = tpu.memref_slice %arg14[%dma_start3A_982] : memref<10112xf32, #tpu.memory_space<vmem_shared>> -> memref<128xf32, #tpu.memory_space<vmem_shared>>
        %dma_start3A_984 = arith.constant 2048 : i32
        %dma_start3A_985 = tpu.memref_slice %arg14[%dma_start3A_984] : memref<10112xf32, #tpu.memory_space<vmem_shared>> -> memref<128xf32, #tpu.memory_space<vmem_shared>>
        tpu.enqueue_dma source(%arg11 : memref<128xf32, #tpu.memory_space<vmem>>) target(%dma_start3A_985 : memref<128xf32, #tpu.memory_space<vmem_shared>>) target_semaphore(%run_scoped3A_981 : memref<!tpu.dma_semaphore, #tpu.memory_space<semaphore_mem>>)
        %dma_wait3A_986 = arith.constant 2048 : i32
        %dma_wait3A_987 = tpu.memref_slice %arg14[%dma_wait3A_986] : memref<10112xf32, #tpu.memory_space<vmem_shared>> -> memref<128xf32, #tpu.memory_space<vmem_shared>>
        %dma_wait3A_988 = arith.constant 2048 : i32
        %dma_wait3A_989 = tpu.memref_slice %arg14[%dma_wait3A_988] : memref<10112xf32, #tpu.memory_space<vmem_shared>> -> memref<128xf32, #tpu.memory_space<vmem_shared>>
        tpu.wait_dma2 semaphore(%run_scoped3A_981 : memref<!tpu.dma_semaphore, #tpu.memory_space<semaphore_mem>>) src(%arg11 : memref<128xf32, #tpu.memory_space<vmem>>) dst(%dma_wait3A_989 : memref<128xf32, #tpu.memory_space<vmem_shared>>)
        tpu.yield
      }) : () -> ()
    } else {
    }
    %eq3A_216 = arith.constant 1 : i32
    %eq3A_217 = arith.cmpi eq, %arg1, %eq3A_216 : i32
    %convert_element_type3A_218 = arith.extui %eq3A_217 : i1 to i32
    %cond3A_219 = arith.constant 0 : i32
    %cond3A_220 = arith.cmpi ne, %convert_element_type3A_218, %cond3A_219 : i32
    scf.if %cond3A_220 {
      "tpu.region"() ({
        %run_scoped3A_981 = tpu.sem_alloc : memref<!tpu.dma_semaphore, #tpu.memory_space<semaphore_mem>>
        %dma_start3A_982 = arith.constant 2176 : i32
        %dma_start3A_983 = tpu.memref_slice %arg14[%dma_start3A_982] : memref<10112xf32, #tpu.memory_space<vmem_shared>> -> memref<128xf32, #tpu.memory_space<vmem_shared>>
        %dma_start3A_984 = arith.constant 2176 : i32
        %dma_start3A_985 = tpu.memref_slice %arg14[%dma_start3A_984] : memref<10112xf32, #tpu.memory_space<vmem_shared>> -> memref<128xf32, #tpu.memory_space<vmem_shared>>
        tpu.enqueue_dma source(%arg11 : memref<128xf32, #tpu.memory_space<vmem>>) target(%dma_start3A_985 : memref<128xf32, #tpu.memory_space<vmem_shared>>) target_semaphore(%run_scoped3A_981 : memref<!tpu.dma_semaphore, #tpu.memory_space<semaphore_mem>>)
        %dma_wait3A_986 = arith.constant 2176 : i32
        %dma_wait3A_987 = tpu.memref_slice %arg14[%dma_wait3A_986] : memref<10112xf32, #tpu.memory_space<vmem_shared>> -> memref<128xf32, #tpu.memory_space<vmem_shared>>
        %dma_wait3A_988 = arith.constant 2176 : i32
        %dma_wait3A_989 = tpu.memref_slice %arg14[%dma_wait3A_988] : memref<10112xf32, #tpu.memory_space<vmem_shared>> -> memref<128xf32, #tpu.memory_space<vmem_shared>>
        tpu.wait_dma2 semaphore(%run_scoped3A_981 : memref<!tpu.dma_semaphore, #tpu.memory_space<semaphore_mem>>) src(%arg11 : memref<128xf32, #tpu.memory_space<vmem>>) dst(%dma_wait3A_989 : memref<128xf32, #tpu.memory_space<vmem_shared>>)
        tpu.yield
      }) : () -> ()
    } else {
    }
    %eq3A_221 = arith.constant 2 : i32
    %eq3A_222 = arith.cmpi eq, %arg1, %eq3A_221 : i32
    %convert_element_type3A_223 = arith.extui %eq3A_222 : i1 to i32
    %cond3A_224 = arith.constant 0 : i32
    %cond3A_225 = arith.cmpi ne, %convert_element_type3A_223, %cond3A_224 : i32
    scf.if %cond3A_225 {
      "tpu.region"() ({
        %run_scoped3A_981 = tpu.sem_alloc : memref<!tpu.dma_semaphore, #tpu.memory_space<semaphore_mem>>
        %dma_start3A_982 = arith.constant 2304 : i32
        %dma_start3A_983 = tpu.memref_slice %arg14[%dma_start3A_982] : memref<10112xf32, #tpu.memory_space<vmem_shared>> -> memref<128xf32, #tpu.memory_space<vmem_shared>>
        %dma_start3A_984 = arith.constant 2304 : i32
        %dma_start3A_985 = tpu.memref_slice %arg14[%dma_start3A_984] : memref<10112xf32, #tpu.memory_space<vmem_shared>> -> memref<128xf32, #tpu.memory_space<vmem_shared>>
        tpu.enqueue_dma source(%arg11 : memref<128xf32, #tpu.memory_space<vmem>>) target(%dma_start3A_985 : memref<128xf32, #tpu.memory_space<vmem_shared>>) target_semaphore(%run_scoped3A_981 : memref<!tpu.dma_semaphore, #tpu.memory_space<semaphore_mem>>)
        %dma_wait3A_986 = arith.constant 2304 : i32
        %dma_wait3A_987 = tpu.memref_slice %arg14[%dma_wait3A_986] : memref<10112xf32, #tpu.memory_space<vmem_shared>> -> memref<128xf32, #tpu.memory_space<vmem_shared>>
        %dma_wait3A_988 = arith.constant 2304 : i32
        %dma_wait3A_989 = tpu.memref_slice %arg14[%dma_wait3A_988] : memref<10112xf32, #tpu.memory_space<vmem_shared>> -> memref<128xf32, #tpu.memory_space<vmem_shared>>
        tpu.wait_dma2 semaphore(%run_scoped3A_981 : memref<!tpu.dma_semaphore, #tpu.memory_space<semaphore_mem>>) src(%arg11 : memref<128xf32, #tpu.memory_space<vmem>>) dst(%dma_wait3A_989 : memref<128xf32, #tpu.memory_space<vmem_shared>>)
        tpu.yield
      }) : () -> ()
    } else {
    }
    %eq3A_226 = arith.constant 3 : i32
    %eq3A_227 = arith.cmpi eq, %arg1, %eq3A_226 : i32
    %convert_element_type3A_228 = arith.extui %eq3A_227 : i1 to i32
    %cond3A_229 = arith.constant 0 : i32
    %cond3A_230 = arith.cmpi ne, %convert_element_type3A_228, %cond3A_229 : i32
    scf.if %cond3A_230 {
      "tpu.region"() ({
        %run_scoped3A_981 = tpu.sem_alloc : memref<!tpu.dma_semaphore, #tpu.memory_space<semaphore_mem>>
        %dma_start3A_982 = arith.constant 2432 : i32
        %dma_start3A_983 = tpu.memref_slice %arg14[%dma_start3A_982] : memref<10112xf32, #tpu.memory_space<vmem_shared>> -> memref<128xf32, #tpu.memory_space<vmem_shared>>
        %dma_start3A_984 = arith.constant 2432 : i32
        %dma_start3A_985 = tpu.memref_slice %arg14[%dma_start3A_984] : memref<10112xf32, #tpu.memory_space<vmem_shared>> -> memref<128xf32, #tpu.memory_space<vmem_shared>>
        tpu.enqueue_dma source(%arg11 : memref<128xf32, #tpu.memory_space<vmem>>) target(%dma_start3A_985 : memref<128xf32, #tpu.memory_space<vmem_shared>>) target_semaphore(%run_scoped3A_981 : memref<!tpu.dma_semaphore, #tpu.memory_space<semaphore_mem>>)
        %dma_wait3A_986 = arith.constant 2432 : i32
        %dma_wait3A_987 = tpu.memref_slice %arg14[%dma_wait3A_986] : memref<10112xf32, #tpu.memory_space<vmem_shared>> -> memref<128xf32, #tpu.memory_space<vmem_shared>>
        %dma_wait3A_988 = arith.constant 2432 : i32
        %dma_wait3A_989 = tpu.memref_slice %arg14[%dma_wait3A_988] : memref<10112xf32, #tpu.memory_space<vmem_shared>> -> memref<128xf32, #tpu.memory_space<vmem_shared>>
        tpu.wait_dma2 semaphore(%run_scoped3A_981 : memref<!tpu.dma_semaphore, #tpu.memory_space<semaphore_mem>>) src(%arg11 : memref<128xf32, #tpu.memory_space<vmem>>) dst(%dma_wait3A_989 : memref<128xf32, #tpu.memory_space<vmem_shared>>)
        tpu.yield
      }) : () -> ()
    } else {
    }
    %eq3A_231 = arith.constant 4 : i32
    %eq3A_232 = arith.cmpi eq, %arg1, %eq3A_231 : i32
    %convert_element_type3A_233 = arith.extui %eq3A_232 : i1 to i32
    %cond3A_234 = arith.constant 0 : i32
    %cond3A_235 = arith.cmpi ne, %convert_element_type3A_233, %cond3A_234 : i32
    scf.if %cond3A_235 {
      "tpu.region"() ({
        %run_scoped3A_981 = tpu.sem_alloc : memref<!tpu.dma_semaphore, #tpu.memory_space<semaphore_mem>>
        %dma_start3A_982 = arith.constant 2560 : i32
        %dma_start3A_983 = tpu.memref_slice %arg14[%dma_start3A_982] : memref<10112xf32, #tpu.memory_space<vmem_shared>> -> memref<128xf32, #tpu.memory_space<vmem_shared>>
        %dma_start3A_984 = arith.constant 2560 : i32
        %dma_start3A_985 = tpu.memref_slice %arg14[%dma_start3A_984] : memref<10112xf32, #tpu.memory_space<vmem_shared>> -> memref<128xf32, #tpu.memory_space<vmem_shared>>
        tpu.enqueue_dma source(%arg11 : memref<128xf32, #tpu.memory_space<vmem>>) target(%dma_start3A_985 : memref<128xf32, #tpu.memory_space<vmem_shared>>) target_semaphore(%run_scoped3A_981 : memref<!tpu.dma_semaphore, #tpu.memory_space<semaphore_mem>>)
        %dma_wait3A_986 = arith.constant 2560 : i32
        %dma_wait3A_987 = tpu.memref_slice %arg14[%dma_wait3A_986] : memref<10112xf32, #tpu.memory_space<vmem_shared>> -> memref<128xf32, #tpu.memory_space<vmem_shared>>
        %dma_wait3A_988 = arith.constant 2560 : i32
        %dma_wait3A_989 = tpu.memref_slice %arg14[%dma_wait3A_988] : memref<10112xf32, #tpu.memory_space<vmem_shared>> -> memref<128xf32, #tpu.memory_space<vmem_shared>>
        tpu.wait_dma2 semaphore(%run_scoped3A_981 : memref<!tpu.dma_semaphore, #tpu.memory_space<semaphore_mem>>) src(%arg11 : memref<128xf32, #tpu.memory_space<vmem>>) dst(%dma_wait3A_989 : memref<128xf32, #tpu.memory_space<vmem_shared>>)
        tpu.yield
      }) : () -> ()
    } else {
    }
    %eq3A_236 = arith.constant 5 : i32
    %eq3A_237 = arith.cmpi eq, %arg1, %eq3A_236 : i32
    %convert_element_type3A_238 = arith.extui %eq3A_237 : i1 to i32
    %cond3A_239 = arith.constant 0 : i32
    %cond3A_240 = arith.cmpi ne, %convert_element_type3A_238, %cond3A_239 : i32
    scf.if %cond3A_240 {
      "tpu.region"() ({
        %run_scoped3A_981 = tpu.sem_alloc : memref<!tpu.dma_semaphore, #tpu.memory_space<semaphore_mem>>
        %dma_start3A_982 = arith.constant 2688 : i32
        %dma_start3A_983 = tpu.memref_slice %arg14[%dma_start3A_982] : memref<10112xf32, #tpu.memory_space<vmem_shared>> -> memref<128xf32, #tpu.memory_space<vmem_shared>>
        %dma_start3A_984 = arith.constant 2688 : i32
        %dma_start3A_985 = tpu.memref_slice %arg14[%dma_start3A_984] : memref<10112xf32, #tpu.memory_space<vmem_shared>> -> memref<128xf32, #tpu.memory_space<vmem_shared>>
        tpu.enqueue_dma source(%arg11 : memref<128xf32, #tpu.memory_space<vmem>>) target(%dma_start3A_985 : memref<128xf32, #tpu.memory_space<vmem_shared>>) target_semaphore(%run_scoped3A_981 : memref<!tpu.dma_semaphore, #tpu.memory_space<semaphore_mem>>)
        %dma_wait3A_986 = arith.constant 2688 : i32
        %dma_wait3A_987 = tpu.memref_slice %arg14[%dma_wait3A_986] : memref<10112xf32, #tpu.memory_space<vmem_shared>> -> memref<128xf32, #tpu.memory_space<vmem_shared>>
        %dma_wait3A_988 = arith.constant 2688 : i32
        %dma_wait3A_989 = tpu.memref_slice %arg14[%dma_wait3A_988] : memref<10112xf32, #tpu.memory_space<vmem_shared>> -> memref<128xf32, #tpu.memory_space<vmem_shared>>
        tpu.wait_dma2 semaphore(%run_scoped3A_981 : memref<!tpu.dma_semaphore, #tpu.memory_space<semaphore_mem>>) src(%arg11 : memref<128xf32, #tpu.memory_space<vmem>>) dst(%dma_wait3A_989 : memref<128xf32, #tpu.memory_space<vmem_shared>>)
        tpu.yield
      }) : () -> ()
    } else {
    }
    %eq3A_241 = arith.constant 6 : i32
    %eq3A_242 = arith.cmpi eq, %arg1, %eq3A_241 : i32
    %convert_element_type3A_243 = arith.extui %eq3A_242 : i1 to i32
    %cond3A_244 = arith.constant 0 : i32
    %cond3A_245 = arith.cmpi ne, %convert_element_type3A_243, %cond3A_244 : i32
    scf.if %cond3A_245 {
      "tpu.region"() ({
        %run_scoped3A_981 = tpu.sem_alloc : memref<!tpu.dma_semaphore, #tpu.memory_space<semaphore_mem>>
        %dma_start3A_982 = arith.constant 2816 : i32
        %dma_start3A_983 = tpu.memref_slice %arg14[%dma_start3A_982] : memref<10112xf32, #tpu.memory_space<vmem_shared>> -> memref<128xf32, #tpu.memory_space<vmem_shared>>
        %dma_start3A_984 = arith.constant 2816 : i32
        %dma_start3A_985 = tpu.memref_slice %arg14[%dma_start3A_984] : memref<10112xf32, #tpu.memory_space<vmem_shared>> -> memref<128xf32, #tpu.memory_space<vmem_shared>>
        tpu.enqueue_dma source(%arg11 : memref<128xf32, #tpu.memory_space<vmem>>) target(%dma_start3A_985 : memref<128xf32, #tpu.memory_space<vmem_shared>>) target_semaphore(%run_scoped3A_981 : memref<!tpu.dma_semaphore, #tpu.memory_space<semaphore_mem>>)
        %dma_wait3A_986 = arith.constant 2816 : i32
        %dma_wait3A_987 = tpu.memref_slice %arg14[%dma_wait3A_986] : memref<10112xf32, #tpu.memory_space<vmem_shared>> -> memref<128xf32, #tpu.memory_space<vmem_shared>>
        %dma_wait3A_988 = arith.constant 2816 : i32
        %dma_wait3A_989 = tpu.memref_slice %arg14[%dma_wait3A_988] : memref<10112xf32, #tpu.memory_space<vmem_shared>> -> memref<128xf32, #tpu.memory_space<vmem_shared>>
        tpu.wait_dma2 semaphore(%run_scoped3A_981 : memref<!tpu.dma_semaphore, #tpu.memory_space<semaphore_mem>>) src(%arg11 : memref<128xf32, #tpu.memory_space<vmem>>) dst(%dma_wait3A_989 : memref<128xf32, #tpu.memory_space<vmem_shared>>)
        tpu.yield
      }) : () -> ()
    } else {
    }
    %eq3A_246 = arith.constant 7 : i32
    %eq3A_247 = arith.cmpi eq, %arg1, %eq3A_246 : i32
    %convert_element_type3A_248 = arith.extui %eq3A_247 : i1 to i32
    %cond3A_249 = arith.constant 0 : i32
    %cond3A_250 = arith.cmpi ne, %convert_element_type3A_248, %cond3A_249 : i32
    scf.if %cond3A_250 {
      "tpu.region"() ({
        %run_scoped3A_981 = tpu.sem_alloc : memref<!tpu.dma_semaphore, #tpu.memory_space<semaphore_mem>>
        %dma_start3A_982 = arith.constant 2944 : i32
        %dma_start3A_983 = tpu.memref_slice %arg14[%dma_start3A_982] : memref<10112xf32, #tpu.memory_space<vmem_shared>> -> memref<128xf32, #tpu.memory_space<vmem_shared>>
        %dma_start3A_984 = arith.constant 2944 : i32
        %dma_start3A_985 = tpu.memref_slice %arg14[%dma_start3A_984] : memref<10112xf32, #tpu.memory_space<vmem_shared>> -> memref<128xf32, #tpu.memory_space<vmem_shared>>
        tpu.enqueue_dma source(%arg11 : memref<128xf32, #tpu.memory_space<vmem>>) target(%dma_start3A_985 : memref<128xf32, #tpu.memory_space<vmem_shared>>) target_semaphore(%run_scoped3A_981 : memref<!tpu.dma_semaphore, #tpu.memory_space<semaphore_mem>>)
        %dma_wait3A_986 = arith.constant 2944 : i32
        %dma_wait3A_987 = tpu.memref_slice %arg14[%dma_wait3A_986] : memref<10112xf32, #tpu.memory_space<vmem_shared>> -> memref<128xf32, #tpu.memory_space<vmem_shared>>
        %dma_wait3A_988 = arith.constant 2944 : i32
        %dma_wait3A_989 = tpu.memref_slice %arg14[%dma_wait3A_988] : memref<10112xf32, #tpu.memory_space<vmem_shared>> -> memref<128xf32, #tpu.memory_space<vmem_shared>>
        tpu.wait_dma2 semaphore(%run_scoped3A_981 : memref<!tpu.dma_semaphore, #tpu.memory_space<semaphore_mem>>) src(%arg11 : memref<128xf32, #tpu.memory_space<vmem>>) dst(%dma_wait3A_989 : memref<128xf32, #tpu.memory_space<vmem_shared>>)
        tpu.yield
      }) : () -> ()
    } else {
    }
    %eq3A_251 = arith.constant 8 : i32
    %eq3A_252 = arith.cmpi eq, %arg1, %eq3A_251 : i32
    %convert_element_type3A_253 = arith.extui %eq3A_252 : i1 to i32
    %cond3A_254 = arith.constant 0 : i32
    %cond3A_255 = arith.cmpi ne, %convert_element_type3A_253, %cond3A_254 : i32
    scf.if %cond3A_255 {
      "tpu.region"() ({
        %run_scoped3A_981 = tpu.sem_alloc : memref<!tpu.dma_semaphore, #tpu.memory_space<semaphore_mem>>
        %dma_start3A_982 = arith.constant 3072 : i32
        %dma_start3A_983 = tpu.memref_slice %arg14[%dma_start3A_982] : memref<10112xf32, #tpu.memory_space<vmem_shared>> -> memref<128xf32, #tpu.memory_space<vmem_shared>>
        %dma_start3A_984 = arith.constant 3072 : i32
        %dma_start3A_985 = tpu.memref_slice %arg14[%dma_start3A_984] : memref<10112xf32, #tpu.memory_space<vmem_shared>> -> memref<128xf32, #tpu.memory_space<vmem_shared>>
        tpu.enqueue_dma source(%arg11 : memref<128xf32, #tpu.memory_space<vmem>>) target(%dma_start3A_985 : memref<128xf32, #tpu.memory_space<vmem_shared>>) target_semaphore(%run_scoped3A_981 : memref<!tpu.dma_semaphore, #tpu.memory_space<semaphore_mem>>)
        %dma_wait3A_986 = arith.constant 3072 : i32
        %dma_wait3A_987 = tpu.memref_slice %arg14[%dma_wait3A_986] : memref<10112xf32, #tpu.memory_space<vmem_shared>> -> memref<128xf32, #tpu.memory_space<vmem_shared>>
        %dma_wait3A_988 = arith.constant 3072 : i32
        %dma_wait3A_989 = tpu.memref_slice %arg14[%dma_wait3A_988] : memref<10112xf32, #tpu.memory_space<vmem_shared>> -> memref<128xf32, #tpu.memory_space<vmem_shared>>
        tpu.wait_dma2 semaphore(%run_scoped3A_981 : memref<!tpu.dma_semaphore, #tpu.memory_space<semaphore_mem>>) src(%arg11 : memref<128xf32, #tpu.memory_space<vmem>>) dst(%dma_wait3A_989 : memref<128xf32, #tpu.memory_space<vmem_shared>>)
        tpu.yield
      }) : () -> ()
    } else {
    }
    %eq3A_256 = arith.constant 9 : i32
    %eq3A_257 = arith.cmpi eq, %arg1, %eq3A_256 : i32
    %convert_element_type3A_258 = arith.extui %eq3A_257 : i1 to i32
    %cond3A_259 = arith.constant 0 : i32
    %cond3A_260 = arith.cmpi ne, %convert_element_type3A_258, %cond3A_259 : i32
    scf.if %cond3A_260 {
      "tpu.region"() ({
        %run_scoped3A_981 = tpu.sem_alloc : memref<!tpu.dma_semaphore, #tpu.memory_space<semaphore_mem>>
        %dma_start3A_982 = arith.constant 3200 : i32
        %dma_start3A_983 = tpu.memref_slice %arg14[%dma_start3A_982] : memref<10112xf32, #tpu.memory_space<vmem_shared>> -> memref<128xf32, #tpu.memory_space<vmem_shared>>
        %dma_start3A_984 = arith.constant 3200 : i32
        %dma_start3A_985 = tpu.memref_slice %arg14[%dma_start3A_984] : memref<10112xf32, #tpu.memory_space<vmem_shared>> -> memref<128xf32, #tpu.memory_space<vmem_shared>>
        tpu.enqueue_dma source(%arg11 : memref<128xf32, #tpu.memory_space<vmem>>) target(%dma_start3A_985 : memref<128xf32, #tpu.memory_space<vmem_shared>>) target_semaphore(%run_scoped3A_981 : memref<!tpu.dma_semaphore, #tpu.memory_space<semaphore_mem>>)
        %dma_wait3A_986 = arith.constant 3200 : i32
        %dma_wait3A_987 = tpu.memref_slice %arg14[%dma_wait3A_986] : memref<10112xf32, #tpu.memory_space<vmem_shared>> -> memref<128xf32, #tpu.memory_space<vmem_shared>>
        %dma_wait3A_988 = arith.constant 3200 : i32
        %dma_wait3A_989 = tpu.memref_slice %arg14[%dma_wait3A_988] : memref<10112xf32, #tpu.memory_space<vmem_shared>> -> memref<128xf32, #tpu.memory_space<vmem_shared>>
        tpu.wait_dma2 semaphore(%run_scoped3A_981 : memref<!tpu.dma_semaphore, #tpu.memory_space<semaphore_mem>>) src(%arg11 : memref<128xf32, #tpu.memory_space<vmem>>) dst(%dma_wait3A_989 : memref<128xf32, #tpu.memory_space<vmem_shared>>)
        tpu.yield
      }) : () -> ()
    } else {
    }
    %eq3A_261 = arith.constant 10 : i32
    %eq3A_262 = arith.cmpi eq, %arg1, %eq3A_261 : i32
    %convert_element_type3A_263 = arith.extui %eq3A_262 : i1 to i32
    %cond3A_264 = arith.constant 0 : i32
    %cond3A_265 = arith.cmpi ne, %convert_element_type3A_263, %cond3A_264 : i32
    scf.if %cond3A_265 {
      "tpu.region"() ({
        %run_scoped3A_981 = tpu.sem_alloc : memref<!tpu.dma_semaphore, #tpu.memory_space<semaphore_mem>>
        %dma_start3A_982 = arith.constant 3328 : i32
        %dma_start3A_983 = tpu.memref_slice %arg14[%dma_start3A_982] : memref<10112xf32, #tpu.memory_space<vmem_shared>> -> memref<128xf32, #tpu.memory_space<vmem_shared>>
        %dma_start3A_984 = arith.constant 3328 : i32
        %dma_start3A_985 = tpu.memref_slice %arg14[%dma_start3A_984] : memref<10112xf32, #tpu.memory_space<vmem_shared>> -> memref<128xf32, #tpu.memory_space<vmem_shared>>
        tpu.enqueue_dma source(%arg11 : memref<128xf32, #tpu.memory_space<vmem>>) target(%dma_start3A_985 : memref<128xf32, #tpu.memory_space<vmem_shared>>) target_semaphore(%run_scoped3A_981 : memref<!tpu.dma_semaphore, #tpu.memory_space<semaphore_mem>>)
        %dma_wait3A_986 = arith.constant 3328 : i32
        %dma_wait3A_987 = tpu.memref_slice %arg14[%dma_wait3A_986] : memref<10112xf32, #tpu.memory_space<vmem_shared>> -> memref<128xf32, #tpu.memory_space<vmem_shared>>
        %dma_wait3A_988 = arith.constant 3328 : i32
        %dma_wait3A_989 = tpu.memref_slice %arg14[%dma_wait3A_988] : memref<10112xf32, #tpu.memory_space<vmem_shared>> -> memref<128xf32, #tpu.memory_space<vmem_shared>>
        tpu.wait_dma2 semaphore(%run_scoped3A_981 : memref<!tpu.dma_semaphore, #tpu.memory_space<semaphore_mem>>) src(%arg11 : memref<128xf32, #tpu.memory_space<vmem>>) dst(%dma_wait3A_989 : memref<128xf32, #tpu.memory_space<vmem_shared>>)
        tpu.yield
      }) : () -> ()
    } else {
    }
    %eq3A_266 = arith.constant 11 : i32
    %eq3A_267 = arith.cmpi eq, %arg1, %eq3A_266 : i32
    %convert_element_type3A_268 = arith.extui %eq3A_267 : i1 to i32
    %cond3A_269 = arith.constant 0 : i32
    %cond3A_270 = arith.cmpi ne, %convert_element_type3A_268, %cond3A_269 : i32
    scf.if %cond3A_270 {
      "tpu.region"() ({
        %run_scoped3A_981 = tpu.sem_alloc : memref<!tpu.dma_semaphore, #tpu.memory_space<semaphore_mem>>
        %dma_start3A_982 = arith.constant 3456 : i32
        %dma_start3A_983 = tpu.memref_slice %arg14[%dma_start3A_982] : memref<10112xf32, #tpu.memory_space<vmem_shared>> -> memref<128xf32, #tpu.memory_space<vmem_shared>>
        %dma_start3A_984 = arith.constant 3456 : i32
        %dma_start3A_985 = tpu.memref_slice %arg14[%dma_start3A_984] : memref<10112xf32, #tpu.memory_space<vmem_shared>> -> memref<128xf32, #tpu.memory_space<vmem_shared>>
        tpu.enqueue_dma source(%arg11 : memref<128xf32, #tpu.memory_space<vmem>>) target(%dma_start3A_985 : memref<128xf32, #tpu.memory_space<vmem_shared>>) target_semaphore(%run_scoped3A_981 : memref<!tpu.dma_semaphore, #tpu.memory_space<semaphore_mem>>)
        %dma_wait3A_986 = arith.constant 3456 : i32
        %dma_wait3A_987 = tpu.memref_slice %arg14[%dma_wait3A_986] : memref<10112xf32, #tpu.memory_space<vmem_shared>> -> memref<128xf32, #tpu.memory_space<vmem_shared>>
        %dma_wait3A_988 = arith.constant 3456 : i32
        %dma_wait3A_989 = tpu.memref_slice %arg14[%dma_wait3A_988] : memref<10112xf32, #tpu.memory_space<vmem_shared>> -> memref<128xf32, #tpu.memory_space<vmem_shared>>
        tpu.wait_dma2 semaphore(%run_scoped3A_981 : memref<!tpu.dma_semaphore, #tpu.memory_space<semaphore_mem>>) src(%arg11 : memref<128xf32, #tpu.memory_space<vmem>>) dst(%dma_wait3A_989 : memref<128xf32, #tpu.memory_space<vmem_shared>>)
        tpu.yield
      }) : () -> ()
    } else {
    }
    %eq3A_271 = arith.constant 12 : i32
    %eq3A_272 = arith.cmpi eq, %arg1, %eq3A_271 : i32
    %convert_element_type3A_273 = arith.extui %eq3A_272 : i1 to i32
    %cond3A_274 = arith.constant 0 : i32
    %cond3A_275 = arith.cmpi ne, %convert_element_type3A_273, %cond3A_274 : i32
    scf.if %cond3A_275 {
      "tpu.region"() ({
        %run_scoped3A_981 = tpu.sem_alloc : memref<!tpu.dma_semaphore, #tpu.memory_space<semaphore_mem>>
        %dma_start3A_982 = arith.constant 3584 : i32
        %dma_start3A_983 = tpu.memref_slice %arg14[%dma_start3A_982] : memref<10112xf32, #tpu.memory_space<vmem_shared>> -> memref<128xf32, #tpu.memory_space<vmem_shared>>
        %dma_start3A_984 = arith.constant 3584 : i32
        %dma_start3A_985 = tpu.memref_slice %arg14[%dma_start3A_984] : memref<10112xf32, #tpu.memory_space<vmem_shared>> -> memref<128xf32, #tpu.memory_space<vmem_shared>>
        tpu.enqueue_dma source(%arg11 : memref<128xf32, #tpu.memory_space<vmem>>) target(%dma_start3A_985 : memref<128xf32, #tpu.memory_space<vmem_shared>>) target_semaphore(%run_scoped3A_981 : memref<!tpu.dma_semaphore, #tpu.memory_space<semaphore_mem>>)
        %dma_wait3A_986 = arith.constant 3584 : i32
        %dma_wait3A_987 = tpu.memref_slice %arg14[%dma_wait3A_986] : memref<10112xf32, #tpu.memory_space<vmem_shared>> -> memref<128xf32, #tpu.memory_space<vmem_shared>>
        %dma_wait3A_988 = arith.constant 3584 : i32
        %dma_wait3A_989 = tpu.memref_slice %arg14[%dma_wait3A_988] : memref<10112xf32, #tpu.memory_space<vmem_shared>> -> memref<128xf32, #tpu.memory_space<vmem_shared>>
        tpu.wait_dma2 semaphore(%run_scoped3A_981 : memref<!tpu.dma_semaphore, #tpu.memory_space<semaphore_mem>>) src(%arg11 : memref<128xf32, #tpu.memory_space<vmem>>) dst(%dma_wait3A_989 : memref<128xf32, #tpu.memory_space<vmem_shared>>)
        tpu.yield
      }) : () -> ()
    } else {
    }
    %eq3A_276 = arith.constant 13 : i32
    %eq3A_277 = arith.cmpi eq, %arg1, %eq3A_276 : i32
    %convert_element_type3A_278 = arith.extui %eq3A_277 : i1 to i32
    %cond3A_279 = arith.constant 0 : i32
    %cond3A_280 = arith.cmpi ne, %convert_element_type3A_278, %cond3A_279 : i32
    scf.if %cond3A_280 {
      "tpu.region"() ({
        %run_scoped3A_981 = tpu.sem_alloc : memref<!tpu.dma_semaphore, #tpu.memory_space<semaphore_mem>>
        %dma_start3A_982 = arith.constant 3712 : i32
        %dma_start3A_983 = tpu.memref_slice %arg14[%dma_start3A_982] : memref<10112xf32, #tpu.memory_space<vmem_shared>> -> memref<128xf32, #tpu.memory_space<vmem_shared>>
        %dma_start3A_984 = arith.constant 3712 : i32
        %dma_start3A_985 = tpu.memref_slice %arg14[%dma_start3A_984] : memref<10112xf32, #tpu.memory_space<vmem_shared>> -> memref<128xf32, #tpu.memory_space<vmem_shared>>
        tpu.enqueue_dma source(%arg11 : memref<128xf32, #tpu.memory_space<vmem>>) target(%dma_start3A_985 : memref<128xf32, #tpu.memory_space<vmem_shared>>) target_semaphore(%run_scoped3A_981 : memref<!tpu.dma_semaphore, #tpu.memory_space<semaphore_mem>>)
        %dma_wait3A_986 = arith.constant 3712 : i32
        %dma_wait3A_987 = tpu.memref_slice %arg14[%dma_wait3A_986] : memref<10112xf32, #tpu.memory_space<vmem_shared>> -> memref<128xf32, #tpu.memory_space<vmem_shared>>
        %dma_wait3A_988 = arith.constant 3712 : i32
        %dma_wait3A_989 = tpu.memref_slice %arg14[%dma_wait3A_988] : memref<10112xf32, #tpu.memory_space<vmem_shared>> -> memref<128xf32, #tpu.memory_space<vmem_shared>>
        tpu.wait_dma2 semaphore(%run_scoped3A_981 : memref<!tpu.dma_semaphore, #tpu.memory_space<semaphore_mem>>) src(%arg11 : memref<128xf32, #tpu.memory_space<vmem>>) dst(%dma_wait3A_989 : memref<128xf32, #tpu.memory_space<vmem_shared>>)
        tpu.yield
      }) : () -> ()
    } else {
    }
    %eq3A_281 = arith.constant 14 : i32
    %eq3A_282 = arith.cmpi eq, %arg1, %eq3A_281 : i32
    %convert_element_type3A_283 = arith.extui %eq3A_282 : i1 to i32
    %cond3A_284 = arith.constant 0 : i32
    %cond3A_285 = arith.cmpi ne, %convert_element_type3A_283, %cond3A_284 : i32
    scf.if %cond3A_285 {
      "tpu.region"() ({
        %run_scoped3A_981 = tpu.sem_alloc : memref<!tpu.dma_semaphore, #tpu.memory_space<semaphore_mem>>
        %dma_start3A_982 = arith.constant 3840 : i32
        %dma_start3A_983 = tpu.memref_slice %arg14[%dma_start3A_982] : memref<10112xf32, #tpu.memory_space<vmem_shared>> -> memref<128xf32, #tpu.memory_space<vmem_shared>>
        %dma_start3A_984 = arith.constant 3840 : i32
        %dma_start3A_985 = tpu.memref_slice %arg14[%dma_start3A_984] : memref<10112xf32, #tpu.memory_space<vmem_shared>> -> memref<128xf32, #tpu.memory_space<vmem_shared>>
        tpu.enqueue_dma source(%arg11 : memref<128xf32, #tpu.memory_space<vmem>>) target(%dma_start3A_985 : memref<128xf32, #tpu.memory_space<vmem_shared>>) target_semaphore(%run_scoped3A_981 : memref<!tpu.dma_semaphore, #tpu.memory_space<semaphore_mem>>)
        %dma_wait3A_986 = arith.constant 3840 : i32
        %dma_wait3A_987 = tpu.memref_slice %arg14[%dma_wait3A_986] : memref<10112xf32, #tpu.memory_space<vmem_shared>> -> memref<128xf32, #tpu.memory_space<vmem_shared>>
        %dma_wait3A_988 = arith.constant 3840 : i32
        %dma_wait3A_989 = tpu.memref_slice %arg14[%dma_wait3A_988] : memref<10112xf32, #tpu.memory_space<vmem_shared>> -> memref<128xf32, #tpu.memory_space<vmem_shared>>
        tpu.wait_dma2 semaphore(%run_scoped3A_981 : memref<!tpu.dma_semaphore, #tpu.memory_space<semaphore_mem>>) src(%arg11 : memref<128xf32, #tpu.memory_space<vmem>>) dst(%dma_wait3A_989 : memref<128xf32, #tpu.memory_space<vmem_shared>>)
        tpu.yield
      }) : () -> ()
    } else {
    }
    %eq3A_286 = arith.constant 15 : i32
    %eq3A_287 = arith.cmpi eq, %arg1, %eq3A_286 : i32
    %convert_element_type3A_288 = arith.extui %eq3A_287 : i1 to i32
    %cond3A_289 = arith.constant 0 : i32
    %cond3A_290 = arith.cmpi ne, %convert_element_type3A_288, %cond3A_289 : i32
    scf.if %cond3A_290 {
      "tpu.region"() ({
        %run_scoped3A_981 = tpu.sem_alloc : memref<!tpu.dma_semaphore, #tpu.memory_space<semaphore_mem>>
        %dma_start3A_982 = arith.constant 3968 : i32
        %dma_start3A_983 = tpu.memref_slice %arg14[%dma_start3A_982] : memref<10112xf32, #tpu.memory_space<vmem_shared>> -> memref<128xf32, #tpu.memory_space<vmem_shared>>
        %dma_start3A_984 = arith.constant 3968 : i32
        %dma_start3A_985 = tpu.memref_slice %arg14[%dma_start3A_984] : memref<10112xf32, #tpu.memory_space<vmem_shared>> -> memref<128xf32, #tpu.memory_space<vmem_shared>>
        tpu.enqueue_dma source(%arg11 : memref<128xf32, #tpu.memory_space<vmem>>) target(%dma_start3A_985 : memref<128xf32, #tpu.memory_space<vmem_shared>>) target_semaphore(%run_scoped3A_981 : memref<!tpu.dma_semaphore, #tpu.memory_space<semaphore_mem>>)
        %dma_wait3A_986 = arith.constant 3968 : i32
        %dma_wait3A_987 = tpu.memref_slice %arg14[%dma_wait3A_986] : memref<10112xf32, #tpu.memory_space<vmem_shared>> -> memref<128xf32, #tpu.memory_space<vmem_shared>>
        %dma_wait3A_988 = arith.constant 3968 : i32
        %dma_wait3A_989 = tpu.memref_slice %arg14[%dma_wait3A_988] : memref<10112xf32, #tpu.memory_space<vmem_shared>> -> memref<128xf32, #tpu.memory_space<vmem_shared>>
        tpu.wait_dma2 semaphore(%run_scoped3A_981 : memref<!tpu.dma_semaphore, #tpu.memory_space<semaphore_mem>>) src(%arg11 : memref<128xf32, #tpu.memory_space<vmem>>) dst(%dma_wait3A_989 : memref<128xf32, #tpu.memory_space<vmem_shared>>)
        tpu.yield
      }) : () -> ()
    } else {
    }
    %eq3A_291 = arith.constant 0 : i32
    %eq3A_292 = arith.cmpi eq, %arg1, %eq3A_291 : i32
    %convert_element_type3A_293 = arith.extui %eq3A_292 : i1 to i32
    %cond3A_294 = arith.constant 0 : i32
    %cond3A_295 = arith.cmpi ne, %convert_element_type3A_293, %cond3A_294 : i32
    scf.if %cond3A_295 {
      "tpu.region"() ({
        %run_scoped3A_981 = tpu.sem_alloc : memref<!tpu.dma_semaphore, #tpu.memory_space<semaphore_mem>>
        %dma_start3A_982 = arith.constant 4096 : i32
        %dma_start3A_983 = tpu.memref_slice %arg14[%dma_start3A_982] : memref<10112xf32, #tpu.memory_space<vmem_shared>> -> memref<128xf32, #tpu.memory_space<vmem_shared>>
        %dma_start3A_984 = arith.constant 4096 : i32
        %dma_start3A_985 = tpu.memref_slice %arg14[%dma_start3A_984] : memref<10112xf32, #tpu.memory_space<vmem_shared>> -> memref<128xf32, #tpu.memory_space<vmem_shared>>
        tpu.enqueue_dma source(%arg11 : memref<128xf32, #tpu.memory_space<vmem>>) target(%dma_start3A_985 : memref<128xf32, #tpu.memory_space<vmem_shared>>) target_semaphore(%run_scoped3A_981 : memref<!tpu.dma_semaphore, #tpu.memory_space<semaphore_mem>>)
        %dma_wait3A_986 = arith.constant 4096 : i32
        %dma_wait3A_987 = tpu.memref_slice %arg14[%dma_wait3A_986] : memref<10112xf32, #tpu.memory_space<vmem_shared>> -> memref<128xf32, #tpu.memory_space<vmem_shared>>
        %dma_wait3A_988 = arith.constant 4096 : i32
        %dma_wait3A_989 = tpu.memref_slice %arg14[%dma_wait3A_988] : memref<10112xf32, #tpu.memory_space<vmem_shared>> -> memref<128xf32, #tpu.memory_space<vmem_shared>>
        tpu.wait_dma2 semaphore(%run_scoped3A_981 : memref<!tpu.dma_semaphore, #tpu.memory_space<semaphore_mem>>) src(%arg11 : memref<128xf32, #tpu.memory_space<vmem>>) dst(%dma_wait3A_989 : memref<128xf32, #tpu.memory_space<vmem_shared>>)
        tpu.yield
      }) : () -> ()
    } else {
    }
    %eq3A_296 = arith.constant 1 : i32
    %eq3A_297 = arith.cmpi eq, %arg1, %eq3A_296 : i32
    %convert_element_type3A_298 = arith.extui %eq3A_297 : i1 to i32
    %cond3A_299 = arith.constant 0 : i32
    %cond3A_300 = arith.cmpi ne, %convert_element_type3A_298, %cond3A_299 : i32
    scf.if %cond3A_300 {
      "tpu.region"() ({
        %run_scoped3A_981 = tpu.sem_alloc : memref<!tpu.dma_semaphore, #tpu.memory_space<semaphore_mem>>
        %dma_start3A_982 = arith.constant 4224 : i32
        %dma_start3A_983 = tpu.memref_slice %arg14[%dma_start3A_982] : memref<10112xf32, #tpu.memory_space<vmem_shared>> -> memref<128xf32, #tpu.memory_space<vmem_shared>>
        %dma_start3A_984 = arith.constant 4224 : i32
        %dma_start3A_985 = tpu.memref_slice %arg14[%dma_start3A_984] : memref<10112xf32, #tpu.memory_space<vmem_shared>> -> memref<128xf32, #tpu.memory_space<vmem_shared>>
        tpu.enqueue_dma source(%arg11 : memref<128xf32, #tpu.memory_space<vmem>>) target(%dma_start3A_985 : memref<128xf32, #tpu.memory_space<vmem_shared>>) target_semaphore(%run_scoped3A_981 : memref<!tpu.dma_semaphore, #tpu.memory_space<semaphore_mem>>)
        %dma_wait3A_986 = arith.constant 4224 : i32
        %dma_wait3A_987 = tpu.memref_slice %arg14[%dma_wait3A_986] : memref<10112xf32, #tpu.memory_space<vmem_shared>> -> memref<128xf32, #tpu.memory_space<vmem_shared>>
        %dma_wait3A_988 = arith.constant 4224 : i32
        %dma_wait3A_989 = tpu.memref_slice %arg14[%dma_wait3A_988] : memref<10112xf32, #tpu.memory_space<vmem_shared>> -> memref<128xf32, #tpu.memory_space<vmem_shared>>
        tpu.wait_dma2 semaphore(%run_scoped3A_981 : memref<!tpu.dma_semaphore, #tpu.memory_space<semaphore_mem>>) src(%arg11 : memref<128xf32, #tpu.memory_space<vmem>>) dst(%dma_wait3A_989 : memref<128xf32, #tpu.memory_space<vmem_shared>>)
        tpu.yield
      }) : () -> ()
    } else {
    }
    %eq3A_301 = arith.constant 2 : i32
    %eq3A_302 = arith.cmpi eq, %arg1, %eq3A_301 : i32
    %convert_element_type3A_303 = arith.extui %eq3A_302 : i1 to i32
    %cond3A_304 = arith.constant 0 : i32
    %cond3A_305 = arith.cmpi ne, %convert_element_type3A_303, %cond3A_304 : i32
    scf.if %cond3A_305 {
      "tpu.region"() ({
        %run_scoped3A_981 = tpu.sem_alloc : memref<!tpu.dma_semaphore, #tpu.memory_space<semaphore_mem>>
        %dma_start3A_982 = arith.constant 4352 : i32
        %dma_start3A_983 = tpu.memref_slice %arg14[%dma_start3A_982] : memref<10112xf32, #tpu.memory_space<vmem_shared>> -> memref<128xf32, #tpu.memory_space<vmem_shared>>
        %dma_start3A_984 = arith.constant 4352 : i32
        %dma_start3A_985 = tpu.memref_slice %arg14[%dma_start3A_984] : memref<10112xf32, #tpu.memory_space<vmem_shared>> -> memref<128xf32, #tpu.memory_space<vmem_shared>>
        tpu.enqueue_dma source(%arg11 : memref<128xf32, #tpu.memory_space<vmem>>) target(%dma_start3A_985 : memref<128xf32, #tpu.memory_space<vmem_shared>>) target_semaphore(%run_scoped3A_981 : memref<!tpu.dma_semaphore, #tpu.memory_space<semaphore_mem>>)
        %dma_wait3A_986 = arith.constant 4352 : i32
        %dma_wait3A_987 = tpu.memref_slice %arg14[%dma_wait3A_986] : memref<10112xf32, #tpu.memory_space<vmem_shared>> -> memref<128xf32, #tpu.memory_space<vmem_shared>>
        %dma_wait3A_988 = arith.constant 4352 : i32
        %dma_wait3A_989 = tpu.memref_slice %arg14[%dma_wait3A_988] : memref<10112xf32, #tpu.memory_space<vmem_shared>> -> memref<128xf32, #tpu.memory_space<vmem_shared>>
        tpu.wait_dma2 semaphore(%run_scoped3A_981 : memref<!tpu.dma_semaphore, #tpu.memory_space<semaphore_mem>>) src(%arg11 : memref<128xf32, #tpu.memory_space<vmem>>) dst(%dma_wait3A_989 : memref<128xf32, #tpu.memory_space<vmem_shared>>)
        tpu.yield
      }) : () -> ()
    } else {
    }
    %eq3A_306 = arith.constant 3 : i32
    %eq3A_307 = arith.cmpi eq, %arg1, %eq3A_306 : i32
    %convert_element_type3A_308 = arith.extui %eq3A_307 : i1 to i32
    %cond3A_309 = arith.constant 0 : i32
    %cond3A_310 = arith.cmpi ne, %convert_element_type3A_308, %cond3A_309 : i32
    scf.if %cond3A_310 {
      "tpu.region"() ({
        %run_scoped3A_981 = tpu.sem_alloc : memref<!tpu.dma_semaphore, #tpu.memory_space<semaphore_mem>>
        %dma_start3A_982 = arith.constant 4480 : i32
        %dma_start3A_983 = tpu.memref_slice %arg14[%dma_start3A_982] : memref<10112xf32, #tpu.memory_space<vmem_shared>> -> memref<128xf32, #tpu.memory_space<vmem_shared>>
        %dma_start3A_984 = arith.constant 4480 : i32
        %dma_start3A_985 = tpu.memref_slice %arg14[%dma_start3A_984] : memref<10112xf32, #tpu.memory_space<vmem_shared>> -> memref<128xf32, #tpu.memory_space<vmem_shared>>
        tpu.enqueue_dma source(%arg11 : memref<128xf32, #tpu.memory_space<vmem>>) target(%dma_start3A_985 : memref<128xf32, #tpu.memory_space<vmem_shared>>) target_semaphore(%run_scoped3A_981 : memref<!tpu.dma_semaphore, #tpu.memory_space<semaphore_mem>>)
        %dma_wait3A_986 = arith.constant 4480 : i32
        %dma_wait3A_987 = tpu.memref_slice %arg14[%dma_wait3A_986] : memref<10112xf32, #tpu.memory_space<vmem_shared>> -> memref<128xf32, #tpu.memory_space<vmem_shared>>
        %dma_wait3A_988 = arith.constant 4480 : i32
        %dma_wait3A_989 = tpu.memref_slice %arg14[%dma_wait3A_988] : memref<10112xf32, #tpu.memory_space<vmem_shared>> -> memref<128xf32, #tpu.memory_space<vmem_shared>>
        tpu.wait_dma2 semaphore(%run_scoped3A_981 : memref<!tpu.dma_semaphore, #tpu.memory_space<semaphore_mem>>) src(%arg11 : memref<128xf32, #tpu.memory_space<vmem>>) dst(%dma_wait3A_989 : memref<128xf32, #tpu.memory_space<vmem_shared>>)
        tpu.yield
      }) : () -> ()
    } else {
    }
    %eq3A_311 = arith.constant 4 : i32
    %eq3A_312 = arith.cmpi eq, %arg1, %eq3A_311 : i32
    %convert_element_type3A_313 = arith.extui %eq3A_312 : i1 to i32
    %cond3A_314 = arith.constant 0 : i32
    %cond3A_315 = arith.cmpi ne, %convert_element_type3A_313, %cond3A_314 : i32
    scf.if %cond3A_315 {
      "tpu.region"() ({
        %run_scoped3A_981 = tpu.sem_alloc : memref<!tpu.dma_semaphore, #tpu.memory_space<semaphore_mem>>
        %dma_start3A_982 = arith.constant 4608 : i32
        %dma_start3A_983 = tpu.memref_slice %arg14[%dma_start3A_982] : memref<10112xf32, #tpu.memory_space<vmem_shared>> -> memref<128xf32, #tpu.memory_space<vmem_shared>>
        %dma_start3A_984 = arith.constant 4608 : i32
        %dma_start3A_985 = tpu.memref_slice %arg14[%dma_start3A_984] : memref<10112xf32, #tpu.memory_space<vmem_shared>> -> memref<128xf32, #tpu.memory_space<vmem_shared>>
        tpu.enqueue_dma source(%arg11 : memref<128xf32, #tpu.memory_space<vmem>>) target(%dma_start3A_985 : memref<128xf32, #tpu.memory_space<vmem_shared>>) target_semaphore(%run_scoped3A_981 : memref<!tpu.dma_semaphore, #tpu.memory_space<semaphore_mem>>)
        %dma_wait3A_986 = arith.constant 4608 : i32
        %dma_wait3A_987 = tpu.memref_slice %arg14[%dma_wait3A_986] : memref<10112xf32, #tpu.memory_space<vmem_shared>> -> memref<128xf32, #tpu.memory_space<vmem_shared>>
        %dma_wait3A_988 = arith.constant 4608 : i32
        %dma_wait3A_989 = tpu.memref_slice %arg14[%dma_wait3A_988] : memref<10112xf32, #tpu.memory_space<vmem_shared>> -> memref<128xf32, #tpu.memory_space<vmem_shared>>
        tpu.wait_dma2 semaphore(%run_scoped3A_981 : memref<!tpu.dma_semaphore, #tpu.memory_space<semaphore_mem>>) src(%arg11 : memref<128xf32, #tpu.memory_space<vmem>>) dst(%dma_wait3A_989 : memref<128xf32, #tpu.memory_space<vmem_shared>>)
        tpu.yield
      }) : () -> ()
    } else {
    }
    %eq3A_316 = arith.constant 5 : i32
    %eq3A_317 = arith.cmpi eq, %arg1, %eq3A_316 : i32
    %convert_element_type3A_318 = arith.extui %eq3A_317 : i1 to i32
    %cond3A_319 = arith.constant 0 : i32
    %cond3A_320 = arith.cmpi ne, %convert_element_type3A_318, %cond3A_319 : i32
    scf.if %cond3A_320 {
      "tpu.region"() ({
        %run_scoped3A_981 = tpu.sem_alloc : memref<!tpu.dma_semaphore, #tpu.memory_space<semaphore_mem>>
        %dma_start3A_982 = arith.constant 4736 : i32
        %dma_start3A_983 = tpu.memref_slice %arg14[%dma_start3A_982] : memref<10112xf32, #tpu.memory_space<vmem_shared>> -> memref<128xf32, #tpu.memory_space<vmem_shared>>
        %dma_start3A_984 = arith.constant 4736 : i32
        %dma_start3A_985 = tpu.memref_slice %arg14[%dma_start3A_984] : memref<10112xf32, #tpu.memory_space<vmem_shared>> -> memref<128xf32, #tpu.memory_space<vmem_shared>>
        tpu.enqueue_dma source(%arg11 : memref<128xf32, #tpu.memory_space<vmem>>) target(%dma_start3A_985 : memref<128xf32, #tpu.memory_space<vmem_shared>>) target_semaphore(%run_scoped3A_981 : memref<!tpu.dma_semaphore, #tpu.memory_space<semaphore_mem>>)
        %dma_wait3A_986 = arith.constant 4736 : i32
        %dma_wait3A_987 = tpu.memref_slice %arg14[%dma_wait3A_986] : memref<10112xf32, #tpu.memory_space<vmem_shared>> -> memref<128xf32, #tpu.memory_space<vmem_shared>>
        %dma_wait3A_988 = arith.constant 4736 : i32
        %dma_wait3A_989 = tpu.memref_slice %arg14[%dma_wait3A_988] : memref<10112xf32, #tpu.memory_space<vmem_shared>> -> memref<128xf32, #tpu.memory_space<vmem_shared>>
        tpu.wait_dma2 semaphore(%run_scoped3A_981 : memref<!tpu.dma_semaphore, #tpu.memory_space<semaphore_mem>>) src(%arg11 : memref<128xf32, #tpu.memory_space<vmem>>) dst(%dma_wait3A_989 : memref<128xf32, #tpu.memory_space<vmem_shared>>)
        tpu.yield
      }) : () -> ()
    } else {
    }
    %eq3A_321 = arith.constant 6 : i32
    %eq3A_322 = arith.cmpi eq, %arg1, %eq3A_321 : i32
    %convert_element_type3A_323 = arith.extui %eq3A_322 : i1 to i32
    %cond3A_324 = arith.constant 0 : i32
    %cond3A_325 = arith.cmpi ne, %convert_element_type3A_323, %cond3A_324 : i32
    scf.if %cond3A_325 {
      "tpu.region"() ({
        %run_scoped3A_981 = tpu.sem_alloc : memref<!tpu.dma_semaphore, #tpu.memory_space<semaphore_mem>>
        %dma_start3A_982 = arith.constant 4864 : i32
        %dma_start3A_983 = tpu.memref_slice %arg14[%dma_start3A_982] : memref<10112xf32, #tpu.memory_space<vmem_shared>> -> memref<128xf32, #tpu.memory_space<vmem_shared>>
        %dma_start3A_984 = arith.constant 4864 : i32
        %dma_start3A_985 = tpu.memref_slice %arg14[%dma_start3A_984] : memref<10112xf32, #tpu.memory_space<vmem_shared>> -> memref<128xf32, #tpu.memory_space<vmem_shared>>
        tpu.enqueue_dma source(%arg11 : memref<128xf32, #tpu.memory_space<vmem>>) target(%dma_start3A_985 : memref<128xf32, #tpu.memory_space<vmem_shared>>) target_semaphore(%run_scoped3A_981 : memref<!tpu.dma_semaphore, #tpu.memory_space<semaphore_mem>>)
        %dma_wait3A_986 = arith.constant 4864 : i32
        %dma_wait3A_987 = tpu.memref_slice %arg14[%dma_wait3A_986] : memref<10112xf32, #tpu.memory_space<vmem_shared>> -> memref<128xf32, #tpu.memory_space<vmem_shared>>
        %dma_wait3A_988 = arith.constant 4864 : i32
        %dma_wait3A_989 = tpu.memref_slice %arg14[%dma_wait3A_988] : memref<10112xf32, #tpu.memory_space<vmem_shared>> -> memref<128xf32, #tpu.memory_space<vmem_shared>>
        tpu.wait_dma2 semaphore(%run_scoped3A_981 : memref<!tpu.dma_semaphore, #tpu.memory_space<semaphore_mem>>) src(%arg11 : memref<128xf32, #tpu.memory_space<vmem>>) dst(%dma_wait3A_989 : memref<128xf32, #tpu.memory_space<vmem_shared>>)
        tpu.yield
      }) : () -> ()
    } else {
    }
    %eq3A_326 = arith.constant 7 : i32
    %eq3A_327 = arith.cmpi eq, %arg1, %eq3A_326 : i32
    %convert_element_type3A_328 = arith.extui %eq3A_327 : i1 to i32
    %cond3A_329 = arith.constant 0 : i32
    %cond3A_330 = arith.cmpi ne, %convert_element_type3A_328, %cond3A_329 : i32
    scf.if %cond3A_330 {
      "tpu.region"() ({
        %run_scoped3A_981 = tpu.sem_alloc : memref<!tpu.dma_semaphore, #tpu.memory_space<semaphore_mem>>
        %dma_start3A_982 = arith.constant 4992 : i32
        %dma_start3A_983 = tpu.memref_slice %arg14[%dma_start3A_982] : memref<10112xf32, #tpu.memory_space<vmem_shared>> -> memref<128xf32, #tpu.memory_space<vmem_shared>>
        %dma_start3A_984 = arith.constant 4992 : i32
        %dma_start3A_985 = tpu.memref_slice %arg14[%dma_start3A_984] : memref<10112xf32, #tpu.memory_space<vmem_shared>> -> memref<128xf32, #tpu.memory_space<vmem_shared>>
        tpu.enqueue_dma source(%arg11 : memref<128xf32, #tpu.memory_space<vmem>>) target(%dma_start3A_985 : memref<128xf32, #tpu.memory_space<vmem_shared>>) target_semaphore(%run_scoped3A_981 : memref<!tpu.dma_semaphore, #tpu.memory_space<semaphore_mem>>)
        %dma_wait3A_986 = arith.constant 4992 : i32
        %dma_wait3A_987 = tpu.memref_slice %arg14[%dma_wait3A_986] : memref<10112xf32, #tpu.memory_space<vmem_shared>> -> memref<128xf32, #tpu.memory_space<vmem_shared>>
        %dma_wait3A_988 = arith.constant 4992 : i32
        %dma_wait3A_989 = tpu.memref_slice %arg14[%dma_wait3A_988] : memref<10112xf32, #tpu.memory_space<vmem_shared>> -> memref<128xf32, #tpu.memory_space<vmem_shared>>
        tpu.wait_dma2 semaphore(%run_scoped3A_981 : memref<!tpu.dma_semaphore, #tpu.memory_space<semaphore_mem>>) src(%arg11 : memref<128xf32, #tpu.memory_space<vmem>>) dst(%dma_wait3A_989 : memref<128xf32, #tpu.memory_space<vmem_shared>>)
        tpu.yield
      }) : () -> ()
    } else {
    }
    %eq3A_331 = arith.constant 8 : i32
    %eq3A_332 = arith.cmpi eq, %arg1, %eq3A_331 : i32
    %convert_element_type3A_333 = arith.extui %eq3A_332 : i1 to i32
    %cond3A_334 = arith.constant 0 : i32
    %cond3A_335 = arith.cmpi ne, %convert_element_type3A_333, %cond3A_334 : i32
    scf.if %cond3A_335 {
      "tpu.region"() ({
        %run_scoped3A_981 = tpu.sem_alloc : memref<!tpu.dma_semaphore, #tpu.memory_space<semaphore_mem>>
        %dma_start3A_982 = arith.constant 5120 : i32
        %dma_start3A_983 = tpu.memref_slice %arg14[%dma_start3A_982] : memref<10112xf32, #tpu.memory_space<vmem_shared>> -> memref<128xf32, #tpu.memory_space<vmem_shared>>
        %dma_start3A_984 = arith.constant 5120 : i32
        %dma_start3A_985 = tpu.memref_slice %arg14[%dma_start3A_984] : memref<10112xf32, #tpu.memory_space<vmem_shared>> -> memref<128xf32, #tpu.memory_space<vmem_shared>>
        tpu.enqueue_dma source(%arg11 : memref<128xf32, #tpu.memory_space<vmem>>) target(%dma_start3A_985 : memref<128xf32, #tpu.memory_space<vmem_shared>>) target_semaphore(%run_scoped3A_981 : memref<!tpu.dma_semaphore, #tpu.memory_space<semaphore_mem>>)
        %dma_wait3A_986 = arith.constant 5120 : i32
        %dma_wait3A_987 = tpu.memref_slice %arg14[%dma_wait3A_986] : memref<10112xf32, #tpu.memory_space<vmem_shared>> -> memref<128xf32, #tpu.memory_space<vmem_shared>>
        %dma_wait3A_988 = arith.constant 5120 : i32
        %dma_wait3A_989 = tpu.memref_slice %arg14[%dma_wait3A_988] : memref<10112xf32, #tpu.memory_space<vmem_shared>> -> memref<128xf32, #tpu.memory_space<vmem_shared>>
        tpu.wait_dma2 semaphore(%run_scoped3A_981 : memref<!tpu.dma_semaphore, #tpu.memory_space<semaphore_mem>>) src(%arg11 : memref<128xf32, #tpu.memory_space<vmem>>) dst(%dma_wait3A_989 : memref<128xf32, #tpu.memory_space<vmem_shared>>)
        tpu.yield
      }) : () -> ()
    } else {
    }
    %eq3A_336 = arith.constant 9 : i32
    %eq3A_337 = arith.cmpi eq, %arg1, %eq3A_336 : i32
    %convert_element_type3A_338 = arith.extui %eq3A_337 : i1 to i32
    %cond3A_339 = arith.constant 0 : i32
    %cond3A_340 = arith.cmpi ne, %convert_element_type3A_338, %cond3A_339 : i32
    scf.if %cond3A_340 {
      "tpu.region"() ({
        %run_scoped3A_981 = tpu.sem_alloc : memref<!tpu.dma_semaphore, #tpu.memory_space<semaphore_mem>>
        %dma_start3A_982 = arith.constant 5248 : i32
        %dma_start3A_983 = tpu.memref_slice %arg14[%dma_start3A_982] : memref<10112xf32, #tpu.memory_space<vmem_shared>> -> memref<128xf32, #tpu.memory_space<vmem_shared>>
        %dma_start3A_984 = arith.constant 5248 : i32
        %dma_start3A_985 = tpu.memref_slice %arg14[%dma_start3A_984] : memref<10112xf32, #tpu.memory_space<vmem_shared>> -> memref<128xf32, #tpu.memory_space<vmem_shared>>
        tpu.enqueue_dma source(%arg11 : memref<128xf32, #tpu.memory_space<vmem>>) target(%dma_start3A_985 : memref<128xf32, #tpu.memory_space<vmem_shared>>) target_semaphore(%run_scoped3A_981 : memref<!tpu.dma_semaphore, #tpu.memory_space<semaphore_mem>>)
        %dma_wait3A_986 = arith.constant 5248 : i32
        %dma_wait3A_987 = tpu.memref_slice %arg14[%dma_wait3A_986] : memref<10112xf32, #tpu.memory_space<vmem_shared>> -> memref<128xf32, #tpu.memory_space<vmem_shared>>
        %dma_wait3A_988 = arith.constant 5248 : i32
        %dma_wait3A_989 = tpu.memref_slice %arg14[%dma_wait3A_988] : memref<10112xf32, #tpu.memory_space<vmem_shared>> -> memref<128xf32, #tpu.memory_space<vmem_shared>>
        tpu.wait_dma2 semaphore(%run_scoped3A_981 : memref<!tpu.dma_semaphore, #tpu.memory_space<semaphore_mem>>) src(%arg11 : memref<128xf32, #tpu.memory_space<vmem>>) dst(%dma_wait3A_989 : memref<128xf32, #tpu.memory_space<vmem_shared>>)
        tpu.yield
      }) : () -> ()
    } else {
    }
    %eq3A_341 = arith.constant 10 : i32
    %eq3A_342 = arith.cmpi eq, %arg1, %eq3A_341 : i32
    %convert_element_type3A_343 = arith.extui %eq3A_342 : i1 to i32
    %cond3A_344 = arith.constant 0 : i32
    %cond3A_345 = arith.cmpi ne, %convert_element_type3A_343, %cond3A_344 : i32
    scf.if %cond3A_345 {
      "tpu.region"() ({
        %run_scoped3A_981 = tpu.sem_alloc : memref<!tpu.dma_semaphore, #tpu.memory_space<semaphore_mem>>
        %dma_start3A_982 = arith.constant 5376 : i32
        %dma_start3A_983 = tpu.memref_slice %arg14[%dma_start3A_982] : memref<10112xf32, #tpu.memory_space<vmem_shared>> -> memref<128xf32, #tpu.memory_space<vmem_shared>>
        %dma_start3A_984 = arith.constant 5376 : i32
        %dma_start3A_985 = tpu.memref_slice %arg14[%dma_start3A_984] : memref<10112xf32, #tpu.memory_space<vmem_shared>> -> memref<128xf32, #tpu.memory_space<vmem_shared>>
        tpu.enqueue_dma source(%arg11 : memref<128xf32, #tpu.memory_space<vmem>>) target(%dma_start3A_985 : memref<128xf32, #tpu.memory_space<vmem_shared>>) target_semaphore(%run_scoped3A_981 : memref<!tpu.dma_semaphore, #tpu.memory_space<semaphore_mem>>)
        %dma_wait3A_986 = arith.constant 5376 : i32
        %dma_wait3A_987 = tpu.memref_slice %arg14[%dma_wait3A_986] : memref<10112xf32, #tpu.memory_space<vmem_shared>> -> memref<128xf32, #tpu.memory_space<vmem_shared>>
        %dma_wait3A_988 = arith.constant 5376 : i32
        %dma_wait3A_989 = tpu.memref_slice %arg14[%dma_wait3A_988] : memref<10112xf32, #tpu.memory_space<vmem_shared>> -> memref<128xf32, #tpu.memory_space<vmem_shared>>
        tpu.wait_dma2 semaphore(%run_scoped3A_981 : memref<!tpu.dma_semaphore, #tpu.memory_space<semaphore_mem>>) src(%arg11 : memref<128xf32, #tpu.memory_space<vmem>>) dst(%dma_wait3A_989 : memref<128xf32, #tpu.memory_space<vmem_shared>>)
        tpu.yield
      }) : () -> ()
    } else {
    }
    %eq3A_346 = arith.constant 11 : i32
    %eq3A_347 = arith.cmpi eq, %arg1, %eq3A_346 : i32
    %convert_element_type3A_348 = arith.extui %eq3A_347 : i1 to i32
    %cond3A_349 = arith.constant 0 : i32
    %cond3A_350 = arith.cmpi ne, %convert_element_type3A_348, %cond3A_349 : i32
    scf.if %cond3A_350 {
      "tpu.region"() ({
        %run_scoped3A_981 = tpu.sem_alloc : memref<!tpu.dma_semaphore, #tpu.memory_space<semaphore_mem>>
        %dma_start3A_982 = arith.constant 5504 : i32
        %dma_start3A_983 = tpu.memref_slice %arg14[%dma_start3A_982] : memref<10112xf32, #tpu.memory_space<vmem_shared>> -> memref<128xf32, #tpu.memory_space<vmem_shared>>
        %dma_start3A_984 = arith.constant 5504 : i32
        %dma_start3A_985 = tpu.memref_slice %arg14[%dma_start3A_984] : memref<10112xf32, #tpu.memory_space<vmem_shared>> -> memref<128xf32, #tpu.memory_space<vmem_shared>>
        tpu.enqueue_dma source(%arg11 : memref<128xf32, #tpu.memory_space<vmem>>) target(%dma_start3A_985 : memref<128xf32, #tpu.memory_space<vmem_shared>>) target_semaphore(%run_scoped3A_981 : memref<!tpu.dma_semaphore, #tpu.memory_space<semaphore_mem>>)
        %dma_wait3A_986 = arith.constant 5504 : i32
        %dma_wait3A_987 = tpu.memref_slice %arg14[%dma_wait3A_986] : memref<10112xf32, #tpu.memory_space<vmem_shared>> -> memref<128xf32, #tpu.memory_space<vmem_shared>>
        %dma_wait3A_988 = arith.constant 5504 : i32
        %dma_wait3A_989 = tpu.memref_slice %arg14[%dma_wait3A_988] : memref<10112xf32, #tpu.memory_space<vmem_shared>> -> memref<128xf32, #tpu.memory_space<vmem_shared>>
        tpu.wait_dma2 semaphore(%run_scoped3A_981 : memref<!tpu.dma_semaphore, #tpu.memory_space<semaphore_mem>>) src(%arg11 : memref<128xf32, #tpu.memory_space<vmem>>) dst(%dma_wait3A_989 : memref<128xf32, #tpu.memory_space<vmem_shared>>)
        tpu.yield
      }) : () -> ()
    } else {
    }
    %eq3A_351 = arith.constant 12 : i32
    %eq3A_352 = arith.cmpi eq, %arg1, %eq3A_351 : i32
    %convert_element_type3A_353 = arith.extui %eq3A_352 : i1 to i32
    %cond3A_354 = arith.constant 0 : i32
    %cond3A_355 = arith.cmpi ne, %convert_element_type3A_353, %cond3A_354 : i32
    scf.if %cond3A_355 {
      "tpu.region"() ({
        %run_scoped3A_981 = tpu.sem_alloc : memref<!tpu.dma_semaphore, #tpu.memory_space<semaphore_mem>>
        %dma_start3A_982 = arith.constant 5632 : i32
        %dma_start3A_983 = tpu.memref_slice %arg14[%dma_start3A_982] : memref<10112xf32, #tpu.memory_space<vmem_shared>> -> memref<128xf32, #tpu.memory_space<vmem_shared>>
        %dma_start3A_984 = arith.constant 5632 : i32
        %dma_start3A_985 = tpu.memref_slice %arg14[%dma_start3A_984] : memref<10112xf32, #tpu.memory_space<vmem_shared>> -> memref<128xf32, #tpu.memory_space<vmem_shared>>
        tpu.enqueue_dma source(%arg11 : memref<128xf32, #tpu.memory_space<vmem>>) target(%dma_start3A_985 : memref<128xf32, #tpu.memory_space<vmem_shared>>) target_semaphore(%run_scoped3A_981 : memref<!tpu.dma_semaphore, #tpu.memory_space<semaphore_mem>>)
        %dma_wait3A_986 = arith.constant 5632 : i32
        %dma_wait3A_987 = tpu.memref_slice %arg14[%dma_wait3A_986] : memref<10112xf32, #tpu.memory_space<vmem_shared>> -> memref<128xf32, #tpu.memory_space<vmem_shared>>
        %dma_wait3A_988 = arith.constant 5632 : i32
        %dma_wait3A_989 = tpu.memref_slice %arg14[%dma_wait3A_988] : memref<10112xf32, #tpu.memory_space<vmem_shared>> -> memref<128xf32, #tpu.memory_space<vmem_shared>>
        tpu.wait_dma2 semaphore(%run_scoped3A_981 : memref<!tpu.dma_semaphore, #tpu.memory_space<semaphore_mem>>) src(%arg11 : memref<128xf32, #tpu.memory_space<vmem>>) dst(%dma_wait3A_989 : memref<128xf32, #tpu.memory_space<vmem_shared>>)
        tpu.yield
      }) : () -> ()
    } else {
    }
    %eq3A_356 = arith.constant 13 : i32
    %eq3A_357 = arith.cmpi eq, %arg1, %eq3A_356 : i32
    %convert_element_type3A_358 = arith.extui %eq3A_357 : i1 to i32
    %cond3A_359 = arith.constant 0 : i32
    %cond3A_360 = arith.cmpi ne, %convert_element_type3A_358, %cond3A_359 : i32
    scf.if %cond3A_360 {
      "tpu.region"() ({
        %run_scoped3A_981 = tpu.sem_alloc : memref<!tpu.dma_semaphore, #tpu.memory_space<semaphore_mem>>
        %dma_start3A_982 = arith.constant 5760 : i32
        %dma_start3A_983 = tpu.memref_slice %arg14[%dma_start3A_982] : memref<10112xf32, #tpu.memory_space<vmem_shared>> -> memref<128xf32, #tpu.memory_space<vmem_shared>>
        %dma_start3A_984 = arith.constant 5760 : i32
        %dma_start3A_985 = tpu.memref_slice %arg14[%dma_start3A_984] : memref<10112xf32, #tpu.memory_space<vmem_shared>> -> memref<128xf32, #tpu.memory_space<vmem_shared>>
        tpu.enqueue_dma source(%arg11 : memref<128xf32, #tpu.memory_space<vmem>>) target(%dma_start3A_985 : memref<128xf32, #tpu.memory_space<vmem_shared>>) target_semaphore(%run_scoped3A_981 : memref<!tpu.dma_semaphore, #tpu.memory_space<semaphore_mem>>)
        %dma_wait3A_986 = arith.constant 5760 : i32
        %dma_wait3A_987 = tpu.memref_slice %arg14[%dma_wait3A_986] : memref<10112xf32, #tpu.memory_space<vmem_shared>> -> memref<128xf32, #tpu.memory_space<vmem_shared>>
        %dma_wait3A_988 = arith.constant 5760 : i32
        %dma_wait3A_989 = tpu.memref_slice %arg14[%dma_wait3A_988] : memref<10112xf32, #tpu.memory_space<vmem_shared>> -> memref<128xf32, #tpu.memory_space<vmem_shared>>
        tpu.wait_dma2 semaphore(%run_scoped3A_981 : memref<!tpu.dma_semaphore, #tpu.memory_space<semaphore_mem>>) src(%arg11 : memref<128xf32, #tpu.memory_space<vmem>>) dst(%dma_wait3A_989 : memref<128xf32, #tpu.memory_space<vmem_shared>>)
        tpu.yield
      }) : () -> ()
    } else {
    }
    %eq3A_361 = arith.constant 14 : i32
    %eq3A_362 = arith.cmpi eq, %arg1, %eq3A_361 : i32
    %convert_element_type3A_363 = arith.extui %eq3A_362 : i1 to i32
    %cond3A_364 = arith.constant 0 : i32
    %cond3A_365 = arith.cmpi ne, %convert_element_type3A_363, %cond3A_364 : i32
    scf.if %cond3A_365 {
      "tpu.region"() ({
        %run_scoped3A_981 = tpu.sem_alloc : memref<!tpu.dma_semaphore, #tpu.memory_space<semaphore_mem>>
        %dma_start3A_982 = arith.constant 5888 : i32
        %dma_start3A_983 = tpu.memref_slice %arg14[%dma_start3A_982] : memref<10112xf32, #tpu.memory_space<vmem_shared>> -> memref<128xf32, #tpu.memory_space<vmem_shared>>
        %dma_start3A_984 = arith.constant 5888 : i32
        %dma_start3A_985 = tpu.memref_slice %arg14[%dma_start3A_984] : memref<10112xf32, #tpu.memory_space<vmem_shared>> -> memref<128xf32, #tpu.memory_space<vmem_shared>>
        tpu.enqueue_dma source(%arg11 : memref<128xf32, #tpu.memory_space<vmem>>) target(%dma_start3A_985 : memref<128xf32, #tpu.memory_space<vmem_shared>>) target_semaphore(%run_scoped3A_981 : memref<!tpu.dma_semaphore, #tpu.memory_space<semaphore_mem>>)
        %dma_wait3A_986 = arith.constant 5888 : i32
        %dma_wait3A_987 = tpu.memref_slice %arg14[%dma_wait3A_986] : memref<10112xf32, #tpu.memory_space<vmem_shared>> -> memref<128xf32, #tpu.memory_space<vmem_shared>>
        %dma_wait3A_988 = arith.constant 5888 : i32
        %dma_wait3A_989 = tpu.memref_slice %arg14[%dma_wait3A_988] : memref<10112xf32, #tpu.memory_space<vmem_shared>> -> memref<128xf32, #tpu.memory_space<vmem_shared>>
        tpu.wait_dma2 semaphore(%run_scoped3A_981 : memref<!tpu.dma_semaphore, #tpu.memory_space<semaphore_mem>>) src(%arg11 : memref<128xf32, #tpu.memory_space<vmem>>) dst(%dma_wait3A_989 : memref<128xf32, #tpu.memory_space<vmem_shared>>)
        tpu.yield
      }) : () -> ()
    } else {
    }
    %eq3A_366 = arith.constant 15 : i32
    %eq3A_367 = arith.cmpi eq, %arg1, %eq3A_366 : i32
    %convert_element_type3A_368 = arith.extui %eq3A_367 : i1 to i32
    %cond3A_369 = arith.constant 0 : i32
    %cond3A_370 = arith.cmpi ne, %convert_element_type3A_368, %cond3A_369 : i32
    scf.if %cond3A_370 {
      "tpu.region"() ({
        %run_scoped3A_981 = tpu.sem_alloc : memref<!tpu.dma_semaphore, #tpu.memory_space<semaphore_mem>>
        %dma_start3A_982 = arith.constant 6016 : i32
        %dma_start3A_983 = tpu.memref_slice %arg14[%dma_start3A_982] : memref<10112xf32, #tpu.memory_space<vmem_shared>> -> memref<128xf32, #tpu.memory_space<vmem_shared>>
        %dma_start3A_984 = arith.constant 6016 : i32
        %dma_start3A_985 = tpu.memref_slice %arg14[%dma_start3A_984] : memref<10112xf32, #tpu.memory_space<vmem_shared>> -> memref<128xf32, #tpu.memory_space<vmem_shared>>
        tpu.enqueue_dma source(%arg11 : memref<128xf32, #tpu.memory_space<vmem>>) target(%dma_start3A_985 : memref<128xf32, #tpu.memory_space<vmem_shared>>) target_semaphore(%run_scoped3A_981 : memref<!tpu.dma_semaphore, #tpu.memory_space<semaphore_mem>>)
        %dma_wait3A_986 = arith.constant 6016 : i32
        %dma_wait3A_987 = tpu.memref_slice %arg14[%dma_wait3A_986] : memref<10112xf32, #tpu.memory_space<vmem_shared>> -> memref<128xf32, #tpu.memory_space<vmem_shared>>
        %dma_wait3A_988 = arith.constant 6016 : i32
        %dma_wait3A_989 = tpu.memref_slice %arg14[%dma_wait3A_988] : memref<10112xf32, #tpu.memory_space<vmem_shared>> -> memref<128xf32, #tpu.memory_space<vmem_shared>>
        tpu.wait_dma2 semaphore(%run_scoped3A_981 : memref<!tpu.dma_semaphore, #tpu.memory_space<semaphore_mem>>) src(%arg11 : memref<128xf32, #tpu.memory_space<vmem>>) dst(%dma_wait3A_989 : memref<128xf32, #tpu.memory_space<vmem_shared>>)
        tpu.yield
      }) : () -> ()
    } else {
    }
    %eq3A_371 = arith.constant 0 : i32
    %eq3A_372 = arith.cmpi eq, %arg1, %eq3A_371 : i32
    %convert_element_type3A_373 = arith.extui %eq3A_372 : i1 to i32
    %cond3A_374 = arith.constant 0 : i32
    %cond3A_375 = arith.cmpi ne, %convert_element_type3A_373, %cond3A_374 : i32
    scf.if %cond3A_375 {
      "tpu.region"() ({
        %run_scoped3A_981 = tpu.sem_alloc : memref<!tpu.dma_semaphore, #tpu.memory_space<semaphore_mem>>
        %dma_start3A_982 = arith.constant 6144 : i32
        %dma_start3A_983 = tpu.memref_slice %arg14[%dma_start3A_982] : memref<10112xf32, #tpu.memory_space<vmem_shared>> -> memref<128xf32, #tpu.memory_space<vmem_shared>>
        %dma_start3A_984 = arith.constant 6144 : i32
        %dma_start3A_985 = tpu.memref_slice %arg14[%dma_start3A_984] : memref<10112xf32, #tpu.memory_space<vmem_shared>> -> memref<128xf32, #tpu.memory_space<vmem_shared>>
        tpu.enqueue_dma source(%arg11 : memref<128xf32, #tpu.memory_space<vmem>>) target(%dma_start3A_985 : memref<128xf32, #tpu.memory_space<vmem_shared>>) target_semaphore(%run_scoped3A_981 : memref<!tpu.dma_semaphore, #tpu.memory_space<semaphore_mem>>)
        %dma_wait3A_986 = arith.constant 6144 : i32
        %dma_wait3A_987 = tpu.memref_slice %arg14[%dma_wait3A_986] : memref<10112xf32, #tpu.memory_space<vmem_shared>> -> memref<128xf32, #tpu.memory_space<vmem_shared>>
        %dma_wait3A_988 = arith.constant 6144 : i32
        %dma_wait3A_989 = tpu.memref_slice %arg14[%dma_wait3A_988] : memref<10112xf32, #tpu.memory_space<vmem_shared>> -> memref<128xf32, #tpu.memory_space<vmem_shared>>
        tpu.wait_dma2 semaphore(%run_scoped3A_981 : memref<!tpu.dma_semaphore, #tpu.memory_space<semaphore_mem>>) src(%arg11 : memref<128xf32, #tpu.memory_space<vmem>>) dst(%dma_wait3A_989 : memref<128xf32, #tpu.memory_space<vmem_shared>>)
        tpu.yield
      }) : () -> ()
    } else {
    }
    %eq3A_376 = arith.constant 1 : i32
    %eq3A_377 = arith.cmpi eq, %arg1, %eq3A_376 : i32
    %convert_element_type3A_378 = arith.extui %eq3A_377 : i1 to i32
    %cond3A_379 = arith.constant 0 : i32
    %cond3A_380 = arith.cmpi ne, %convert_element_type3A_378, %cond3A_379 : i32
    scf.if %cond3A_380 {
      "tpu.region"() ({
        %run_scoped3A_981 = tpu.sem_alloc : memref<!tpu.dma_semaphore, #tpu.memory_space<semaphore_mem>>
        %dma_start3A_982 = arith.constant 6272 : i32
        %dma_start3A_983 = tpu.memref_slice %arg14[%dma_start3A_982] : memref<10112xf32, #tpu.memory_space<vmem_shared>> -> memref<128xf32, #tpu.memory_space<vmem_shared>>
        %dma_start3A_984 = arith.constant 6272 : i32
        %dma_start3A_985 = tpu.memref_slice %arg14[%dma_start3A_984] : memref<10112xf32, #tpu.memory_space<vmem_shared>> -> memref<128xf32, #tpu.memory_space<vmem_shared>>
        tpu.enqueue_dma source(%arg11 : memref<128xf32, #tpu.memory_space<vmem>>) target(%dma_start3A_985 : memref<128xf32, #tpu.memory_space<vmem_shared>>) target_semaphore(%run_scoped3A_981 : memref<!tpu.dma_semaphore, #tpu.memory_space<semaphore_mem>>)
        %dma_wait3A_986 = arith.constant 6272 : i32
        %dma_wait3A_987 = tpu.memref_slice %arg14[%dma_wait3A_986] : memref<10112xf32, #tpu.memory_space<vmem_shared>> -> memref<128xf32, #tpu.memory_space<vmem_shared>>
        %dma_wait3A_988 = arith.constant 6272 : i32
        %dma_wait3A_989 = tpu.memref_slice %arg14[%dma_wait3A_988] : memref<10112xf32, #tpu.memory_space<vmem_shared>> -> memref<128xf32, #tpu.memory_space<vmem_shared>>
        tpu.wait_dma2 semaphore(%run_scoped3A_981 : memref<!tpu.dma_semaphore, #tpu.memory_space<semaphore_mem>>) src(%arg11 : memref<128xf32, #tpu.memory_space<vmem>>) dst(%dma_wait3A_989 : memref<128xf32, #tpu.memory_space<vmem_shared>>)
        tpu.yield
      }) : () -> ()
    } else {
    }
    %eq3A_381 = arith.constant 2 : i32
    %eq3A_382 = arith.cmpi eq, %arg1, %eq3A_381 : i32
    %convert_element_type3A_383 = arith.extui %eq3A_382 : i1 to i32
    %cond3A_384 = arith.constant 0 : i32
    %cond3A_385 = arith.cmpi ne, %convert_element_type3A_383, %cond3A_384 : i32
    scf.if %cond3A_385 {
      "tpu.region"() ({
        %run_scoped3A_981 = tpu.sem_alloc : memref<!tpu.dma_semaphore, #tpu.memory_space<semaphore_mem>>
        %dma_start3A_982 = arith.constant 6400 : i32
        %dma_start3A_983 = tpu.memref_slice %arg14[%dma_start3A_982] : memref<10112xf32, #tpu.memory_space<vmem_shared>> -> memref<128xf32, #tpu.memory_space<vmem_shared>>
        %dma_start3A_984 = arith.constant 6400 : i32
        %dma_start3A_985 = tpu.memref_slice %arg14[%dma_start3A_984] : memref<10112xf32, #tpu.memory_space<vmem_shared>> -> memref<128xf32, #tpu.memory_space<vmem_shared>>
        tpu.enqueue_dma source(%arg11 : memref<128xf32, #tpu.memory_space<vmem>>) target(%dma_start3A_985 : memref<128xf32, #tpu.memory_space<vmem_shared>>) target_semaphore(%run_scoped3A_981 : memref<!tpu.dma_semaphore, #tpu.memory_space<semaphore_mem>>)
        %dma_wait3A_986 = arith.constant 6400 : i32
        %dma_wait3A_987 = tpu.memref_slice %arg14[%dma_wait3A_986] : memref<10112xf32, #tpu.memory_space<vmem_shared>> -> memref<128xf32, #tpu.memory_space<vmem_shared>>
        %dma_wait3A_988 = arith.constant 6400 : i32
        %dma_wait3A_989 = tpu.memref_slice %arg14[%dma_wait3A_988] : memref<10112xf32, #tpu.memory_space<vmem_shared>> -> memref<128xf32, #tpu.memory_space<vmem_shared>>
        tpu.wait_dma2 semaphore(%run_scoped3A_981 : memref<!tpu.dma_semaphore, #tpu.memory_space<semaphore_mem>>) src(%arg11 : memref<128xf32, #tpu.memory_space<vmem>>) dst(%dma_wait3A_989 : memref<128xf32, #tpu.memory_space<vmem_shared>>)
        tpu.yield
      }) : () -> ()
    } else {
    }
    %eq3A_386 = arith.constant 3 : i32
    %eq3A_387 = arith.cmpi eq, %arg1, %eq3A_386 : i32
    %convert_element_type3A_388 = arith.extui %eq3A_387 : i1 to i32
    %cond3A_389 = arith.constant 0 : i32
    %cond3A_390 = arith.cmpi ne, %convert_element_type3A_388, %cond3A_389 : i32
    scf.if %cond3A_390 {
      "tpu.region"() ({
        %run_scoped3A_981 = tpu.sem_alloc : memref<!tpu.dma_semaphore, #tpu.memory_space<semaphore_mem>>
        %dma_start3A_982 = arith.constant 6528 : i32
        %dma_start3A_983 = tpu.memref_slice %arg14[%dma_start3A_982] : memref<10112xf32, #tpu.memory_space<vmem_shared>> -> memref<128xf32, #tpu.memory_space<vmem_shared>>
        %dma_start3A_984 = arith.constant 6528 : i32
        %dma_start3A_985 = tpu.memref_slice %arg14[%dma_start3A_984] : memref<10112xf32, #tpu.memory_space<vmem_shared>> -> memref<128xf32, #tpu.memory_space<vmem_shared>>
        tpu.enqueue_dma source(%arg11 : memref<128xf32, #tpu.memory_space<vmem>>) target(%dma_start3A_985 : memref<128xf32, #tpu.memory_space<vmem_shared>>) target_semaphore(%run_scoped3A_981 : memref<!tpu.dma_semaphore, #tpu.memory_space<semaphore_mem>>)
        %dma_wait3A_986 = arith.constant 6528 : i32
        %dma_wait3A_987 = tpu.memref_slice %arg14[%dma_wait3A_986] : memref<10112xf32, #tpu.memory_space<vmem_shared>> -> memref<128xf32, #tpu.memory_space<vmem_shared>>
        %dma_wait3A_988 = arith.constant 6528 : i32
        %dma_wait3A_989 = tpu.memref_slice %arg14[%dma_wait3A_988] : memref<10112xf32, #tpu.memory_space<vmem_shared>> -> memref<128xf32, #tpu.memory_space<vmem_shared>>
        tpu.wait_dma2 semaphore(%run_scoped3A_981 : memref<!tpu.dma_semaphore, #tpu.memory_space<semaphore_mem>>) src(%arg11 : memref<128xf32, #tpu.memory_space<vmem>>) dst(%dma_wait3A_989 : memref<128xf32, #tpu.memory_space<vmem_shared>>)
        tpu.yield
      }) : () -> ()
    } else {
    }
    %eq3A_391 = arith.constant 4 : i32
    %eq3A_392 = arith.cmpi eq, %arg1, %eq3A_391 : i32
    %convert_element_type3A_393 = arith.extui %eq3A_392 : i1 to i32
    %cond3A_394 = arith.constant 0 : i32
    %cond3A_395 = arith.cmpi ne, %convert_element_type3A_393, %cond3A_394 : i32
    scf.if %cond3A_395 {
      "tpu.region"() ({
        %run_scoped3A_981 = tpu.sem_alloc : memref<!tpu.dma_semaphore, #tpu.memory_space<semaphore_mem>>
        %dma_start3A_982 = arith.constant 6656 : i32
        %dma_start3A_983 = tpu.memref_slice %arg14[%dma_start3A_982] : memref<10112xf32, #tpu.memory_space<vmem_shared>> -> memref<128xf32, #tpu.memory_space<vmem_shared>>
        %dma_start3A_984 = arith.constant 6656 : i32
        %dma_start3A_985 = tpu.memref_slice %arg14[%dma_start3A_984] : memref<10112xf32, #tpu.memory_space<vmem_shared>> -> memref<128xf32, #tpu.memory_space<vmem_shared>>
        tpu.enqueue_dma source(%arg11 : memref<128xf32, #tpu.memory_space<vmem>>) target(%dma_start3A_985 : memref<128xf32, #tpu.memory_space<vmem_shared>>) target_semaphore(%run_scoped3A_981 : memref<!tpu.dma_semaphore, #tpu.memory_space<semaphore_mem>>)
        %dma_wait3A_986 = arith.constant 6656 : i32
        %dma_wait3A_987 = tpu.memref_slice %arg14[%dma_wait3A_986] : memref<10112xf32, #tpu.memory_space<vmem_shared>> -> memref<128xf32, #tpu.memory_space<vmem_shared>>
        %dma_wait3A_988 = arith.constant 6656 : i32
        %dma_wait3A_989 = tpu.memref_slice %arg14[%dma_wait3A_988] : memref<10112xf32, #tpu.memory_space<vmem_shared>> -> memref<128xf32, #tpu.memory_space<vmem_shared>>
        tpu.wait_dma2 semaphore(%run_scoped3A_981 : memref<!tpu.dma_semaphore, #tpu.memory_space<semaphore_mem>>) src(%arg11 : memref<128xf32, #tpu.memory_space<vmem>>) dst(%dma_wait3A_989 : memref<128xf32, #tpu.memory_space<vmem_shared>>)
        tpu.yield
      }) : () -> ()
    } else {
    }
    %eq3A_396 = arith.constant 5 : i32
    %eq3A_397 = arith.cmpi eq, %arg1, %eq3A_396 : i32
    %convert_element_type3A_398 = arith.extui %eq3A_397 : i1 to i32
    %cond3A_399 = arith.constant 0 : i32
    %cond3A_400 = arith.cmpi ne, %convert_element_type3A_398, %cond3A_399 : i32
    scf.if %cond3A_400 {
      "tpu.region"() ({
        %run_scoped3A_981 = tpu.sem_alloc : memref<!tpu.dma_semaphore, #tpu.memory_space<semaphore_mem>>
        %dma_start3A_982 = arith.constant 6784 : i32
        %dma_start3A_983 = tpu.memref_slice %arg14[%dma_start3A_982] : memref<10112xf32, #tpu.memory_space<vmem_shared>> -> memref<128xf32, #tpu.memory_space<vmem_shared>>
        %dma_start3A_984 = arith.constant 6784 : i32
        %dma_start3A_985 = tpu.memref_slice %arg14[%dma_start3A_984] : memref<10112xf32, #tpu.memory_space<vmem_shared>> -> memref<128xf32, #tpu.memory_space<vmem_shared>>
        tpu.enqueue_dma source(%arg11 : memref<128xf32, #tpu.memory_space<vmem>>) target(%dma_start3A_985 : memref<128xf32, #tpu.memory_space<vmem_shared>>) target_semaphore(%run_scoped3A_981 : memref<!tpu.dma_semaphore, #tpu.memory_space<semaphore_mem>>)
        %dma_wait3A_986 = arith.constant 6784 : i32
        %dma_wait3A_987 = tpu.memref_slice %arg14[%dma_wait3A_986] : memref<10112xf32, #tpu.memory_space<vmem_shared>> -> memref<128xf32, #tpu.memory_space<vmem_shared>>
        %dma_wait3A_988 = arith.constant 6784 : i32
        %dma_wait3A_989 = tpu.memref_slice %arg14[%dma_wait3A_988] : memref<10112xf32, #tpu.memory_space<vmem_shared>> -> memref<128xf32, #tpu.memory_space<vmem_shared>>
        tpu.wait_dma2 semaphore(%run_scoped3A_981 : memref<!tpu.dma_semaphore, #tpu.memory_space<semaphore_mem>>) src(%arg11 : memref<128xf32, #tpu.memory_space<vmem>>) dst(%dma_wait3A_989 : memref<128xf32, #tpu.memory_space<vmem_shared>>)
        tpu.yield
      }) : () -> ()
    } else {
    }
    %eq3A_401 = arith.constant 6 : i32
    %eq3A_402 = arith.cmpi eq, %arg1, %eq3A_401 : i32
    %convert_element_type3A_403 = arith.extui %eq3A_402 : i1 to i32
    %cond3A_404 = arith.constant 0 : i32
    %cond3A_405 = arith.cmpi ne, %convert_element_type3A_403, %cond3A_404 : i32
    scf.if %cond3A_405 {
      "tpu.region"() ({
        %run_scoped3A_981 = tpu.sem_alloc : memref<!tpu.dma_semaphore, #tpu.memory_space<semaphore_mem>>
        %dma_start3A_982 = arith.constant 6912 : i32
        %dma_start3A_983 = tpu.memref_slice %arg14[%dma_start3A_982] : memref<10112xf32, #tpu.memory_space<vmem_shared>> -> memref<128xf32, #tpu.memory_space<vmem_shared>>
        %dma_start3A_984 = arith.constant 6912 : i32
        %dma_start3A_985 = tpu.memref_slice %arg14[%dma_start3A_984] : memref<10112xf32, #tpu.memory_space<vmem_shared>> -> memref<128xf32, #tpu.memory_space<vmem_shared>>
        tpu.enqueue_dma source(%arg11 : memref<128xf32, #tpu.memory_space<vmem>>) target(%dma_start3A_985 : memref<128xf32, #tpu.memory_space<vmem_shared>>) target_semaphore(%run_scoped3A_981 : memref<!tpu.dma_semaphore, #tpu.memory_space<semaphore_mem>>)
        %dma_wait3A_986 = arith.constant 6912 : i32
        %dma_wait3A_987 = tpu.memref_slice %arg14[%dma_wait3A_986] : memref<10112xf32, #tpu.memory_space<vmem_shared>> -> memref<128xf32, #tpu.memory_space<vmem_shared>>
        %dma_wait3A_988 = arith.constant 6912 : i32
        %dma_wait3A_989 = tpu.memref_slice %arg14[%dma_wait3A_988] : memref<10112xf32, #tpu.memory_space<vmem_shared>> -> memref<128xf32, #tpu.memory_space<vmem_shared>>
        tpu.wait_dma2 semaphore(%run_scoped3A_981 : memref<!tpu.dma_semaphore, #tpu.memory_space<semaphore_mem>>) src(%arg11 : memref<128xf32, #tpu.memory_space<vmem>>) dst(%dma_wait3A_989 : memref<128xf32, #tpu.memory_space<vmem_shared>>)
        tpu.yield
      }) : () -> ()
    } else {
    }
    %eq3A_406 = arith.constant 7 : i32
    %eq3A_407 = arith.cmpi eq, %arg1, %eq3A_406 : i32
    %convert_element_type3A_408 = arith.extui %eq3A_407 : i1 to i32
    %cond3A_409 = arith.constant 0 : i32
    %cond3A_410 = arith.cmpi ne, %convert_element_type3A_408, %cond3A_409 : i32
    scf.if %cond3A_410 {
      "tpu.region"() ({
        %run_scoped3A_981 = tpu.sem_alloc : memref<!tpu.dma_semaphore, #tpu.memory_space<semaphore_mem>>
        %dma_start3A_982 = arith.constant 7040 : i32
        %dma_start3A_983 = tpu.memref_slice %arg14[%dma_start3A_982] : memref<10112xf32, #tpu.memory_space<vmem_shared>> -> memref<128xf32, #tpu.memory_space<vmem_shared>>
        %dma_start3A_984 = arith.constant 7040 : i32
        %dma_start3A_985 = tpu.memref_slice %arg14[%dma_start3A_984] : memref<10112xf32, #tpu.memory_space<vmem_shared>> -> memref<128xf32, #tpu.memory_space<vmem_shared>>
        tpu.enqueue_dma source(%arg11 : memref<128xf32, #tpu.memory_space<vmem>>) target(%dma_start3A_985 : memref<128xf32, #tpu.memory_space<vmem_shared>>) target_semaphore(%run_scoped3A_981 : memref<!tpu.dma_semaphore, #tpu.memory_space<semaphore_mem>>)
        %dma_wait3A_986 = arith.constant 7040 : i32
        %dma_wait3A_987 = tpu.memref_slice %arg14[%dma_wait3A_986] : memref<10112xf32, #tpu.memory_space<vmem_shared>> -> memref<128xf32, #tpu.memory_space<vmem_shared>>
        %dma_wait3A_988 = arith.constant 7040 : i32
        %dma_wait3A_989 = tpu.memref_slice %arg14[%dma_wait3A_988] : memref<10112xf32, #tpu.memory_space<vmem_shared>> -> memref<128xf32, #tpu.memory_space<vmem_shared>>
        tpu.wait_dma2 semaphore(%run_scoped3A_981 : memref<!tpu.dma_semaphore, #tpu.memory_space<semaphore_mem>>) src(%arg11 : memref<128xf32, #tpu.memory_space<vmem>>) dst(%dma_wait3A_989 : memref<128xf32, #tpu.memory_space<vmem_shared>>)
        tpu.yield
      }) : () -> ()
    } else {
    }
    %eq3A_411 = arith.constant 8 : i32
    %eq3A_412 = arith.cmpi eq, %arg1, %eq3A_411 : i32
    %convert_element_type3A_413 = arith.extui %eq3A_412 : i1 to i32
    %cond3A_414 = arith.constant 0 : i32
    %cond3A_415 = arith.cmpi ne, %convert_element_type3A_413, %cond3A_414 : i32
    scf.if %cond3A_415 {
      "tpu.region"() ({
        %run_scoped3A_981 = tpu.sem_alloc : memref<!tpu.dma_semaphore, #tpu.memory_space<semaphore_mem>>
        %dma_start3A_982 = arith.constant 7168 : i32
        %dma_start3A_983 = tpu.memref_slice %arg14[%dma_start3A_982] : memref<10112xf32, #tpu.memory_space<vmem_shared>> -> memref<128xf32, #tpu.memory_space<vmem_shared>>
        %dma_start3A_984 = arith.constant 7168 : i32
        %dma_start3A_985 = tpu.memref_slice %arg14[%dma_start3A_984] : memref<10112xf32, #tpu.memory_space<vmem_shared>> -> memref<128xf32, #tpu.memory_space<vmem_shared>>
        tpu.enqueue_dma source(%arg11 : memref<128xf32, #tpu.memory_space<vmem>>) target(%dma_start3A_985 : memref<128xf32, #tpu.memory_space<vmem_shared>>) target_semaphore(%run_scoped3A_981 : memref<!tpu.dma_semaphore, #tpu.memory_space<semaphore_mem>>)
        %dma_wait3A_986 = arith.constant 7168 : i32
        %dma_wait3A_987 = tpu.memref_slice %arg14[%dma_wait3A_986] : memref<10112xf32, #tpu.memory_space<vmem_shared>> -> memref<128xf32, #tpu.memory_space<vmem_shared>>
        %dma_wait3A_988 = arith.constant 7168 : i32
        %dma_wait3A_989 = tpu.memref_slice %arg14[%dma_wait3A_988] : memref<10112xf32, #tpu.memory_space<vmem_shared>> -> memref<128xf32, #tpu.memory_space<vmem_shared>>
        tpu.wait_dma2 semaphore(%run_scoped3A_981 : memref<!tpu.dma_semaphore, #tpu.memory_space<semaphore_mem>>) src(%arg11 : memref<128xf32, #tpu.memory_space<vmem>>) dst(%dma_wait3A_989 : memref<128xf32, #tpu.memory_space<vmem_shared>>)
        tpu.yield
      }) : () -> ()
    } else {
    }
    %eq3A_416 = arith.constant 9 : i32
    %eq3A_417 = arith.cmpi eq, %arg1, %eq3A_416 : i32
    %convert_element_type3A_418 = arith.extui %eq3A_417 : i1 to i32
    %cond3A_419 = arith.constant 0 : i32
    %cond3A_420 = arith.cmpi ne, %convert_element_type3A_418, %cond3A_419 : i32
    scf.if %cond3A_420 {
      "tpu.region"() ({
        %run_scoped3A_981 = tpu.sem_alloc : memref<!tpu.dma_semaphore, #tpu.memory_space<semaphore_mem>>
        %dma_start3A_982 = arith.constant 7296 : i32
        %dma_start3A_983 = tpu.memref_slice %arg14[%dma_start3A_982] : memref<10112xf32, #tpu.memory_space<vmem_shared>> -> memref<128xf32, #tpu.memory_space<vmem_shared>>
        %dma_start3A_984 = arith.constant 7296 : i32
        %dma_start3A_985 = tpu.memref_slice %arg14[%dma_start3A_984] : memref<10112xf32, #tpu.memory_space<vmem_shared>> -> memref<128xf32, #tpu.memory_space<vmem_shared>>
        tpu.enqueue_dma source(%arg11 : memref<128xf32, #tpu.memory_space<vmem>>) target(%dma_start3A_985 : memref<128xf32, #tpu.memory_space<vmem_shared>>) target_semaphore(%run_scoped3A_981 : memref<!tpu.dma_semaphore, #tpu.memory_space<semaphore_mem>>)
        %dma_wait3A_986 = arith.constant 7296 : i32
        %dma_wait3A_987 = tpu.memref_slice %arg14[%dma_wait3A_986] : memref<10112xf32, #tpu.memory_space<vmem_shared>> -> memref<128xf32, #tpu.memory_space<vmem_shared>>
        %dma_wait3A_988 = arith.constant 7296 : i32
        %dma_wait3A_989 = tpu.memref_slice %arg14[%dma_wait3A_988] : memref<10112xf32, #tpu.memory_space<vmem_shared>> -> memref<128xf32, #tpu.memory_space<vmem_shared>>
        tpu.wait_dma2 semaphore(%run_scoped3A_981 : memref<!tpu.dma_semaphore, #tpu.memory_space<semaphore_mem>>) src(%arg11 : memref<128xf32, #tpu.memory_space<vmem>>) dst(%dma_wait3A_989 : memref<128xf32, #tpu.memory_space<vmem_shared>>)
        tpu.yield
      }) : () -> ()
    } else {
    }
    %eq3A_421 = arith.constant 10 : i32
    %eq3A_422 = arith.cmpi eq, %arg1, %eq3A_421 : i32
    %convert_element_type3A_423 = arith.extui %eq3A_422 : i1 to i32
    %cond3A_424 = arith.constant 0 : i32
    %cond3A_425 = arith.cmpi ne, %convert_element_type3A_423, %cond3A_424 : i32
    scf.if %cond3A_425 {
      "tpu.region"() ({
        %run_scoped3A_981 = tpu.sem_alloc : memref<!tpu.dma_semaphore, #tpu.memory_space<semaphore_mem>>
        %dma_start3A_982 = arith.constant 7424 : i32
        %dma_start3A_983 = tpu.memref_slice %arg14[%dma_start3A_982] : memref<10112xf32, #tpu.memory_space<vmem_shared>> -> memref<128xf32, #tpu.memory_space<vmem_shared>>
        %dma_start3A_984 = arith.constant 7424 : i32
        %dma_start3A_985 = tpu.memref_slice %arg14[%dma_start3A_984] : memref<10112xf32, #tpu.memory_space<vmem_shared>> -> memref<128xf32, #tpu.memory_space<vmem_shared>>
        tpu.enqueue_dma source(%arg11 : memref<128xf32, #tpu.memory_space<vmem>>) target(%dma_start3A_985 : memref<128xf32, #tpu.memory_space<vmem_shared>>) target_semaphore(%run_scoped3A_981 : memref<!tpu.dma_semaphore, #tpu.memory_space<semaphore_mem>>)
        %dma_wait3A_986 = arith.constant 7424 : i32
        %dma_wait3A_987 = tpu.memref_slice %arg14[%dma_wait3A_986] : memref<10112xf32, #tpu.memory_space<vmem_shared>> -> memref<128xf32, #tpu.memory_space<vmem_shared>>
        %dma_wait3A_988 = arith.constant 7424 : i32
        %dma_wait3A_989 = tpu.memref_slice %arg14[%dma_wait3A_988] : memref<10112xf32, #tpu.memory_space<vmem_shared>> -> memref<128xf32, #tpu.memory_space<vmem_shared>>
        tpu.wait_dma2 semaphore(%run_scoped3A_981 : memref<!tpu.dma_semaphore, #tpu.memory_space<semaphore_mem>>) src(%arg11 : memref<128xf32, #tpu.memory_space<vmem>>) dst(%dma_wait3A_989 : memref<128xf32, #tpu.memory_space<vmem_shared>>)
        tpu.yield
      }) : () -> ()
    } else {
    }
    %eq3A_426 = arith.constant 11 : i32
    %eq3A_427 = arith.cmpi eq, %arg1, %eq3A_426 : i32
    %convert_element_type3A_428 = arith.extui %eq3A_427 : i1 to i32
    %cond3A_429 = arith.constant 0 : i32
    %cond3A_430 = arith.cmpi ne, %convert_element_type3A_428, %cond3A_429 : i32
    scf.if %cond3A_430 {
      "tpu.region"() ({
        %run_scoped3A_981 = tpu.sem_alloc : memref<!tpu.dma_semaphore, #tpu.memory_space<semaphore_mem>>
        %dma_start3A_982 = arith.constant 7552 : i32
        %dma_start3A_983 = tpu.memref_slice %arg14[%dma_start3A_982] : memref<10112xf32, #tpu.memory_space<vmem_shared>> -> memref<128xf32, #tpu.memory_space<vmem_shared>>
        %dma_start3A_984 = arith.constant 7552 : i32
        %dma_start3A_985 = tpu.memref_slice %arg14[%dma_start3A_984] : memref<10112xf32, #tpu.memory_space<vmem_shared>> -> memref<128xf32, #tpu.memory_space<vmem_shared>>
        tpu.enqueue_dma source(%arg11 : memref<128xf32, #tpu.memory_space<vmem>>) target(%dma_start3A_985 : memref<128xf32, #tpu.memory_space<vmem_shared>>) target_semaphore(%run_scoped3A_981 : memref<!tpu.dma_semaphore, #tpu.memory_space<semaphore_mem>>)
        %dma_wait3A_986 = arith.constant 7552 : i32
        %dma_wait3A_987 = tpu.memref_slice %arg14[%dma_wait3A_986] : memref<10112xf32, #tpu.memory_space<vmem_shared>> -> memref<128xf32, #tpu.memory_space<vmem_shared>>
        %dma_wait3A_988 = arith.constant 7552 : i32
        %dma_wait3A_989 = tpu.memref_slice %arg14[%dma_wait3A_988] : memref<10112xf32, #tpu.memory_space<vmem_shared>> -> memref<128xf32, #tpu.memory_space<vmem_shared>>
        tpu.wait_dma2 semaphore(%run_scoped3A_981 : memref<!tpu.dma_semaphore, #tpu.memory_space<semaphore_mem>>) src(%arg11 : memref<128xf32, #tpu.memory_space<vmem>>) dst(%dma_wait3A_989 : memref<128xf32, #tpu.memory_space<vmem_shared>>)
        tpu.yield
      }) : () -> ()
    } else {
    }
    %eq3A_431 = arith.constant 12 : i32
    %eq3A_432 = arith.cmpi eq, %arg1, %eq3A_431 : i32
    %convert_element_type3A_433 = arith.extui %eq3A_432 : i1 to i32
    %cond3A_434 = arith.constant 0 : i32
    %cond3A_435 = arith.cmpi ne, %convert_element_type3A_433, %cond3A_434 : i32
    scf.if %cond3A_435 {
      "tpu.region"() ({
        %run_scoped3A_981 = tpu.sem_alloc : memref<!tpu.dma_semaphore, #tpu.memory_space<semaphore_mem>>
        %dma_start3A_982 = arith.constant 7680 : i32
        %dma_start3A_983 = tpu.memref_slice %arg14[%dma_start3A_982] : memref<10112xf32, #tpu.memory_space<vmem_shared>> -> memref<128xf32, #tpu.memory_space<vmem_shared>>
        %dma_start3A_984 = arith.constant 7680 : i32
        %dma_start3A_985 = tpu.memref_slice %arg14[%dma_start3A_984] : memref<10112xf32, #tpu.memory_space<vmem_shared>> -> memref<128xf32, #tpu.memory_space<vmem_shared>>
        tpu.enqueue_dma source(%arg11 : memref<128xf32, #tpu.memory_space<vmem>>) target(%dma_start3A_985 : memref<128xf32, #tpu.memory_space<vmem_shared>>) target_semaphore(%run_scoped3A_981 : memref<!tpu.dma_semaphore, #tpu.memory_space<semaphore_mem>>)
        %dma_wait3A_986 = arith.constant 7680 : i32
        %dma_wait3A_987 = tpu.memref_slice %arg14[%dma_wait3A_986] : memref<10112xf32, #tpu.memory_space<vmem_shared>> -> memref<128xf32, #tpu.memory_space<vmem_shared>>
        %dma_wait3A_988 = arith.constant 7680 : i32
        %dma_wait3A_989 = tpu.memref_slice %arg14[%dma_wait3A_988] : memref<10112xf32, #tpu.memory_space<vmem_shared>> -> memref<128xf32, #tpu.memory_space<vmem_shared>>
        tpu.wait_dma2 semaphore(%run_scoped3A_981 : memref<!tpu.dma_semaphore, #tpu.memory_space<semaphore_mem>>) src(%arg11 : memref<128xf32, #tpu.memory_space<vmem>>) dst(%dma_wait3A_989 : memref<128xf32, #tpu.memory_space<vmem_shared>>)
        tpu.yield
      }) : () -> ()
    } else {
    }
    %eq3A_436 = arith.constant 13 : i32
    %eq3A_437 = arith.cmpi eq, %arg1, %eq3A_436 : i32
    %convert_element_type3A_438 = arith.extui %eq3A_437 : i1 to i32
    %cond3A_439 = arith.constant 0 : i32
    %cond3A_440 = arith.cmpi ne, %convert_element_type3A_438, %cond3A_439 : i32
    scf.if %cond3A_440 {
      "tpu.region"() ({
        %run_scoped3A_981 = tpu.sem_alloc : memref<!tpu.dma_semaphore, #tpu.memory_space<semaphore_mem>>
        %dma_start3A_982 = arith.constant 7808 : i32
        %dma_start3A_983 = tpu.memref_slice %arg14[%dma_start3A_982] : memref<10112xf32, #tpu.memory_space<vmem_shared>> -> memref<128xf32, #tpu.memory_space<vmem_shared>>
        %dma_start3A_984 = arith.constant 7808 : i32
        %dma_start3A_985 = tpu.memref_slice %arg14[%dma_start3A_984] : memref<10112xf32, #tpu.memory_space<vmem_shared>> -> memref<128xf32, #tpu.memory_space<vmem_shared>>
        tpu.enqueue_dma source(%arg11 : memref<128xf32, #tpu.memory_space<vmem>>) target(%dma_start3A_985 : memref<128xf32, #tpu.memory_space<vmem_shared>>) target_semaphore(%run_scoped3A_981 : memref<!tpu.dma_semaphore, #tpu.memory_space<semaphore_mem>>)
        %dma_wait3A_986 = arith.constant 7808 : i32
        %dma_wait3A_987 = tpu.memref_slice %arg14[%dma_wait3A_986] : memref<10112xf32, #tpu.memory_space<vmem_shared>> -> memref<128xf32, #tpu.memory_space<vmem_shared>>
        %dma_wait3A_988 = arith.constant 7808 : i32
        %dma_wait3A_989 = tpu.memref_slice %arg14[%dma_wait3A_988] : memref<10112xf32, #tpu.memory_space<vmem_shared>> -> memref<128xf32, #tpu.memory_space<vmem_shared>>
        tpu.wait_dma2 semaphore(%run_scoped3A_981 : memref<!tpu.dma_semaphore, #tpu.memory_space<semaphore_mem>>) src(%arg11 : memref<128xf32, #tpu.memory_space<vmem>>) dst(%dma_wait3A_989 : memref<128xf32, #tpu.memory_space<vmem_shared>>)
        tpu.yield
      }) : () -> ()
    } else {
    }
    %eq3A_441 = arith.constant 14 : i32
    %eq3A_442 = arith.cmpi eq, %arg1, %eq3A_441 : i32
    %convert_element_type3A_443 = arith.extui %eq3A_442 : i1 to i32
    %cond3A_444 = arith.constant 0 : i32
    %cond3A_445 = arith.cmpi ne, %convert_element_type3A_443, %cond3A_444 : i32
    scf.if %cond3A_445 {
      "tpu.region"() ({
        %run_scoped3A_981 = tpu.sem_alloc : memref<!tpu.dma_semaphore, #tpu.memory_space<semaphore_mem>>
        %dma_start3A_982 = arith.constant 7936 : i32
        %dma_start3A_983 = tpu.memref_slice %arg14[%dma_start3A_982] : memref<10112xf32, #tpu.memory_space<vmem_shared>> -> memref<128xf32, #tpu.memory_space<vmem_shared>>
        %dma_start3A_984 = arith.constant 7936 : i32
        %dma_start3A_985 = tpu.memref_slice %arg14[%dma_start3A_984] : memref<10112xf32, #tpu.memory_space<vmem_shared>> -> memref<128xf32, #tpu.memory_space<vmem_shared>>
        tpu.enqueue_dma source(%arg11 : memref<128xf32, #tpu.memory_space<vmem>>) target(%dma_start3A_985 : memref<128xf32, #tpu.memory_space<vmem_shared>>) target_semaphore(%run_scoped3A_981 : memref<!tpu.dma_semaphore, #tpu.memory_space<semaphore_mem>>)
        %dma_wait3A_986 = arith.constant 7936 : i32
        %dma_wait3A_987 = tpu.memref_slice %arg14[%dma_wait3A_986] : memref<10112xf32, #tpu.memory_space<vmem_shared>> -> memref<128xf32, #tpu.memory_space<vmem_shared>>
        %dma_wait3A_988 = arith.constant 7936 : i32
        %dma_wait3A_989 = tpu.memref_slice %arg14[%dma_wait3A_988] : memref<10112xf32, #tpu.memory_space<vmem_shared>> -> memref<128xf32, #tpu.memory_space<vmem_shared>>
        tpu.wait_dma2 semaphore(%run_scoped3A_981 : memref<!tpu.dma_semaphore, #tpu.memory_space<semaphore_mem>>) src(%arg11 : memref<128xf32, #tpu.memory_space<vmem>>) dst(%dma_wait3A_989 : memref<128xf32, #tpu.memory_space<vmem_shared>>)
        tpu.yield
      }) : () -> ()
    } else {
    }
    %eq3A_446 = arith.constant 15 : i32
    %eq3A_447 = arith.cmpi eq, %arg1, %eq3A_446 : i32
    %convert_element_type3A_448 = arith.extui %eq3A_447 : i1 to i32
    %cond3A_449 = arith.constant 0 : i32
    %cond3A_450 = arith.cmpi ne, %convert_element_type3A_448, %cond3A_449 : i32
    scf.if %cond3A_450 {
      "tpu.region"() ({
        %run_scoped3A_981 = tpu.sem_alloc : memref<!tpu.dma_semaphore, #tpu.memory_space<semaphore_mem>>
        %dma_start3A_982 = arith.constant 8064 : i32
        %dma_start3A_983 = tpu.memref_slice %arg14[%dma_start3A_982] : memref<10112xf32, #tpu.memory_space<vmem_shared>> -> memref<128xf32, #tpu.memory_space<vmem_shared>>
        %dma_start3A_984 = arith.constant 8064 : i32
        %dma_start3A_985 = tpu.memref_slice %arg14[%dma_start3A_984] : memref<10112xf32, #tpu.memory_space<vmem_shared>> -> memref<128xf32, #tpu.memory_space<vmem_shared>>
        tpu.enqueue_dma source(%arg11 : memref<128xf32, #tpu.memory_space<vmem>>) target(%dma_start3A_985 : memref<128xf32, #tpu.memory_space<vmem_shared>>) target_semaphore(%run_scoped3A_981 : memref<!tpu.dma_semaphore, #tpu.memory_space<semaphore_mem>>)
        %dma_wait3A_986 = arith.constant 8064 : i32
        %dma_wait3A_987 = tpu.memref_slice %arg14[%dma_wait3A_986] : memref<10112xf32, #tpu.memory_space<vmem_shared>> -> memref<128xf32, #tpu.memory_space<vmem_shared>>
        %dma_wait3A_988 = arith.constant 8064 : i32
        %dma_wait3A_989 = tpu.memref_slice %arg14[%dma_wait3A_988] : memref<10112xf32, #tpu.memory_space<vmem_shared>> -> memref<128xf32, #tpu.memory_space<vmem_shared>>
        tpu.wait_dma2 semaphore(%run_scoped3A_981 : memref<!tpu.dma_semaphore, #tpu.memory_space<semaphore_mem>>) src(%arg11 : memref<128xf32, #tpu.memory_space<vmem>>) dst(%dma_wait3A_989 : memref<128xf32, #tpu.memory_space<vmem_shared>>)
        tpu.yield
      }) : () -> ()
    } else {
    }
    %eq3A_451 = arith.constant 0 : i32
    %eq3A_452 = arith.cmpi eq, %arg1, %eq3A_451 : i32
    %convert_element_type3A_453 = arith.extui %eq3A_452 : i1 to i32
    %cond3A_454 = arith.constant 0 : i32
    %cond3A_455 = arith.cmpi ne, %convert_element_type3A_453, %cond3A_454 : i32
    scf.if %cond3A_455 {
      "tpu.region"() ({
        %run_scoped3A_981 = tpu.sem_alloc : memref<!tpu.dma_semaphore, #tpu.memory_space<semaphore_mem>>
        %dma_start3A_982 = arith.constant 8192 : i32
        %dma_start3A_983 = tpu.memref_slice %arg14[%dma_start3A_982] : memref<10112xf32, #tpu.memory_space<vmem_shared>> -> memref<128xf32, #tpu.memory_space<vmem_shared>>
        %dma_start3A_984 = arith.constant 8192 : i32
        %dma_start3A_985 = tpu.memref_slice %arg14[%dma_start3A_984] : memref<10112xf32, #tpu.memory_space<vmem_shared>> -> memref<128xf32, #tpu.memory_space<vmem_shared>>
        tpu.enqueue_dma source(%arg11 : memref<128xf32, #tpu.memory_space<vmem>>) target(%dma_start3A_985 : memref<128xf32, #tpu.memory_space<vmem_shared>>) target_semaphore(%run_scoped3A_981 : memref<!tpu.dma_semaphore, #tpu.memory_space<semaphore_mem>>)
        %dma_wait3A_986 = arith.constant 8192 : i32
        %dma_wait3A_987 = tpu.memref_slice %arg14[%dma_wait3A_986] : memref<10112xf32, #tpu.memory_space<vmem_shared>> -> memref<128xf32, #tpu.memory_space<vmem_shared>>
        %dma_wait3A_988 = arith.constant 8192 : i32
        %dma_wait3A_989 = tpu.memref_slice %arg14[%dma_wait3A_988] : memref<10112xf32, #tpu.memory_space<vmem_shared>> -> memref<128xf32, #tpu.memory_space<vmem_shared>>
        tpu.wait_dma2 semaphore(%run_scoped3A_981 : memref<!tpu.dma_semaphore, #tpu.memory_space<semaphore_mem>>) src(%arg11 : memref<128xf32, #tpu.memory_space<vmem>>) dst(%dma_wait3A_989 : memref<128xf32, #tpu.memory_space<vmem_shared>>)
        tpu.yield
      }) : () -> ()
    } else {
    }
    %eq3A_456 = arith.constant 1 : i32
    %eq3A_457 = arith.cmpi eq, %arg1, %eq3A_456 : i32
    %convert_element_type3A_458 = arith.extui %eq3A_457 : i1 to i32
    %cond3A_459 = arith.constant 0 : i32
    %cond3A_460 = arith.cmpi ne, %convert_element_type3A_458, %cond3A_459 : i32
    scf.if %cond3A_460 {
      "tpu.region"() ({
        %run_scoped3A_981 = tpu.sem_alloc : memref<!tpu.dma_semaphore, #tpu.memory_space<semaphore_mem>>
        %dma_start3A_982 = arith.constant 8320 : i32
        %dma_start3A_983 = tpu.memref_slice %arg14[%dma_start3A_982] : memref<10112xf32, #tpu.memory_space<vmem_shared>> -> memref<128xf32, #tpu.memory_space<vmem_shared>>
        %dma_start3A_984 = arith.constant 8320 : i32
        %dma_start3A_985 = tpu.memref_slice %arg14[%dma_start3A_984] : memref<10112xf32, #tpu.memory_space<vmem_shared>> -> memref<128xf32, #tpu.memory_space<vmem_shared>>
        tpu.enqueue_dma source(%arg11 : memref<128xf32, #tpu.memory_space<vmem>>) target(%dma_start3A_985 : memref<128xf32, #tpu.memory_space<vmem_shared>>) target_semaphore(%run_scoped3A_981 : memref<!tpu.dma_semaphore, #tpu.memory_space<semaphore_mem>>)
        %dma_wait3A_986 = arith.constant 8320 : i32
        %dma_wait3A_987 = tpu.memref_slice %arg14[%dma_wait3A_986] : memref<10112xf32, #tpu.memory_space<vmem_shared>> -> memref<128xf32, #tpu.memory_space<vmem_shared>>
        %dma_wait3A_988 = arith.constant 8320 : i32
        %dma_wait3A_989 = tpu.memref_slice %arg14[%dma_wait3A_988] : memref<10112xf32, #tpu.memory_space<vmem_shared>> -> memref<128xf32, #tpu.memory_space<vmem_shared>>
        tpu.wait_dma2 semaphore(%run_scoped3A_981 : memref<!tpu.dma_semaphore, #tpu.memory_space<semaphore_mem>>) src(%arg11 : memref<128xf32, #tpu.memory_space<vmem>>) dst(%dma_wait3A_989 : memref<128xf32, #tpu.memory_space<vmem_shared>>)
        tpu.yield
      }) : () -> ()
    } else {
    }
    %eq3A_461 = arith.constant 2 : i32
    %eq3A_462 = arith.cmpi eq, %arg1, %eq3A_461 : i32
    %convert_element_type3A_463 = arith.extui %eq3A_462 : i1 to i32
    %cond3A_464 = arith.constant 0 : i32
    %cond3A_465 = arith.cmpi ne, %convert_element_type3A_463, %cond3A_464 : i32
    scf.if %cond3A_465 {
      "tpu.region"() ({
        %run_scoped3A_981 = tpu.sem_alloc : memref<!tpu.dma_semaphore, #tpu.memory_space<semaphore_mem>>
        %dma_start3A_982 = arith.constant 8448 : i32
        %dma_start3A_983 = tpu.memref_slice %arg14[%dma_start3A_982] : memref<10112xf32, #tpu.memory_space<vmem_shared>> -> memref<128xf32, #tpu.memory_space<vmem_shared>>
        %dma_start3A_984 = arith.constant 8448 : i32
        %dma_start3A_985 = tpu.memref_slice %arg14[%dma_start3A_984] : memref<10112xf32, #tpu.memory_space<vmem_shared>> -> memref<128xf32, #tpu.memory_space<vmem_shared>>
        tpu.enqueue_dma source(%arg11 : memref<128xf32, #tpu.memory_space<vmem>>) target(%dma_start3A_985 : memref<128xf32, #tpu.memory_space<vmem_shared>>) target_semaphore(%run_scoped3A_981 : memref<!tpu.dma_semaphore, #tpu.memory_space<semaphore_mem>>)
        %dma_wait3A_986 = arith.constant 8448 : i32
        %dma_wait3A_987 = tpu.memref_slice %arg14[%dma_wait3A_986] : memref<10112xf32, #tpu.memory_space<vmem_shared>> -> memref<128xf32, #tpu.memory_space<vmem_shared>>
        %dma_wait3A_988 = arith.constant 8448 : i32
        %dma_wait3A_989 = tpu.memref_slice %arg14[%dma_wait3A_988] : memref<10112xf32, #tpu.memory_space<vmem_shared>> -> memref<128xf32, #tpu.memory_space<vmem_shared>>
        tpu.wait_dma2 semaphore(%run_scoped3A_981 : memref<!tpu.dma_semaphore, #tpu.memory_space<semaphore_mem>>) src(%arg11 : memref<128xf32, #tpu.memory_space<vmem>>) dst(%dma_wait3A_989 : memref<128xf32, #tpu.memory_space<vmem_shared>>)
        tpu.yield
      }) : () -> ()
    } else {
    }
    %eq3A_466 = arith.constant 3 : i32
    %eq3A_467 = arith.cmpi eq, %arg1, %eq3A_466 : i32
    %convert_element_type3A_468 = arith.extui %eq3A_467 : i1 to i32
    %cond3A_469 = arith.constant 0 : i32
    %cond3A_470 = arith.cmpi ne, %convert_element_type3A_468, %cond3A_469 : i32
    scf.if %cond3A_470 {
      "tpu.region"() ({
        %run_scoped3A_981 = tpu.sem_alloc : memref<!tpu.dma_semaphore, #tpu.memory_space<semaphore_mem>>
        %dma_start3A_982 = arith.constant 8576 : i32
        %dma_start3A_983 = tpu.memref_slice %arg14[%dma_start3A_982] : memref<10112xf32, #tpu.memory_space<vmem_shared>> -> memref<128xf32, #tpu.memory_space<vmem_shared>>
        %dma_start3A_984 = arith.constant 8576 : i32
        %dma_start3A_985 = tpu.memref_slice %arg14[%dma_start3A_984] : memref<10112xf32, #tpu.memory_space<vmem_shared>> -> memref<128xf32, #tpu.memory_space<vmem_shared>>
        tpu.enqueue_dma source(%arg11 : memref<128xf32, #tpu.memory_space<vmem>>) target(%dma_start3A_985 : memref<128xf32, #tpu.memory_space<vmem_shared>>) target_semaphore(%run_scoped3A_981 : memref<!tpu.dma_semaphore, #tpu.memory_space<semaphore_mem>>)
        %dma_wait3A_986 = arith.constant 8576 : i32
        %dma_wait3A_987 = tpu.memref_slice %arg14[%dma_wait3A_986] : memref<10112xf32, #tpu.memory_space<vmem_shared>> -> memref<128xf32, #tpu.memory_space<vmem_shared>>
        %dma_wait3A_988 = arith.constant 8576 : i32
        %dma_wait3A_989 = tpu.memref_slice %arg14[%dma_wait3A_988] : memref<10112xf32, #tpu.memory_space<vmem_shared>> -> memref<128xf32, #tpu.memory_space<vmem_shared>>
        tpu.wait_dma2 semaphore(%run_scoped3A_981 : memref<!tpu.dma_semaphore, #tpu.memory_space<semaphore_mem>>) src(%arg11 : memref<128xf32, #tpu.memory_space<vmem>>) dst(%dma_wait3A_989 : memref<128xf32, #tpu.memory_space<vmem_shared>>)
        tpu.yield
      }) : () -> ()
    } else {
    }
    %eq3A_471 = arith.constant 4 : i32
    %eq3A_472 = arith.cmpi eq, %arg1, %eq3A_471 : i32
    %convert_element_type3A_473 = arith.extui %eq3A_472 : i1 to i32
    %cond3A_474 = arith.constant 0 : i32
    %cond3A_475 = arith.cmpi ne, %convert_element_type3A_473, %cond3A_474 : i32
    scf.if %cond3A_475 {
      "tpu.region"() ({
        %run_scoped3A_981 = tpu.sem_alloc : memref<!tpu.dma_semaphore, #tpu.memory_space<semaphore_mem>>
        %dma_start3A_982 = arith.constant 8704 : i32
        %dma_start3A_983 = tpu.memref_slice %arg14[%dma_start3A_982] : memref<10112xf32, #tpu.memory_space<vmem_shared>> -> memref<128xf32, #tpu.memory_space<vmem_shared>>
        %dma_start3A_984 = arith.constant 8704 : i32
        %dma_start3A_985 = tpu.memref_slice %arg14[%dma_start3A_984] : memref<10112xf32, #tpu.memory_space<vmem_shared>> -> memref<128xf32, #tpu.memory_space<vmem_shared>>
        tpu.enqueue_dma source(%arg11 : memref<128xf32, #tpu.memory_space<vmem>>) target(%dma_start3A_985 : memref<128xf32, #tpu.memory_space<vmem_shared>>) target_semaphore(%run_scoped3A_981 : memref<!tpu.dma_semaphore, #tpu.memory_space<semaphore_mem>>)
        %dma_wait3A_986 = arith.constant 8704 : i32
        %dma_wait3A_987 = tpu.memref_slice %arg14[%dma_wait3A_986] : memref<10112xf32, #tpu.memory_space<vmem_shared>> -> memref<128xf32, #tpu.memory_space<vmem_shared>>
        %dma_wait3A_988 = arith.constant 8704 : i32
        %dma_wait3A_989 = tpu.memref_slice %arg14[%dma_wait3A_988] : memref<10112xf32, #tpu.memory_space<vmem_shared>> -> memref<128xf32, #tpu.memory_space<vmem_shared>>
        tpu.wait_dma2 semaphore(%run_scoped3A_981 : memref<!tpu.dma_semaphore, #tpu.memory_space<semaphore_mem>>) src(%arg11 : memref<128xf32, #tpu.memory_space<vmem>>) dst(%dma_wait3A_989 : memref<128xf32, #tpu.memory_space<vmem_shared>>)
        tpu.yield
      }) : () -> ()
    } else {
    }
    %eq3A_476 = arith.constant 5 : i32
    %eq3A_477 = arith.cmpi eq, %arg1, %eq3A_476 : i32
    %convert_element_type3A_478 = arith.extui %eq3A_477 : i1 to i32
    %cond3A_479 = arith.constant 0 : i32
    %cond3A_480 = arith.cmpi ne, %convert_element_type3A_478, %cond3A_479 : i32
    scf.if %cond3A_480 {
      "tpu.region"() ({
        %run_scoped3A_981 = tpu.sem_alloc : memref<!tpu.dma_semaphore, #tpu.memory_space<semaphore_mem>>
        %dma_start3A_982 = arith.constant 8832 : i32
        %dma_start3A_983 = tpu.memref_slice %arg14[%dma_start3A_982] : memref<10112xf32, #tpu.memory_space<vmem_shared>> -> memref<128xf32, #tpu.memory_space<vmem_shared>>
        %dma_start3A_984 = arith.constant 8832 : i32
        %dma_start3A_985 = tpu.memref_slice %arg14[%dma_start3A_984] : memref<10112xf32, #tpu.memory_space<vmem_shared>> -> memref<128xf32, #tpu.memory_space<vmem_shared>>
        tpu.enqueue_dma source(%arg11 : memref<128xf32, #tpu.memory_space<vmem>>) target(%dma_start3A_985 : memref<128xf32, #tpu.memory_space<vmem_shared>>) target_semaphore(%run_scoped3A_981 : memref<!tpu.dma_semaphore, #tpu.memory_space<semaphore_mem>>)
        %dma_wait3A_986 = arith.constant 8832 : i32
        %dma_wait3A_987 = tpu.memref_slice %arg14[%dma_wait3A_986] : memref<10112xf32, #tpu.memory_space<vmem_shared>> -> memref<128xf32, #tpu.memory_space<vmem_shared>>
        %dma_wait3A_988 = arith.constant 8832 : i32
        %dma_wait3A_989 = tpu.memref_slice %arg14[%dma_wait3A_988] : memref<10112xf32, #tpu.memory_space<vmem_shared>> -> memref<128xf32, #tpu.memory_space<vmem_shared>>
        tpu.wait_dma2 semaphore(%run_scoped3A_981 : memref<!tpu.dma_semaphore, #tpu.memory_space<semaphore_mem>>) src(%arg11 : memref<128xf32, #tpu.memory_space<vmem>>) dst(%dma_wait3A_989 : memref<128xf32, #tpu.memory_space<vmem_shared>>)
        tpu.yield
      }) : () -> ()
    } else {
    }
    %eq3A_481 = arith.constant 6 : i32
    %eq3A_482 = arith.cmpi eq, %arg1, %eq3A_481 : i32
    %convert_element_type3A_483 = arith.extui %eq3A_482 : i1 to i32
    %cond3A_484 = arith.constant 0 : i32
    %cond3A_485 = arith.cmpi ne, %convert_element_type3A_483, %cond3A_484 : i32
    scf.if %cond3A_485 {
      "tpu.region"() ({
        %run_scoped3A_981 = tpu.sem_alloc : memref<!tpu.dma_semaphore, #tpu.memory_space<semaphore_mem>>
        %dma_start3A_982 = arith.constant 8960 : i32
        %dma_start3A_983 = tpu.memref_slice %arg14[%dma_start3A_982] : memref<10112xf32, #tpu.memory_space<vmem_shared>> -> memref<128xf32, #tpu.memory_space<vmem_shared>>
        %dma_start3A_984 = arith.constant 8960 : i32
        %dma_start3A_985 = tpu.memref_slice %arg14[%dma_start3A_984] : memref<10112xf32, #tpu.memory_space<vmem_shared>> -> memref<128xf32, #tpu.memory_space<vmem_shared>>
        tpu.enqueue_dma source(%arg11 : memref<128xf32, #tpu.memory_space<vmem>>) target(%dma_start3A_985 : memref<128xf32, #tpu.memory_space<vmem_shared>>) target_semaphore(%run_scoped3A_981 : memref<!tpu.dma_semaphore, #tpu.memory_space<semaphore_mem>>)
        %dma_wait3A_986 = arith.constant 8960 : i32
        %dma_wait3A_987 = tpu.memref_slice %arg14[%dma_wait3A_986] : memref<10112xf32, #tpu.memory_space<vmem_shared>> -> memref<128xf32, #tpu.memory_space<vmem_shared>>
        %dma_wait3A_988 = arith.constant 8960 : i32
        %dma_wait3A_989 = tpu.memref_slice %arg14[%dma_wait3A_988] : memref<10112xf32, #tpu.memory_space<vmem_shared>> -> memref<128xf32, #tpu.memory_space<vmem_shared>>
        tpu.wait_dma2 semaphore(%run_scoped3A_981 : memref<!tpu.dma_semaphore, #tpu.memory_space<semaphore_mem>>) src(%arg11 : memref<128xf32, #tpu.memory_space<vmem>>) dst(%dma_wait3A_989 : memref<128xf32, #tpu.memory_space<vmem_shared>>)
        tpu.yield
      }) : () -> ()
    } else {
    }
    %eq3A_486 = arith.constant 7 : i32
    %eq3A_487 = arith.cmpi eq, %arg1, %eq3A_486 : i32
    %convert_element_type3A_488 = arith.extui %eq3A_487 : i1 to i32
    %cond3A_489 = arith.constant 0 : i32
    %cond3A_490 = arith.cmpi ne, %convert_element_type3A_488, %cond3A_489 : i32
    scf.if %cond3A_490 {
      "tpu.region"() ({
        %run_scoped3A_981 = tpu.sem_alloc : memref<!tpu.dma_semaphore, #tpu.memory_space<semaphore_mem>>
        %dma_start3A_982 = arith.constant 9088 : i32
        %dma_start3A_983 = tpu.memref_slice %arg14[%dma_start3A_982] : memref<10112xf32, #tpu.memory_space<vmem_shared>> -> memref<128xf32, #tpu.memory_space<vmem_shared>>
        %dma_start3A_984 = arith.constant 9088 : i32
        %dma_start3A_985 = tpu.memref_slice %arg14[%dma_start3A_984] : memref<10112xf32, #tpu.memory_space<vmem_shared>> -> memref<128xf32, #tpu.memory_space<vmem_shared>>
        tpu.enqueue_dma source(%arg11 : memref<128xf32, #tpu.memory_space<vmem>>) target(%dma_start3A_985 : memref<128xf32, #tpu.memory_space<vmem_shared>>) target_semaphore(%run_scoped3A_981 : memref<!tpu.dma_semaphore, #tpu.memory_space<semaphore_mem>>)
        %dma_wait3A_986 = arith.constant 9088 : i32
        %dma_wait3A_987 = tpu.memref_slice %arg14[%dma_wait3A_986] : memref<10112xf32, #tpu.memory_space<vmem_shared>> -> memref<128xf32, #tpu.memory_space<vmem_shared>>
        %dma_wait3A_988 = arith.constant 9088 : i32
        %dma_wait3A_989 = tpu.memref_slice %arg14[%dma_wait3A_988] : memref<10112xf32, #tpu.memory_space<vmem_shared>> -> memref<128xf32, #tpu.memory_space<vmem_shared>>
        tpu.wait_dma2 semaphore(%run_scoped3A_981 : memref<!tpu.dma_semaphore, #tpu.memory_space<semaphore_mem>>) src(%arg11 : memref<128xf32, #tpu.memory_space<vmem>>) dst(%dma_wait3A_989 : memref<128xf32, #tpu.memory_space<vmem_shared>>)
        tpu.yield
      }) : () -> ()
    } else {
    }
    %eq3A_491 = arith.constant 8 : i32
    %eq3A_492 = arith.cmpi eq, %arg1, %eq3A_491 : i32
    %convert_element_type3A_493 = arith.extui %eq3A_492 : i1 to i32
    %cond3A_494 = arith.constant 0 : i32
    %cond3A_495 = arith.cmpi ne, %convert_element_type3A_493, %cond3A_494 : i32
    scf.if %cond3A_495 {
      "tpu.region"() ({
        %run_scoped3A_981 = tpu.sem_alloc : memref<!tpu.dma_semaphore, #tpu.memory_space<semaphore_mem>>
        %dma_start3A_982 = arith.constant 9216 : i32
        %dma_start3A_983 = tpu.memref_slice %arg14[%dma_start3A_982] : memref<10112xf32, #tpu.memory_space<vmem_shared>> -> memref<128xf32, #tpu.memory_space<vmem_shared>>
        %dma_start3A_984 = arith.constant 9216 : i32
        %dma_start3A_985 = tpu.memref_slice %arg14[%dma_start3A_984] : memref<10112xf32, #tpu.memory_space<vmem_shared>> -> memref<128xf32, #tpu.memory_space<vmem_shared>>
        tpu.enqueue_dma source(%arg11 : memref<128xf32, #tpu.memory_space<vmem>>) target(%dma_start3A_985 : memref<128xf32, #tpu.memory_space<vmem_shared>>) target_semaphore(%run_scoped3A_981 : memref<!tpu.dma_semaphore, #tpu.memory_space<semaphore_mem>>)
        %dma_wait3A_986 = arith.constant 9216 : i32
        %dma_wait3A_987 = tpu.memref_slice %arg14[%dma_wait3A_986] : memref<10112xf32, #tpu.memory_space<vmem_shared>> -> memref<128xf32, #tpu.memory_space<vmem_shared>>
        %dma_wait3A_988 = arith.constant 9216 : i32
        %dma_wait3A_989 = tpu.memref_slice %arg14[%dma_wait3A_988] : memref<10112xf32, #tpu.memory_space<vmem_shared>> -> memref<128xf32, #tpu.memory_space<vmem_shared>>
        tpu.wait_dma2 semaphore(%run_scoped3A_981 : memref<!tpu.dma_semaphore, #tpu.memory_space<semaphore_mem>>) src(%arg11 : memref<128xf32, #tpu.memory_space<vmem>>) dst(%dma_wait3A_989 : memref<128xf32, #tpu.memory_space<vmem_shared>>)
        tpu.yield
      }) : () -> ()
    } else {
    }
    %eq3A_496 = arith.constant 9 : i32
    %eq3A_497 = arith.cmpi eq, %arg1, %eq3A_496 : i32
    %convert_element_type3A_498 = arith.extui %eq3A_497 : i1 to i32
    %cond3A_499 = arith.constant 0 : i32
    %cond3A_500 = arith.cmpi ne, %convert_element_type3A_498, %cond3A_499 : i32
    scf.if %cond3A_500 {
      "tpu.region"() ({
        %run_scoped3A_981 = tpu.sem_alloc : memref<!tpu.dma_semaphore, #tpu.memory_space<semaphore_mem>>
        %dma_start3A_982 = arith.constant 9344 : i32
        %dma_start3A_983 = tpu.memref_slice %arg14[%dma_start3A_982] : memref<10112xf32, #tpu.memory_space<vmem_shared>> -> memref<128xf32, #tpu.memory_space<vmem_shared>>
        %dma_start3A_984 = arith.constant 9344 : i32
        %dma_start3A_985 = tpu.memref_slice %arg14[%dma_start3A_984] : memref<10112xf32, #tpu.memory_space<vmem_shared>> -> memref<128xf32, #tpu.memory_space<vmem_shared>>
        tpu.enqueue_dma source(%arg11 : memref<128xf32, #tpu.memory_space<vmem>>) target(%dma_start3A_985 : memref<128xf32, #tpu.memory_space<vmem_shared>>) target_semaphore(%run_scoped3A_981 : memref<!tpu.dma_semaphore, #tpu.memory_space<semaphore_mem>>)
        %dma_wait3A_986 = arith.constant 9344 : i32
        %dma_wait3A_987 = tpu.memref_slice %arg14[%dma_wait3A_986] : memref<10112xf32, #tpu.memory_space<vmem_shared>> -> memref<128xf32, #tpu.memory_space<vmem_shared>>
        %dma_wait3A_988 = arith.constant 9344 : i32
        %dma_wait3A_989 = tpu.memref_slice %arg14[%dma_wait3A_988] : memref<10112xf32, #tpu.memory_space<vmem_shared>> -> memref<128xf32, #tpu.memory_space<vmem_shared>>
        tpu.wait_dma2 semaphore(%run_scoped3A_981 : memref<!tpu.dma_semaphore, #tpu.memory_space<semaphore_mem>>) src(%arg11 : memref<128xf32, #tpu.memory_space<vmem>>) dst(%dma_wait3A_989 : memref<128xf32, #tpu.memory_space<vmem_shared>>)
        tpu.yield
      }) : () -> ()
    } else {
    }
    %eq3A_501 = arith.constant 10 : i32
    %eq3A_502 = arith.cmpi eq, %arg1, %eq3A_501 : i32
    %convert_element_type3A_503 = arith.extui %eq3A_502 : i1 to i32
    %cond3A_504 = arith.constant 0 : i32
    %cond3A_505 = arith.cmpi ne, %convert_element_type3A_503, %cond3A_504 : i32
    scf.if %cond3A_505 {
      "tpu.region"() ({
        %run_scoped3A_981 = tpu.sem_alloc : memref<!tpu.dma_semaphore, #tpu.memory_space<semaphore_mem>>
        %dma_start3A_982 = arith.constant 9472 : i32
        %dma_start3A_983 = tpu.memref_slice %arg14[%dma_start3A_982] : memref<10112xf32, #tpu.memory_space<vmem_shared>> -> memref<128xf32, #tpu.memory_space<vmem_shared>>
        %dma_start3A_984 = arith.constant 9472 : i32
        %dma_start3A_985 = tpu.memref_slice %arg14[%dma_start3A_984] : memref<10112xf32, #tpu.memory_space<vmem_shared>> -> memref<128xf32, #tpu.memory_space<vmem_shared>>
        tpu.enqueue_dma source(%arg11 : memref<128xf32, #tpu.memory_space<vmem>>) target(%dma_start3A_985 : memref<128xf32, #tpu.memory_space<vmem_shared>>) target_semaphore(%run_scoped3A_981 : memref<!tpu.dma_semaphore, #tpu.memory_space<semaphore_mem>>)
        %dma_wait3A_986 = arith.constant 9472 : i32
        %dma_wait3A_987 = tpu.memref_slice %arg14[%dma_wait3A_986] : memref<10112xf32, #tpu.memory_space<vmem_shared>> -> memref<128xf32, #tpu.memory_space<vmem_shared>>
        %dma_wait3A_988 = arith.constant 9472 : i32
        %dma_wait3A_989 = tpu.memref_slice %arg14[%dma_wait3A_988] : memref<10112xf32, #tpu.memory_space<vmem_shared>> -> memref<128xf32, #tpu.memory_space<vmem_shared>>
        tpu.wait_dma2 semaphore(%run_scoped3A_981 : memref<!tpu.dma_semaphore, #tpu.memory_space<semaphore_mem>>) src(%arg11 : memref<128xf32, #tpu.memory_space<vmem>>) dst(%dma_wait3A_989 : memref<128xf32, #tpu.memory_space<vmem_shared>>)
        tpu.yield
      }) : () -> ()
    } else {
    }
    %eq3A_506 = arith.constant 11 : i32
    %eq3A_507 = arith.cmpi eq, %arg1, %eq3A_506 : i32
    %convert_element_type3A_508 = arith.extui %eq3A_507 : i1 to i32
    %cond3A_509 = arith.constant 0 : i32
    %cond3A_510 = arith.cmpi ne, %convert_element_type3A_508, %cond3A_509 : i32
    scf.if %cond3A_510 {
      "tpu.region"() ({
        %run_scoped3A_981 = tpu.sem_alloc : memref<!tpu.dma_semaphore, #tpu.memory_space<semaphore_mem>>
        %dma_start3A_982 = arith.constant 9600 : i32
        %dma_start3A_983 = tpu.memref_slice %arg14[%dma_start3A_982] : memref<10112xf32, #tpu.memory_space<vmem_shared>> -> memref<128xf32, #tpu.memory_space<vmem_shared>>
        %dma_start3A_984 = arith.constant 9600 : i32
        %dma_start3A_985 = tpu.memref_slice %arg14[%dma_start3A_984] : memref<10112xf32, #tpu.memory_space<vmem_shared>> -> memref<128xf32, #tpu.memory_space<vmem_shared>>
        tpu.enqueue_dma source(%arg11 : memref<128xf32, #tpu.memory_space<vmem>>) target(%dma_start3A_985 : memref<128xf32, #tpu.memory_space<vmem_shared>>) target_semaphore(%run_scoped3A_981 : memref<!tpu.dma_semaphore, #tpu.memory_space<semaphore_mem>>)
        %dma_wait3A_986 = arith.constant 9600 : i32
        %dma_wait3A_987 = tpu.memref_slice %arg14[%dma_wait3A_986] : memref<10112xf32, #tpu.memory_space<vmem_shared>> -> memref<128xf32, #tpu.memory_space<vmem_shared>>
        %dma_wait3A_988 = arith.constant 9600 : i32
        %dma_wait3A_989 = tpu.memref_slice %arg14[%dma_wait3A_988] : memref<10112xf32, #tpu.memory_space<vmem_shared>> -> memref<128xf32, #tpu.memory_space<vmem_shared>>
        tpu.wait_dma2 semaphore(%run_scoped3A_981 : memref<!tpu.dma_semaphore, #tpu.memory_space<semaphore_mem>>) src(%arg11 : memref<128xf32, #tpu.memory_space<vmem>>) dst(%dma_wait3A_989 : memref<128xf32, #tpu.memory_space<vmem_shared>>)
        tpu.yield
      }) : () -> ()
    } else {
    }
    %eq3A_511 = arith.constant 12 : i32
    %eq3A_512 = arith.cmpi eq, %arg1, %eq3A_511 : i32
    %convert_element_type3A_513 = arith.extui %eq3A_512 : i1 to i32
    %cond3A_514 = arith.constant 0 : i32
    %cond3A_515 = arith.cmpi ne, %convert_element_type3A_513, %cond3A_514 : i32
    scf.if %cond3A_515 {
      "tpu.region"() ({
        %run_scoped3A_981 = tpu.sem_alloc : memref<!tpu.dma_semaphore, #tpu.memory_space<semaphore_mem>>
        %dma_start3A_982 = arith.constant 9728 : i32
        %dma_start3A_983 = tpu.memref_slice %arg14[%dma_start3A_982] : memref<10112xf32, #tpu.memory_space<vmem_shared>> -> memref<128xf32, #tpu.memory_space<vmem_shared>>
        %dma_start3A_984 = arith.constant 9728 : i32
        %dma_start3A_985 = tpu.memref_slice %arg14[%dma_start3A_984] : memref<10112xf32, #tpu.memory_space<vmem_shared>> -> memref<128xf32, #tpu.memory_space<vmem_shared>>
        tpu.enqueue_dma source(%arg11 : memref<128xf32, #tpu.memory_space<vmem>>) target(%dma_start3A_985 : memref<128xf32, #tpu.memory_space<vmem_shared>>) target_semaphore(%run_scoped3A_981 : memref<!tpu.dma_semaphore, #tpu.memory_space<semaphore_mem>>)
        %dma_wait3A_986 = arith.constant 9728 : i32
        %dma_wait3A_987 = tpu.memref_slice %arg14[%dma_wait3A_986] : memref<10112xf32, #tpu.memory_space<vmem_shared>> -> memref<128xf32, #tpu.memory_space<vmem_shared>>
        %dma_wait3A_988 = arith.constant 9728 : i32
        %dma_wait3A_989 = tpu.memref_slice %arg14[%dma_wait3A_988] : memref<10112xf32, #tpu.memory_space<vmem_shared>> -> memref<128xf32, #tpu.memory_space<vmem_shared>>
        tpu.wait_dma2 semaphore(%run_scoped3A_981 : memref<!tpu.dma_semaphore, #tpu.memory_space<semaphore_mem>>) src(%arg11 : memref<128xf32, #tpu.memory_space<vmem>>) dst(%dma_wait3A_989 : memref<128xf32, #tpu.memory_space<vmem_shared>>)
        tpu.yield
      }) : () -> ()
    } else {
    }
    %eq3A_516 = arith.constant 13 : i32
    %eq3A_517 = arith.cmpi eq, %arg1, %eq3A_516 : i32
    %convert_element_type3A_518 = arith.extui %eq3A_517 : i1 to i32
    %cond3A_519 = arith.constant 0 : i32
    %cond3A_520 = arith.cmpi ne, %convert_element_type3A_518, %cond3A_519 : i32
    scf.if %cond3A_520 {
      "tpu.region"() ({
        %run_scoped3A_981 = tpu.sem_alloc : memref<!tpu.dma_semaphore, #tpu.memory_space<semaphore_mem>>
        %dma_start3A_982 = arith.constant 9856 : i32
        %dma_start3A_983 = tpu.memref_slice %arg14[%dma_start3A_982] : memref<10112xf32, #tpu.memory_space<vmem_shared>> -> memref<128xf32, #tpu.memory_space<vmem_shared>>
        %dma_start3A_984 = arith.constant 9856 : i32
        %dma_start3A_985 = tpu.memref_slice %arg14[%dma_start3A_984] : memref<10112xf32, #tpu.memory_space<vmem_shared>> -> memref<128xf32, #tpu.memory_space<vmem_shared>>
        tpu.enqueue_dma source(%arg11 : memref<128xf32, #tpu.memory_space<vmem>>) target(%dma_start3A_985 : memref<128xf32, #tpu.memory_space<vmem_shared>>) target_semaphore(%run_scoped3A_981 : memref<!tpu.dma_semaphore, #tpu.memory_space<semaphore_mem>>)
        %dma_wait3A_986 = arith.constant 9856 : i32
        %dma_wait3A_987 = tpu.memref_slice %arg14[%dma_wait3A_986] : memref<10112xf32, #tpu.memory_space<vmem_shared>> -> memref<128xf32, #tpu.memory_space<vmem_shared>>
        %dma_wait3A_988 = arith.constant 9856 : i32
        %dma_wait3A_989 = tpu.memref_slice %arg14[%dma_wait3A_988] : memref<10112xf32, #tpu.memory_space<vmem_shared>> -> memref<128xf32, #tpu.memory_space<vmem_shared>>
        tpu.wait_dma2 semaphore(%run_scoped3A_981 : memref<!tpu.dma_semaphore, #tpu.memory_space<semaphore_mem>>) src(%arg11 : memref<128xf32, #tpu.memory_space<vmem>>) dst(%dma_wait3A_989 : memref<128xf32, #tpu.memory_space<vmem_shared>>)
        tpu.yield
      }) : () -> ()
    } else {
    }
    %eq3A_521 = arith.constant 14 : i32
    %eq3A_522 = arith.cmpi eq, %arg1, %eq3A_521 : i32
    %convert_element_type3A_523 = arith.extui %eq3A_522 : i1 to i32
    %cond3A_524 = arith.constant 0 : i32
    %cond3A_525 = arith.cmpi ne, %convert_element_type3A_523, %cond3A_524 : i32
    scf.if %cond3A_525 {
      "tpu.region"() ({
        %run_scoped3A_981 = tpu.sem_alloc : memref<!tpu.dma_semaphore, #tpu.memory_space<semaphore_mem>>
        %dma_start3A_982 = arith.constant 9984 : i32
        %dma_start3A_983 = tpu.memref_slice %arg14[%dma_start3A_982] : memref<10112xf32, #tpu.memory_space<vmem_shared>> -> memref<128xf32, #tpu.memory_space<vmem_shared>>
        %dma_start3A_984 = arith.constant 9984 : i32
        %dma_start3A_985 = tpu.memref_slice %arg14[%dma_start3A_984] : memref<10112xf32, #tpu.memory_space<vmem_shared>> -> memref<128xf32, #tpu.memory_space<vmem_shared>>
        tpu.enqueue_dma source(%arg11 : memref<128xf32, #tpu.memory_space<vmem>>) target(%dma_start3A_985 : memref<128xf32, #tpu.memory_space<vmem_shared>>) target_semaphore(%run_scoped3A_981 : memref<!tpu.dma_semaphore, #tpu.memory_space<semaphore_mem>>)
        %dma_wait3A_986 = arith.constant 9984 : i32
        %dma_wait3A_987 = tpu.memref_slice %arg14[%dma_wait3A_986] : memref<10112xf32, #tpu.memory_space<vmem_shared>> -> memref<128xf32, #tpu.memory_space<vmem_shared>>
        %dma_wait3A_988 = arith.constant 9984 : i32
        %dma_wait3A_989 = tpu.memref_slice %arg14[%dma_wait3A_988] : memref<10112xf32, #tpu.memory_space<vmem_shared>> -> memref<128xf32, #tpu.memory_space<vmem_shared>>
        tpu.wait_dma2 semaphore(%run_scoped3A_981 : memref<!tpu.dma_semaphore, #tpu.memory_space<semaphore_mem>>) src(%arg11 : memref<128xf32, #tpu.memory_space<vmem>>) dst(%dma_wait3A_989 : memref<128xf32, #tpu.memory_space<vmem_shared>>)
        tpu.yield
      }) : () -> ()
    } else {
    }
    %barrier3A = arith.constant 0 : index
    tpu.barrier barrier_id(%barrier3A)
    %dma_start3A = arith.constant 0 : i32
    %dma_start3A_526 = arith.constant 0 : i32
    %dma_start3A_527 = tpu.memref_slice %arg9[%dma_start3A, %dma_start3A_526] : memref<96x128xf32, #tpu.memory_space<vmem>> -> memref<48x128xf32, #tpu.memory_space<vmem>>
    %dma_start3A_528 = arith.constant 0 : i32
    %dma_start3A_529 = tpu.memref_slice %arg7[%dma_start3A_528] : memref<10080xi32, #tpu.memory_space<vmem>> -> memref<48xi32, #tpu.memory_space<vmem>>
    %dma_start3A_530 = arith.constant 0 : i32
    %dma_start3A_531 = arith.constant 0 : i32
    %dma_start3A_532 = tpu.memref_slice %arg2[%dma_start3A_530, %dma_start3A_531] : memref<10000x128xf32, #tpu.memory_space<hbm>> -> memref<10000x128xf32, #tpu.memory_space<hbm>>
    tpu.enqueue_indirect_dma source(%dma_start3A_532 : memref<10000x128xf32, #tpu.memory_space<hbm>>) target(%dma_start3A_527 : memref<48x128xf32, #tpu.memory_space<vmem>>) offsets(%dma_start3A_529 : memref<48xi32, #tpu.memory_space<vmem>>) semaphore(%arg15 : memref<!tpu.dma_semaphore, #tpu.memory_space<semaphore_mem>>)
    %dma_start3A_533 = arith.constant 48 : i32
    %dma_start3A_534 = arith.constant 0 : i32
    %dma_start3A_535 = tpu.memref_slice %arg9[%dma_start3A_533, %dma_start3A_534] : memref<96x128xf32, #tpu.memory_space<vmem>> -> memref<48x128xf32, #tpu.memory_space<vmem>>
    %dma_start3A_536 = arith.constant 48 : i32
    %dma_start3A_537 = tpu.memref_slice %arg7[%dma_start3A_536] : memref<10080xi32, #tpu.memory_space<vmem>> -> memref<48xi32, #tpu.memory_space<vmem>>
    %dma_start3A_538 = arith.constant 0 : i32
    %dma_start3A_539 = arith.constant 0 : i32
    %dma_start3A_540 = tpu.memref_slice %arg2[%dma_start3A_538, %dma_start3A_539] : memref<10000x128xf32, #tpu.memory_space<hbm>> -> memref<10000x128xf32, #tpu.memory_space<hbm>>
    tpu.enqueue_indirect_dma source(%dma_start3A_540 : memref<10000x128xf32, #tpu.memory_space<hbm>>) target(%dma_start3A_535 : memref<48x128xf32, #tpu.memory_space<vmem>>) offsets(%dma_start3A_537 : memref<48xi32, #tpu.memory_space<vmem>>) semaphore(%arg15 : memref<!tpu.dma_semaphore, #tpu.memory_space<semaphore_mem>>)
    %dma_start3A_541 = arith.constant 0 : i32
    %dma_start3A_542 = arith.constant 0 : i32
    %dma_start3A_543 = tpu.memref_slice %arg10[%dma_start3A_541, %dma_start3A_542] : memref<96x128xf32, #tpu.memory_space<vmem>> -> memref<48x128xf32, #tpu.memory_space<vmem>>
    %dma_start3A_544 = arith.constant 96 : i32
    %dma_start3A_545 = tpu.memref_slice %arg7[%dma_start3A_544] : memref<10080xi32, #tpu.memory_space<vmem>> -> memref<48xi32, #tpu.memory_space<vmem>>
    %dma_start3A_546 = arith.constant 0 : i32
    %dma_start3A_547 = arith.constant 0 : i32
    %dma_start3A_548 = tpu.memref_slice %arg2[%dma_start3A_546, %dma_start3A_547] : memref<10000x128xf32, #tpu.memory_space<hbm>> -> memref<10000x128xf32, #tpu.memory_space<hbm>>
    tpu.enqueue_indirect_dma source(%dma_start3A_548 : memref<10000x128xf32, #tpu.memory_space<hbm>>) target(%dma_start3A_543 : memref<48x128xf32, #tpu.memory_space<vmem>>) offsets(%dma_start3A_545 : memref<48xi32, #tpu.memory_space<vmem>>) semaphore(%arg16 : memref<!tpu.dma_semaphore, #tpu.memory_space<semaphore_mem>>)
    %dma_start3A_549 = arith.constant 48 : i32
    %dma_start3A_550 = arith.constant 0 : i32
    %dma_start3A_551 = tpu.memref_slice %arg10[%dma_start3A_549, %dma_start3A_550] : memref<96x128xf32, #tpu.memory_space<vmem>> -> memref<48x128xf32, #tpu.memory_space<vmem>>
    %dma_start3A_552 = arith.constant 144 : i32
    %dma_start3A_553 = tpu.memref_slice %arg7[%dma_start3A_552] : memref<10080xi32, #tpu.memory_space<vmem>> -> memref<48xi32, #tpu.memory_space<vmem>>
    %dma_start3A_554 = arith.constant 0 : i32
    %dma_start3A_555 = arith.constant 0 : i32
    %dma_start3A_556 = tpu.memref_slice %arg2[%dma_start3A_554, %dma_start3A_555] : memref<10000x128xf32, #tpu.memory_space<hbm>> -> memref<10000x128xf32, #tpu.memory_space<hbm>>
    tpu.enqueue_indirect_dma source(%dma_start3A_556 : memref<10000x128xf32, #tpu.memory_space<hbm>>) target(%dma_start3A_551 : memref<48x128xf32, #tpu.memory_space<vmem>>) offsets(%dma_start3A_553 : memref<48xi32, #tpu.memory_space<vmem>>) semaphore(%arg16 : memref<!tpu.dma_semaphore, #tpu.memory_space<semaphore_mem>>)
    %scan3A_557 = arith.constant 0 : i32
    %scan3A_558 = arith.constant 0 : i32
    %scan3A_559 = arith.constant 52 : i32
    %scan3A_560 = arith.addi %scan3A_558, %scan3A_559 : i32
    %scan3A_561 = arith.constant 1 : i32
    %scan3A_562 = scf.for %scan3A_981 = %scan3A_558 to %scan3A_560 step %scan3A_561 iter_args(%scan3A_982 = %scan3A_557) -> (i32)  : i32 {
      %mul3A_983 = arith.constant 2 : i32
      %mul3A_984 = arith.muli %scan3A_981, %mul3A_983 : i32
      %add3A_985 = arith.constant 0 : i32
      %add3A_986 = arith.addi %mul3A_984, %add3A_985 : i32
      %mul3A_987 = arith.constant 96 : i32
      %mul3A_988 = arith.muli %add3A_986, %mul3A_987 : i32
      %dma_wait3A_989 = arith.constant 0 : i32
      %dma_wait3A_990 = arith.constant 0 : i32
      %dma_wait3A_991 = tpu.memref_slice %arg9[%dma_wait3A_989, %dma_wait3A_990] : memref<96x128xf32, #tpu.memory_space<vmem>> -> memref<48x128xf32, #tpu.memory_space<vmem>>
      %dma_wait3A_992 = tpu.memref_slice %arg7[%mul3A_988] : memref<10080xi32, #tpu.memory_space<vmem>> -> memref<48xi32, #tpu.memory_space<vmem>>
      %dma_wait3A_993 = arith.constant 0 : i32
      %dma_wait3A_994 = arith.constant 0 : i32
      %dma_wait3A_995 = tpu.memref_slice %arg2[%dma_wait3A_993, %dma_wait3A_994] : memref<10000x128xf32, #tpu.memory_space<hbm>> -> memref<10000x128xf32, #tpu.memory_space<hbm>>
      tpu.wait_indirect_dma semaphore(%arg15 : memref<!tpu.dma_semaphore, #tpu.memory_space<semaphore_mem>>) src(%dma_wait3A_995 : memref<10000x128xf32, #tpu.memory_space<hbm>>) dst(%dma_wait3A_991 : memref<48x128xf32, #tpu.memory_space<vmem>>)
      %mul3A_996 = arith.constant 96 : i32
      %mul3A_997 = arith.muli %add3A_986, %mul3A_996 : i32
      %add3A_998 = arith.constant 48 : i32
      %add3A_999 = arith.addi %mul3A_997, %add3A_998 : i32
      %dma_wait3A_1000 = arith.constant 48 : i32
      %dma_wait3A_1001 = arith.constant 0 : i32
      %dma_wait3A_1002 = tpu.memref_slice %arg9[%dma_wait3A_1000, %dma_wait3A_1001] : memref<96x128xf32, #tpu.memory_space<vmem>> -> memref<48x128xf32, #tpu.memory_space<vmem>>
      %dma_wait3A_1003 = tpu.memref_slice %arg7[%add3A_999] : memref<10080xi32, #tpu.memory_space<vmem>> -> memref<48xi32, #tpu.memory_space<vmem>>
      %dma_wait3A_1004 = arith.constant 0 : i32
      %dma_wait3A_1005 = arith.constant 0 : i32
      %dma_wait3A_1006 = tpu.memref_slice %arg2[%dma_wait3A_1004, %dma_wait3A_1005] : memref<10000x128xf32, #tpu.memory_space<hbm>> -> memref<10000x128xf32, #tpu.memory_space<hbm>>
      tpu.wait_indirect_dma semaphore(%arg15 : memref<!tpu.dma_semaphore, #tpu.memory_space<semaphore_mem>>) src(%dma_wait3A_1006 : memref<10000x128xf32, #tpu.memory_space<hbm>>) dst(%dma_wait3A_1002 : memref<48x128xf32, #tpu.memory_space<vmem>>)
      "tpu.region"() ({
        %run_scoped3A_1043 = tpu.sem_alloc : memref<!tpu.dma_semaphore, #tpu.memory_space<semaphore_mem>>
        %dma_start3A_1044 = arith.constant 0 : i32
        %dma_start3A_1045 = tpu.memref_slice %arg8[%add3A_986, %dma_start3A_1044] : memref<105x96xi32, #tpu.memory_space<vmem>> -> memref<1x96xi32, #tpu.memory_space<vmem>>
        %dma_start3A_1046 = tpu.memref_squeeze %dma_start3A_1045 : memref<1x96xi32, #tpu.memory_space<vmem>> -> memref<96xi32, #tpu.memory_space<vmem>>
        %dma_start3A_1047 = arith.constant 0 : i32
        %dma_start3A_1048 = arith.constant 0 : i32
        %dma_start3A_1049 = tpu.memref_slice %arg13[%dma_start3A_1047, %dma_start3A_1048] : memref<10112x128xf32, #tpu.memory_space<vmem_shared>> -> memref<10112x128xf32, #tpu.memory_space<vmem_shared>>
        tpu.enqueue_indirect_dma source(%arg9 : memref<96x128xf32, #tpu.memory_space<vmem>>) target(%dma_start3A_1049 : memref<10112x128xf32, #tpu.memory_space<vmem_shared>>) offsets(%dma_start3A_1046 : memref<96xi32, #tpu.memory_space<vmem>>) semaphore(%run_scoped3A_1043 : memref<!tpu.dma_semaphore, #tpu.memory_space<semaphore_mem>>) {add = true}
        %dma_wait3A_1050 = arith.constant 0 : i32
        %dma_wait3A_1051 = tpu.memref_slice %arg8[%add3A_986, %dma_wait3A_1050] : memref<105x96xi32, #tpu.memory_space<vmem>> -> memref<1x96xi32, #tpu.memory_space<vmem>>
        %dma_wait3A_1052 = tpu.memref_squeeze %dma_wait3A_1051 : memref<1x96xi32, #tpu.memory_space<vmem>> -> memref<96xi32, #tpu.memory_space<vmem>>
        %dma_wait3A_1053 = arith.constant 0 : i32
        %dma_wait3A_1054 = arith.constant 0 : i32
        %dma_wait3A_1055 = tpu.memref_slice %arg13[%dma_wait3A_1053, %dma_wait3A_1054] : memref<10112x128xf32, #tpu.memory_space<vmem_shared>> -> memref<10112x128xf32, #tpu.memory_space<vmem_shared>>
        tpu.wait_indirect_dma semaphore(%run_scoped3A_1043 : memref<!tpu.dma_semaphore, #tpu.memory_space<semaphore_mem>>) src(%arg9 : memref<96x128xf32, #tpu.memory_space<vmem>>) dst(%dma_wait3A_1055 : memref<10112x128xf32, #tpu.memory_space<vmem_shared>>)
        tpu.yield
      }) : () -> ()
      %add3A_1007 = arith.constant 2 : i32
      %add3A_1008 = arith.addi %add3A_986, %add3A_1007 : i32
      %lt3A = arith.constant 105 : i32
      %lt3A_1009 = arith.cmpi slt, %add3A_1008, %lt3A : i32
      %convert_element_type3A_1010 = arith.extui %lt3A_1009 : i1 to i32
      %cond3A_1011 = arith.constant 0 : i32
      %cond3A_1012 = arith.cmpi ne, %convert_element_type3A_1010, %cond3A_1011 : i32
      scf.if %cond3A_1012 {
        %add3A_1043 = arith.constant 2 : i32
        %add3A_1044 = arith.addi %add3A_986, %add3A_1043 : i32
        %mul3A_1045 = arith.constant 96 : i32
        %mul3A_1046 = arith.muli %add3A_1044, %mul3A_1045 : i32
        %dma_start3A_1047 = arith.constant 0 : i32
        %dma_start3A_1048 = arith.constant 0 : i32
        %dma_start3A_1049 = tpu.memref_slice %arg9[%dma_start3A_1047, %dma_start3A_1048] : memref<96x128xf32, #tpu.memory_space<vmem>> -> memref<48x128xf32, #tpu.memory_space<vmem>>
        %dma_start3A_1050 = tpu.memref_slice %arg7[%mul3A_1046] : memref<10080xi32, #tpu.memory_space<vmem>> -> memref<48xi32, #tpu.memory_space<vmem>>
        %dma_start3A_1051 = arith.constant 0 : i32
        %dma_start3A_1052 = arith.constant 0 : i32
        %dma_start3A_1053 = tpu.memref_slice %arg2[%dma_start3A_1051, %dma_start3A_1052] : memref<10000x128xf32, #tpu.memory_space<hbm>> -> memref<10000x128xf32, #tpu.memory_space<hbm>>
        tpu.enqueue_indirect_dma source(%dma_start3A_1053 : memref<10000x128xf32, #tpu.memory_space<hbm>>) target(%dma_start3A_1049 : memref<48x128xf32, #tpu.memory_space<vmem>>) offsets(%dma_start3A_1050 : memref<48xi32, #tpu.memory_space<vmem>>) semaphore(%arg15 : memref<!tpu.dma_semaphore, #tpu.memory_space<semaphore_mem>>)
        %mul3A_1054 = arith.constant 96 : i32
        %mul3A_1055 = arith.muli %add3A_1044, %mul3A_1054 : i32
        %add3A_1056 = arith.constant 48 : i32
        %add3A_1057 = arith.addi %mul3A_1055, %add3A_1056 : i32
        %dma_start3A_1058 = arith.constant 48 : i32
        %dma_start3A_1059 = arith.constant 0 : i32
        %dma_start3A_1060 = tpu.memref_slice %arg9[%dma_start3A_1058, %dma_start3A_1059] : memref<96x128xf32, #tpu.memory_space<vmem>> -> memref<48x128xf32, #tpu.memory_space<vmem>>
        %dma_start3A_1061 = tpu.memref_slice %arg7[%add3A_1057] : memref<10080xi32, #tpu.memory_space<vmem>> -> memref<48xi32, #tpu.memory_space<vmem>>
        %dma_start3A_1062 = arith.constant 0 : i32
        %dma_start3A_1063 = arith.constant 0 : i32
        %dma_start3A_1064 = tpu.memref_slice %arg2[%dma_start3A_1062, %dma_start3A_1063] : memref<10000x128xf32, #tpu.memory_space<hbm>> -> memref<10000x128xf32, #tpu.memory_space<hbm>>
        tpu.enqueue_indirect_dma source(%dma_start3A_1064 : memref<10000x128xf32, #tpu.memory_space<hbm>>) target(%dma_start3A_1060 : memref<48x128xf32, #tpu.memory_space<vmem>>) offsets(%dma_start3A_1061 : memref<48xi32, #tpu.memory_space<vmem>>) semaphore(%arg15 : memref<!tpu.dma_semaphore, #tpu.memory_space<semaphore_mem>>)
      } else {
      }
      "tpu.region"() ({
        %run_scoped3A_1043 = tpu.sem_alloc : memref<!tpu.dma_semaphore, #tpu.memory_space<semaphore_mem>>
        %dma_start3A_1044 = arith.constant 0 : i32
        %dma_start3A_1045 = tpu.memref_slice %arg8[%add3A_986, %dma_start3A_1044] : memref<105x96xi32, #tpu.memory_space<vmem>> -> memref<1x96xi32, #tpu.memory_space<vmem>>
        %dma_start3A_1046 = tpu.memref_squeeze %dma_start3A_1045 : memref<1x96xi32, #tpu.memory_space<vmem>> -> memref<96xi32, #tpu.memory_space<vmem>>
        %dma_start3A_1047 = arith.constant 0 : i32
        %dma_start3A_1048 = tpu.memref_slice %arg14[%dma_start3A_1047] : memref<10112xf32, #tpu.memory_space<vmem_shared>> -> memref<10112xf32, #tpu.memory_space<vmem_shared>>
        tpu.enqueue_indirect_dma source(%arg12 : memref<96xf32, #tpu.memory_space<vmem>>) target(%dma_start3A_1048 : memref<10112xf32, #tpu.memory_space<vmem_shared>>) offsets(%dma_start3A_1046 : memref<96xi32, #tpu.memory_space<vmem>>) semaphore(%run_scoped3A_1043 : memref<!tpu.dma_semaphore, #tpu.memory_space<semaphore_mem>>) {add = true}
        %dma_wait3A_1049 = arith.constant 0 : i32
        %dma_wait3A_1050 = tpu.memref_slice %arg8[%add3A_986, %dma_wait3A_1049] : memref<105x96xi32, #tpu.memory_space<vmem>> -> memref<1x96xi32, #tpu.memory_space<vmem>>
        %dma_wait3A_1051 = tpu.memref_squeeze %dma_wait3A_1050 : memref<1x96xi32, #tpu.memory_space<vmem>> -> memref<96xi32, #tpu.memory_space<vmem>>
        %dma_wait3A_1052 = arith.constant 0 : i32
        %dma_wait3A_1053 = tpu.memref_slice %arg14[%dma_wait3A_1052] : memref<10112xf32, #tpu.memory_space<vmem_shared>> -> memref<10112xf32, #tpu.memory_space<vmem_shared>>
        tpu.wait_indirect_dma semaphore(%run_scoped3A_1043 : memref<!tpu.dma_semaphore, #tpu.memory_space<semaphore_mem>>) src(%arg12 : memref<96xf32, #tpu.memory_space<vmem>>) dst(%dma_wait3A_1053 : memref<10112xf32, #tpu.memory_space<vmem_shared>>)
        tpu.yield
      }) : () -> ()
      %add3A_1013 = arith.constant 1 : i32
      %add3A_1014 = arith.addi %mul3A_984, %add3A_1013 : i32
      %mul3A_1015 = arith.constant 96 : i32
      %mul3A_1016 = arith.muli %add3A_1014, %mul3A_1015 : i32
      %dma_wait3A_1017 = arith.constant 0 : i32
      %dma_wait3A_1018 = arith.constant 0 : i32
      %dma_wait3A_1019 = tpu.memref_slice %arg10[%dma_wait3A_1017, %dma_wait3A_1018] : memref<96x128xf32, #tpu.memory_space<vmem>> -> memref<48x128xf32, #tpu.memory_space<vmem>>
      %dma_wait3A_1020 = tpu.memref_slice %arg7[%mul3A_1016] : memref<10080xi32, #tpu.memory_space<vmem>> -> memref<48xi32, #tpu.memory_space<vmem>>
      %dma_wait3A_1021 = arith.constant 0 : i32
      %dma_wait3A_1022 = arith.constant 0 : i32
      %dma_wait3A_1023 = tpu.memref_slice %arg2[%dma_wait3A_1021, %dma_wait3A_1022] : memref<10000x128xf32, #tpu.memory_space<hbm>> -> memref<10000x128xf32, #tpu.memory_space<hbm>>
      tpu.wait_indirect_dma semaphore(%arg16 : memref<!tpu.dma_semaphore, #tpu.memory_space<semaphore_mem>>) src(%dma_wait3A_1023 : memref<10000x128xf32, #tpu.memory_space<hbm>>) dst(%dma_wait3A_1019 : memref<48x128xf32, #tpu.memory_space<vmem>>)
      %mul3A_1024 = arith.constant 96 : i32
      %mul3A_1025 = arith.muli %add3A_1014, %mul3A_1024 : i32
      %add3A_1026 = arith.constant 48 : i32
      %add3A_1027 = arith.addi %mul3A_1025, %add3A_1026 : i32
      %dma_wait3A_1028 = arith.constant 48 : i32
      %dma_wait3A_1029 = arith.constant 0 : i32
      %dma_wait3A_1030 = tpu.memref_slice %arg10[%dma_wait3A_1028, %dma_wait3A_1029] : memref<96x128xf32, #tpu.memory_space<vmem>> -> memref<48x128xf32, #tpu.memory_space<vmem>>
      %dma_wait3A_1031 = tpu.memref_slice %arg7[%add3A_1027] : memref<10080xi32, #tpu.memory_space<vmem>> -> memref<48xi32, #tpu.memory_space<vmem>>
      %dma_wait3A_1032 = arith.constant 0 : i32
      %dma_wait3A_1033 = arith.constant 0 : i32
      %dma_wait3A_1034 = tpu.memref_slice %arg2[%dma_wait3A_1032, %dma_wait3A_1033] : memref<10000x128xf32, #tpu.memory_space<hbm>> -> memref<10000x128xf32, #tpu.memory_space<hbm>>
      tpu.wait_indirect_dma semaphore(%arg16 : memref<!tpu.dma_semaphore, #tpu.memory_space<semaphore_mem>>) src(%dma_wait3A_1034 : memref<10000x128xf32, #tpu.memory_space<hbm>>) dst(%dma_wait3A_1030 : memref<48x128xf32, #tpu.memory_space<vmem>>)
      "tpu.region"() ({
        %run_scoped3A_1043 = tpu.sem_alloc : memref<!tpu.dma_semaphore, #tpu.memory_space<semaphore_mem>>
        %dma_start3A_1044 = arith.constant 0 : i32
        %dma_start3A_1045 = tpu.memref_slice %arg8[%add3A_1014, %dma_start3A_1044] : memref<105x96xi32, #tpu.memory_space<vmem>> -> memref<1x96xi32, #tpu.memory_space<vmem>>
        %dma_start3A_1046 = tpu.memref_squeeze %dma_start3A_1045 : memref<1x96xi32, #tpu.memory_space<vmem>> -> memref<96xi32, #tpu.memory_space<vmem>>
        %dma_start3A_1047 = arith.constant 0 : i32
        %dma_start3A_1048 = arith.constant 0 : i32
        %dma_start3A_1049 = tpu.memref_slice %arg13[%dma_start3A_1047, %dma_start3A_1048] : memref<10112x128xf32, #tpu.memory_space<vmem_shared>> -> memref<10112x128xf32, #tpu.memory_space<vmem_shared>>
        tpu.enqueue_indirect_dma source(%arg10 : memref<96x128xf32, #tpu.memory_space<vmem>>) target(%dma_start3A_1049 : memref<10112x128xf32, #tpu.memory_space<vmem_shared>>) offsets(%dma_start3A_1046 : memref<96xi32, #tpu.memory_space<vmem>>) semaphore(%run_scoped3A_1043 : memref<!tpu.dma_semaphore, #tpu.memory_space<semaphore_mem>>) {add = true}
        %dma_wait3A_1050 = arith.constant 0 : i32
        %dma_wait3A_1051 = tpu.memref_slice %arg8[%add3A_1014, %dma_wait3A_1050] : memref<105x96xi32, #tpu.memory_space<vmem>> -> memref<1x96xi32, #tpu.memory_space<vmem>>
        %dma_wait3A_1052 = tpu.memref_squeeze %dma_wait3A_1051 : memref<1x96xi32, #tpu.memory_space<vmem>> -> memref<96xi32, #tpu.memory_space<vmem>>
        %dma_wait3A_1053 = arith.constant 0 : i32
        %dma_wait3A_1054 = arith.constant 0 : i32
        %dma_wait3A_1055 = tpu.memref_slice %arg13[%dma_wait3A_1053, %dma_wait3A_1054] : memref<10112x128xf32, #tpu.memory_space<vmem_shared>> -> memref<10112x128xf32, #tpu.memory_space<vmem_shared>>
        tpu.wait_indirect_dma semaphore(%run_scoped3A_1043 : memref<!tpu.dma_semaphore, #tpu.memory_space<semaphore_mem>>) src(%arg10 : memref<96x128xf32, #tpu.memory_space<vmem>>) dst(%dma_wait3A_1055 : memref<10112x128xf32, #tpu.memory_space<vmem_shared>>)
        tpu.yield
      }) : () -> ()
      %add3A_1035 = arith.constant 2 : i32
      %add3A_1036 = arith.addi %add3A_1014, %add3A_1035 : i32
      %lt3A_1037 = arith.constant 105 : i32
      %lt3A_1038 = arith.cmpi slt, %add3A_1036, %lt3A_1037 : i32
      %convert_element_type3A_1039 = arith.extui %lt3A_1038 : i1 to i32
      %cond3A_1040 = arith.constant 0 : i32
      %cond3A_1041 = arith.cmpi ne, %convert_element_type3A_1039, %cond3A_1040 : i32
      scf.if %cond3A_1041 {
        %add3A_1043 = arith.constant 2 : i32
        %add3A_1044 = arith.addi %add3A_1014, %add3A_1043 : i32
        %mul3A_1045 = arith.constant 96 : i32
        %mul3A_1046 = arith.muli %add3A_1044, %mul3A_1045 : i32
        %dma_start3A_1047 = arith.constant 0 : i32
        %dma_start3A_1048 = arith.constant 0 : i32
        %dma_start3A_1049 = tpu.memref_slice %arg10[%dma_start3A_1047, %dma_start3A_1048] : memref<96x128xf32, #tpu.memory_space<vmem>> -> memref<48x128xf32, #tpu.memory_space<vmem>>
        %dma_start3A_1050 = tpu.memref_slice %arg7[%mul3A_1046] : memref<10080xi32, #tpu.memory_space<vmem>> -> memref<48xi32, #tpu.memory_space<vmem>>
        %dma_start3A_1051 = arith.constant 0 : i32
        %dma_start3A_1052 = arith.constant 0 : i32
        %dma_start3A_1053 = tpu.memref_slice %arg2[%dma_start3A_1051, %dma_start3A_1052] : memref<10000x128xf32, #tpu.memory_space<hbm>> -> memref<10000x128xf32, #tpu.memory_space<hbm>>
        tpu.enqueue_indirect_dma source(%dma_start3A_1053 : memref<10000x128xf32, #tpu.memory_space<hbm>>) target(%dma_start3A_1049 : memref<48x128xf32, #tpu.memory_space<vmem>>) offsets(%dma_start3A_1050 : memref<48xi32, #tpu.memory_space<vmem>>) semaphore(%arg16 : memref<!tpu.dma_semaphore, #tpu.memory_space<semaphore_mem>>)
        %mul3A_1054 = arith.constant 96 : i32
        %mul3A_1055 = arith.muli %add3A_1044, %mul3A_1054 : i32
        %add3A_1056 = arith.constant 48 : i32
        %add3A_1057 = arith.addi %mul3A_1055, %add3A_1056 : i32
        %dma_start3A_1058 = arith.constant 48 : i32
        %dma_start3A_1059 = arith.constant 0 : i32
        %dma_start3A_1060 = tpu.memref_slice %arg10[%dma_start3A_1058, %dma_start3A_1059] : memref<96x128xf32, #tpu.memory_space<vmem>> -> memref<48x128xf32, #tpu.memory_space<vmem>>
        %dma_start3A_1061 = tpu.memref_slice %arg7[%add3A_1057] : memref<10080xi32, #tpu.memory_space<vmem>> -> memref<48xi32, #tpu.memory_space<vmem>>
        %dma_start3A_1062 = arith.constant 0 : i32
        %dma_start3A_1063 = arith.constant 0 : i32
        %dma_start3A_1064 = tpu.memref_slice %arg2[%dma_start3A_1062, %dma_start3A_1063] : memref<10000x128xf32, #tpu.memory_space<hbm>> -> memref<10000x128xf32, #tpu.memory_space<hbm>>
        tpu.enqueue_indirect_dma source(%dma_start3A_1064 : memref<10000x128xf32, #tpu.memory_space<hbm>>) target(%dma_start3A_1060 : memref<48x128xf32, #tpu.memory_space<vmem>>) offsets(%dma_start3A_1061 : memref<48xi32, #tpu.memory_space<vmem>>) semaphore(%arg16 : memref<!tpu.dma_semaphore, #tpu.memory_space<semaphore_mem>>)
      } else {
      }
      "tpu.region"() ({
        %run_scoped3A_1043 = tpu.sem_alloc : memref<!tpu.dma_semaphore, #tpu.memory_space<semaphore_mem>>
        %dma_start3A_1044 = arith.constant 0 : i32
        %dma_start3A_1045 = tpu.memref_slice %arg8[%add3A_1014, %dma_start3A_1044] : memref<105x96xi32, #tpu.memory_space<vmem>> -> memref<1x96xi32, #tpu.memory_space<vmem>>
        %dma_start3A_1046 = tpu.memref_squeeze %dma_start3A_1045 : memref<1x96xi32, #tpu.memory_space<vmem>> -> memref<96xi32, #tpu.memory_space<vmem>>
        %dma_start3A_1047 = arith.constant 0 : i32
        %dma_start3A_1048 = tpu.memref_slice %arg14[%dma_start3A_1047] : memref<10112xf32, #tpu.memory_space<vmem_shared>> -> memref<10112xf32, #tpu.memory_space<vmem_shared>>
        tpu.enqueue_indirect_dma source(%arg12 : memref<96xf32, #tpu.memory_space<vmem>>) target(%dma_start3A_1048 : memref<10112xf32, #tpu.memory_space<vmem_shared>>) offsets(%dma_start3A_1046 : memref<96xi32, #tpu.memory_space<vmem>>) semaphore(%run_scoped3A_1043 : memref<!tpu.dma_semaphore, #tpu.memory_space<semaphore_mem>>) {add = true}
        %dma_wait3A_1049 = arith.constant 0 : i32
        %dma_wait3A_1050 = tpu.memref_slice %arg8[%add3A_1014, %dma_wait3A_1049] : memref<105x96xi32, #tpu.memory_space<vmem>> -> memref<1x96xi32, #tpu.memory_space<vmem>>
        %dma_wait3A_1051 = tpu.memref_squeeze %dma_wait3A_1050 : memref<1x96xi32, #tpu.memory_space<vmem>> -> memref<96xi32, #tpu.memory_space<vmem>>
        %dma_wait3A_1052 = arith.constant 0 : i32
        %dma_wait3A_1053 = tpu.memref_slice %arg14[%dma_wait3A_1052] : memref<10112xf32, #tpu.memory_space<vmem_shared>> -> memref<10112xf32, #tpu.memory_space<vmem_shared>>
        tpu.wait_indirect_dma semaphore(%run_scoped3A_1043 : memref<!tpu.dma_semaphore, #tpu.memory_space<semaphore_mem>>) src(%arg12 : memref<96xf32, #tpu.memory_space<vmem>>) dst(%dma_wait3A_1053 : memref<10112xf32, #tpu.memory_space<vmem_shared>>)
        tpu.yield
      }) : () -> ()
      %scan3A_1042 = arith.constant 0 : i32
      scf.yield %scan3A_1042 : i32
    }
    %scan3A_563 = arith.constant 52 : i32
    %dma_wait3A = arith.constant 0 : i32
    %dma_wait3A_564 = arith.constant 0 : i32
    %dma_wait3A_565 = tpu.memref_slice %arg9[%dma_wait3A, %dma_wait3A_564] : memref<96x128xf32, #tpu.memory_space<vmem>> -> memref<48x128xf32, #tpu.memory_space<vmem>>
    %dma_wait3A_566 = arith.constant 9984 : i32
    %dma_wait3A_567 = tpu.memref_slice %arg7[%dma_wait3A_566] : memref<10080xi32, #tpu.memory_space<vmem>> -> memref<48xi32, #tpu.memory_space<vmem>>
    %dma_wait3A_568 = arith.constant 0 : i32
    %dma_wait3A_569 = arith.constant 0 : i32
    %dma_wait3A_570 = tpu.memref_slice %arg2[%dma_wait3A_568, %dma_wait3A_569] : memref<10000x128xf32, #tpu.memory_space<hbm>> -> memref<10000x128xf32, #tpu.memory_space<hbm>>
    tpu.wait_indirect_dma semaphore(%arg15 : memref<!tpu.dma_semaphore, #tpu.memory_space<semaphore_mem>>) src(%dma_wait3A_570 : memref<10000x128xf32, #tpu.memory_space<hbm>>) dst(%dma_wait3A_565 : memref<48x128xf32, #tpu.memory_space<vmem>>)
    %dma_wait3A_571 = arith.constant 48 : i32
    %dma_wait3A_572 = arith.constant 0 : i32
    %dma_wait3A_573 = tpu.memref_slice %arg9[%dma_wait3A_571, %dma_wait3A_572] : memref<96x128xf32, #tpu.memory_space<vmem>> -> memref<48x128xf32, #tpu.memory_space<vmem>>
    %dma_wait3A_574 = arith.constant 10032 : i32
    %dma_wait3A_575 = tpu.memref_slice %arg7[%dma_wait3A_574] : memref<10080xi32, #tpu.memory_space<vmem>> -> memref<48xi32, #tpu.memory_space<vmem>>
    %dma_wait3A_576 = arith.constant 0 : i32
    %dma_wait3A_577 = arith.constant 0 : i32
    %dma_wait3A_578 = tpu.memref_slice %arg2[%dma_wait3A_576, %dma_wait3A_577] : memref<10000x128xf32, #tpu.memory_space<hbm>> -> memref<10000x128xf32, #tpu.memory_space<hbm>>
    tpu.wait_indirect_dma semaphore(%arg15 : memref<!tpu.dma_semaphore, #tpu.memory_space<semaphore_mem>>) src(%dma_wait3A_578 : memref<10000x128xf32, #tpu.memory_space<hbm>>) dst(%dma_wait3A_573 : memref<48x128xf32, #tpu.memory_space<vmem>>)
    %run_scoped3A = arith.constant 104 : i32
    "tpu.region"() ({
      %run_scoped3A_981 = tpu.sem_alloc : memref<!tpu.dma_semaphore, #tpu.memory_space<semaphore_mem>>
      %dma_start3A_982 = arith.constant 0 : i32
      %dma_start3A_983 = tpu.memref_slice %arg8[%run_scoped3A, %dma_start3A_982] : memref<105x96xi32, #tpu.memory_space<vmem>> -> memref<1x96xi32, #tpu.memory_space<vmem>>
      %dma_start3A_984 = tpu.memref_squeeze %dma_start3A_983 : memref<1x96xi32, #tpu.memory_space<vmem>> -> memref<96xi32, #tpu.memory_space<vmem>>
      %dma_start3A_985 = arith.constant 0 : i32
      %dma_start3A_986 = arith.constant 0 : i32
      %dma_start3A_987 = tpu.memref_slice %arg13[%dma_start3A_985, %dma_start3A_986] : memref<10112x128xf32, #tpu.memory_space<vmem_shared>> -> memref<10112x128xf32, #tpu.memory_space<vmem_shared>>
      tpu.enqueue_indirect_dma source(%arg9 : memref<96x128xf32, #tpu.memory_space<vmem>>) target(%dma_start3A_987 : memref<10112x128xf32, #tpu.memory_space<vmem_shared>>) offsets(%dma_start3A_984 : memref<96xi32, #tpu.memory_space<vmem>>) semaphore(%run_scoped3A_981 : memref<!tpu.dma_semaphore, #tpu.memory_space<semaphore_mem>>) {add = true}
      %dma_wait3A_988 = arith.constant 0 : i32
      %dma_wait3A_989 = tpu.memref_slice %arg8[%run_scoped3A, %dma_wait3A_988] : memref<105x96xi32, #tpu.memory_space<vmem>> -> memref<1x96xi32, #tpu.memory_space<vmem>>
      %dma_wait3A_990 = tpu.memref_squeeze %dma_wait3A_989 : memref<1x96xi32, #tpu.memory_space<vmem>> -> memref<96xi32, #tpu.memory_space<vmem>>
      %dma_wait3A_991 = arith.constant 0 : i32
      %dma_wait3A_992 = arith.constant 0 : i32
      %dma_wait3A_993 = tpu.memref_slice %arg13[%dma_wait3A_991, %dma_wait3A_992] : memref<10112x128xf32, #tpu.memory_space<vmem_shared>> -> memref<10112x128xf32, #tpu.memory_space<vmem_shared>>
      tpu.wait_indirect_dma semaphore(%run_scoped3A_981 : memref<!tpu.dma_semaphore, #tpu.memory_space<semaphore_mem>>) src(%arg9 : memref<96x128xf32, #tpu.memory_space<vmem>>) dst(%dma_wait3A_993 : memref<10112x128xf32, #tpu.memory_space<vmem_shared>>)
      tpu.yield
    }) : () -> ()
    %run_scoped3A_579 = arith.constant 104 : i32
    "tpu.region"() ({
      %run_scoped3A_981 = tpu.sem_alloc : memref<!tpu.dma_semaphore, #tpu.memory_space<semaphore_mem>>
      %dma_start3A_982 = arith.constant 0 : i32
      %dma_start3A_983 = tpu.memref_slice %arg8[%run_scoped3A_579, %dma_start3A_982] : memref<105x96xi32, #tpu.memory_space<vmem>> -> memref<1x96xi32, #tpu.memory_space<vmem>>
      %dma_start3A_984 = tpu.memref_squeeze %dma_start3A_983 : memref<1x96xi32, #tpu.memory_space<vmem>> -> memref<96xi32, #tpu.memory_space<vmem>>
      %dma_start3A_985 = arith.constant 0 : i32
      %dma_start3A_986 = tpu.memref_slice %arg14[%dma_start3A_985] : memref<10112xf32, #tpu.memory_space<vmem_shared>> -> memref<10112xf32, #tpu.memory_space<vmem_shared>>
      tpu.enqueue_indirect_dma source(%arg12 : memref<96xf32, #tpu.memory_space<vmem>>) target(%dma_start3A_986 : memref<10112xf32, #tpu.memory_space<vmem_shared>>) offsets(%dma_start3A_984 : memref<96xi32, #tpu.memory_space<vmem>>) semaphore(%run_scoped3A_981 : memref<!tpu.dma_semaphore, #tpu.memory_space<semaphore_mem>>) {add = true}
      %dma_wait3A_987 = arith.constant 0 : i32
      %dma_wait3A_988 = tpu.memref_slice %arg8[%run_scoped3A_579, %dma_wait3A_987] : memref<105x96xi32, #tpu.memory_space<vmem>> -> memref<1x96xi32, #tpu.memory_space<vmem>>
      %dma_wait3A_989 = tpu.memref_squeeze %dma_wait3A_988 : memref<1x96xi32, #tpu.memory_space<vmem>> -> memref<96xi32, #tpu.memory_space<vmem>>
      %dma_wait3A_990 = arith.constant 0 : i32
      %dma_wait3A_991 = tpu.memref_slice %arg14[%dma_wait3A_990] : memref<10112xf32, #tpu.memory_space<vmem_shared>> -> memref<10112xf32, #tpu.memory_space<vmem_shared>>
      tpu.wait_indirect_dma semaphore(%run_scoped3A_981 : memref<!tpu.dma_semaphore, #tpu.memory_space<semaphore_mem>>) src(%arg12 : memref<96xf32, #tpu.memory_space<vmem>>) dst(%dma_wait3A_991 : memref<10112xf32, #tpu.memory_space<vmem_shared>>)
      tpu.yield
    }) : () -> ()
    %barrier3A_580 = arith.constant 0 : index
    tpu.barrier barrier_id(%barrier3A_580)
    %mul3A_581 = arith.constant 632 : i32
    %mul3A_582 = arith.muli %arg1, %mul3A_581 : i32
    %mul3A_583 = arith.constant 10112 : i32
    %mul3A_584 = arith.muli %arg0, %mul3A_583 : i32
    %add3A_585 = arith.addi %mul3A_584, %mul3A_582 : i32
    "tpu.region"() ({
      %run_scoped3A_981 = tpu.sem_alloc : memref<!tpu.dma_semaphore, #tpu.memory_space<semaphore_mem>>
      %dma_start3A_982 = arith.constant 0 : i32
      %dma_start3A_983 = tpu.memref_slice %arg5[%add3A_585, %dma_start3A_982] : memref<20224x128xf32, #tpu.memory_space<hbm>> -> memref<632x128xf32, #tpu.memory_space<hbm>>
      %dma_start3A_984 = arith.constant 0 : i32
      %dma_start3A_985 = tpu.memref_slice %arg13[%mul3A_582, %dma_start3A_984] : memref<10112x128xf32, #tpu.memory_space<vmem_shared>> -> memref<632x128xf32, #tpu.memory_space<vmem_shared>>
      tpu.enqueue_dma source(%dma_start3A_985 : memref<632x128xf32, #tpu.memory_space<vmem_shared>>) target(%dma_start3A_983 : memref<632x128xf32, #tpu.memory_space<hbm>>) target_semaphore(%run_scoped3A_981 : memref<!tpu.dma_semaphore, #tpu.memory_space<semaphore_mem>>)
      %dma_wait3A_986 = arith.constant 0 : i32
      %dma_wait3A_987 = tpu.memref_slice %arg5[%add3A_585, %dma_wait3A_986] : memref<20224x128xf32, #tpu.memory_space<hbm>> -> memref<632x128xf32, #tpu.memory_space<hbm>>
      %dma_wait3A_988 = arith.constant 0 : i32
      %dma_wait3A_989 = tpu.memref_slice %arg13[%mul3A_582, %dma_wait3A_988] : memref<10112x128xf32, #tpu.memory_space<vmem_shared>> -> memref<632x128xf32, #tpu.memory_space<vmem_shared>>
      tpu.wait_dma2 semaphore(%run_scoped3A_981 : memref<!tpu.dma_semaphore, #tpu.memory_space<semaphore_mem>>) src(%dma_wait3A_989 : memref<632x128xf32, #tpu.memory_space<vmem_shared>>) dst(%dma_wait3A_987 : memref<632x128xf32, #tpu.memory_space<hbm>>)
      tpu.yield
    }) : () -> ()
    %eq3A_586 = arith.constant 0 : i32
    %eq3A_587 = arith.cmpi eq, %arg1, %eq3A_586 : i32
    %convert_element_type3A_588 = arith.extui %eq3A_587 : i1 to i32
    %cond3A_589 = arith.constant 0 : i32
    %cond3A_590 = arith.cmpi ne, %convert_element_type3A_588, %cond3A_589 : i32
    scf.if %cond3A_590 {
      %mul3A_981 = arith.constant 10112 : i32
      %mul3A_982 = arith.muli %arg0, %mul3A_981 : i32
      %add3A_983 = arith.constant 0 : i32
      %add3A_984 = arith.addi %mul3A_982, %add3A_983 : i32
      "tpu.region"() ({
        %run_scoped3A_985 = tpu.sem_alloc : memref<!tpu.dma_semaphore, #tpu.memory_space<semaphore_mem>>
        %dma_start3A_986 = tpu.memref_slice %arg6[%add3A_984] : memref<20224xf32, #tpu.memory_space<hbm>> -> memref<128xf32, #tpu.memory_space<hbm>>
        %dma_start3A_987 = arith.constant 0 : i32
        %dma_start3A_988 = tpu.memref_slice %arg14[%dma_start3A_987] : memref<10112xf32, #tpu.memory_space<vmem_shared>> -> memref<128xf32, #tpu.memory_space<vmem_shared>>
        tpu.enqueue_dma source(%dma_start3A_988 : memref<128xf32, #tpu.memory_space<vmem_shared>>) target(%dma_start3A_986 : memref<128xf32, #tpu.memory_space<hbm>>) target_semaphore(%run_scoped3A_985 : memref<!tpu.dma_semaphore, #tpu.memory_space<semaphore_mem>>)
        %dma_wait3A_989 = tpu.memref_slice %arg6[%add3A_984] : memref<20224xf32, #tpu.memory_space<hbm>> -> memref<128xf32, #tpu.memory_space<hbm>>
        %dma_wait3A_990 = arith.constant 0 : i32
        %dma_wait3A_991 = tpu.memref_slice %arg14[%dma_wait3A_990] : memref<10112xf32, #tpu.memory_space<vmem_shared>> -> memref<128xf32, #tpu.memory_space<vmem_shared>>
        tpu.wait_dma2 semaphore(%run_scoped3A_985 : memref<!tpu.dma_semaphore, #tpu.memory_space<semaphore_mem>>) src(%dma_wait3A_991 : memref<128xf32, #tpu.memory_space<vmem_shared>>) dst(%dma_wait3A_989 : memref<128xf32, #tpu.memory_space<hbm>>)
        tpu.yield
      }) : () -> ()
    } else {
    }
    %eq3A_591 = arith.constant 1 : i32
    %eq3A_592 = arith.cmpi eq, %arg1, %eq3A_591 : i32
    %convert_element_type3A_593 = arith.extui %eq3A_592 : i1 to i32
    %cond3A_594 = arith.constant 0 : i32
    %cond3A_595 = arith.cmpi ne, %convert_element_type3A_593, %cond3A_594 : i32
    scf.if %cond3A_595 {
      %mul3A_981 = arith.constant 10112 : i32
      %mul3A_982 = arith.muli %arg0, %mul3A_981 : i32
      %add3A_983 = arith.constant 128 : i32
      %add3A_984 = arith.addi %mul3A_982, %add3A_983 : i32
      "tpu.region"() ({
        %run_scoped3A_985 = tpu.sem_alloc : memref<!tpu.dma_semaphore, #tpu.memory_space<semaphore_mem>>
        %dma_start3A_986 = tpu.memref_slice %arg6[%add3A_984] : memref<20224xf32, #tpu.memory_space<hbm>> -> memref<128xf32, #tpu.memory_space<hbm>>
        %dma_start3A_987 = arith.constant 128 : i32
        %dma_start3A_988 = tpu.memref_slice %arg14[%dma_start3A_987] : memref<10112xf32, #tpu.memory_space<vmem_shared>> -> memref<128xf32, #tpu.memory_space<vmem_shared>>
        tpu.enqueue_dma source(%dma_start3A_988 : memref<128xf32, #tpu.memory_space<vmem_shared>>) target(%dma_start3A_986 : memref<128xf32, #tpu.memory_space<hbm>>) target_semaphore(%run_scoped3A_985 : memref<!tpu.dma_semaphore, #tpu.memory_space<semaphore_mem>>)
        %dma_wait3A_989 = tpu.memref_slice %arg6[%add3A_984] : memref<20224xf32, #tpu.memory_space<hbm>> -> memref<128xf32, #tpu.memory_space<hbm>>
        %dma_wait3A_990 = arith.constant 128 : i32
        %dma_wait3A_991 = tpu.memref_slice %arg14[%dma_wait3A_990] : memref<10112xf32, #tpu.memory_space<vmem_shared>> -> memref<128xf32, #tpu.memory_space<vmem_shared>>
        tpu.wait_dma2 semaphore(%run_scoped3A_985 : memref<!tpu.dma_semaphore, #tpu.memory_space<semaphore_mem>>) src(%dma_wait3A_991 : memref<128xf32, #tpu.memory_space<vmem_shared>>) dst(%dma_wait3A_989 : memref<128xf32, #tpu.memory_space<hbm>>)
        tpu.yield
      }) : () -> ()
    } else {
    }
    %eq3A_596 = arith.constant 2 : i32
    %eq3A_597 = arith.cmpi eq, %arg1, %eq3A_596 : i32
    %convert_element_type3A_598 = arith.extui %eq3A_597 : i1 to i32
    %cond3A_599 = arith.constant 0 : i32
    %cond3A_600 = arith.cmpi ne, %convert_element_type3A_598, %cond3A_599 : i32
    scf.if %cond3A_600 {
      %mul3A_981 = arith.constant 10112 : i32
      %mul3A_982 = arith.muli %arg0, %mul3A_981 : i32
      %add3A_983 = arith.constant 256 : i32
      %add3A_984 = arith.addi %mul3A_982, %add3A_983 : i32
      "tpu.region"() ({
        %run_scoped3A_985 = tpu.sem_alloc : memref<!tpu.dma_semaphore, #tpu.memory_space<semaphore_mem>>
        %dma_start3A_986 = tpu.memref_slice %arg6[%add3A_984] : memref<20224xf32, #tpu.memory_space<hbm>> -> memref<128xf32, #tpu.memory_space<hbm>>
        %dma_start3A_987 = arith.constant 256 : i32
        %dma_start3A_988 = tpu.memref_slice %arg14[%dma_start3A_987] : memref<10112xf32, #tpu.memory_space<vmem_shared>> -> memref<128xf32, #tpu.memory_space<vmem_shared>>
        tpu.enqueue_dma source(%dma_start3A_988 : memref<128xf32, #tpu.memory_space<vmem_shared>>) target(%dma_start3A_986 : memref<128xf32, #tpu.memory_space<hbm>>) target_semaphore(%run_scoped3A_985 : memref<!tpu.dma_semaphore, #tpu.memory_space<semaphore_mem>>)
        %dma_wait3A_989 = tpu.memref_slice %arg6[%add3A_984] : memref<20224xf32, #tpu.memory_space<hbm>> -> memref<128xf32, #tpu.memory_space<hbm>>
        %dma_wait3A_990 = arith.constant 256 : i32
        %dma_wait3A_991 = tpu.memref_slice %arg14[%dma_wait3A_990] : memref<10112xf32, #tpu.memory_space<vmem_shared>> -> memref<128xf32, #tpu.memory_space<vmem_shared>>
        tpu.wait_dma2 semaphore(%run_scoped3A_985 : memref<!tpu.dma_semaphore, #tpu.memory_space<semaphore_mem>>) src(%dma_wait3A_991 : memref<128xf32, #tpu.memory_space<vmem_shared>>) dst(%dma_wait3A_989 : memref<128xf32, #tpu.memory_space<hbm>>)
        tpu.yield
      }) : () -> ()
    } else {
    }
    %eq3A_601 = arith.constant 3 : i32
    %eq3A_602 = arith.cmpi eq, %arg1, %eq3A_601 : i32
    %convert_element_type3A_603 = arith.extui %eq3A_602 : i1 to i32
    %cond3A_604 = arith.constant 0 : i32
    %cond3A_605 = arith.cmpi ne, %convert_element_type3A_603, %cond3A_604 : i32
    scf.if %cond3A_605 {
      %mul3A_981 = arith.constant 10112 : i32
      %mul3A_982 = arith.muli %arg0, %mul3A_981 : i32
      %add3A_983 = arith.constant 384 : i32
      %add3A_984 = arith.addi %mul3A_982, %add3A_983 : i32
      "tpu.region"() ({
        %run_scoped3A_985 = tpu.sem_alloc : memref<!tpu.dma_semaphore, #tpu.memory_space<semaphore_mem>>
        %dma_start3A_986 = tpu.memref_slice %arg6[%add3A_984] : memref<20224xf32, #tpu.memory_space<hbm>> -> memref<128xf32, #tpu.memory_space<hbm>>
        %dma_start3A_987 = arith.constant 384 : i32
        %dma_start3A_988 = tpu.memref_slice %arg14[%dma_start3A_987] : memref<10112xf32, #tpu.memory_space<vmem_shared>> -> memref<128xf32, #tpu.memory_space<vmem_shared>>
        tpu.enqueue_dma source(%dma_start3A_988 : memref<128xf32, #tpu.memory_space<vmem_shared>>) target(%dma_start3A_986 : memref<128xf32, #tpu.memory_space<hbm>>) target_semaphore(%run_scoped3A_985 : memref<!tpu.dma_semaphore, #tpu.memory_space<semaphore_mem>>)
        %dma_wait3A_989 = tpu.memref_slice %arg6[%add3A_984] : memref<20224xf32, #tpu.memory_space<hbm>> -> memref<128xf32, #tpu.memory_space<hbm>>
        %dma_wait3A_990 = arith.constant 384 : i32
        %dma_wait3A_991 = tpu.memref_slice %arg14[%dma_wait3A_990] : memref<10112xf32, #tpu.memory_space<vmem_shared>> -> memref<128xf32, #tpu.memory_space<vmem_shared>>
        tpu.wait_dma2 semaphore(%run_scoped3A_985 : memref<!tpu.dma_semaphore, #tpu.memory_space<semaphore_mem>>) src(%dma_wait3A_991 : memref<128xf32, #tpu.memory_space<vmem_shared>>) dst(%dma_wait3A_989 : memref<128xf32, #tpu.memory_space<hbm>>)
        tpu.yield
      }) : () -> ()
    } else {
    }
    %eq3A_606 = arith.constant 4 : i32
    %eq3A_607 = arith.cmpi eq, %arg1, %eq3A_606 : i32
    %convert_element_type3A_608 = arith.extui %eq3A_607 : i1 to i32
    %cond3A_609 = arith.constant 0 : i32
    %cond3A_610 = arith.cmpi ne, %convert_element_type3A_608, %cond3A_609 : i32
    scf.if %cond3A_610 {
      %mul3A_981 = arith.constant 10112 : i32
      %mul3A_982 = arith.muli %arg0, %mul3A_981 : i32
      %add3A_983 = arith.constant 512 : i32
      %add3A_984 = arith.addi %mul3A_982, %add3A_983 : i32
      "tpu.region"() ({
        %run_scoped3A_985 = tpu.sem_alloc : memref<!tpu.dma_semaphore, #tpu.memory_space<semaphore_mem>>
        %dma_start3A_986 = tpu.memref_slice %arg6[%add3A_984] : memref<20224xf32, #tpu.memory_space<hbm>> -> memref<128xf32, #tpu.memory_space<hbm>>
        %dma_start3A_987 = arith.constant 512 : i32
        %dma_start3A_988 = tpu.memref_slice %arg14[%dma_start3A_987] : memref<10112xf32, #tpu.memory_space<vmem_shared>> -> memref<128xf32, #tpu.memory_space<vmem_shared>>
        tpu.enqueue_dma source(%dma_start3A_988 : memref<128xf32, #tpu.memory_space<vmem_shared>>) target(%dma_start3A_986 : memref<128xf32, #tpu.memory_space<hbm>>) target_semaphore(%run_scoped3A_985 : memref<!tpu.dma_semaphore, #tpu.memory_space<semaphore_mem>>)
        %dma_wait3A_989 = tpu.memref_slice %arg6[%add3A_984] : memref<20224xf32, #tpu.memory_space<hbm>> -> memref<128xf32, #tpu.memory_space<hbm>>
        %dma_wait3A_990 = arith.constant 512 : i32
        %dma_wait3A_991 = tpu.memref_slice %arg14[%dma_wait3A_990] : memref<10112xf32, #tpu.memory_space<vmem_shared>> -> memref<128xf32, #tpu.memory_space<vmem_shared>>
        tpu.wait_dma2 semaphore(%run_scoped3A_985 : memref<!tpu.dma_semaphore, #tpu.memory_space<semaphore_mem>>) src(%dma_wait3A_991 : memref<128xf32, #tpu.memory_space<vmem_shared>>) dst(%dma_wait3A_989 : memref<128xf32, #tpu.memory_space<hbm>>)
        tpu.yield
      }) : () -> ()
    } else {
    }
    %eq3A_611 = arith.constant 5 : i32
    %eq3A_612 = arith.cmpi eq, %arg1, %eq3A_611 : i32
    %convert_element_type3A_613 = arith.extui %eq3A_612 : i1 to i32
    %cond3A_614 = arith.constant 0 : i32
    %cond3A_615 = arith.cmpi ne, %convert_element_type3A_613, %cond3A_614 : i32
    scf.if %cond3A_615 {
      %mul3A_981 = arith.constant 10112 : i32
      %mul3A_982 = arith.muli %arg0, %mul3A_981 : i32
      %add3A_983 = arith.constant 640 : i32
      %add3A_984 = arith.addi %mul3A_982, %add3A_983 : i32
      "tpu.region"() ({
        %run_scoped3A_985 = tpu.sem_alloc : memref<!tpu.dma_semaphore, #tpu.memory_space<semaphore_mem>>
        %dma_start3A_986 = tpu.memref_slice %arg6[%add3A_984] : memref<20224xf32, #tpu.memory_space<hbm>> -> memref<128xf32, #tpu.memory_space<hbm>>
        %dma_start3A_987 = arith.constant 640 : i32
        %dma_start3A_988 = tpu.memref_slice %arg14[%dma_start3A_987] : memref<10112xf32, #tpu.memory_space<vmem_shared>> -> memref<128xf32, #tpu.memory_space<vmem_shared>>
        tpu.enqueue_dma source(%dma_start3A_988 : memref<128xf32, #tpu.memory_space<vmem_shared>>) target(%dma_start3A_986 : memref<128xf32, #tpu.memory_space<hbm>>) target_semaphore(%run_scoped3A_985 : memref<!tpu.dma_semaphore, #tpu.memory_space<semaphore_mem>>)
        %dma_wait3A_989 = tpu.memref_slice %arg6[%add3A_984] : memref<20224xf32, #tpu.memory_space<hbm>> -> memref<128xf32, #tpu.memory_space<hbm>>
        %dma_wait3A_990 = arith.constant 640 : i32
        %dma_wait3A_991 = tpu.memref_slice %arg14[%dma_wait3A_990] : memref<10112xf32, #tpu.memory_space<vmem_shared>> -> memref<128xf32, #tpu.memory_space<vmem_shared>>
        tpu.wait_dma2 semaphore(%run_scoped3A_985 : memref<!tpu.dma_semaphore, #tpu.memory_space<semaphore_mem>>) src(%dma_wait3A_991 : memref<128xf32, #tpu.memory_space<vmem_shared>>) dst(%dma_wait3A_989 : memref<128xf32, #tpu.memory_space<hbm>>)
        tpu.yield
      }) : () -> ()
    } else {
    }
    %eq3A_616 = arith.constant 6 : i32
    %eq3A_617 = arith.cmpi eq, %arg1, %eq3A_616 : i32
    %convert_element_type3A_618 = arith.extui %eq3A_617 : i1 to i32
    %cond3A_619 = arith.constant 0 : i32
    %cond3A_620 = arith.cmpi ne, %convert_element_type3A_618, %cond3A_619 : i32
    scf.if %cond3A_620 {
      %mul3A_981 = arith.constant 10112 : i32
      %mul3A_982 = arith.muli %arg0, %mul3A_981 : i32
      %add3A_983 = arith.constant 768 : i32
      %add3A_984 = arith.addi %mul3A_982, %add3A_983 : i32
      "tpu.region"() ({
        %run_scoped3A_985 = tpu.sem_alloc : memref<!tpu.dma_semaphore, #tpu.memory_space<semaphore_mem>>
        %dma_start3A_986 = tpu.memref_slice %arg6[%add3A_984] : memref<20224xf32, #tpu.memory_space<hbm>> -> memref<128xf32, #tpu.memory_space<hbm>>
        %dma_start3A_987 = arith.constant 768 : i32
        %dma_start3A_988 = tpu.memref_slice %arg14[%dma_start3A_987] : memref<10112xf32, #tpu.memory_space<vmem_shared>> -> memref<128xf32, #tpu.memory_space<vmem_shared>>
        tpu.enqueue_dma source(%dma_start3A_988 : memref<128xf32, #tpu.memory_space<vmem_shared>>) target(%dma_start3A_986 : memref<128xf32, #tpu.memory_space<hbm>>) target_semaphore(%run_scoped3A_985 : memref<!tpu.dma_semaphore, #tpu.memory_space<semaphore_mem>>)
        %dma_wait3A_989 = tpu.memref_slice %arg6[%add3A_984] : memref<20224xf32, #tpu.memory_space<hbm>> -> memref<128xf32, #tpu.memory_space<hbm>>
        %dma_wait3A_990 = arith.constant 768 : i32
        %dma_wait3A_991 = tpu.memref_slice %arg14[%dma_wait3A_990] : memref<10112xf32, #tpu.memory_space<vmem_shared>> -> memref<128xf32, #tpu.memory_space<vmem_shared>>
        tpu.wait_dma2 semaphore(%run_scoped3A_985 : memref<!tpu.dma_semaphore, #tpu.memory_space<semaphore_mem>>) src(%dma_wait3A_991 : memref<128xf32, #tpu.memory_space<vmem_shared>>) dst(%dma_wait3A_989 : memref<128xf32, #tpu.memory_space<hbm>>)
        tpu.yield
      }) : () -> ()
    } else {
    }
    %eq3A_621 = arith.constant 7 : i32
    %eq3A_622 = arith.cmpi eq, %arg1, %eq3A_621 : i32
    %convert_element_type3A_623 = arith.extui %eq3A_622 : i1 to i32
    %cond3A_624 = arith.constant 0 : i32
    %cond3A_625 = arith.cmpi ne, %convert_element_type3A_623, %cond3A_624 : i32
    scf.if %cond3A_625 {
      %mul3A_981 = arith.constant 10112 : i32
      %mul3A_982 = arith.muli %arg0, %mul3A_981 : i32
      %add3A_983 = arith.constant 896 : i32
      %add3A_984 = arith.addi %mul3A_982, %add3A_983 : i32
      "tpu.region"() ({
        %run_scoped3A_985 = tpu.sem_alloc : memref<!tpu.dma_semaphore, #tpu.memory_space<semaphore_mem>>
        %dma_start3A_986 = tpu.memref_slice %arg6[%add3A_984] : memref<20224xf32, #tpu.memory_space<hbm>> -> memref<128xf32, #tpu.memory_space<hbm>>
        %dma_start3A_987 = arith.constant 896 : i32
        %dma_start3A_988 = tpu.memref_slice %arg14[%dma_start3A_987] : memref<10112xf32, #tpu.memory_space<vmem_shared>> -> memref<128xf32, #tpu.memory_space<vmem_shared>>
        tpu.enqueue_dma source(%dma_start3A_988 : memref<128xf32, #tpu.memory_space<vmem_shared>>) target(%dma_start3A_986 : memref<128xf32, #tpu.memory_space<hbm>>) target_semaphore(%run_scoped3A_985 : memref<!tpu.dma_semaphore, #tpu.memory_space<semaphore_mem>>)
        %dma_wait3A_989 = tpu.memref_slice %arg6[%add3A_984] : memref<20224xf32, #tpu.memory_space<hbm>> -> memref<128xf32, #tpu.memory_space<hbm>>
        %dma_wait3A_990 = arith.constant 896 : i32
        %dma_wait3A_991 = tpu.memref_slice %arg14[%dma_wait3A_990] : memref<10112xf32, #tpu.memory_space<vmem_shared>> -> memref<128xf32, #tpu.memory_space<vmem_shared>>
        tpu.wait_dma2 semaphore(%run_scoped3A_985 : memref<!tpu.dma_semaphore, #tpu.memory_space<semaphore_mem>>) src(%dma_wait3A_991 : memref<128xf32, #tpu.memory_space<vmem_shared>>) dst(%dma_wait3A_989 : memref<128xf32, #tpu.memory_space<hbm>>)
        tpu.yield
      }) : () -> ()
    } else {
    }
    %eq3A_626 = arith.constant 8 : i32
    %eq3A_627 = arith.cmpi eq, %arg1, %eq3A_626 : i32
    %convert_element_type3A_628 = arith.extui %eq3A_627 : i1 to i32
    %cond3A_629 = arith.constant 0 : i32
    %cond3A_630 = arith.cmpi ne, %convert_element_type3A_628, %cond3A_629 : i32
    scf.if %cond3A_630 {
      %mul3A_981 = arith.constant 10112 : i32
      %mul3A_982 = arith.muli %arg0, %mul3A_981 : i32
      %add3A_983 = arith.constant 1024 : i32
      %add3A_984 = arith.addi %mul3A_982, %add3A_983 : i32
      "tpu.region"() ({
        %run_scoped3A_985 = tpu.sem_alloc : memref<!tpu.dma_semaphore, #tpu.memory_space<semaphore_mem>>
        %dma_start3A_986 = tpu.memref_slice %arg6[%add3A_984] : memref<20224xf32, #tpu.memory_space<hbm>> -> memref<128xf32, #tpu.memory_space<hbm>>
        %dma_start3A_987 = arith.constant 1024 : i32
        %dma_start3A_988 = tpu.memref_slice %arg14[%dma_start3A_987] : memref<10112xf32, #tpu.memory_space<vmem_shared>> -> memref<128xf32, #tpu.memory_space<vmem_shared>>
        tpu.enqueue_dma source(%dma_start3A_988 : memref<128xf32, #tpu.memory_space<vmem_shared>>) target(%dma_start3A_986 : memref<128xf32, #tpu.memory_space<hbm>>) target_semaphore(%run_scoped3A_985 : memref<!tpu.dma_semaphore, #tpu.memory_space<semaphore_mem>>)
        %dma_wait3A_989 = tpu.memref_slice %arg6[%add3A_984] : memref<20224xf32, #tpu.memory_space<hbm>> -> memref<128xf32, #tpu.memory_space<hbm>>
        %dma_wait3A_990 = arith.constant 1024 : i32
        %dma_wait3A_991 = tpu.memref_slice %arg14[%dma_wait3A_990] : memref<10112xf32, #tpu.memory_space<vmem_shared>> -> memref<128xf32, #tpu.memory_space<vmem_shared>>
        tpu.wait_dma2 semaphore(%run_scoped3A_985 : memref<!tpu.dma_semaphore, #tpu.memory_space<semaphore_mem>>) src(%dma_wait3A_991 : memref<128xf32, #tpu.memory_space<vmem_shared>>) dst(%dma_wait3A_989 : memref<128xf32, #tpu.memory_space<hbm>>)
        tpu.yield
      }) : () -> ()
    } else {
    }
    %eq3A_631 = arith.constant 9 : i32
    %eq3A_632 = arith.cmpi eq, %arg1, %eq3A_631 : i32
    %convert_element_type3A_633 = arith.extui %eq3A_632 : i1 to i32
    %cond3A_634 = arith.constant 0 : i32
    %cond3A_635 = arith.cmpi ne, %convert_element_type3A_633, %cond3A_634 : i32
    scf.if %cond3A_635 {
      %mul3A_981 = arith.constant 10112 : i32
      %mul3A_982 = arith.muli %arg0, %mul3A_981 : i32
      %add3A_983 = arith.constant 1152 : i32
      %add3A_984 = arith.addi %mul3A_982, %add3A_983 : i32
      "tpu.region"() ({
        %run_scoped3A_985 = tpu.sem_alloc : memref<!tpu.dma_semaphore, #tpu.memory_space<semaphore_mem>>
        %dma_start3A_986 = tpu.memref_slice %arg6[%add3A_984] : memref<20224xf32, #tpu.memory_space<hbm>> -> memref<128xf32, #tpu.memory_space<hbm>>
        %dma_start3A_987 = arith.constant 1152 : i32
        %dma_start3A_988 = tpu.memref_slice %arg14[%dma_start3A_987] : memref<10112xf32, #tpu.memory_space<vmem_shared>> -> memref<128xf32, #tpu.memory_space<vmem_shared>>
        tpu.enqueue_dma source(%dma_start3A_988 : memref<128xf32, #tpu.memory_space<vmem_shared>>) target(%dma_start3A_986 : memref<128xf32, #tpu.memory_space<hbm>>) target_semaphore(%run_scoped3A_985 : memref<!tpu.dma_semaphore, #tpu.memory_space<semaphore_mem>>)
        %dma_wait3A_989 = tpu.memref_slice %arg6[%add3A_984] : memref<20224xf32, #tpu.memory_space<hbm>> -> memref<128xf32, #tpu.memory_space<hbm>>
        %dma_wait3A_990 = arith.constant 1152 : i32
        %dma_wait3A_991 = tpu.memref_slice %arg14[%dma_wait3A_990] : memref<10112xf32, #tpu.memory_space<vmem_shared>> -> memref<128xf32, #tpu.memory_space<vmem_shared>>
        tpu.wait_dma2 semaphore(%run_scoped3A_985 : memref<!tpu.dma_semaphore, #tpu.memory_space<semaphore_mem>>) src(%dma_wait3A_991 : memref<128xf32, #tpu.memory_space<vmem_shared>>) dst(%dma_wait3A_989 : memref<128xf32, #tpu.memory_space<hbm>>)
        tpu.yield
      }) : () -> ()
    } else {
    }
    %eq3A_636 = arith.constant 10 : i32
    %eq3A_637 = arith.cmpi eq, %arg1, %eq3A_636 : i32
    %convert_element_type3A_638 = arith.extui %eq3A_637 : i1 to i32
    %cond3A_639 = arith.constant 0 : i32
    %cond3A_640 = arith.cmpi ne, %convert_element_type3A_638, %cond3A_639 : i32
    scf.if %cond3A_640 {
      %mul3A_981 = arith.constant 10112 : i32
      %mul3A_982 = arith.muli %arg0, %mul3A_981 : i32
      %add3A_983 = arith.constant 1280 : i32
      %add3A_984 = arith.addi %mul3A_982, %add3A_983 : i32
      "tpu.region"() ({
        %run_scoped3A_985 = tpu.sem_alloc : memref<!tpu.dma_semaphore, #tpu.memory_space<semaphore_mem>>
        %dma_start3A_986 = tpu.memref_slice %arg6[%add3A_984] : memref<20224xf32, #tpu.memory_space<hbm>> -> memref<128xf32, #tpu.memory_space<hbm>>
        %dma_start3A_987 = arith.constant 1280 : i32
        %dma_start3A_988 = tpu.memref_slice %arg14[%dma_start3A_987] : memref<10112xf32, #tpu.memory_space<vmem_shared>> -> memref<128xf32, #tpu.memory_space<vmem_shared>>
        tpu.enqueue_dma source(%dma_start3A_988 : memref<128xf32, #tpu.memory_space<vmem_shared>>) target(%dma_start3A_986 : memref<128xf32, #tpu.memory_space<hbm>>) target_semaphore(%run_scoped3A_985 : memref<!tpu.dma_semaphore, #tpu.memory_space<semaphore_mem>>)
        %dma_wait3A_989 = tpu.memref_slice %arg6[%add3A_984] : memref<20224xf32, #tpu.memory_space<hbm>> -> memref<128xf32, #tpu.memory_space<hbm>>
        %dma_wait3A_990 = arith.constant 1280 : i32
        %dma_wait3A_991 = tpu.memref_slice %arg14[%dma_wait3A_990] : memref<10112xf32, #tpu.memory_space<vmem_shared>> -> memref<128xf32, #tpu.memory_space<vmem_shared>>
        tpu.wait_dma2 semaphore(%run_scoped3A_985 : memref<!tpu.dma_semaphore, #tpu.memory_space<semaphore_mem>>) src(%dma_wait3A_991 : memref<128xf32, #tpu.memory_space<vmem_shared>>) dst(%dma_wait3A_989 : memref<128xf32, #tpu.memory_space<hbm>>)
        tpu.yield
      }) : () -> ()
    } else {
    }
    %eq3A_641 = arith.constant 11 : i32
    %eq3A_642 = arith.cmpi eq, %arg1, %eq3A_641 : i32
    %convert_element_type3A_643 = arith.extui %eq3A_642 : i1 to i32
    %cond3A_644 = arith.constant 0 : i32
    %cond3A_645 = arith.cmpi ne, %convert_element_type3A_643, %cond3A_644 : i32
    scf.if %cond3A_645 {
      %mul3A_981 = arith.constant 10112 : i32
      %mul3A_982 = arith.muli %arg0, %mul3A_981 : i32
      %add3A_983 = arith.constant 1408 : i32
      %add3A_984 = arith.addi %mul3A_982, %add3A_983 : i32
      "tpu.region"() ({
        %run_scoped3A_985 = tpu.sem_alloc : memref<!tpu.dma_semaphore, #tpu.memory_space<semaphore_mem>>
        %dma_start3A_986 = tpu.memref_slice %arg6[%add3A_984] : memref<20224xf32, #tpu.memory_space<hbm>> -> memref<128xf32, #tpu.memory_space<hbm>>
        %dma_start3A_987 = arith.constant 1408 : i32
        %dma_start3A_988 = tpu.memref_slice %arg14[%dma_start3A_987] : memref<10112xf32, #tpu.memory_space<vmem_shared>> -> memref<128xf32, #tpu.memory_space<vmem_shared>>
        tpu.enqueue_dma source(%dma_start3A_988 : memref<128xf32, #tpu.memory_space<vmem_shared>>) target(%dma_start3A_986 : memref<128xf32, #tpu.memory_space<hbm>>) target_semaphore(%run_scoped3A_985 : memref<!tpu.dma_semaphore, #tpu.memory_space<semaphore_mem>>)
        %dma_wait3A_989 = tpu.memref_slice %arg6[%add3A_984] : memref<20224xf32, #tpu.memory_space<hbm>> -> memref<128xf32, #tpu.memory_space<hbm>>
        %dma_wait3A_990 = arith.constant 1408 : i32
        %dma_wait3A_991 = tpu.memref_slice %arg14[%dma_wait3A_990] : memref<10112xf32, #tpu.memory_space<vmem_shared>> -> memref<128xf32, #tpu.memory_space<vmem_shared>>
        tpu.wait_dma2 semaphore(%run_scoped3A_985 : memref<!tpu.dma_semaphore, #tpu.memory_space<semaphore_mem>>) src(%dma_wait3A_991 : memref<128xf32, #tpu.memory_space<vmem_shared>>) dst(%dma_wait3A_989 : memref<128xf32, #tpu.memory_space<hbm>>)
        tpu.yield
      }) : () -> ()
    } else {
    }
    %eq3A_646 = arith.constant 12 : i32
    %eq3A_647 = arith.cmpi eq, %arg1, %eq3A_646 : i32
    %convert_element_type3A_648 = arith.extui %eq3A_647 : i1 to i32
    %cond3A_649 = arith.constant 0 : i32
    %cond3A_650 = arith.cmpi ne, %convert_element_type3A_648, %cond3A_649 : i32
    scf.if %cond3A_650 {
      %mul3A_981 = arith.constant 10112 : i32
      %mul3A_982 = arith.muli %arg0, %mul3A_981 : i32
      %add3A_983 = arith.constant 1536 : i32
      %add3A_984 = arith.addi %mul3A_982, %add3A_983 : i32
      "tpu.region"() ({
        %run_scoped3A_985 = tpu.sem_alloc : memref<!tpu.dma_semaphore, #tpu.memory_space<semaphore_mem>>
        %dma_start3A_986 = tpu.memref_slice %arg6[%add3A_984] : memref<20224xf32, #tpu.memory_space<hbm>> -> memref<128xf32, #tpu.memory_space<hbm>>
        %dma_start3A_987 = arith.constant 1536 : i32
        %dma_start3A_988 = tpu.memref_slice %arg14[%dma_start3A_987] : memref<10112xf32, #tpu.memory_space<vmem_shared>> -> memref<128xf32, #tpu.memory_space<vmem_shared>>
        tpu.enqueue_dma source(%dma_start3A_988 : memref<128xf32, #tpu.memory_space<vmem_shared>>) target(%dma_start3A_986 : memref<128xf32, #tpu.memory_space<hbm>>) target_semaphore(%run_scoped3A_985 : memref<!tpu.dma_semaphore, #tpu.memory_space<semaphore_mem>>)
        %dma_wait3A_989 = tpu.memref_slice %arg6[%add3A_984] : memref<20224xf32, #tpu.memory_space<hbm>> -> memref<128xf32, #tpu.memory_space<hbm>>
        %dma_wait3A_990 = arith.constant 1536 : i32
        %dma_wait3A_991 = tpu.memref_slice %arg14[%dma_wait3A_990] : memref<10112xf32, #tpu.memory_space<vmem_shared>> -> memref<128xf32, #tpu.memory_space<vmem_shared>>
        tpu.wait_dma2 semaphore(%run_scoped3A_985 : memref<!tpu.dma_semaphore, #tpu.memory_space<semaphore_mem>>) src(%dma_wait3A_991 : memref<128xf32, #tpu.memory_space<vmem_shared>>) dst(%dma_wait3A_989 : memref<128xf32, #tpu.memory_space<hbm>>)
        tpu.yield
      }) : () -> ()
    } else {
    }
    %eq3A_651 = arith.constant 13 : i32
    %eq3A_652 = arith.cmpi eq, %arg1, %eq3A_651 : i32
    %convert_element_type3A_653 = arith.extui %eq3A_652 : i1 to i32
    %cond3A_654 = arith.constant 0 : i32
    %cond3A_655 = arith.cmpi ne, %convert_element_type3A_653, %cond3A_654 : i32
    scf.if %cond3A_655 {
      %mul3A_981 = arith.constant 10112 : i32
      %mul3A_982 = arith.muli %arg0, %mul3A_981 : i32
      %add3A_983 = arith.constant 1664 : i32
      %add3A_984 = arith.addi %mul3A_982, %add3A_983 : i32
      "tpu.region"() ({
        %run_scoped3A_985 = tpu.sem_alloc : memref<!tpu.dma_semaphore, #tpu.memory_space<semaphore_mem>>
        %dma_start3A_986 = tpu.memref_slice %arg6[%add3A_984] : memref<20224xf32, #tpu.memory_space<hbm>> -> memref<128xf32, #tpu.memory_space<hbm>>
        %dma_start3A_987 = arith.constant 1664 : i32
        %dma_start3A_988 = tpu.memref_slice %arg14[%dma_start3A_987] : memref<10112xf32, #tpu.memory_space<vmem_shared>> -> memref<128xf32, #tpu.memory_space<vmem_shared>>
        tpu.enqueue_dma source(%dma_start3A_988 : memref<128xf32, #tpu.memory_space<vmem_shared>>) target(%dma_start3A_986 : memref<128xf32, #tpu.memory_space<hbm>>) target_semaphore(%run_scoped3A_985 : memref<!tpu.dma_semaphore, #tpu.memory_space<semaphore_mem>>)
        %dma_wait3A_989 = tpu.memref_slice %arg6[%add3A_984] : memref<20224xf32, #tpu.memory_space<hbm>> -> memref<128xf32, #tpu.memory_space<hbm>>
        %dma_wait3A_990 = arith.constant 1664 : i32
        %dma_wait3A_991 = tpu.memref_slice %arg14[%dma_wait3A_990] : memref<10112xf32, #tpu.memory_space<vmem_shared>> -> memref<128xf32, #tpu.memory_space<vmem_shared>>
        tpu.wait_dma2 semaphore(%run_scoped3A_985 : memref<!tpu.dma_semaphore, #tpu.memory_space<semaphore_mem>>) src(%dma_wait3A_991 : memref<128xf32, #tpu.memory_space<vmem_shared>>) dst(%dma_wait3A_989 : memref<128xf32, #tpu.memory_space<hbm>>)
        tpu.yield
      }) : () -> ()
    } else {
    }
    %eq3A_656 = arith.constant 14 : i32
    %eq3A_657 = arith.cmpi eq, %arg1, %eq3A_656 : i32
    %convert_element_type3A_658 = arith.extui %eq3A_657 : i1 to i32
    %cond3A_659 = arith.constant 0 : i32
    %cond3A_660 = arith.cmpi ne, %convert_element_type3A_658, %cond3A_659 : i32
    scf.if %cond3A_660 {
      %mul3A_981 = arith.constant 10112 : i32
      %mul3A_982 = arith.muli %arg0, %mul3A_981 : i32
      %add3A_983 = arith.constant 1792 : i32
      %add3A_984 = arith.addi %mul3A_982, %add3A_983 : i32
      "tpu.region"() ({
        %run_scoped3A_985 = tpu.sem_alloc : memref<!tpu.dma_semaphore, #tpu.memory_space<semaphore_mem>>
        %dma_start3A_986 = tpu.memref_slice %arg6[%add3A_984] : memref<20224xf32, #tpu.memory_space<hbm>> -> memref<128xf32, #tpu.memory_space<hbm>>
        %dma_start3A_987 = arith.constant 1792 : i32
        %dma_start3A_988 = tpu.memref_slice %arg14[%dma_start3A_987] : memref<10112xf32, #tpu.memory_space<vmem_shared>> -> memref<128xf32, #tpu.memory_space<vmem_shared>>
        tpu.enqueue_dma source(%dma_start3A_988 : memref<128xf32, #tpu.memory_space<vmem_shared>>) target(%dma_start3A_986 : memref<128xf32, #tpu.memory_space<hbm>>) target_semaphore(%run_scoped3A_985 : memref<!tpu.dma_semaphore, #tpu.memory_space<semaphore_mem>>)
        %dma_wait3A_989 = tpu.memref_slice %arg6[%add3A_984] : memref<20224xf32, #tpu.memory_space<hbm>> -> memref<128xf32, #tpu.memory_space<hbm>>
        %dma_wait3A_990 = arith.constant 1792 : i32
        %dma_wait3A_991 = tpu.memref_slice %arg14[%dma_wait3A_990] : memref<10112xf32, #tpu.memory_space<vmem_shared>> -> memref<128xf32, #tpu.memory_space<vmem_shared>>
        tpu.wait_dma2 semaphore(%run_scoped3A_985 : memref<!tpu.dma_semaphore, #tpu.memory_space<semaphore_mem>>) src(%dma_wait3A_991 : memref<128xf32, #tpu.memory_space<vmem_shared>>) dst(%dma_wait3A_989 : memref<128xf32, #tpu.memory_space<hbm>>)
        tpu.yield
      }) : () -> ()
    } else {
    }
    %eq3A_661 = arith.constant 15 : i32
    %eq3A_662 = arith.cmpi eq, %arg1, %eq3A_661 : i32
    %convert_element_type3A_663 = arith.extui %eq3A_662 : i1 to i32
    %cond3A_664 = arith.constant 0 : i32
    %cond3A_665 = arith.cmpi ne, %convert_element_type3A_663, %cond3A_664 : i32
    scf.if %cond3A_665 {
      %mul3A_981 = arith.constant 10112 : i32
      %mul3A_982 = arith.muli %arg0, %mul3A_981 : i32
      %add3A_983 = arith.constant 1920 : i32
      %add3A_984 = arith.addi %mul3A_982, %add3A_983 : i32
      "tpu.region"() ({
        %run_scoped3A_985 = tpu.sem_alloc : memref<!tpu.dma_semaphore, #tpu.memory_space<semaphore_mem>>
        %dma_start3A_986 = tpu.memref_slice %arg6[%add3A_984] : memref<20224xf32, #tpu.memory_space<hbm>> -> memref<128xf32, #tpu.memory_space<hbm>>
        %dma_start3A_987 = arith.constant 1920 : i32
        %dma_start3A_988 = tpu.memref_slice %arg14[%dma_start3A_987] : memref<10112xf32, #tpu.memory_space<vmem_shared>> -> memref<128xf32, #tpu.memory_space<vmem_shared>>
        tpu.enqueue_dma source(%dma_start3A_988 : memref<128xf32, #tpu.memory_space<vmem_shared>>) target(%dma_start3A_986 : memref<128xf32, #tpu.memory_space<hbm>>) target_semaphore(%run_scoped3A_985 : memref<!tpu.dma_semaphore, #tpu.memory_space<semaphore_mem>>)
        %dma_wait3A_989 = tpu.memref_slice %arg6[%add3A_984] : memref<20224xf32, #tpu.memory_space<hbm>> -> memref<128xf32, #tpu.memory_space<hbm>>
        %dma_wait3A_990 = arith.constant 1920 : i32
        %dma_wait3A_991 = tpu.memref_slice %arg14[%dma_wait3A_990] : memref<10112xf32, #tpu.memory_space<vmem_shared>> -> memref<128xf32, #tpu.memory_space<vmem_shared>>
        tpu.wait_dma2 semaphore(%run_scoped3A_985 : memref<!tpu.dma_semaphore, #tpu.memory_space<semaphore_mem>>) src(%dma_wait3A_991 : memref<128xf32, #tpu.memory_space<vmem_shared>>) dst(%dma_wait3A_989 : memref<128xf32, #tpu.memory_space<hbm>>)
        tpu.yield
      }) : () -> ()
    } else {
    }
    %eq3A_666 = arith.constant 0 : i32
    %eq3A_667 = arith.cmpi eq, %arg1, %eq3A_666 : i32
    %convert_element_type3A_668 = arith.extui %eq3A_667 : i1 to i32
    %cond3A_669 = arith.constant 0 : i32
    %cond3A_670 = arith.cmpi ne, %convert_element_type3A_668, %cond3A_669 : i32
    scf.if %cond3A_670 {
      %mul3A_981 = arith.constant 10112 : i32
      %mul3A_982 = arith.muli %arg0, %mul3A_981 : i32
      %add3A_983 = arith.constant 2048 : i32
      %add3A_984 = arith.addi %mul3A_982, %add3A_983 : i32
      "tpu.region"() ({
        %run_scoped3A_985 = tpu.sem_alloc : memref<!tpu.dma_semaphore, #tpu.memory_space<semaphore_mem>>
        %dma_start3A_986 = tpu.memref_slice %arg6[%add3A_984] : memref<20224xf32, #tpu.memory_space<hbm>> -> memref<128xf32, #tpu.memory_space<hbm>>
        %dma_start3A_987 = arith.constant 2048 : i32
        %dma_start3A_988 = tpu.memref_slice %arg14[%dma_start3A_987] : memref<10112xf32, #tpu.memory_space<vmem_shared>> -> memref<128xf32, #tpu.memory_space<vmem_shared>>
        tpu.enqueue_dma source(%dma_start3A_988 : memref<128xf32, #tpu.memory_space<vmem_shared>>) target(%dma_start3A_986 : memref<128xf32, #tpu.memory_space<hbm>>) target_semaphore(%run_scoped3A_985 : memref<!tpu.dma_semaphore, #tpu.memory_space<semaphore_mem>>)
        %dma_wait3A_989 = tpu.memref_slice %arg6[%add3A_984] : memref<20224xf32, #tpu.memory_space<hbm>> -> memref<128xf32, #tpu.memory_space<hbm>>
        %dma_wait3A_990 = arith.constant 2048 : i32
        %dma_wait3A_991 = tpu.memref_slice %arg14[%dma_wait3A_990] : memref<10112xf32, #tpu.memory_space<vmem_shared>> -> memref<128xf32, #tpu.memory_space<vmem_shared>>
        tpu.wait_dma2 semaphore(%run_scoped3A_985 : memref<!tpu.dma_semaphore, #tpu.memory_space<semaphore_mem>>) src(%dma_wait3A_991 : memref<128xf32, #tpu.memory_space<vmem_shared>>) dst(%dma_wait3A_989 : memref<128xf32, #tpu.memory_space<hbm>>)
        tpu.yield
      }) : () -> ()
    } else {
    }
    %eq3A_671 = arith.constant 1 : i32
    %eq3A_672 = arith.cmpi eq, %arg1, %eq3A_671 : i32
    %convert_element_type3A_673 = arith.extui %eq3A_672 : i1 to i32
    %cond3A_674 = arith.constant 0 : i32
    %cond3A_675 = arith.cmpi ne, %convert_element_type3A_673, %cond3A_674 : i32
    scf.if %cond3A_675 {
      %mul3A_981 = arith.constant 10112 : i32
      %mul3A_982 = arith.muli %arg0, %mul3A_981 : i32
      %add3A_983 = arith.constant 2176 : i32
      %add3A_984 = arith.addi %mul3A_982, %add3A_983 : i32
      "tpu.region"() ({
        %run_scoped3A_985 = tpu.sem_alloc : memref<!tpu.dma_semaphore, #tpu.memory_space<semaphore_mem>>
        %dma_start3A_986 = tpu.memref_slice %arg6[%add3A_984] : memref<20224xf32, #tpu.memory_space<hbm>> -> memref<128xf32, #tpu.memory_space<hbm>>
        %dma_start3A_987 = arith.constant 2176 : i32
        %dma_start3A_988 = tpu.memref_slice %arg14[%dma_start3A_987] : memref<10112xf32, #tpu.memory_space<vmem_shared>> -> memref<128xf32, #tpu.memory_space<vmem_shared>>
        tpu.enqueue_dma source(%dma_start3A_988 : memref<128xf32, #tpu.memory_space<vmem_shared>>) target(%dma_start3A_986 : memref<128xf32, #tpu.memory_space<hbm>>) target_semaphore(%run_scoped3A_985 : memref<!tpu.dma_semaphore, #tpu.memory_space<semaphore_mem>>)
        %dma_wait3A_989 = tpu.memref_slice %arg6[%add3A_984] : memref<20224xf32, #tpu.memory_space<hbm>> -> memref<128xf32, #tpu.memory_space<hbm>>
        %dma_wait3A_990 = arith.constant 2176 : i32
        %dma_wait3A_991 = tpu.memref_slice %arg14[%dma_wait3A_990] : memref<10112xf32, #tpu.memory_space<vmem_shared>> -> memref<128xf32, #tpu.memory_space<vmem_shared>>
        tpu.wait_dma2 semaphore(%run_scoped3A_985 : memref<!tpu.dma_semaphore, #tpu.memory_space<semaphore_mem>>) src(%dma_wait3A_991 : memref<128xf32, #tpu.memory_space<vmem_shared>>) dst(%dma_wait3A_989 : memref<128xf32, #tpu.memory_space<hbm>>)
        tpu.yield
      }) : () -> ()
    } else {
    }
    %eq3A_676 = arith.constant 2 : i32
    %eq3A_677 = arith.cmpi eq, %arg1, %eq3A_676 : i32
    %convert_element_type3A_678 = arith.extui %eq3A_677 : i1 to i32
    %cond3A_679 = arith.constant 0 : i32
    %cond3A_680 = arith.cmpi ne, %convert_element_type3A_678, %cond3A_679 : i32
    scf.if %cond3A_680 {
      %mul3A_981 = arith.constant 10112 : i32
      %mul3A_982 = arith.muli %arg0, %mul3A_981 : i32
      %add3A_983 = arith.constant 2304 : i32
      %add3A_984 = arith.addi %mul3A_982, %add3A_983 : i32
      "tpu.region"() ({
        %run_scoped3A_985 = tpu.sem_alloc : memref<!tpu.dma_semaphore, #tpu.memory_space<semaphore_mem>>
        %dma_start3A_986 = tpu.memref_slice %arg6[%add3A_984] : memref<20224xf32, #tpu.memory_space<hbm>> -> memref<128xf32, #tpu.memory_space<hbm>>
        %dma_start3A_987 = arith.constant 2304 : i32
        %dma_start3A_988 = tpu.memref_slice %arg14[%dma_start3A_987] : memref<10112xf32, #tpu.memory_space<vmem_shared>> -> memref<128xf32, #tpu.memory_space<vmem_shared>>
        tpu.enqueue_dma source(%dma_start3A_988 : memref<128xf32, #tpu.memory_space<vmem_shared>>) target(%dma_start3A_986 : memref<128xf32, #tpu.memory_space<hbm>>) target_semaphore(%run_scoped3A_985 : memref<!tpu.dma_semaphore, #tpu.memory_space<semaphore_mem>>)
        %dma_wait3A_989 = tpu.memref_slice %arg6[%add3A_984] : memref<20224xf32, #tpu.memory_space<hbm>> -> memref<128xf32, #tpu.memory_space<hbm>>
        %dma_wait3A_990 = arith.constant 2304 : i32
        %dma_wait3A_991 = tpu.memref_slice %arg14[%dma_wait3A_990] : memref<10112xf32, #tpu.memory_space<vmem_shared>> -> memref<128xf32, #tpu.memory_space<vmem_shared>>
        tpu.wait_dma2 semaphore(%run_scoped3A_985 : memref<!tpu.dma_semaphore, #tpu.memory_space<semaphore_mem>>) src(%dma_wait3A_991 : memref<128xf32, #tpu.memory_space<vmem_shared>>) dst(%dma_wait3A_989 : memref<128xf32, #tpu.memory_space<hbm>>)
        tpu.yield
      }) : () -> ()
    } else {
    }
    %eq3A_681 = arith.constant 3 : i32
    %eq3A_682 = arith.cmpi eq, %arg1, %eq3A_681 : i32
    %convert_element_type3A_683 = arith.extui %eq3A_682 : i1 to i32
    %cond3A_684 = arith.constant 0 : i32
    %cond3A_685 = arith.cmpi ne, %convert_element_type3A_683, %cond3A_684 : i32
    scf.if %cond3A_685 {
      %mul3A_981 = arith.constant 10112 : i32
      %mul3A_982 = arith.muli %arg0, %mul3A_981 : i32
      %add3A_983 = arith.constant 2432 : i32
      %add3A_984 = arith.addi %mul3A_982, %add3A_983 : i32
      "tpu.region"() ({
        %run_scoped3A_985 = tpu.sem_alloc : memref<!tpu.dma_semaphore, #tpu.memory_space<semaphore_mem>>
        %dma_start3A_986 = tpu.memref_slice %arg6[%add3A_984] : memref<20224xf32, #tpu.memory_space<hbm>> -> memref<128xf32, #tpu.memory_space<hbm>>
        %dma_start3A_987 = arith.constant 2432 : i32
        %dma_start3A_988 = tpu.memref_slice %arg14[%dma_start3A_987] : memref<10112xf32, #tpu.memory_space<vmem_shared>> -> memref<128xf32, #tpu.memory_space<vmem_shared>>
        tpu.enqueue_dma source(%dma_start3A_988 : memref<128xf32, #tpu.memory_space<vmem_shared>>) target(%dma_start3A_986 : memref<128xf32, #tpu.memory_space<hbm>>) target_semaphore(%run_scoped3A_985 : memref<!tpu.dma_semaphore, #tpu.memory_space<semaphore_mem>>)
        %dma_wait3A_989 = tpu.memref_slice %arg6[%add3A_984] : memref<20224xf32, #tpu.memory_space<hbm>> -> memref<128xf32, #tpu.memory_space<hbm>>
        %dma_wait3A_990 = arith.constant 2432 : i32
        %dma_wait3A_991 = tpu.memref_slice %arg14[%dma_wait3A_990] : memref<10112xf32, #tpu.memory_space<vmem_shared>> -> memref<128xf32, #tpu.memory_space<vmem_shared>>
        tpu.wait_dma2 semaphore(%run_scoped3A_985 : memref<!tpu.dma_semaphore, #tpu.memory_space<semaphore_mem>>) src(%dma_wait3A_991 : memref<128xf32, #tpu.memory_space<vmem_shared>>) dst(%dma_wait3A_989 : memref<128xf32, #tpu.memory_space<hbm>>)
        tpu.yield
      }) : () -> ()
    } else {
    }
    %eq3A_686 = arith.constant 4 : i32
    %eq3A_687 = arith.cmpi eq, %arg1, %eq3A_686 : i32
    %convert_element_type3A_688 = arith.extui %eq3A_687 : i1 to i32
    %cond3A_689 = arith.constant 0 : i32
    %cond3A_690 = arith.cmpi ne, %convert_element_type3A_688, %cond3A_689 : i32
    scf.if %cond3A_690 {
      %mul3A_981 = arith.constant 10112 : i32
      %mul3A_982 = arith.muli %arg0, %mul3A_981 : i32
      %add3A_983 = arith.constant 2560 : i32
      %add3A_984 = arith.addi %mul3A_982, %add3A_983 : i32
      "tpu.region"() ({
        %run_scoped3A_985 = tpu.sem_alloc : memref<!tpu.dma_semaphore, #tpu.memory_space<semaphore_mem>>
        %dma_start3A_986 = tpu.memref_slice %arg6[%add3A_984] : memref<20224xf32, #tpu.memory_space<hbm>> -> memref<128xf32, #tpu.memory_space<hbm>>
        %dma_start3A_987 = arith.constant 2560 : i32
        %dma_start3A_988 = tpu.memref_slice %arg14[%dma_start3A_987] : memref<10112xf32, #tpu.memory_space<vmem_shared>> -> memref<128xf32, #tpu.memory_space<vmem_shared>>
        tpu.enqueue_dma source(%dma_start3A_988 : memref<128xf32, #tpu.memory_space<vmem_shared>>) target(%dma_start3A_986 : memref<128xf32, #tpu.memory_space<hbm>>) target_semaphore(%run_scoped3A_985 : memref<!tpu.dma_semaphore, #tpu.memory_space<semaphore_mem>>)
        %dma_wait3A_989 = tpu.memref_slice %arg6[%add3A_984] : memref<20224xf32, #tpu.memory_space<hbm>> -> memref<128xf32, #tpu.memory_space<hbm>>
        %dma_wait3A_990 = arith.constant 2560 : i32
        %dma_wait3A_991 = tpu.memref_slice %arg14[%dma_wait3A_990] : memref<10112xf32, #tpu.memory_space<vmem_shared>> -> memref<128xf32, #tpu.memory_space<vmem_shared>>
        tpu.wait_dma2 semaphore(%run_scoped3A_985 : memref<!tpu.dma_semaphore, #tpu.memory_space<semaphore_mem>>) src(%dma_wait3A_991 : memref<128xf32, #tpu.memory_space<vmem_shared>>) dst(%dma_wait3A_989 : memref<128xf32, #tpu.memory_space<hbm>>)
        tpu.yield
      }) : () -> ()
    } else {
    }
    %eq3A_691 = arith.constant 5 : i32
    %eq3A_692 = arith.cmpi eq, %arg1, %eq3A_691 : i32
    %convert_element_type3A_693 = arith.extui %eq3A_692 : i1 to i32
    %cond3A_694 = arith.constant 0 : i32
    %cond3A_695 = arith.cmpi ne, %convert_element_type3A_693, %cond3A_694 : i32
    scf.if %cond3A_695 {
      %mul3A_981 = arith.constant 10112 : i32
      %mul3A_982 = arith.muli %arg0, %mul3A_981 : i32
      %add3A_983 = arith.constant 2688 : i32
      %add3A_984 = arith.addi %mul3A_982, %add3A_983 : i32
      "tpu.region"() ({
        %run_scoped3A_985 = tpu.sem_alloc : memref<!tpu.dma_semaphore, #tpu.memory_space<semaphore_mem>>
        %dma_start3A_986 = tpu.memref_slice %arg6[%add3A_984] : memref<20224xf32, #tpu.memory_space<hbm>> -> memref<128xf32, #tpu.memory_space<hbm>>
        %dma_start3A_987 = arith.constant 2688 : i32
        %dma_start3A_988 = tpu.memref_slice %arg14[%dma_start3A_987] : memref<10112xf32, #tpu.memory_space<vmem_shared>> -> memref<128xf32, #tpu.memory_space<vmem_shared>>
        tpu.enqueue_dma source(%dma_start3A_988 : memref<128xf32, #tpu.memory_space<vmem_shared>>) target(%dma_start3A_986 : memref<128xf32, #tpu.memory_space<hbm>>) target_semaphore(%run_scoped3A_985 : memref<!tpu.dma_semaphore, #tpu.memory_space<semaphore_mem>>)
        %dma_wait3A_989 = tpu.memref_slice %arg6[%add3A_984] : memref<20224xf32, #tpu.memory_space<hbm>> -> memref<128xf32, #tpu.memory_space<hbm>>
        %dma_wait3A_990 = arith.constant 2688 : i32
        %dma_wait3A_991 = tpu.memref_slice %arg14[%dma_wait3A_990] : memref<10112xf32, #tpu.memory_space<vmem_shared>> -> memref<128xf32, #tpu.memory_space<vmem_shared>>
        tpu.wait_dma2 semaphore(%run_scoped3A_985 : memref<!tpu.dma_semaphore, #tpu.memory_space<semaphore_mem>>) src(%dma_wait3A_991 : memref<128xf32, #tpu.memory_space<vmem_shared>>) dst(%dma_wait3A_989 : memref<128xf32, #tpu.memory_space<hbm>>)
        tpu.yield
      }) : () -> ()
    } else {
    }
    %eq3A_696 = arith.constant 6 : i32
    %eq3A_697 = arith.cmpi eq, %arg1, %eq3A_696 : i32
    %convert_element_type3A_698 = arith.extui %eq3A_697 : i1 to i32
    %cond3A_699 = arith.constant 0 : i32
    %cond3A_700 = arith.cmpi ne, %convert_element_type3A_698, %cond3A_699 : i32
    scf.if %cond3A_700 {
      %mul3A_981 = arith.constant 10112 : i32
      %mul3A_982 = arith.muli %arg0, %mul3A_981 : i32
      %add3A_983 = arith.constant 2816 : i32
      %add3A_984 = arith.addi %mul3A_982, %add3A_983 : i32
      "tpu.region"() ({
        %run_scoped3A_985 = tpu.sem_alloc : memref<!tpu.dma_semaphore, #tpu.memory_space<semaphore_mem>>
        %dma_start3A_986 = tpu.memref_slice %arg6[%add3A_984] : memref<20224xf32, #tpu.memory_space<hbm>> -> memref<128xf32, #tpu.memory_space<hbm>>
        %dma_start3A_987 = arith.constant 2816 : i32
        %dma_start3A_988 = tpu.memref_slice %arg14[%dma_start3A_987] : memref<10112xf32, #tpu.memory_space<vmem_shared>> -> memref<128xf32, #tpu.memory_space<vmem_shared>>
        tpu.enqueue_dma source(%dma_start3A_988 : memref<128xf32, #tpu.memory_space<vmem_shared>>) target(%dma_start3A_986 : memref<128xf32, #tpu.memory_space<hbm>>) target_semaphore(%run_scoped3A_985 : memref<!tpu.dma_semaphore, #tpu.memory_space<semaphore_mem>>)
        %dma_wait3A_989 = tpu.memref_slice %arg6[%add3A_984] : memref<20224xf32, #tpu.memory_space<hbm>> -> memref<128xf32, #tpu.memory_space<hbm>>
        %dma_wait3A_990 = arith.constant 2816 : i32
        %dma_wait3A_991 = tpu.memref_slice %arg14[%dma_wait3A_990] : memref<10112xf32, #tpu.memory_space<vmem_shared>> -> memref<128xf32, #tpu.memory_space<vmem_shared>>
        tpu.wait_dma2 semaphore(%run_scoped3A_985 : memref<!tpu.dma_semaphore, #tpu.memory_space<semaphore_mem>>) src(%dma_wait3A_991 : memref<128xf32, #tpu.memory_space<vmem_shared>>) dst(%dma_wait3A_989 : memref<128xf32, #tpu.memory_space<hbm>>)
        tpu.yield
      }) : () -> ()
    } else {
    }
    %eq3A_701 = arith.constant 7 : i32
    %eq3A_702 = arith.cmpi eq, %arg1, %eq3A_701 : i32
    %convert_element_type3A_703 = arith.extui %eq3A_702 : i1 to i32
    %cond3A_704 = arith.constant 0 : i32
    %cond3A_705 = arith.cmpi ne, %convert_element_type3A_703, %cond3A_704 : i32
    scf.if %cond3A_705 {
      %mul3A_981 = arith.constant 10112 : i32
      %mul3A_982 = arith.muli %arg0, %mul3A_981 : i32
      %add3A_983 = arith.constant 2944 : i32
      %add3A_984 = arith.addi %mul3A_982, %add3A_983 : i32
      "tpu.region"() ({
        %run_scoped3A_985 = tpu.sem_alloc : memref<!tpu.dma_semaphore, #tpu.memory_space<semaphore_mem>>
        %dma_start3A_986 = tpu.memref_slice %arg6[%add3A_984] : memref<20224xf32, #tpu.memory_space<hbm>> -> memref<128xf32, #tpu.memory_space<hbm>>
        %dma_start3A_987 = arith.constant 2944 : i32
        %dma_start3A_988 = tpu.memref_slice %arg14[%dma_start3A_987] : memref<10112xf32, #tpu.memory_space<vmem_shared>> -> memref<128xf32, #tpu.memory_space<vmem_shared>>
        tpu.enqueue_dma source(%dma_start3A_988 : memref<128xf32, #tpu.memory_space<vmem_shared>>) target(%dma_start3A_986 : memref<128xf32, #tpu.memory_space<hbm>>) target_semaphore(%run_scoped3A_985 : memref<!tpu.dma_semaphore, #tpu.memory_space<semaphore_mem>>)
        %dma_wait3A_989 = tpu.memref_slice %arg6[%add3A_984] : memref<20224xf32, #tpu.memory_space<hbm>> -> memref<128xf32, #tpu.memory_space<hbm>>
        %dma_wait3A_990 = arith.constant 2944 : i32
        %dma_wait3A_991 = tpu.memref_slice %arg14[%dma_wait3A_990] : memref<10112xf32, #tpu.memory_space<vmem_shared>> -> memref<128xf32, #tpu.memory_space<vmem_shared>>
        tpu.wait_dma2 semaphore(%run_scoped3A_985 : memref<!tpu.dma_semaphore, #tpu.memory_space<semaphore_mem>>) src(%dma_wait3A_991 : memref<128xf32, #tpu.memory_space<vmem_shared>>) dst(%dma_wait3A_989 : memref<128xf32, #tpu.memory_space<hbm>>)
        tpu.yield
      }) : () -> ()
    } else {
    }
    %eq3A_706 = arith.constant 8 : i32
    %eq3A_707 = arith.cmpi eq, %arg1, %eq3A_706 : i32
    %convert_element_type3A_708 = arith.extui %eq3A_707 : i1 to i32
    %cond3A_709 = arith.constant 0 : i32
    %cond3A_710 = arith.cmpi ne, %convert_element_type3A_708, %cond3A_709 : i32
    scf.if %cond3A_710 {
      %mul3A_981 = arith.constant 10112 : i32
      %mul3A_982 = arith.muli %arg0, %mul3A_981 : i32
      %add3A_983 = arith.constant 3072 : i32
      %add3A_984 = arith.addi %mul3A_982, %add3A_983 : i32
      "tpu.region"() ({
        %run_scoped3A_985 = tpu.sem_alloc : memref<!tpu.dma_semaphore, #tpu.memory_space<semaphore_mem>>
        %dma_start3A_986 = tpu.memref_slice %arg6[%add3A_984] : memref<20224xf32, #tpu.memory_space<hbm>> -> memref<128xf32, #tpu.memory_space<hbm>>
        %dma_start3A_987 = arith.constant 3072 : i32
        %dma_start3A_988 = tpu.memref_slice %arg14[%dma_start3A_987] : memref<10112xf32, #tpu.memory_space<vmem_shared>> -> memref<128xf32, #tpu.memory_space<vmem_shared>>
        tpu.enqueue_dma source(%dma_start3A_988 : memref<128xf32, #tpu.memory_space<vmem_shared>>) target(%dma_start3A_986 : memref<128xf32, #tpu.memory_space<hbm>>) target_semaphore(%run_scoped3A_985 : memref<!tpu.dma_semaphore, #tpu.memory_space<semaphore_mem>>)
        %dma_wait3A_989 = tpu.memref_slice %arg6[%add3A_984] : memref<20224xf32, #tpu.memory_space<hbm>> -> memref<128xf32, #tpu.memory_space<hbm>>
        %dma_wait3A_990 = arith.constant 3072 : i32
        %dma_wait3A_991 = tpu.memref_slice %arg14[%dma_wait3A_990] : memref<10112xf32, #tpu.memory_space<vmem_shared>> -> memref<128xf32, #tpu.memory_space<vmem_shared>>
        tpu.wait_dma2 semaphore(%run_scoped3A_985 : memref<!tpu.dma_semaphore, #tpu.memory_space<semaphore_mem>>) src(%dma_wait3A_991 : memref<128xf32, #tpu.memory_space<vmem_shared>>) dst(%dma_wait3A_989 : memref<128xf32, #tpu.memory_space<hbm>>)
        tpu.yield
      }) : () -> ()
    } else {
    }
    %eq3A_711 = arith.constant 9 : i32
    %eq3A_712 = arith.cmpi eq, %arg1, %eq3A_711 : i32
    %convert_element_type3A_713 = arith.extui %eq3A_712 : i1 to i32
    %cond3A_714 = arith.constant 0 : i32
    %cond3A_715 = arith.cmpi ne, %convert_element_type3A_713, %cond3A_714 : i32
    scf.if %cond3A_715 {
      %mul3A_981 = arith.constant 10112 : i32
      %mul3A_982 = arith.muli %arg0, %mul3A_981 : i32
      %add3A_983 = arith.constant 3200 : i32
      %add3A_984 = arith.addi %mul3A_982, %add3A_983 : i32
      "tpu.region"() ({
        %run_scoped3A_985 = tpu.sem_alloc : memref<!tpu.dma_semaphore, #tpu.memory_space<semaphore_mem>>
        %dma_start3A_986 = tpu.memref_slice %arg6[%add3A_984] : memref<20224xf32, #tpu.memory_space<hbm>> -> memref<128xf32, #tpu.memory_space<hbm>>
        %dma_start3A_987 = arith.constant 3200 : i32
        %dma_start3A_988 = tpu.memref_slice %arg14[%dma_start3A_987] : memref<10112xf32, #tpu.memory_space<vmem_shared>> -> memref<128xf32, #tpu.memory_space<vmem_shared>>
        tpu.enqueue_dma source(%dma_start3A_988 : memref<128xf32, #tpu.memory_space<vmem_shared>>) target(%dma_start3A_986 : memref<128xf32, #tpu.memory_space<hbm>>) target_semaphore(%run_scoped3A_985 : memref<!tpu.dma_semaphore, #tpu.memory_space<semaphore_mem>>)
        %dma_wait3A_989 = tpu.memref_slice %arg6[%add3A_984] : memref<20224xf32, #tpu.memory_space<hbm>> -> memref<128xf32, #tpu.memory_space<hbm>>
        %dma_wait3A_990 = arith.constant 3200 : i32
        %dma_wait3A_991 = tpu.memref_slice %arg14[%dma_wait3A_990] : memref<10112xf32, #tpu.memory_space<vmem_shared>> -> memref<128xf32, #tpu.memory_space<vmem_shared>>
        tpu.wait_dma2 semaphore(%run_scoped3A_985 : memref<!tpu.dma_semaphore, #tpu.memory_space<semaphore_mem>>) src(%dma_wait3A_991 : memref<128xf32, #tpu.memory_space<vmem_shared>>) dst(%dma_wait3A_989 : memref<128xf32, #tpu.memory_space<hbm>>)
        tpu.yield
      }) : () -> ()
    } else {
    }
    %eq3A_716 = arith.constant 10 : i32
    %eq3A_717 = arith.cmpi eq, %arg1, %eq3A_716 : i32
    %convert_element_type3A_718 = arith.extui %eq3A_717 : i1 to i32
    %cond3A_719 = arith.constant 0 : i32
    %cond3A_720 = arith.cmpi ne, %convert_element_type3A_718, %cond3A_719 : i32
    scf.if %cond3A_720 {
      %mul3A_981 = arith.constant 10112 : i32
      %mul3A_982 = arith.muli %arg0, %mul3A_981 : i32
      %add3A_983 = arith.constant 3328 : i32
      %add3A_984 = arith.addi %mul3A_982, %add3A_983 : i32
      "tpu.region"() ({
        %run_scoped3A_985 = tpu.sem_alloc : memref<!tpu.dma_semaphore, #tpu.memory_space<semaphore_mem>>
        %dma_start3A_986 = tpu.memref_slice %arg6[%add3A_984] : memref<20224xf32, #tpu.memory_space<hbm>> -> memref<128xf32, #tpu.memory_space<hbm>>
        %dma_start3A_987 = arith.constant 3328 : i32
        %dma_start3A_988 = tpu.memref_slice %arg14[%dma_start3A_987] : memref<10112xf32, #tpu.memory_space<vmem_shared>> -> memref<128xf32, #tpu.memory_space<vmem_shared>>
        tpu.enqueue_dma source(%dma_start3A_988 : memref<128xf32, #tpu.memory_space<vmem_shared>>) target(%dma_start3A_986 : memref<128xf32, #tpu.memory_space<hbm>>) target_semaphore(%run_scoped3A_985 : memref<!tpu.dma_semaphore, #tpu.memory_space<semaphore_mem>>)
        %dma_wait3A_989 = tpu.memref_slice %arg6[%add3A_984] : memref<20224xf32, #tpu.memory_space<hbm>> -> memref<128xf32, #tpu.memory_space<hbm>>
        %dma_wait3A_990 = arith.constant 3328 : i32
        %dma_wait3A_991 = tpu.memref_slice %arg14[%dma_wait3A_990] : memref<10112xf32, #tpu.memory_space<vmem_shared>> -> memref<128xf32, #tpu.memory_space<vmem_shared>>
        tpu.wait_dma2 semaphore(%run_scoped3A_985 : memref<!tpu.dma_semaphore, #tpu.memory_space<semaphore_mem>>) src(%dma_wait3A_991 : memref<128xf32, #tpu.memory_space<vmem_shared>>) dst(%dma_wait3A_989 : memref<128xf32, #tpu.memory_space<hbm>>)
        tpu.yield
      }) : () -> ()
    } else {
    }
    %eq3A_721 = arith.constant 11 : i32
    %eq3A_722 = arith.cmpi eq, %arg1, %eq3A_721 : i32
    %convert_element_type3A_723 = arith.extui %eq3A_722 : i1 to i32
    %cond3A_724 = arith.constant 0 : i32
    %cond3A_725 = arith.cmpi ne, %convert_element_type3A_723, %cond3A_724 : i32
    scf.if %cond3A_725 {
      %mul3A_981 = arith.constant 10112 : i32
      %mul3A_982 = arith.muli %arg0, %mul3A_981 : i32
      %add3A_983 = arith.constant 3456 : i32
      %add3A_984 = arith.addi %mul3A_982, %add3A_983 : i32
      "tpu.region"() ({
        %run_scoped3A_985 = tpu.sem_alloc : memref<!tpu.dma_semaphore, #tpu.memory_space<semaphore_mem>>
        %dma_start3A_986 = tpu.memref_slice %arg6[%add3A_984] : memref<20224xf32, #tpu.memory_space<hbm>> -> memref<128xf32, #tpu.memory_space<hbm>>
        %dma_start3A_987 = arith.constant 3456 : i32
        %dma_start3A_988 = tpu.memref_slice %arg14[%dma_start3A_987] : memref<10112xf32, #tpu.memory_space<vmem_shared>> -> memref<128xf32, #tpu.memory_space<vmem_shared>>
        tpu.enqueue_dma source(%dma_start3A_988 : memref<128xf32, #tpu.memory_space<vmem_shared>>) target(%dma_start3A_986 : memref<128xf32, #tpu.memory_space<hbm>>) target_semaphore(%run_scoped3A_985 : memref<!tpu.dma_semaphore, #tpu.memory_space<semaphore_mem>>)
        %dma_wait3A_989 = tpu.memref_slice %arg6[%add3A_984] : memref<20224xf32, #tpu.memory_space<hbm>> -> memref<128xf32, #tpu.memory_space<hbm>>
        %dma_wait3A_990 = arith.constant 3456 : i32
        %dma_wait3A_991 = tpu.memref_slice %arg14[%dma_wait3A_990] : memref<10112xf32, #tpu.memory_space<vmem_shared>> -> memref<128xf32, #tpu.memory_space<vmem_shared>>
        tpu.wait_dma2 semaphore(%run_scoped3A_985 : memref<!tpu.dma_semaphore, #tpu.memory_space<semaphore_mem>>) src(%dma_wait3A_991 : memref<128xf32, #tpu.memory_space<vmem_shared>>) dst(%dma_wait3A_989 : memref<128xf32, #tpu.memory_space<hbm>>)
        tpu.yield
      }) : () -> ()
    } else {
    }
    %eq3A_726 = arith.constant 12 : i32
    %eq3A_727 = arith.cmpi eq, %arg1, %eq3A_726 : i32
    %convert_element_type3A_728 = arith.extui %eq3A_727 : i1 to i32
    %cond3A_729 = arith.constant 0 : i32
    %cond3A_730 = arith.cmpi ne, %convert_element_type3A_728, %cond3A_729 : i32
    scf.if %cond3A_730 {
      %mul3A_981 = arith.constant 10112 : i32
      %mul3A_982 = arith.muli %arg0, %mul3A_981 : i32
      %add3A_983 = arith.constant 3584 : i32
      %add3A_984 = arith.addi %mul3A_982, %add3A_983 : i32
      "tpu.region"() ({
        %run_scoped3A_985 = tpu.sem_alloc : memref<!tpu.dma_semaphore, #tpu.memory_space<semaphore_mem>>
        %dma_start3A_986 = tpu.memref_slice %arg6[%add3A_984] : memref<20224xf32, #tpu.memory_space<hbm>> -> memref<128xf32, #tpu.memory_space<hbm>>
        %dma_start3A_987 = arith.constant 3584 : i32
        %dma_start3A_988 = tpu.memref_slice %arg14[%dma_start3A_987] : memref<10112xf32, #tpu.memory_space<vmem_shared>> -> memref<128xf32, #tpu.memory_space<vmem_shared>>
        tpu.enqueue_dma source(%dma_start3A_988 : memref<128xf32, #tpu.memory_space<vmem_shared>>) target(%dma_start3A_986 : memref<128xf32, #tpu.memory_space<hbm>>) target_semaphore(%run_scoped3A_985 : memref<!tpu.dma_semaphore, #tpu.memory_space<semaphore_mem>>)
        %dma_wait3A_989 = tpu.memref_slice %arg6[%add3A_984] : memref<20224xf32, #tpu.memory_space<hbm>> -> memref<128xf32, #tpu.memory_space<hbm>>
        %dma_wait3A_990 = arith.constant 3584 : i32
        %dma_wait3A_991 = tpu.memref_slice %arg14[%dma_wait3A_990] : memref<10112xf32, #tpu.memory_space<vmem_shared>> -> memref<128xf32, #tpu.memory_space<vmem_shared>>
        tpu.wait_dma2 semaphore(%run_scoped3A_985 : memref<!tpu.dma_semaphore, #tpu.memory_space<semaphore_mem>>) src(%dma_wait3A_991 : memref<128xf32, #tpu.memory_space<vmem_shared>>) dst(%dma_wait3A_989 : memref<128xf32, #tpu.memory_space<hbm>>)
        tpu.yield
      }) : () -> ()
    } else {
    }
    %eq3A_731 = arith.constant 13 : i32
    %eq3A_732 = arith.cmpi eq, %arg1, %eq3A_731 : i32
    %convert_element_type3A_733 = arith.extui %eq3A_732 : i1 to i32
    %cond3A_734 = arith.constant 0 : i32
    %cond3A_735 = arith.cmpi ne, %convert_element_type3A_733, %cond3A_734 : i32
    scf.if %cond3A_735 {
      %mul3A_981 = arith.constant 10112 : i32
      %mul3A_982 = arith.muli %arg0, %mul3A_981 : i32
      %add3A_983 = arith.constant 3712 : i32
      %add3A_984 = arith.addi %mul3A_982, %add3A_983 : i32
      "tpu.region"() ({
        %run_scoped3A_985 = tpu.sem_alloc : memref<!tpu.dma_semaphore, #tpu.memory_space<semaphore_mem>>
        %dma_start3A_986 = tpu.memref_slice %arg6[%add3A_984] : memref<20224xf32, #tpu.memory_space<hbm>> -> memref<128xf32, #tpu.memory_space<hbm>>
        %dma_start3A_987 = arith.constant 3712 : i32
        %dma_start3A_988 = tpu.memref_slice %arg14[%dma_start3A_987] : memref<10112xf32, #tpu.memory_space<vmem_shared>> -> memref<128xf32, #tpu.memory_space<vmem_shared>>
        tpu.enqueue_dma source(%dma_start3A_988 : memref<128xf32, #tpu.memory_space<vmem_shared>>) target(%dma_start3A_986 : memref<128xf32, #tpu.memory_space<hbm>>) target_semaphore(%run_scoped3A_985 : memref<!tpu.dma_semaphore, #tpu.memory_space<semaphore_mem>>)
        %dma_wait3A_989 = tpu.memref_slice %arg6[%add3A_984] : memref<20224xf32, #tpu.memory_space<hbm>> -> memref<128xf32, #tpu.memory_space<hbm>>
        %dma_wait3A_990 = arith.constant 3712 : i32
        %dma_wait3A_991 = tpu.memref_slice %arg14[%dma_wait3A_990] : memref<10112xf32, #tpu.memory_space<vmem_shared>> -> memref<128xf32, #tpu.memory_space<vmem_shared>>
        tpu.wait_dma2 semaphore(%run_scoped3A_985 : memref<!tpu.dma_semaphore, #tpu.memory_space<semaphore_mem>>) src(%dma_wait3A_991 : memref<128xf32, #tpu.memory_space<vmem_shared>>) dst(%dma_wait3A_989 : memref<128xf32, #tpu.memory_space<hbm>>)
        tpu.yield
      }) : () -> ()
    } else {
    }
    %eq3A_736 = arith.constant 14 : i32
    %eq3A_737 = arith.cmpi eq, %arg1, %eq3A_736 : i32
    %convert_element_type3A_738 = arith.extui %eq3A_737 : i1 to i32
    %cond3A_739 = arith.constant 0 : i32
    %cond3A_740 = arith.cmpi ne, %convert_element_type3A_738, %cond3A_739 : i32
    scf.if %cond3A_740 {
      %mul3A_981 = arith.constant 10112 : i32
      %mul3A_982 = arith.muli %arg0, %mul3A_981 : i32
      %add3A_983 = arith.constant 3840 : i32
      %add3A_984 = arith.addi %mul3A_982, %add3A_983 : i32
      "tpu.region"() ({
        %run_scoped3A_985 = tpu.sem_alloc : memref<!tpu.dma_semaphore, #tpu.memory_space<semaphore_mem>>
        %dma_start3A_986 = tpu.memref_slice %arg6[%add3A_984] : memref<20224xf32, #tpu.memory_space<hbm>> -> memref<128xf32, #tpu.memory_space<hbm>>
        %dma_start3A_987 = arith.constant 3840 : i32
        %dma_start3A_988 = tpu.memref_slice %arg14[%dma_start3A_987] : memref<10112xf32, #tpu.memory_space<vmem_shared>> -> memref<128xf32, #tpu.memory_space<vmem_shared>>
        tpu.enqueue_dma source(%dma_start3A_988 : memref<128xf32, #tpu.memory_space<vmem_shared>>) target(%dma_start3A_986 : memref<128xf32, #tpu.memory_space<hbm>>) target_semaphore(%run_scoped3A_985 : memref<!tpu.dma_semaphore, #tpu.memory_space<semaphore_mem>>)
        %dma_wait3A_989 = tpu.memref_slice %arg6[%add3A_984] : memref<20224xf32, #tpu.memory_space<hbm>> -> memref<128xf32, #tpu.memory_space<hbm>>
        %dma_wait3A_990 = arith.constant 3840 : i32
        %dma_wait3A_991 = tpu.memref_slice %arg14[%dma_wait3A_990] : memref<10112xf32, #tpu.memory_space<vmem_shared>> -> memref<128xf32, #tpu.memory_space<vmem_shared>>
        tpu.wait_dma2 semaphore(%run_scoped3A_985 : memref<!tpu.dma_semaphore, #tpu.memory_space<semaphore_mem>>) src(%dma_wait3A_991 : memref<128xf32, #tpu.memory_space<vmem_shared>>) dst(%dma_wait3A_989 : memref<128xf32, #tpu.memory_space<hbm>>)
        tpu.yield
      }) : () -> ()
    } else {
    }
    %eq3A_741 = arith.constant 15 : i32
    %eq3A_742 = arith.cmpi eq, %arg1, %eq3A_741 : i32
    %convert_element_type3A_743 = arith.extui %eq3A_742 : i1 to i32
    %cond3A_744 = arith.constant 0 : i32
    %cond3A_745 = arith.cmpi ne, %convert_element_type3A_743, %cond3A_744 : i32
    scf.if %cond3A_745 {
      %mul3A_981 = arith.constant 10112 : i32
      %mul3A_982 = arith.muli %arg0, %mul3A_981 : i32
      %add3A_983 = arith.constant 3968 : i32
      %add3A_984 = arith.addi %mul3A_982, %add3A_983 : i32
      "tpu.region"() ({
        %run_scoped3A_985 = tpu.sem_alloc : memref<!tpu.dma_semaphore, #tpu.memory_space<semaphore_mem>>
        %dma_start3A_986 = tpu.memref_slice %arg6[%add3A_984] : memref<20224xf32, #tpu.memory_space<hbm>> -> memref<128xf32, #tpu.memory_space<hbm>>
        %dma_start3A_987 = arith.constant 3968 : i32
        %dma_start3A_988 = tpu.memref_slice %arg14[%dma_start3A_987] : memref<10112xf32, #tpu.memory_space<vmem_shared>> -> memref<128xf32, #tpu.memory_space<vmem_shared>>
        tpu.enqueue_dma source(%dma_start3A_988 : memref<128xf32, #tpu.memory_space<vmem_shared>>) target(%dma_start3A_986 : memref<128xf32, #tpu.memory_space<hbm>>) target_semaphore(%run_scoped3A_985 : memref<!tpu.dma_semaphore, #tpu.memory_space<semaphore_mem>>)
        %dma_wait3A_989 = tpu.memref_slice %arg6[%add3A_984] : memref<20224xf32, #tpu.memory_space<hbm>> -> memref<128xf32, #tpu.memory_space<hbm>>
        %dma_wait3A_990 = arith.constant 3968 : i32
        %dma_wait3A_991 = tpu.memref_slice %arg14[%dma_wait3A_990] : memref<10112xf32, #tpu.memory_space<vmem_shared>> -> memref<128xf32, #tpu.memory_space<vmem_shared>>
        tpu.wait_dma2 semaphore(%run_scoped3A_985 : memref<!tpu.dma_semaphore, #tpu.memory_space<semaphore_mem>>) src(%dma_wait3A_991 : memref<128xf32, #tpu.memory_space<vmem_shared>>) dst(%dma_wait3A_989 : memref<128xf32, #tpu.memory_space<hbm>>)
        tpu.yield
      }) : () -> ()
    } else {
    }
    %eq3A_746 = arith.constant 0 : i32
    %eq3A_747 = arith.cmpi eq, %arg1, %eq3A_746 : i32
    %convert_element_type3A_748 = arith.extui %eq3A_747 : i1 to i32
    %cond3A_749 = arith.constant 0 : i32
    %cond3A_750 = arith.cmpi ne, %convert_element_type3A_748, %cond3A_749 : i32
    scf.if %cond3A_750 {
      %mul3A_981 = arith.constant 10112 : i32
      %mul3A_982 = arith.muli %arg0, %mul3A_981 : i32
      %add3A_983 = arith.constant 4096 : i32
      %add3A_984 = arith.addi %mul3A_982, %add3A_983 : i32
      "tpu.region"() ({
        %run_scoped3A_985 = tpu.sem_alloc : memref<!tpu.dma_semaphore, #tpu.memory_space<semaphore_mem>>
        %dma_start3A_986 = tpu.memref_slice %arg6[%add3A_984] : memref<20224xf32, #tpu.memory_space<hbm>> -> memref<128xf32, #tpu.memory_space<hbm>>
        %dma_start3A_987 = arith.constant 4096 : i32
        %dma_start3A_988 = tpu.memref_slice %arg14[%dma_start3A_987] : memref<10112xf32, #tpu.memory_space<vmem_shared>> -> memref<128xf32, #tpu.memory_space<vmem_shared>>
        tpu.enqueue_dma source(%dma_start3A_988 : memref<128xf32, #tpu.memory_space<vmem_shared>>) target(%dma_start3A_986 : memref<128xf32, #tpu.memory_space<hbm>>) target_semaphore(%run_scoped3A_985 : memref<!tpu.dma_semaphore, #tpu.memory_space<semaphore_mem>>)
        %dma_wait3A_989 = tpu.memref_slice %arg6[%add3A_984] : memref<20224xf32, #tpu.memory_space<hbm>> -> memref<128xf32, #tpu.memory_space<hbm>>
        %dma_wait3A_990 = arith.constant 4096 : i32
        %dma_wait3A_991 = tpu.memref_slice %arg14[%dma_wait3A_990] : memref<10112xf32, #tpu.memory_space<vmem_shared>> -> memref<128xf32, #tpu.memory_space<vmem_shared>>
        tpu.wait_dma2 semaphore(%run_scoped3A_985 : memref<!tpu.dma_semaphore, #tpu.memory_space<semaphore_mem>>) src(%dma_wait3A_991 : memref<128xf32, #tpu.memory_space<vmem_shared>>) dst(%dma_wait3A_989 : memref<128xf32, #tpu.memory_space<hbm>>)
        tpu.yield
      }) : () -> ()
    } else {
    }
    %eq3A_751 = arith.constant 1 : i32
    %eq3A_752 = arith.cmpi eq, %arg1, %eq3A_751 : i32
    %convert_element_type3A_753 = arith.extui %eq3A_752 : i1 to i32
    %cond3A_754 = arith.constant 0 : i32
    %cond3A_755 = arith.cmpi ne, %convert_element_type3A_753, %cond3A_754 : i32
    scf.if %cond3A_755 {
      %mul3A_981 = arith.constant 10112 : i32
      %mul3A_982 = arith.muli %arg0, %mul3A_981 : i32
      %add3A_983 = arith.constant 4224 : i32
      %add3A_984 = arith.addi %mul3A_982, %add3A_983 : i32
      "tpu.region"() ({
        %run_scoped3A_985 = tpu.sem_alloc : memref<!tpu.dma_semaphore, #tpu.memory_space<semaphore_mem>>
        %dma_start3A_986 = tpu.memref_slice %arg6[%add3A_984] : memref<20224xf32, #tpu.memory_space<hbm>> -> memref<128xf32, #tpu.memory_space<hbm>>
        %dma_start3A_987 = arith.constant 4224 : i32
        %dma_start3A_988 = tpu.memref_slice %arg14[%dma_start3A_987] : memref<10112xf32, #tpu.memory_space<vmem_shared>> -> memref<128xf32, #tpu.memory_space<vmem_shared>>
        tpu.enqueue_dma source(%dma_start3A_988 : memref<128xf32, #tpu.memory_space<vmem_shared>>) target(%dma_start3A_986 : memref<128xf32, #tpu.memory_space<hbm>>) target_semaphore(%run_scoped3A_985 : memref<!tpu.dma_semaphore, #tpu.memory_space<semaphore_mem>>)
        %dma_wait3A_989 = tpu.memref_slice %arg6[%add3A_984] : memref<20224xf32, #tpu.memory_space<hbm>> -> memref<128xf32, #tpu.memory_space<hbm>>
        %dma_wait3A_990 = arith.constant 4224 : i32
        %dma_wait3A_991 = tpu.memref_slice %arg14[%dma_wait3A_990] : memref<10112xf32, #tpu.memory_space<vmem_shared>> -> memref<128xf32, #tpu.memory_space<vmem_shared>>
        tpu.wait_dma2 semaphore(%run_scoped3A_985 : memref<!tpu.dma_semaphore, #tpu.memory_space<semaphore_mem>>) src(%dma_wait3A_991 : memref<128xf32, #tpu.memory_space<vmem_shared>>) dst(%dma_wait3A_989 : memref<128xf32, #tpu.memory_space<hbm>>)
        tpu.yield
      }) : () -> ()
    } else {
    }
    %eq3A_756 = arith.constant 2 : i32
    %eq3A_757 = arith.cmpi eq, %arg1, %eq3A_756 : i32
    %convert_element_type3A_758 = arith.extui %eq3A_757 : i1 to i32
    %cond3A_759 = arith.constant 0 : i32
    %cond3A_760 = arith.cmpi ne, %convert_element_type3A_758, %cond3A_759 : i32
    scf.if %cond3A_760 {
      %mul3A_981 = arith.constant 10112 : i32
      %mul3A_982 = arith.muli %arg0, %mul3A_981 : i32
      %add3A_983 = arith.constant 4352 : i32
      %add3A_984 = arith.addi %mul3A_982, %add3A_983 : i32
      "tpu.region"() ({
        %run_scoped3A_985 = tpu.sem_alloc : memref<!tpu.dma_semaphore, #tpu.memory_space<semaphore_mem>>
        %dma_start3A_986 = tpu.memref_slice %arg6[%add3A_984] : memref<20224xf32, #tpu.memory_space<hbm>> -> memref<128xf32, #tpu.memory_space<hbm>>
        %dma_start3A_987 = arith.constant 4352 : i32
        %dma_start3A_988 = tpu.memref_slice %arg14[%dma_start3A_987] : memref<10112xf32, #tpu.memory_space<vmem_shared>> -> memref<128xf32, #tpu.memory_space<vmem_shared>>
        tpu.enqueue_dma source(%dma_start3A_988 : memref<128xf32, #tpu.memory_space<vmem_shared>>) target(%dma_start3A_986 : memref<128xf32, #tpu.memory_space<hbm>>) target_semaphore(%run_scoped3A_985 : memref<!tpu.dma_semaphore, #tpu.memory_space<semaphore_mem>>)
        %dma_wait3A_989 = tpu.memref_slice %arg6[%add3A_984] : memref<20224xf32, #tpu.memory_space<hbm>> -> memref<128xf32, #tpu.memory_space<hbm>>
        %dma_wait3A_990 = arith.constant 4352 : i32
        %dma_wait3A_991 = tpu.memref_slice %arg14[%dma_wait3A_990] : memref<10112xf32, #tpu.memory_space<vmem_shared>> -> memref<128xf32, #tpu.memory_space<vmem_shared>>
        tpu.wait_dma2 semaphore(%run_scoped3A_985 : memref<!tpu.dma_semaphore, #tpu.memory_space<semaphore_mem>>) src(%dma_wait3A_991 : memref<128xf32, #tpu.memory_space<vmem_shared>>) dst(%dma_wait3A_989 : memref<128xf32, #tpu.memory_space<hbm>>)
        tpu.yield
      }) : () -> ()
    } else {
    }
    %eq3A_761 = arith.constant 3 : i32
    %eq3A_762 = arith.cmpi eq, %arg1, %eq3A_761 : i32
    %convert_element_type3A_763 = arith.extui %eq3A_762 : i1 to i32
    %cond3A_764 = arith.constant 0 : i32
    %cond3A_765 = arith.cmpi ne, %convert_element_type3A_763, %cond3A_764 : i32
    scf.if %cond3A_765 {
      %mul3A_981 = arith.constant 10112 : i32
      %mul3A_982 = arith.muli %arg0, %mul3A_981 : i32
      %add3A_983 = arith.constant 4480 : i32
      %add3A_984 = arith.addi %mul3A_982, %add3A_983 : i32
      "tpu.region"() ({
        %run_scoped3A_985 = tpu.sem_alloc : memref<!tpu.dma_semaphore, #tpu.memory_space<semaphore_mem>>
        %dma_start3A_986 = tpu.memref_slice %arg6[%add3A_984] : memref<20224xf32, #tpu.memory_space<hbm>> -> memref<128xf32, #tpu.memory_space<hbm>>
        %dma_start3A_987 = arith.constant 4480 : i32
        %dma_start3A_988 = tpu.memref_slice %arg14[%dma_start3A_987] : memref<10112xf32, #tpu.memory_space<vmem_shared>> -> memref<128xf32, #tpu.memory_space<vmem_shared>>
        tpu.enqueue_dma source(%dma_start3A_988 : memref<128xf32, #tpu.memory_space<vmem_shared>>) target(%dma_start3A_986 : memref<128xf32, #tpu.memory_space<hbm>>) target_semaphore(%run_scoped3A_985 : memref<!tpu.dma_semaphore, #tpu.memory_space<semaphore_mem>>)
        %dma_wait3A_989 = tpu.memref_slice %arg6[%add3A_984] : memref<20224xf32, #tpu.memory_space<hbm>> -> memref<128xf32, #tpu.memory_space<hbm>>
        %dma_wait3A_990 = arith.constant 4480 : i32
        %dma_wait3A_991 = tpu.memref_slice %arg14[%dma_wait3A_990] : memref<10112xf32, #tpu.memory_space<vmem_shared>> -> memref<128xf32, #tpu.memory_space<vmem_shared>>
        tpu.wait_dma2 semaphore(%run_scoped3A_985 : memref<!tpu.dma_semaphore, #tpu.memory_space<semaphore_mem>>) src(%dma_wait3A_991 : memref<128xf32, #tpu.memory_space<vmem_shared>>) dst(%dma_wait3A_989 : memref<128xf32, #tpu.memory_space<hbm>>)
        tpu.yield
      }) : () -> ()
    } else {
    }
    %eq3A_766 = arith.constant 4 : i32
    %eq3A_767 = arith.cmpi eq, %arg1, %eq3A_766 : i32
    %convert_element_type3A_768 = arith.extui %eq3A_767 : i1 to i32
    %cond3A_769 = arith.constant 0 : i32
    %cond3A_770 = arith.cmpi ne, %convert_element_type3A_768, %cond3A_769 : i32
    scf.if %cond3A_770 {
      %mul3A_981 = arith.constant 10112 : i32
      %mul3A_982 = arith.muli %arg0, %mul3A_981 : i32
      %add3A_983 = arith.constant 4608 : i32
      %add3A_984 = arith.addi %mul3A_982, %add3A_983 : i32
      "tpu.region"() ({
        %run_scoped3A_985 = tpu.sem_alloc : memref<!tpu.dma_semaphore, #tpu.memory_space<semaphore_mem>>
        %dma_start3A_986 = tpu.memref_slice %arg6[%add3A_984] : memref<20224xf32, #tpu.memory_space<hbm>> -> memref<128xf32, #tpu.memory_space<hbm>>
        %dma_start3A_987 = arith.constant 4608 : i32
        %dma_start3A_988 = tpu.memref_slice %arg14[%dma_start3A_987] : memref<10112xf32, #tpu.memory_space<vmem_shared>> -> memref<128xf32, #tpu.memory_space<vmem_shared>>
        tpu.enqueue_dma source(%dma_start3A_988 : memref<128xf32, #tpu.memory_space<vmem_shared>>) target(%dma_start3A_986 : memref<128xf32, #tpu.memory_space<hbm>>) target_semaphore(%run_scoped3A_985 : memref<!tpu.dma_semaphore, #tpu.memory_space<semaphore_mem>>)
        %dma_wait3A_989 = tpu.memref_slice %arg6[%add3A_984] : memref<20224xf32, #tpu.memory_space<hbm>> -> memref<128xf32, #tpu.memory_space<hbm>>
        %dma_wait3A_990 = arith.constant 4608 : i32
        %dma_wait3A_991 = tpu.memref_slice %arg14[%dma_wait3A_990] : memref<10112xf32, #tpu.memory_space<vmem_shared>> -> memref<128xf32, #tpu.memory_space<vmem_shared>>
        tpu.wait_dma2 semaphore(%run_scoped3A_985 : memref<!tpu.dma_semaphore, #tpu.memory_space<semaphore_mem>>) src(%dma_wait3A_991 : memref<128xf32, #tpu.memory_space<vmem_shared>>) dst(%dma_wait3A_989 : memref<128xf32, #tpu.memory_space<hbm>>)
        tpu.yield
      }) : () -> ()
    } else {
    }
    %eq3A_771 = arith.constant 5 : i32
    %eq3A_772 = arith.cmpi eq, %arg1, %eq3A_771 : i32
    %convert_element_type3A_773 = arith.extui %eq3A_772 : i1 to i32
    %cond3A_774 = arith.constant 0 : i32
    %cond3A_775 = arith.cmpi ne, %convert_element_type3A_773, %cond3A_774 : i32
    scf.if %cond3A_775 {
      %mul3A_981 = arith.constant 10112 : i32
      %mul3A_982 = arith.muli %arg0, %mul3A_981 : i32
      %add3A_983 = arith.constant 4736 : i32
      %add3A_984 = arith.addi %mul3A_982, %add3A_983 : i32
      "tpu.region"() ({
        %run_scoped3A_985 = tpu.sem_alloc : memref<!tpu.dma_semaphore, #tpu.memory_space<semaphore_mem>>
        %dma_start3A_986 = tpu.memref_slice %arg6[%add3A_984] : memref<20224xf32, #tpu.memory_space<hbm>> -> memref<128xf32, #tpu.memory_space<hbm>>
        %dma_start3A_987 = arith.constant 4736 : i32
        %dma_start3A_988 = tpu.memref_slice %arg14[%dma_start3A_987] : memref<10112xf32, #tpu.memory_space<vmem_shared>> -> memref<128xf32, #tpu.memory_space<vmem_shared>>
        tpu.enqueue_dma source(%dma_start3A_988 : memref<128xf32, #tpu.memory_space<vmem_shared>>) target(%dma_start3A_986 : memref<128xf32, #tpu.memory_space<hbm>>) target_semaphore(%run_scoped3A_985 : memref<!tpu.dma_semaphore, #tpu.memory_space<semaphore_mem>>)
        %dma_wait3A_989 = tpu.memref_slice %arg6[%add3A_984] : memref<20224xf32, #tpu.memory_space<hbm>> -> memref<128xf32, #tpu.memory_space<hbm>>
        %dma_wait3A_990 = arith.constant 4736 : i32
        %dma_wait3A_991 = tpu.memref_slice %arg14[%dma_wait3A_990] : memref<10112xf32, #tpu.memory_space<vmem_shared>> -> memref<128xf32, #tpu.memory_space<vmem_shared>>
        tpu.wait_dma2 semaphore(%run_scoped3A_985 : memref<!tpu.dma_semaphore, #tpu.memory_space<semaphore_mem>>) src(%dma_wait3A_991 : memref<128xf32, #tpu.memory_space<vmem_shared>>) dst(%dma_wait3A_989 : memref<128xf32, #tpu.memory_space<hbm>>)
        tpu.yield
      }) : () -> ()
    } else {
    }
    %eq3A_776 = arith.constant 6 : i32
    %eq3A_777 = arith.cmpi eq, %arg1, %eq3A_776 : i32
    %convert_element_type3A_778 = arith.extui %eq3A_777 : i1 to i32
    %cond3A_779 = arith.constant 0 : i32
    %cond3A_780 = arith.cmpi ne, %convert_element_type3A_778, %cond3A_779 : i32
    scf.if %cond3A_780 {
      %mul3A_981 = arith.constant 10112 : i32
      %mul3A_982 = arith.muli %arg0, %mul3A_981 : i32
      %add3A_983 = arith.constant 4864 : i32
      %add3A_984 = arith.addi %mul3A_982, %add3A_983 : i32
      "tpu.region"() ({
        %run_scoped3A_985 = tpu.sem_alloc : memref<!tpu.dma_semaphore, #tpu.memory_space<semaphore_mem>>
        %dma_start3A_986 = tpu.memref_slice %arg6[%add3A_984] : memref<20224xf32, #tpu.memory_space<hbm>> -> memref<128xf32, #tpu.memory_space<hbm>>
        %dma_start3A_987 = arith.constant 4864 : i32
        %dma_start3A_988 = tpu.memref_slice %arg14[%dma_start3A_987] : memref<10112xf32, #tpu.memory_space<vmem_shared>> -> memref<128xf32, #tpu.memory_space<vmem_shared>>
        tpu.enqueue_dma source(%dma_start3A_988 : memref<128xf32, #tpu.memory_space<vmem_shared>>) target(%dma_start3A_986 : memref<128xf32, #tpu.memory_space<hbm>>) target_semaphore(%run_scoped3A_985 : memref<!tpu.dma_semaphore, #tpu.memory_space<semaphore_mem>>)
        %dma_wait3A_989 = tpu.memref_slice %arg6[%add3A_984] : memref<20224xf32, #tpu.memory_space<hbm>> -> memref<128xf32, #tpu.memory_space<hbm>>
        %dma_wait3A_990 = arith.constant 4864 : i32
        %dma_wait3A_991 = tpu.memref_slice %arg14[%dma_wait3A_990] : memref<10112xf32, #tpu.memory_space<vmem_shared>> -> memref<128xf32, #tpu.memory_space<vmem_shared>>
        tpu.wait_dma2 semaphore(%run_scoped3A_985 : memref<!tpu.dma_semaphore, #tpu.memory_space<semaphore_mem>>) src(%dma_wait3A_991 : memref<128xf32, #tpu.memory_space<vmem_shared>>) dst(%dma_wait3A_989 : memref<128xf32, #tpu.memory_space<hbm>>)
        tpu.yield
      }) : () -> ()
    } else {
    }
    %eq3A_781 = arith.constant 7 : i32
    %eq3A_782 = arith.cmpi eq, %arg1, %eq3A_781 : i32
    %convert_element_type3A_783 = arith.extui %eq3A_782 : i1 to i32
    %cond3A_784 = arith.constant 0 : i32
    %cond3A_785 = arith.cmpi ne, %convert_element_type3A_783, %cond3A_784 : i32
    scf.if %cond3A_785 {
      %mul3A_981 = arith.constant 10112 : i32
      %mul3A_982 = arith.muli %arg0, %mul3A_981 : i32
      %add3A_983 = arith.constant 4992 : i32
      %add3A_984 = arith.addi %mul3A_982, %add3A_983 : i32
      "tpu.region"() ({
        %run_scoped3A_985 = tpu.sem_alloc : memref<!tpu.dma_semaphore, #tpu.memory_space<semaphore_mem>>
        %dma_start3A_986 = tpu.memref_slice %arg6[%add3A_984] : memref<20224xf32, #tpu.memory_space<hbm>> -> memref<128xf32, #tpu.memory_space<hbm>>
        %dma_start3A_987 = arith.constant 4992 : i32
        %dma_start3A_988 = tpu.memref_slice %arg14[%dma_start3A_987] : memref<10112xf32, #tpu.memory_space<vmem_shared>> -> memref<128xf32, #tpu.memory_space<vmem_shared>>
        tpu.enqueue_dma source(%dma_start3A_988 : memref<128xf32, #tpu.memory_space<vmem_shared>>) target(%dma_start3A_986 : memref<128xf32, #tpu.memory_space<hbm>>) target_semaphore(%run_scoped3A_985 : memref<!tpu.dma_semaphore, #tpu.memory_space<semaphore_mem>>)
        %dma_wait3A_989 = tpu.memref_slice %arg6[%add3A_984] : memref<20224xf32, #tpu.memory_space<hbm>> -> memref<128xf32, #tpu.memory_space<hbm>>
        %dma_wait3A_990 = arith.constant 4992 : i32
        %dma_wait3A_991 = tpu.memref_slice %arg14[%dma_wait3A_990] : memref<10112xf32, #tpu.memory_space<vmem_shared>> -> memref<128xf32, #tpu.memory_space<vmem_shared>>
        tpu.wait_dma2 semaphore(%run_scoped3A_985 : memref<!tpu.dma_semaphore, #tpu.memory_space<semaphore_mem>>) src(%dma_wait3A_991 : memref<128xf32, #tpu.memory_space<vmem_shared>>) dst(%dma_wait3A_989 : memref<128xf32, #tpu.memory_space<hbm>>)
        tpu.yield
      }) : () -> ()
    } else {
    }
    %eq3A_786 = arith.constant 8 : i32
    %eq3A_787 = arith.cmpi eq, %arg1, %eq3A_786 : i32
    %convert_element_type3A_788 = arith.extui %eq3A_787 : i1 to i32
    %cond3A_789 = arith.constant 0 : i32
    %cond3A_790 = arith.cmpi ne, %convert_element_type3A_788, %cond3A_789 : i32
    scf.if %cond3A_790 {
      %mul3A_981 = arith.constant 10112 : i32
      %mul3A_982 = arith.muli %arg0, %mul3A_981 : i32
      %add3A_983 = arith.constant 5120 : i32
      %add3A_984 = arith.addi %mul3A_982, %add3A_983 : i32
      "tpu.region"() ({
        %run_scoped3A_985 = tpu.sem_alloc : memref<!tpu.dma_semaphore, #tpu.memory_space<semaphore_mem>>
        %dma_start3A_986 = tpu.memref_slice %arg6[%add3A_984] : memref<20224xf32, #tpu.memory_space<hbm>> -> memref<128xf32, #tpu.memory_space<hbm>>
        %dma_start3A_987 = arith.constant 5120 : i32
        %dma_start3A_988 = tpu.memref_slice %arg14[%dma_start3A_987] : memref<10112xf32, #tpu.memory_space<vmem_shared>> -> memref<128xf32, #tpu.memory_space<vmem_shared>>
        tpu.enqueue_dma source(%dma_start3A_988 : memref<128xf32, #tpu.memory_space<vmem_shared>>) target(%dma_start3A_986 : memref<128xf32, #tpu.memory_space<hbm>>) target_semaphore(%run_scoped3A_985 : memref<!tpu.dma_semaphore, #tpu.memory_space<semaphore_mem>>)
        %dma_wait3A_989 = tpu.memref_slice %arg6[%add3A_984] : memref<20224xf32, #tpu.memory_space<hbm>> -> memref<128xf32, #tpu.memory_space<hbm>>
        %dma_wait3A_990 = arith.constant 5120 : i32
        %dma_wait3A_991 = tpu.memref_slice %arg14[%dma_wait3A_990] : memref<10112xf32, #tpu.memory_space<vmem_shared>> -> memref<128xf32, #tpu.memory_space<vmem_shared>>
        tpu.wait_dma2 semaphore(%run_scoped3A_985 : memref<!tpu.dma_semaphore, #tpu.memory_space<semaphore_mem>>) src(%dma_wait3A_991 : memref<128xf32, #tpu.memory_space<vmem_shared>>) dst(%dma_wait3A_989 : memref<128xf32, #tpu.memory_space<hbm>>)
        tpu.yield
      }) : () -> ()
    } else {
    }
    %eq3A_791 = arith.constant 9 : i32
    %eq3A_792 = arith.cmpi eq, %arg1, %eq3A_791 : i32
    %convert_element_type3A_793 = arith.extui %eq3A_792 : i1 to i32
    %cond3A_794 = arith.constant 0 : i32
    %cond3A_795 = arith.cmpi ne, %convert_element_type3A_793, %cond3A_794 : i32
    scf.if %cond3A_795 {
      %mul3A_981 = arith.constant 10112 : i32
      %mul3A_982 = arith.muli %arg0, %mul3A_981 : i32
      %add3A_983 = arith.constant 5248 : i32
      %add3A_984 = arith.addi %mul3A_982, %add3A_983 : i32
      "tpu.region"() ({
        %run_scoped3A_985 = tpu.sem_alloc : memref<!tpu.dma_semaphore, #tpu.memory_space<semaphore_mem>>
        %dma_start3A_986 = tpu.memref_slice %arg6[%add3A_984] : memref<20224xf32, #tpu.memory_space<hbm>> -> memref<128xf32, #tpu.memory_space<hbm>>
        %dma_start3A_987 = arith.constant 5248 : i32
        %dma_start3A_988 = tpu.memref_slice %arg14[%dma_start3A_987] : memref<10112xf32, #tpu.memory_space<vmem_shared>> -> memref<128xf32, #tpu.memory_space<vmem_shared>>
        tpu.enqueue_dma source(%dma_start3A_988 : memref<128xf32, #tpu.memory_space<vmem_shared>>) target(%dma_start3A_986 : memref<128xf32, #tpu.memory_space<hbm>>) target_semaphore(%run_scoped3A_985 : memref<!tpu.dma_semaphore, #tpu.memory_space<semaphore_mem>>)
        %dma_wait3A_989 = tpu.memref_slice %arg6[%add3A_984] : memref<20224xf32, #tpu.memory_space<hbm>> -> memref<128xf32, #tpu.memory_space<hbm>>
        %dma_wait3A_990 = arith.constant 5248 : i32
        %dma_wait3A_991 = tpu.memref_slice %arg14[%dma_wait3A_990] : memref<10112xf32, #tpu.memory_space<vmem_shared>> -> memref<128xf32, #tpu.memory_space<vmem_shared>>
        tpu.wait_dma2 semaphore(%run_scoped3A_985 : memref<!tpu.dma_semaphore, #tpu.memory_space<semaphore_mem>>) src(%dma_wait3A_991 : memref<128xf32, #tpu.memory_space<vmem_shared>>) dst(%dma_wait3A_989 : memref<128xf32, #tpu.memory_space<hbm>>)
        tpu.yield
      }) : () -> ()
    } else {
    }
    %eq3A_796 = arith.constant 10 : i32
    %eq3A_797 = arith.cmpi eq, %arg1, %eq3A_796 : i32
    %convert_element_type3A_798 = arith.extui %eq3A_797 : i1 to i32
    %cond3A_799 = arith.constant 0 : i32
    %cond3A_800 = arith.cmpi ne, %convert_element_type3A_798, %cond3A_799 : i32
    scf.if %cond3A_800 {
      %mul3A_981 = arith.constant 10112 : i32
      %mul3A_982 = arith.muli %arg0, %mul3A_981 : i32
      %add3A_983 = arith.constant 5376 : i32
      %add3A_984 = arith.addi %mul3A_982, %add3A_983 : i32
      "tpu.region"() ({
        %run_scoped3A_985 = tpu.sem_alloc : memref<!tpu.dma_semaphore, #tpu.memory_space<semaphore_mem>>
        %dma_start3A_986 = tpu.memref_slice %arg6[%add3A_984] : memref<20224xf32, #tpu.memory_space<hbm>> -> memref<128xf32, #tpu.memory_space<hbm>>
        %dma_start3A_987 = arith.constant 5376 : i32
        %dma_start3A_988 = tpu.memref_slice %arg14[%dma_start3A_987] : memref<10112xf32, #tpu.memory_space<vmem_shared>> -> memref<128xf32, #tpu.memory_space<vmem_shared>>
        tpu.enqueue_dma source(%dma_start3A_988 : memref<128xf32, #tpu.memory_space<vmem_shared>>) target(%dma_start3A_986 : memref<128xf32, #tpu.memory_space<hbm>>) target_semaphore(%run_scoped3A_985 : memref<!tpu.dma_semaphore, #tpu.memory_space<semaphore_mem>>)
        %dma_wait3A_989 = tpu.memref_slice %arg6[%add3A_984] : memref<20224xf32, #tpu.memory_space<hbm>> -> memref<128xf32, #tpu.memory_space<hbm>>
        %dma_wait3A_990 = arith.constant 5376 : i32
        %dma_wait3A_991 = tpu.memref_slice %arg14[%dma_wait3A_990] : memref<10112xf32, #tpu.memory_space<vmem_shared>> -> memref<128xf32, #tpu.memory_space<vmem_shared>>
        tpu.wait_dma2 semaphore(%run_scoped3A_985 : memref<!tpu.dma_semaphore, #tpu.memory_space<semaphore_mem>>) src(%dma_wait3A_991 : memref<128xf32, #tpu.memory_space<vmem_shared>>) dst(%dma_wait3A_989 : memref<128xf32, #tpu.memory_space<hbm>>)
        tpu.yield
      }) : () -> ()
    } else {
    }
    %eq3A_801 = arith.constant 11 : i32
    %eq3A_802 = arith.cmpi eq, %arg1, %eq3A_801 : i32
    %convert_element_type3A_803 = arith.extui %eq3A_802 : i1 to i32
    %cond3A_804 = arith.constant 0 : i32
    %cond3A_805 = arith.cmpi ne, %convert_element_type3A_803, %cond3A_804 : i32
    scf.if %cond3A_805 {
      %mul3A_981 = arith.constant 10112 : i32
      %mul3A_982 = arith.muli %arg0, %mul3A_981 : i32
      %add3A_983 = arith.constant 5504 : i32
      %add3A_984 = arith.addi %mul3A_982, %add3A_983 : i32
      "tpu.region"() ({
        %run_scoped3A_985 = tpu.sem_alloc : memref<!tpu.dma_semaphore, #tpu.memory_space<semaphore_mem>>
        %dma_start3A_986 = tpu.memref_slice %arg6[%add3A_984] : memref<20224xf32, #tpu.memory_space<hbm>> -> memref<128xf32, #tpu.memory_space<hbm>>
        %dma_start3A_987 = arith.constant 5504 : i32
        %dma_start3A_988 = tpu.memref_slice %arg14[%dma_start3A_987] : memref<10112xf32, #tpu.memory_space<vmem_shared>> -> memref<128xf32, #tpu.memory_space<vmem_shared>>
        tpu.enqueue_dma source(%dma_start3A_988 : memref<128xf32, #tpu.memory_space<vmem_shared>>) target(%dma_start3A_986 : memref<128xf32, #tpu.memory_space<hbm>>) target_semaphore(%run_scoped3A_985 : memref<!tpu.dma_semaphore, #tpu.memory_space<semaphore_mem>>)
        %dma_wait3A_989 = tpu.memref_slice %arg6[%add3A_984] : memref<20224xf32, #tpu.memory_space<hbm>> -> memref<128xf32, #tpu.memory_space<hbm>>
        %dma_wait3A_990 = arith.constant 5504 : i32
        %dma_wait3A_991 = tpu.memref_slice %arg14[%dma_wait3A_990] : memref<10112xf32, #tpu.memory_space<vmem_shared>> -> memref<128xf32, #tpu.memory_space<vmem_shared>>
        tpu.wait_dma2 semaphore(%run_scoped3A_985 : memref<!tpu.dma_semaphore, #tpu.memory_space<semaphore_mem>>) src(%dma_wait3A_991 : memref<128xf32, #tpu.memory_space<vmem_shared>>) dst(%dma_wait3A_989 : memref<128xf32, #tpu.memory_space<hbm>>)
        tpu.yield
      }) : () -> ()
    } else {
    }
    %eq3A_806 = arith.constant 12 : i32
    %eq3A_807 = arith.cmpi eq, %arg1, %eq3A_806 : i32
    %convert_element_type3A_808 = arith.extui %eq3A_807 : i1 to i32
    %cond3A_809 = arith.constant 0 : i32
    %cond3A_810 = arith.cmpi ne, %convert_element_type3A_808, %cond3A_809 : i32
    scf.if %cond3A_810 {
      %mul3A_981 = arith.constant 10112 : i32
      %mul3A_982 = arith.muli %arg0, %mul3A_981 : i32
      %add3A_983 = arith.constant 5632 : i32
      %add3A_984 = arith.addi %mul3A_982, %add3A_983 : i32
      "tpu.region"() ({
        %run_scoped3A_985 = tpu.sem_alloc : memref<!tpu.dma_semaphore, #tpu.memory_space<semaphore_mem>>
        %dma_start3A_986 = tpu.memref_slice %arg6[%add3A_984] : memref<20224xf32, #tpu.memory_space<hbm>> -> memref<128xf32, #tpu.memory_space<hbm>>
        %dma_start3A_987 = arith.constant 5632 : i32
        %dma_start3A_988 = tpu.memref_slice %arg14[%dma_start3A_987] : memref<10112xf32, #tpu.memory_space<vmem_shared>> -> memref<128xf32, #tpu.memory_space<vmem_shared>>
        tpu.enqueue_dma source(%dma_start3A_988 : memref<128xf32, #tpu.memory_space<vmem_shared>>) target(%dma_start3A_986 : memref<128xf32, #tpu.memory_space<hbm>>) target_semaphore(%run_scoped3A_985 : memref<!tpu.dma_semaphore, #tpu.memory_space<semaphore_mem>>)
        %dma_wait3A_989 = tpu.memref_slice %arg6[%add3A_984] : memref<20224xf32, #tpu.memory_space<hbm>> -> memref<128xf32, #tpu.memory_space<hbm>>
        %dma_wait3A_990 = arith.constant 5632 : i32
        %dma_wait3A_991 = tpu.memref_slice %arg14[%dma_wait3A_990] : memref<10112xf32, #tpu.memory_space<vmem_shared>> -> memref<128xf32, #tpu.memory_space<vmem_shared>>
        tpu.wait_dma2 semaphore(%run_scoped3A_985 : memref<!tpu.dma_semaphore, #tpu.memory_space<semaphore_mem>>) src(%dma_wait3A_991 : memref<128xf32, #tpu.memory_space<vmem_shared>>) dst(%dma_wait3A_989 : memref<128xf32, #tpu.memory_space<hbm>>)
        tpu.yield
      }) : () -> ()
    } else {
    }
    %eq3A_811 = arith.constant 13 : i32
    %eq3A_812 = arith.cmpi eq, %arg1, %eq3A_811 : i32
    %convert_element_type3A_813 = arith.extui %eq3A_812 : i1 to i32
    %cond3A_814 = arith.constant 0 : i32
    %cond3A_815 = arith.cmpi ne, %convert_element_type3A_813, %cond3A_814 : i32
    scf.if %cond3A_815 {
      %mul3A_981 = arith.constant 10112 : i32
      %mul3A_982 = arith.muli %arg0, %mul3A_981 : i32
      %add3A_983 = arith.constant 5760 : i32
      %add3A_984 = arith.addi %mul3A_982, %add3A_983 : i32
      "tpu.region"() ({
        %run_scoped3A_985 = tpu.sem_alloc : memref<!tpu.dma_semaphore, #tpu.memory_space<semaphore_mem>>
        %dma_start3A_986 = tpu.memref_slice %arg6[%add3A_984] : memref<20224xf32, #tpu.memory_space<hbm>> -> memref<128xf32, #tpu.memory_space<hbm>>
        %dma_start3A_987 = arith.constant 5760 : i32
        %dma_start3A_988 = tpu.memref_slice %arg14[%dma_start3A_987] : memref<10112xf32, #tpu.memory_space<vmem_shared>> -> memref<128xf32, #tpu.memory_space<vmem_shared>>
        tpu.enqueue_dma source(%dma_start3A_988 : memref<128xf32, #tpu.memory_space<vmem_shared>>) target(%dma_start3A_986 : memref<128xf32, #tpu.memory_space<hbm>>) target_semaphore(%run_scoped3A_985 : memref<!tpu.dma_semaphore, #tpu.memory_space<semaphore_mem>>)
        %dma_wait3A_989 = tpu.memref_slice %arg6[%add3A_984] : memref<20224xf32, #tpu.memory_space<hbm>> -> memref<128xf32, #tpu.memory_space<hbm>>
        %dma_wait3A_990 = arith.constant 5760 : i32
        %dma_wait3A_991 = tpu.memref_slice %arg14[%dma_wait3A_990] : memref<10112xf32, #tpu.memory_space<vmem_shared>> -> memref<128xf32, #tpu.memory_space<vmem_shared>>
        tpu.wait_dma2 semaphore(%run_scoped3A_985 : memref<!tpu.dma_semaphore, #tpu.memory_space<semaphore_mem>>) src(%dma_wait3A_991 : memref<128xf32, #tpu.memory_space<vmem_shared>>) dst(%dma_wait3A_989 : memref<128xf32, #tpu.memory_space<hbm>>)
        tpu.yield
      }) : () -> ()
    } else {
    }
    %eq3A_816 = arith.constant 14 : i32
    %eq3A_817 = arith.cmpi eq, %arg1, %eq3A_816 : i32
    %convert_element_type3A_818 = arith.extui %eq3A_817 : i1 to i32
    %cond3A_819 = arith.constant 0 : i32
    %cond3A_820 = arith.cmpi ne, %convert_element_type3A_818, %cond3A_819 : i32
    scf.if %cond3A_820 {
      %mul3A_981 = arith.constant 10112 : i32
      %mul3A_982 = arith.muli %arg0, %mul3A_981 : i32
      %add3A_983 = arith.constant 5888 : i32
      %add3A_984 = arith.addi %mul3A_982, %add3A_983 : i32
      "tpu.region"() ({
        %run_scoped3A_985 = tpu.sem_alloc : memref<!tpu.dma_semaphore, #tpu.memory_space<semaphore_mem>>
        %dma_start3A_986 = tpu.memref_slice %arg6[%add3A_984] : memref<20224xf32, #tpu.memory_space<hbm>> -> memref<128xf32, #tpu.memory_space<hbm>>
        %dma_start3A_987 = arith.constant 5888 : i32
        %dma_start3A_988 = tpu.memref_slice %arg14[%dma_start3A_987] : memref<10112xf32, #tpu.memory_space<vmem_shared>> -> memref<128xf32, #tpu.memory_space<vmem_shared>>
        tpu.enqueue_dma source(%dma_start3A_988 : memref<128xf32, #tpu.memory_space<vmem_shared>>) target(%dma_start3A_986 : memref<128xf32, #tpu.memory_space<hbm>>) target_semaphore(%run_scoped3A_985 : memref<!tpu.dma_semaphore, #tpu.memory_space<semaphore_mem>>)
        %dma_wait3A_989 = tpu.memref_slice %arg6[%add3A_984] : memref<20224xf32, #tpu.memory_space<hbm>> -> memref<128xf32, #tpu.memory_space<hbm>>
        %dma_wait3A_990 = arith.constant 5888 : i32
        %dma_wait3A_991 = tpu.memref_slice %arg14[%dma_wait3A_990] : memref<10112xf32, #tpu.memory_space<vmem_shared>> -> memref<128xf32, #tpu.memory_space<vmem_shared>>
        tpu.wait_dma2 semaphore(%run_scoped3A_985 : memref<!tpu.dma_semaphore, #tpu.memory_space<semaphore_mem>>) src(%dma_wait3A_991 : memref<128xf32, #tpu.memory_space<vmem_shared>>) dst(%dma_wait3A_989 : memref<128xf32, #tpu.memory_space<hbm>>)
        tpu.yield
      }) : () -> ()
    } else {
    }
    %eq3A_821 = arith.constant 15 : i32
    %eq3A_822 = arith.cmpi eq, %arg1, %eq3A_821 : i32
    %convert_element_type3A_823 = arith.extui %eq3A_822 : i1 to i32
    %cond3A_824 = arith.constant 0 : i32
    %cond3A_825 = arith.cmpi ne, %convert_element_type3A_823, %cond3A_824 : i32
    scf.if %cond3A_825 {
      %mul3A_981 = arith.constant 10112 : i32
      %mul3A_982 = arith.muli %arg0, %mul3A_981 : i32
      %add3A_983 = arith.constant 6016 : i32
      %add3A_984 = arith.addi %mul3A_982, %add3A_983 : i32
      "tpu.region"() ({
        %run_scoped3A_985 = tpu.sem_alloc : memref<!tpu.dma_semaphore, #tpu.memory_space<semaphore_mem>>
        %dma_start3A_986 = tpu.memref_slice %arg6[%add3A_984] : memref<20224xf32, #tpu.memory_space<hbm>> -> memref<128xf32, #tpu.memory_space<hbm>>
        %dma_start3A_987 = arith.constant 6016 : i32
        %dma_start3A_988 = tpu.memref_slice %arg14[%dma_start3A_987] : memref<10112xf32, #tpu.memory_space<vmem_shared>> -> memref<128xf32, #tpu.memory_space<vmem_shared>>
        tpu.enqueue_dma source(%dma_start3A_988 : memref<128xf32, #tpu.memory_space<vmem_shared>>) target(%dma_start3A_986 : memref<128xf32, #tpu.memory_space<hbm>>) target_semaphore(%run_scoped3A_985 : memref<!tpu.dma_semaphore, #tpu.memory_space<semaphore_mem>>)
        %dma_wait3A_989 = tpu.memref_slice %arg6[%add3A_984] : memref<20224xf32, #tpu.memory_space<hbm>> -> memref<128xf32, #tpu.memory_space<hbm>>
        %dma_wait3A_990 = arith.constant 6016 : i32
        %dma_wait3A_991 = tpu.memref_slice %arg14[%dma_wait3A_990] : memref<10112xf32, #tpu.memory_space<vmem_shared>> -> memref<128xf32, #tpu.memory_space<vmem_shared>>
        tpu.wait_dma2 semaphore(%run_scoped3A_985 : memref<!tpu.dma_semaphore, #tpu.memory_space<semaphore_mem>>) src(%dma_wait3A_991 : memref<128xf32, #tpu.memory_space<vmem_shared>>) dst(%dma_wait3A_989 : memref<128xf32, #tpu.memory_space<hbm>>)
        tpu.yield
      }) : () -> ()
    } else {
    }
    %eq3A_826 = arith.constant 0 : i32
    %eq3A_827 = arith.cmpi eq, %arg1, %eq3A_826 : i32
    %convert_element_type3A_828 = arith.extui %eq3A_827 : i1 to i32
    %cond3A_829 = arith.constant 0 : i32
    %cond3A_830 = arith.cmpi ne, %convert_element_type3A_828, %cond3A_829 : i32
    scf.if %cond3A_830 {
      %mul3A_981 = arith.constant 10112 : i32
      %mul3A_982 = arith.muli %arg0, %mul3A_981 : i32
      %add3A_983 = arith.constant 6144 : i32
      %add3A_984 = arith.addi %mul3A_982, %add3A_983 : i32
      "tpu.region"() ({
        %run_scoped3A_985 = tpu.sem_alloc : memref<!tpu.dma_semaphore, #tpu.memory_space<semaphore_mem>>
        %dma_start3A_986 = tpu.memref_slice %arg6[%add3A_984] : memref<20224xf32, #tpu.memory_space<hbm>> -> memref<128xf32, #tpu.memory_space<hbm>>
        %dma_start3A_987 = arith.constant 6144 : i32
        %dma_start3A_988 = tpu.memref_slice %arg14[%dma_start3A_987] : memref<10112xf32, #tpu.memory_space<vmem_shared>> -> memref<128xf32, #tpu.memory_space<vmem_shared>>
        tpu.enqueue_dma source(%dma_start3A_988 : memref<128xf32, #tpu.memory_space<vmem_shared>>) target(%dma_start3A_986 : memref<128xf32, #tpu.memory_space<hbm>>) target_semaphore(%run_scoped3A_985 : memref<!tpu.dma_semaphore, #tpu.memory_space<semaphore_mem>>)
        %dma_wait3A_989 = tpu.memref_slice %arg6[%add3A_984] : memref<20224xf32, #tpu.memory_space<hbm>> -> memref<128xf32, #tpu.memory_space<hbm>>
        %dma_wait3A_990 = arith.constant 6144 : i32
        %dma_wait3A_991 = tpu.memref_slice %arg14[%dma_wait3A_990] : memref<10112xf32, #tpu.memory_space<vmem_shared>> -> memref<128xf32, #tpu.memory_space<vmem_shared>>
        tpu.wait_dma2 semaphore(%run_scoped3A_985 : memref<!tpu.dma_semaphore, #tpu.memory_space<semaphore_mem>>) src(%dma_wait3A_991 : memref<128xf32, #tpu.memory_space<vmem_shared>>) dst(%dma_wait3A_989 : memref<128xf32, #tpu.memory_space<hbm>>)
        tpu.yield
      }) : () -> ()
    } else {
    }
    %eq3A_831 = arith.constant 1 : i32
    %eq3A_832 = arith.cmpi eq, %arg1, %eq3A_831 : i32
    %convert_element_type3A_833 = arith.extui %eq3A_832 : i1 to i32
    %cond3A_834 = arith.constant 0 : i32
    %cond3A_835 = arith.cmpi ne, %convert_element_type3A_833, %cond3A_834 : i32
    scf.if %cond3A_835 {
      %mul3A_981 = arith.constant 10112 : i32
      %mul3A_982 = arith.muli %arg0, %mul3A_981 : i32
      %add3A_983 = arith.constant 6272 : i32
      %add3A_984 = arith.addi %mul3A_982, %add3A_983 : i32
      "tpu.region"() ({
        %run_scoped3A_985 = tpu.sem_alloc : memref<!tpu.dma_semaphore, #tpu.memory_space<semaphore_mem>>
        %dma_start3A_986 = tpu.memref_slice %arg6[%add3A_984] : memref<20224xf32, #tpu.memory_space<hbm>> -> memref<128xf32, #tpu.memory_space<hbm>>
        %dma_start3A_987 = arith.constant 6272 : i32
        %dma_start3A_988 = tpu.memref_slice %arg14[%dma_start3A_987] : memref<10112xf32, #tpu.memory_space<vmem_shared>> -> memref<128xf32, #tpu.memory_space<vmem_shared>>
        tpu.enqueue_dma source(%dma_start3A_988 : memref<128xf32, #tpu.memory_space<vmem_shared>>) target(%dma_start3A_986 : memref<128xf32, #tpu.memory_space<hbm>>) target_semaphore(%run_scoped3A_985 : memref<!tpu.dma_semaphore, #tpu.memory_space<semaphore_mem>>)
        %dma_wait3A_989 = tpu.memref_slice %arg6[%add3A_984] : memref<20224xf32, #tpu.memory_space<hbm>> -> memref<128xf32, #tpu.memory_space<hbm>>
        %dma_wait3A_990 = arith.constant 6272 : i32
        %dma_wait3A_991 = tpu.memref_slice %arg14[%dma_wait3A_990] : memref<10112xf32, #tpu.memory_space<vmem_shared>> -> memref<128xf32, #tpu.memory_space<vmem_shared>>
        tpu.wait_dma2 semaphore(%run_scoped3A_985 : memref<!tpu.dma_semaphore, #tpu.memory_space<semaphore_mem>>) src(%dma_wait3A_991 : memref<128xf32, #tpu.memory_space<vmem_shared>>) dst(%dma_wait3A_989 : memref<128xf32, #tpu.memory_space<hbm>>)
        tpu.yield
      }) : () -> ()
    } else {
    }
    %eq3A_836 = arith.constant 2 : i32
    %eq3A_837 = arith.cmpi eq, %arg1, %eq3A_836 : i32
    %convert_element_type3A_838 = arith.extui %eq3A_837 : i1 to i32
    %cond3A_839 = arith.constant 0 : i32
    %cond3A_840 = arith.cmpi ne, %convert_element_type3A_838, %cond3A_839 : i32
    scf.if %cond3A_840 {
      %mul3A_981 = arith.constant 10112 : i32
      %mul3A_982 = arith.muli %arg0, %mul3A_981 : i32
      %add3A_983 = arith.constant 6400 : i32
      %add3A_984 = arith.addi %mul3A_982, %add3A_983 : i32
      "tpu.region"() ({
        %run_scoped3A_985 = tpu.sem_alloc : memref<!tpu.dma_semaphore, #tpu.memory_space<semaphore_mem>>
        %dma_start3A_986 = tpu.memref_slice %arg6[%add3A_984] : memref<20224xf32, #tpu.memory_space<hbm>> -> memref<128xf32, #tpu.memory_space<hbm>>
        %dma_start3A_987 = arith.constant 6400 : i32
        %dma_start3A_988 = tpu.memref_slice %arg14[%dma_start3A_987] : memref<10112xf32, #tpu.memory_space<vmem_shared>> -> memref<128xf32, #tpu.memory_space<vmem_shared>>
        tpu.enqueue_dma source(%dma_start3A_988 : memref<128xf32, #tpu.memory_space<vmem_shared>>) target(%dma_start3A_986 : memref<128xf32, #tpu.memory_space<hbm>>) target_semaphore(%run_scoped3A_985 : memref<!tpu.dma_semaphore, #tpu.memory_space<semaphore_mem>>)
        %dma_wait3A_989 = tpu.memref_slice %arg6[%add3A_984] : memref<20224xf32, #tpu.memory_space<hbm>> -> memref<128xf32, #tpu.memory_space<hbm>>
        %dma_wait3A_990 = arith.constant 6400 : i32
        %dma_wait3A_991 = tpu.memref_slice %arg14[%dma_wait3A_990] : memref<10112xf32, #tpu.memory_space<vmem_shared>> -> memref<128xf32, #tpu.memory_space<vmem_shared>>
        tpu.wait_dma2 semaphore(%run_scoped3A_985 : memref<!tpu.dma_semaphore, #tpu.memory_space<semaphore_mem>>) src(%dma_wait3A_991 : memref<128xf32, #tpu.memory_space<vmem_shared>>) dst(%dma_wait3A_989 : memref<128xf32, #tpu.memory_space<hbm>>)
        tpu.yield
      }) : () -> ()
    } else {
    }
    %eq3A_841 = arith.constant 3 : i32
    %eq3A_842 = arith.cmpi eq, %arg1, %eq3A_841 : i32
    %convert_element_type3A_843 = arith.extui %eq3A_842 : i1 to i32
    %cond3A_844 = arith.constant 0 : i32
    %cond3A_845 = arith.cmpi ne, %convert_element_type3A_843, %cond3A_844 : i32
    scf.if %cond3A_845 {
      %mul3A_981 = arith.constant 10112 : i32
      %mul3A_982 = arith.muli %arg0, %mul3A_981 : i32
      %add3A_983 = arith.constant 6528 : i32
      %add3A_984 = arith.addi %mul3A_982, %add3A_983 : i32
      "tpu.region"() ({
        %run_scoped3A_985 = tpu.sem_alloc : memref<!tpu.dma_semaphore, #tpu.memory_space<semaphore_mem>>
        %dma_start3A_986 = tpu.memref_slice %arg6[%add3A_984] : memref<20224xf32, #tpu.memory_space<hbm>> -> memref<128xf32, #tpu.memory_space<hbm>>
        %dma_start3A_987 = arith.constant 6528 : i32
        %dma_start3A_988 = tpu.memref_slice %arg14[%dma_start3A_987] : memref<10112xf32, #tpu.memory_space<vmem_shared>> -> memref<128xf32, #tpu.memory_space<vmem_shared>>
        tpu.enqueue_dma source(%dma_start3A_988 : memref<128xf32, #tpu.memory_space<vmem_shared>>) target(%dma_start3A_986 : memref<128xf32, #tpu.memory_space<hbm>>) target_semaphore(%run_scoped3A_985 : memref<!tpu.dma_semaphore, #tpu.memory_space<semaphore_mem>>)
        %dma_wait3A_989 = tpu.memref_slice %arg6[%add3A_984] : memref<20224xf32, #tpu.memory_space<hbm>> -> memref<128xf32, #tpu.memory_space<hbm>>
        %dma_wait3A_990 = arith.constant 6528 : i32
        %dma_wait3A_991 = tpu.memref_slice %arg14[%dma_wait3A_990] : memref<10112xf32, #tpu.memory_space<vmem_shared>> -> memref<128xf32, #tpu.memory_space<vmem_shared>>
        tpu.wait_dma2 semaphore(%run_scoped3A_985 : memref<!tpu.dma_semaphore, #tpu.memory_space<semaphore_mem>>) src(%dma_wait3A_991 : memref<128xf32, #tpu.memory_space<vmem_shared>>) dst(%dma_wait3A_989 : memref<128xf32, #tpu.memory_space<hbm>>)
        tpu.yield
      }) : () -> ()
    } else {
    }
    %eq3A_846 = arith.constant 4 : i32
    %eq3A_847 = arith.cmpi eq, %arg1, %eq3A_846 : i32
    %convert_element_type3A_848 = arith.extui %eq3A_847 : i1 to i32
    %cond3A_849 = arith.constant 0 : i32
    %cond3A_850 = arith.cmpi ne, %convert_element_type3A_848, %cond3A_849 : i32
    scf.if %cond3A_850 {
      %mul3A_981 = arith.constant 10112 : i32
      %mul3A_982 = arith.muli %arg0, %mul3A_981 : i32
      %add3A_983 = arith.constant 6656 : i32
      %add3A_984 = arith.addi %mul3A_982, %add3A_983 : i32
      "tpu.region"() ({
        %run_scoped3A_985 = tpu.sem_alloc : memref<!tpu.dma_semaphore, #tpu.memory_space<semaphore_mem>>
        %dma_start3A_986 = tpu.memref_slice %arg6[%add3A_984] : memref<20224xf32, #tpu.memory_space<hbm>> -> memref<128xf32, #tpu.memory_space<hbm>>
        %dma_start3A_987 = arith.constant 6656 : i32
        %dma_start3A_988 = tpu.memref_slice %arg14[%dma_start3A_987] : memref<10112xf32, #tpu.memory_space<vmem_shared>> -> memref<128xf32, #tpu.memory_space<vmem_shared>>
        tpu.enqueue_dma source(%dma_start3A_988 : memref<128xf32, #tpu.memory_space<vmem_shared>>) target(%dma_start3A_986 : memref<128xf32, #tpu.memory_space<hbm>>) target_semaphore(%run_scoped3A_985 : memref<!tpu.dma_semaphore, #tpu.memory_space<semaphore_mem>>)
        %dma_wait3A_989 = tpu.memref_slice %arg6[%add3A_984] : memref<20224xf32, #tpu.memory_space<hbm>> -> memref<128xf32, #tpu.memory_space<hbm>>
        %dma_wait3A_990 = arith.constant 6656 : i32
        %dma_wait3A_991 = tpu.memref_slice %arg14[%dma_wait3A_990] : memref<10112xf32, #tpu.memory_space<vmem_shared>> -> memref<128xf32, #tpu.memory_space<vmem_shared>>
        tpu.wait_dma2 semaphore(%run_scoped3A_985 : memref<!tpu.dma_semaphore, #tpu.memory_space<semaphore_mem>>) src(%dma_wait3A_991 : memref<128xf32, #tpu.memory_space<vmem_shared>>) dst(%dma_wait3A_989 : memref<128xf32, #tpu.memory_space<hbm>>)
        tpu.yield
      }) : () -> ()
    } else {
    }
    %eq3A_851 = arith.constant 5 : i32
    %eq3A_852 = arith.cmpi eq, %arg1, %eq3A_851 : i32
    %convert_element_type3A_853 = arith.extui %eq3A_852 : i1 to i32
    %cond3A_854 = arith.constant 0 : i32
    %cond3A_855 = arith.cmpi ne, %convert_element_type3A_853, %cond3A_854 : i32
    scf.if %cond3A_855 {
      %mul3A_981 = arith.constant 10112 : i32
      %mul3A_982 = arith.muli %arg0, %mul3A_981 : i32
      %add3A_983 = arith.constant 6784 : i32
      %add3A_984 = arith.addi %mul3A_982, %add3A_983 : i32
      "tpu.region"() ({
        %run_scoped3A_985 = tpu.sem_alloc : memref<!tpu.dma_semaphore, #tpu.memory_space<semaphore_mem>>
        %dma_start3A_986 = tpu.memref_slice %arg6[%add3A_984] : memref<20224xf32, #tpu.memory_space<hbm>> -> memref<128xf32, #tpu.memory_space<hbm>>
        %dma_start3A_987 = arith.constant 6784 : i32
        %dma_start3A_988 = tpu.memref_slice %arg14[%dma_start3A_987] : memref<10112xf32, #tpu.memory_space<vmem_shared>> -> memref<128xf32, #tpu.memory_space<vmem_shared>>
        tpu.enqueue_dma source(%dma_start3A_988 : memref<128xf32, #tpu.memory_space<vmem_shared>>) target(%dma_start3A_986 : memref<128xf32, #tpu.memory_space<hbm>>) target_semaphore(%run_scoped3A_985 : memref<!tpu.dma_semaphore, #tpu.memory_space<semaphore_mem>>)
        %dma_wait3A_989 = tpu.memref_slice %arg6[%add3A_984] : memref<20224xf32, #tpu.memory_space<hbm>> -> memref<128xf32, #tpu.memory_space<hbm>>
        %dma_wait3A_990 = arith.constant 6784 : i32
        %dma_wait3A_991 = tpu.memref_slice %arg14[%dma_wait3A_990] : memref<10112xf32, #tpu.memory_space<vmem_shared>> -> memref<128xf32, #tpu.memory_space<vmem_shared>>
        tpu.wait_dma2 semaphore(%run_scoped3A_985 : memref<!tpu.dma_semaphore, #tpu.memory_space<semaphore_mem>>) src(%dma_wait3A_991 : memref<128xf32, #tpu.memory_space<vmem_shared>>) dst(%dma_wait3A_989 : memref<128xf32, #tpu.memory_space<hbm>>)
        tpu.yield
      }) : () -> ()
    } else {
    }
    %eq3A_856 = arith.constant 6 : i32
    %eq3A_857 = arith.cmpi eq, %arg1, %eq3A_856 : i32
    %convert_element_type3A_858 = arith.extui %eq3A_857 : i1 to i32
    %cond3A_859 = arith.constant 0 : i32
    %cond3A_860 = arith.cmpi ne, %convert_element_type3A_858, %cond3A_859 : i32
    scf.if %cond3A_860 {
      %mul3A_981 = arith.constant 10112 : i32
      %mul3A_982 = arith.muli %arg0, %mul3A_981 : i32
      %add3A_983 = arith.constant 6912 : i32
      %add3A_984 = arith.addi %mul3A_982, %add3A_983 : i32
      "tpu.region"() ({
        %run_scoped3A_985 = tpu.sem_alloc : memref<!tpu.dma_semaphore, #tpu.memory_space<semaphore_mem>>
        %dma_start3A_986 = tpu.memref_slice %arg6[%add3A_984] : memref<20224xf32, #tpu.memory_space<hbm>> -> memref<128xf32, #tpu.memory_space<hbm>>
        %dma_start3A_987 = arith.constant 6912 : i32
        %dma_start3A_988 = tpu.memref_slice %arg14[%dma_start3A_987] : memref<10112xf32, #tpu.memory_space<vmem_shared>> -> memref<128xf32, #tpu.memory_space<vmem_shared>>
        tpu.enqueue_dma source(%dma_start3A_988 : memref<128xf32, #tpu.memory_space<vmem_shared>>) target(%dma_start3A_986 : memref<128xf32, #tpu.memory_space<hbm>>) target_semaphore(%run_scoped3A_985 : memref<!tpu.dma_semaphore, #tpu.memory_space<semaphore_mem>>)
        %dma_wait3A_989 = tpu.memref_slice %arg6[%add3A_984] : memref<20224xf32, #tpu.memory_space<hbm>> -> memref<128xf32, #tpu.memory_space<hbm>>
        %dma_wait3A_990 = arith.constant 6912 : i32
        %dma_wait3A_991 = tpu.memref_slice %arg14[%dma_wait3A_990] : memref<10112xf32, #tpu.memory_space<vmem_shared>> -> memref<128xf32, #tpu.memory_space<vmem_shared>>
        tpu.wait_dma2 semaphore(%run_scoped3A_985 : memref<!tpu.dma_semaphore, #tpu.memory_space<semaphore_mem>>) src(%dma_wait3A_991 : memref<128xf32, #tpu.memory_space<vmem_shared>>) dst(%dma_wait3A_989 : memref<128xf32, #tpu.memory_space<hbm>>)
        tpu.yield
      }) : () -> ()
    } else {
    }
    %eq3A_861 = arith.constant 7 : i32
    %eq3A_862 = arith.cmpi eq, %arg1, %eq3A_861 : i32
    %convert_element_type3A_863 = arith.extui %eq3A_862 : i1 to i32
    %cond3A_864 = arith.constant 0 : i32
    %cond3A_865 = arith.cmpi ne, %convert_element_type3A_863, %cond3A_864 : i32
    scf.if %cond3A_865 {
      %mul3A_981 = arith.constant 10112 : i32
      %mul3A_982 = arith.muli %arg0, %mul3A_981 : i32
      %add3A_983 = arith.constant 7040 : i32
      %add3A_984 = arith.addi %mul3A_982, %add3A_983 : i32
      "tpu.region"() ({
        %run_scoped3A_985 = tpu.sem_alloc : memref<!tpu.dma_semaphore, #tpu.memory_space<semaphore_mem>>
        %dma_start3A_986 = tpu.memref_slice %arg6[%add3A_984] : memref<20224xf32, #tpu.memory_space<hbm>> -> memref<128xf32, #tpu.memory_space<hbm>>
        %dma_start3A_987 = arith.constant 7040 : i32
        %dma_start3A_988 = tpu.memref_slice %arg14[%dma_start3A_987] : memref<10112xf32, #tpu.memory_space<vmem_shared>> -> memref<128xf32, #tpu.memory_space<vmem_shared>>
        tpu.enqueue_dma source(%dma_start3A_988 : memref<128xf32, #tpu.memory_space<vmem_shared>>) target(%dma_start3A_986 : memref<128xf32, #tpu.memory_space<hbm>>) target_semaphore(%run_scoped3A_985 : memref<!tpu.dma_semaphore, #tpu.memory_space<semaphore_mem>>)
        %dma_wait3A_989 = tpu.memref_slice %arg6[%add3A_984] : memref<20224xf32, #tpu.memory_space<hbm>> -> memref<128xf32, #tpu.memory_space<hbm>>
        %dma_wait3A_990 = arith.constant 7040 : i32
        %dma_wait3A_991 = tpu.memref_slice %arg14[%dma_wait3A_990] : memref<10112xf32, #tpu.memory_space<vmem_shared>> -> memref<128xf32, #tpu.memory_space<vmem_shared>>
        tpu.wait_dma2 semaphore(%run_scoped3A_985 : memref<!tpu.dma_semaphore, #tpu.memory_space<semaphore_mem>>) src(%dma_wait3A_991 : memref<128xf32, #tpu.memory_space<vmem_shared>>) dst(%dma_wait3A_989 : memref<128xf32, #tpu.memory_space<hbm>>)
        tpu.yield
      }) : () -> ()
    } else {
    }
    %eq3A_866 = arith.constant 8 : i32
    %eq3A_867 = arith.cmpi eq, %arg1, %eq3A_866 : i32
    %convert_element_type3A_868 = arith.extui %eq3A_867 : i1 to i32
    %cond3A_869 = arith.constant 0 : i32
    %cond3A_870 = arith.cmpi ne, %convert_element_type3A_868, %cond3A_869 : i32
    scf.if %cond3A_870 {
      %mul3A_981 = arith.constant 10112 : i32
      %mul3A_982 = arith.muli %arg0, %mul3A_981 : i32
      %add3A_983 = arith.constant 7168 : i32
      %add3A_984 = arith.addi %mul3A_982, %add3A_983 : i32
      "tpu.region"() ({
        %run_scoped3A_985 = tpu.sem_alloc : memref<!tpu.dma_semaphore, #tpu.memory_space<semaphore_mem>>
        %dma_start3A_986 = tpu.memref_slice %arg6[%add3A_984] : memref<20224xf32, #tpu.memory_space<hbm>> -> memref<128xf32, #tpu.memory_space<hbm>>
        %dma_start3A_987 = arith.constant 7168 : i32
        %dma_start3A_988 = tpu.memref_slice %arg14[%dma_start3A_987] : memref<10112xf32, #tpu.memory_space<vmem_shared>> -> memref<128xf32, #tpu.memory_space<vmem_shared>>
        tpu.enqueue_dma source(%dma_start3A_988 : memref<128xf32, #tpu.memory_space<vmem_shared>>) target(%dma_start3A_986 : memref<128xf32, #tpu.memory_space<hbm>>) target_semaphore(%run_scoped3A_985 : memref<!tpu.dma_semaphore, #tpu.memory_space<semaphore_mem>>)
        %dma_wait3A_989 = tpu.memref_slice %arg6[%add3A_984] : memref<20224xf32, #tpu.memory_space<hbm>> -> memref<128xf32, #tpu.memory_space<hbm>>
        %dma_wait3A_990 = arith.constant 7168 : i32
        %dma_wait3A_991 = tpu.memref_slice %arg14[%dma_wait3A_990] : memref<10112xf32, #tpu.memory_space<vmem_shared>> -> memref<128xf32, #tpu.memory_space<vmem_shared>>
        tpu.wait_dma2 semaphore(%run_scoped3A_985 : memref<!tpu.dma_semaphore, #tpu.memory_space<semaphore_mem>>) src(%dma_wait3A_991 : memref<128xf32, #tpu.memory_space<vmem_shared>>) dst(%dma_wait3A_989 : memref<128xf32, #tpu.memory_space<hbm>>)
        tpu.yield
      }) : () -> ()
    } else {
    }
    %eq3A_871 = arith.constant 9 : i32
    %eq3A_872 = arith.cmpi eq, %arg1, %eq3A_871 : i32
    %convert_element_type3A_873 = arith.extui %eq3A_872 : i1 to i32
    %cond3A_874 = arith.constant 0 : i32
    %cond3A_875 = arith.cmpi ne, %convert_element_type3A_873, %cond3A_874 : i32
    scf.if %cond3A_875 {
      %mul3A_981 = arith.constant 10112 : i32
      %mul3A_982 = arith.muli %arg0, %mul3A_981 : i32
      %add3A_983 = arith.constant 7296 : i32
      %add3A_984 = arith.addi %mul3A_982, %add3A_983 : i32
      "tpu.region"() ({
        %run_scoped3A_985 = tpu.sem_alloc : memref<!tpu.dma_semaphore, #tpu.memory_space<semaphore_mem>>
        %dma_start3A_986 = tpu.memref_slice %arg6[%add3A_984] : memref<20224xf32, #tpu.memory_space<hbm>> -> memref<128xf32, #tpu.memory_space<hbm>>
        %dma_start3A_987 = arith.constant 7296 : i32
        %dma_start3A_988 = tpu.memref_slice %arg14[%dma_start3A_987] : memref<10112xf32, #tpu.memory_space<vmem_shared>> -> memref<128xf32, #tpu.memory_space<vmem_shared>>
        tpu.enqueue_dma source(%dma_start3A_988 : memref<128xf32, #tpu.memory_space<vmem_shared>>) target(%dma_start3A_986 : memref<128xf32, #tpu.memory_space<hbm>>) target_semaphore(%run_scoped3A_985 : memref<!tpu.dma_semaphore, #tpu.memory_space<semaphore_mem>>)
        %dma_wait3A_989 = tpu.memref_slice %arg6[%add3A_984] : memref<20224xf32, #tpu.memory_space<hbm>> -> memref<128xf32, #tpu.memory_space<hbm>>
        %dma_wait3A_990 = arith.constant 7296 : i32
        %dma_wait3A_991 = tpu.memref_slice %arg14[%dma_wait3A_990] : memref<10112xf32, #tpu.memory_space<vmem_shared>> -> memref<128xf32, #tpu.memory_space<vmem_shared>>
        tpu.wait_dma2 semaphore(%run_scoped3A_985 : memref<!tpu.dma_semaphore, #tpu.memory_space<semaphore_mem>>) src(%dma_wait3A_991 : memref<128xf32, #tpu.memory_space<vmem_shared>>) dst(%dma_wait3A_989 : memref<128xf32, #tpu.memory_space<hbm>>)
        tpu.yield
      }) : () -> ()
    } else {
    }
    %eq3A_876 = arith.constant 10 : i32
    %eq3A_877 = arith.cmpi eq, %arg1, %eq3A_876 : i32
    %convert_element_type3A_878 = arith.extui %eq3A_877 : i1 to i32
    %cond3A_879 = arith.constant 0 : i32
    %cond3A_880 = arith.cmpi ne, %convert_element_type3A_878, %cond3A_879 : i32
    scf.if %cond3A_880 {
      %mul3A_981 = arith.constant 10112 : i32
      %mul3A_982 = arith.muli %arg0, %mul3A_981 : i32
      %add3A_983 = arith.constant 7424 : i32
      %add3A_984 = arith.addi %mul3A_982, %add3A_983 : i32
      "tpu.region"() ({
        %run_scoped3A_985 = tpu.sem_alloc : memref<!tpu.dma_semaphore, #tpu.memory_space<semaphore_mem>>
        %dma_start3A_986 = tpu.memref_slice %arg6[%add3A_984] : memref<20224xf32, #tpu.memory_space<hbm>> -> memref<128xf32, #tpu.memory_space<hbm>>
        %dma_start3A_987 = arith.constant 7424 : i32
        %dma_start3A_988 = tpu.memref_slice %arg14[%dma_start3A_987] : memref<10112xf32, #tpu.memory_space<vmem_shared>> -> memref<128xf32, #tpu.memory_space<vmem_shared>>
        tpu.enqueue_dma source(%dma_start3A_988 : memref<128xf32, #tpu.memory_space<vmem_shared>>) target(%dma_start3A_986 : memref<128xf32, #tpu.memory_space<hbm>>) target_semaphore(%run_scoped3A_985 : memref<!tpu.dma_semaphore, #tpu.memory_space<semaphore_mem>>)
        %dma_wait3A_989 = tpu.memref_slice %arg6[%add3A_984] : memref<20224xf32, #tpu.memory_space<hbm>> -> memref<128xf32, #tpu.memory_space<hbm>>
        %dma_wait3A_990 = arith.constant 7424 : i32
        %dma_wait3A_991 = tpu.memref_slice %arg14[%dma_wait3A_990] : memref<10112xf32, #tpu.memory_space<vmem_shared>> -> memref<128xf32, #tpu.memory_space<vmem_shared>>
        tpu.wait_dma2 semaphore(%run_scoped3A_985 : memref<!tpu.dma_semaphore, #tpu.memory_space<semaphore_mem>>) src(%dma_wait3A_991 : memref<128xf32, #tpu.memory_space<vmem_shared>>) dst(%dma_wait3A_989 : memref<128xf32, #tpu.memory_space<hbm>>)
        tpu.yield
      }) : () -> ()
    } else {
    }
    %eq3A_881 = arith.constant 11 : i32
    %eq3A_882 = arith.cmpi eq, %arg1, %eq3A_881 : i32
    %convert_element_type3A_883 = arith.extui %eq3A_882 : i1 to i32
    %cond3A_884 = arith.constant 0 : i32
    %cond3A_885 = arith.cmpi ne, %convert_element_type3A_883, %cond3A_884 : i32
    scf.if %cond3A_885 {
      %mul3A_981 = arith.constant 10112 : i32
      %mul3A_982 = arith.muli %arg0, %mul3A_981 : i32
      %add3A_983 = arith.constant 7552 : i32
      %add3A_984 = arith.addi %mul3A_982, %add3A_983 : i32
      "tpu.region"() ({
        %run_scoped3A_985 = tpu.sem_alloc : memref<!tpu.dma_semaphore, #tpu.memory_space<semaphore_mem>>
        %dma_start3A_986 = tpu.memref_slice %arg6[%add3A_984] : memref<20224xf32, #tpu.memory_space<hbm>> -> memref<128xf32, #tpu.memory_space<hbm>>
        %dma_start3A_987 = arith.constant 7552 : i32
        %dma_start3A_988 = tpu.memref_slice %arg14[%dma_start3A_987] : memref<10112xf32, #tpu.memory_space<vmem_shared>> -> memref<128xf32, #tpu.memory_space<vmem_shared>>
        tpu.enqueue_dma source(%dma_start3A_988 : memref<128xf32, #tpu.memory_space<vmem_shared>>) target(%dma_start3A_986 : memref<128xf32, #tpu.memory_space<hbm>>) target_semaphore(%run_scoped3A_985 : memref<!tpu.dma_semaphore, #tpu.memory_space<semaphore_mem>>)
        %dma_wait3A_989 = tpu.memref_slice %arg6[%add3A_984] : memref<20224xf32, #tpu.memory_space<hbm>> -> memref<128xf32, #tpu.memory_space<hbm>>
        %dma_wait3A_990 = arith.constant 7552 : i32
        %dma_wait3A_991 = tpu.memref_slice %arg14[%dma_wait3A_990] : memref<10112xf32, #tpu.memory_space<vmem_shared>> -> memref<128xf32, #tpu.memory_space<vmem_shared>>
        tpu.wait_dma2 semaphore(%run_scoped3A_985 : memref<!tpu.dma_semaphore, #tpu.memory_space<semaphore_mem>>) src(%dma_wait3A_991 : memref<128xf32, #tpu.memory_space<vmem_shared>>) dst(%dma_wait3A_989 : memref<128xf32, #tpu.memory_space<hbm>>)
        tpu.yield
      }) : () -> ()
    } else {
    }
    %eq3A_886 = arith.constant 12 : i32
    %eq3A_887 = arith.cmpi eq, %arg1, %eq3A_886 : i32
    %convert_element_type3A_888 = arith.extui %eq3A_887 : i1 to i32
    %cond3A_889 = arith.constant 0 : i32
    %cond3A_890 = arith.cmpi ne, %convert_element_type3A_888, %cond3A_889 : i32
    scf.if %cond3A_890 {
      %mul3A_981 = arith.constant 10112 : i32
      %mul3A_982 = arith.muli %arg0, %mul3A_981 : i32
      %add3A_983 = arith.constant 7680 : i32
      %add3A_984 = arith.addi %mul3A_982, %add3A_983 : i32
      "tpu.region"() ({
        %run_scoped3A_985 = tpu.sem_alloc : memref<!tpu.dma_semaphore, #tpu.memory_space<semaphore_mem>>
        %dma_start3A_986 = tpu.memref_slice %arg6[%add3A_984] : memref<20224xf32, #tpu.memory_space<hbm>> -> memref<128xf32, #tpu.memory_space<hbm>>
        %dma_start3A_987 = arith.constant 7680 : i32
        %dma_start3A_988 = tpu.memref_slice %arg14[%dma_start3A_987] : memref<10112xf32, #tpu.memory_space<vmem_shared>> -> memref<128xf32, #tpu.memory_space<vmem_shared>>
        tpu.enqueue_dma source(%dma_start3A_988 : memref<128xf32, #tpu.memory_space<vmem_shared>>) target(%dma_start3A_986 : memref<128xf32, #tpu.memory_space<hbm>>) target_semaphore(%run_scoped3A_985 : memref<!tpu.dma_semaphore, #tpu.memory_space<semaphore_mem>>)
        %dma_wait3A_989 = tpu.memref_slice %arg6[%add3A_984] : memref<20224xf32, #tpu.memory_space<hbm>> -> memref<128xf32, #tpu.memory_space<hbm>>
        %dma_wait3A_990 = arith.constant 7680 : i32
        %dma_wait3A_991 = tpu.memref_slice %arg14[%dma_wait3A_990] : memref<10112xf32, #tpu.memory_space<vmem_shared>> -> memref<128xf32, #tpu.memory_space<vmem_shared>>
        tpu.wait_dma2 semaphore(%run_scoped3A_985 : memref<!tpu.dma_semaphore, #tpu.memory_space<semaphore_mem>>) src(%dma_wait3A_991 : memref<128xf32, #tpu.memory_space<vmem_shared>>) dst(%dma_wait3A_989 : memref<128xf32, #tpu.memory_space<hbm>>)
        tpu.yield
      }) : () -> ()
    } else {
    }
    %eq3A_891 = arith.constant 13 : i32
    %eq3A_892 = arith.cmpi eq, %arg1, %eq3A_891 : i32
    %convert_element_type3A_893 = arith.extui %eq3A_892 : i1 to i32
    %cond3A_894 = arith.constant 0 : i32
    %cond3A_895 = arith.cmpi ne, %convert_element_type3A_893, %cond3A_894 : i32
    scf.if %cond3A_895 {
      %mul3A_981 = arith.constant 10112 : i32
      %mul3A_982 = arith.muli %arg0, %mul3A_981 : i32
      %add3A_983 = arith.constant 7808 : i32
      %add3A_984 = arith.addi %mul3A_982, %add3A_983 : i32
      "tpu.region"() ({
        %run_scoped3A_985 = tpu.sem_alloc : memref<!tpu.dma_semaphore, #tpu.memory_space<semaphore_mem>>
        %dma_start3A_986 = tpu.memref_slice %arg6[%add3A_984] : memref<20224xf32, #tpu.memory_space<hbm>> -> memref<128xf32, #tpu.memory_space<hbm>>
        %dma_start3A_987 = arith.constant 7808 : i32
        %dma_start3A_988 = tpu.memref_slice %arg14[%dma_start3A_987] : memref<10112xf32, #tpu.memory_space<vmem_shared>> -> memref<128xf32, #tpu.memory_space<vmem_shared>>
        tpu.enqueue_dma source(%dma_start3A_988 : memref<128xf32, #tpu.memory_space<vmem_shared>>) target(%dma_start3A_986 : memref<128xf32, #tpu.memory_space<hbm>>) target_semaphore(%run_scoped3A_985 : memref<!tpu.dma_semaphore, #tpu.memory_space<semaphore_mem>>)
        %dma_wait3A_989 = tpu.memref_slice %arg6[%add3A_984] : memref<20224xf32, #tpu.memory_space<hbm>> -> memref<128xf32, #tpu.memory_space<hbm>>
        %dma_wait3A_990 = arith.constant 7808 : i32
        %dma_wait3A_991 = tpu.memref_slice %arg14[%dma_wait3A_990] : memref<10112xf32, #tpu.memory_space<vmem_shared>> -> memref<128xf32, #tpu.memory_space<vmem_shared>>
        tpu.wait_dma2 semaphore(%run_scoped3A_985 : memref<!tpu.dma_semaphore, #tpu.memory_space<semaphore_mem>>) src(%dma_wait3A_991 : memref<128xf32, #tpu.memory_space<vmem_shared>>) dst(%dma_wait3A_989 : memref<128xf32, #tpu.memory_space<hbm>>)
        tpu.yield
      }) : () -> ()
    } else {
    }
    %eq3A_896 = arith.constant 14 : i32
    %eq3A_897 = arith.cmpi eq, %arg1, %eq3A_896 : i32
    %convert_element_type3A_898 = arith.extui %eq3A_897 : i1 to i32
    %cond3A_899 = arith.constant 0 : i32
    %cond3A_900 = arith.cmpi ne, %convert_element_type3A_898, %cond3A_899 : i32
    scf.if %cond3A_900 {
      %mul3A_981 = arith.constant 10112 : i32
      %mul3A_982 = arith.muli %arg0, %mul3A_981 : i32
      %add3A_983 = arith.constant 7936 : i32
      %add3A_984 = arith.addi %mul3A_982, %add3A_983 : i32
      "tpu.region"() ({
        %run_scoped3A_985 = tpu.sem_alloc : memref<!tpu.dma_semaphore, #tpu.memory_space<semaphore_mem>>
        %dma_start3A_986 = tpu.memref_slice %arg6[%add3A_984] : memref<20224xf32, #tpu.memory_space<hbm>> -> memref<128xf32, #tpu.memory_space<hbm>>
        %dma_start3A_987 = arith.constant 7936 : i32
        %dma_start3A_988 = tpu.memref_slice %arg14[%dma_start3A_987] : memref<10112xf32, #tpu.memory_space<vmem_shared>> -> memref<128xf32, #tpu.memory_space<vmem_shared>>
        tpu.enqueue_dma source(%dma_start3A_988 : memref<128xf32, #tpu.memory_space<vmem_shared>>) target(%dma_start3A_986 : memref<128xf32, #tpu.memory_space<hbm>>) target_semaphore(%run_scoped3A_985 : memref<!tpu.dma_semaphore, #tpu.memory_space<semaphore_mem>>)
        %dma_wait3A_989 = tpu.memref_slice %arg6[%add3A_984] : memref<20224xf32, #tpu.memory_space<hbm>> -> memref<128xf32, #tpu.memory_space<hbm>>
        %dma_wait3A_990 = arith.constant 7936 : i32
        %dma_wait3A_991 = tpu.memref_slice %arg14[%dma_wait3A_990] : memref<10112xf32, #tpu.memory_space<vmem_shared>> -> memref<128xf32, #tpu.memory_space<vmem_shared>>
        tpu.wait_dma2 semaphore(%run_scoped3A_985 : memref<!tpu.dma_semaphore, #tpu.memory_space<semaphore_mem>>) src(%dma_wait3A_991 : memref<128xf32, #tpu.memory_space<vmem_shared>>) dst(%dma_wait3A_989 : memref<128xf32, #tpu.memory_space<hbm>>)
        tpu.yield
      }) : () -> ()
    } else {
    }
    %eq3A_901 = arith.constant 15 : i32
    %eq3A_902 = arith.cmpi eq, %arg1, %eq3A_901 : i32
    %convert_element_type3A_903 = arith.extui %eq3A_902 : i1 to i32
    %cond3A_904 = arith.constant 0 : i32
    %cond3A_905 = arith.cmpi ne, %convert_element_type3A_903, %cond3A_904 : i32
    scf.if %cond3A_905 {
      %mul3A_981 = arith.constant 10112 : i32
      %mul3A_982 = arith.muli %arg0, %mul3A_981 : i32
      %add3A_983 = arith.constant 8064 : i32
      %add3A_984 = arith.addi %mul3A_982, %add3A_983 : i32
      "tpu.region"() ({
        %run_scoped3A_985 = tpu.sem_alloc : memref<!tpu.dma_semaphore, #tpu.memory_space<semaphore_mem>>
        %dma_start3A_986 = tpu.memref_slice %arg6[%add3A_984] : memref<20224xf32, #tpu.memory_space<hbm>> -> memref<128xf32, #tpu.memory_space<hbm>>
        %dma_start3A_987 = arith.constant 8064 : i32
        %dma_start3A_988 = tpu.memref_slice %arg14[%dma_start3A_987] : memref<10112xf32, #tpu.memory_space<vmem_shared>> -> memref<128xf32, #tpu.memory_space<vmem_shared>>
        tpu.enqueue_dma source(%dma_start3A_988 : memref<128xf32, #tpu.memory_space<vmem_shared>>) target(%dma_start3A_986 : memref<128xf32, #tpu.memory_space<hbm>>) target_semaphore(%run_scoped3A_985 : memref<!tpu.dma_semaphore, #tpu.memory_space<semaphore_mem>>)
        %dma_wait3A_989 = tpu.memref_slice %arg6[%add3A_984] : memref<20224xf32, #tpu.memory_space<hbm>> -> memref<128xf32, #tpu.memory_space<hbm>>
        %dma_wait3A_990 = arith.constant 8064 : i32
        %dma_wait3A_991 = tpu.memref_slice %arg14[%dma_wait3A_990] : memref<10112xf32, #tpu.memory_space<vmem_shared>> -> memref<128xf32, #tpu.memory_space<vmem_shared>>
        tpu.wait_dma2 semaphore(%run_scoped3A_985 : memref<!tpu.dma_semaphore, #tpu.memory_space<semaphore_mem>>) src(%dma_wait3A_991 : memref<128xf32, #tpu.memory_space<vmem_shared>>) dst(%dma_wait3A_989 : memref<128xf32, #tpu.memory_space<hbm>>)
        tpu.yield
      }) : () -> ()
    } else {
    }
    %eq3A_906 = arith.constant 0 : i32
    %eq3A_907 = arith.cmpi eq, %arg1, %eq3A_906 : i32
    %convert_element_type3A_908 = arith.extui %eq3A_907 : i1 to i32
    %cond3A_909 = arith.constant 0 : i32
    %cond3A_910 = arith.cmpi ne, %convert_element_type3A_908, %cond3A_909 : i32
    scf.if %cond3A_910 {
      %mul3A_981 = arith.constant 10112 : i32
      %mul3A_982 = arith.muli %arg0, %mul3A_981 : i32
      %add3A_983 = arith.constant 8192 : i32
      %add3A_984 = arith.addi %mul3A_982, %add3A_983 : i32
      "tpu.region"() ({
        %run_scoped3A_985 = tpu.sem_alloc : memref<!tpu.dma_semaphore, #tpu.memory_space<semaphore_mem>>
        %dma_start3A_986 = tpu.memref_slice %arg6[%add3A_984] : memref<20224xf32, #tpu.memory_space<hbm>> -> memref<128xf32, #tpu.memory_space<hbm>>
        %dma_start3A_987 = arith.constant 8192 : i32
        %dma_start3A_988 = tpu.memref_slice %arg14[%dma_start3A_987] : memref<10112xf32, #tpu.memory_space<vmem_shared>> -> memref<128xf32, #tpu.memory_space<vmem_shared>>
        tpu.enqueue_dma source(%dma_start3A_988 : memref<128xf32, #tpu.memory_space<vmem_shared>>) target(%dma_start3A_986 : memref<128xf32, #tpu.memory_space<hbm>>) target_semaphore(%run_scoped3A_985 : memref<!tpu.dma_semaphore, #tpu.memory_space<semaphore_mem>>)
        %dma_wait3A_989 = tpu.memref_slice %arg6[%add3A_984] : memref<20224xf32, #tpu.memory_space<hbm>> -> memref<128xf32, #tpu.memory_space<hbm>>
        %dma_wait3A_990 = arith.constant 8192 : i32
        %dma_wait3A_991 = tpu.memref_slice %arg14[%dma_wait3A_990] : memref<10112xf32, #tpu.memory_space<vmem_shared>> -> memref<128xf32, #tpu.memory_space<vmem_shared>>
        tpu.wait_dma2 semaphore(%run_scoped3A_985 : memref<!tpu.dma_semaphore, #tpu.memory_space<semaphore_mem>>) src(%dma_wait3A_991 : memref<128xf32, #tpu.memory_space<vmem_shared>>) dst(%dma_wait3A_989 : memref<128xf32, #tpu.memory_space<hbm>>)
        tpu.yield
      }) : () -> ()
    } else {
    }
    %eq3A_911 = arith.constant 1 : i32
    %eq3A_912 = arith.cmpi eq, %arg1, %eq3A_911 : i32
    %convert_element_type3A_913 = arith.extui %eq3A_912 : i1 to i32
    %cond3A_914 = arith.constant 0 : i32
    %cond3A_915 = arith.cmpi ne, %convert_element_type3A_913, %cond3A_914 : i32
    scf.if %cond3A_915 {
      %mul3A_981 = arith.constant 10112 : i32
      %mul3A_982 = arith.muli %arg0, %mul3A_981 : i32
      %add3A_983 = arith.constant 8320 : i32
      %add3A_984 = arith.addi %mul3A_982, %add3A_983 : i32
      "tpu.region"() ({
        %run_scoped3A_985 = tpu.sem_alloc : memref<!tpu.dma_semaphore, #tpu.memory_space<semaphore_mem>>
        %dma_start3A_986 = tpu.memref_slice %arg6[%add3A_984] : memref<20224xf32, #tpu.memory_space<hbm>> -> memref<128xf32, #tpu.memory_space<hbm>>
        %dma_start3A_987 = arith.constant 8320 : i32
        %dma_start3A_988 = tpu.memref_slice %arg14[%dma_start3A_987] : memref<10112xf32, #tpu.memory_space<vmem_shared>> -> memref<128xf32, #tpu.memory_space<vmem_shared>>
        tpu.enqueue_dma source(%dma_start3A_988 : memref<128xf32, #tpu.memory_space<vmem_shared>>) target(%dma_start3A_986 : memref<128xf32, #tpu.memory_space<hbm>>) target_semaphore(%run_scoped3A_985 : memref<!tpu.dma_semaphore, #tpu.memory_space<semaphore_mem>>)
        %dma_wait3A_989 = tpu.memref_slice %arg6[%add3A_984] : memref<20224xf32, #tpu.memory_space<hbm>> -> memref<128xf32, #tpu.memory_space<hbm>>
        %dma_wait3A_990 = arith.constant 8320 : i32
        %dma_wait3A_991 = tpu.memref_slice %arg14[%dma_wait3A_990] : memref<10112xf32, #tpu.memory_space<vmem_shared>> -> memref<128xf32, #tpu.memory_space<vmem_shared>>
        tpu.wait_dma2 semaphore(%run_scoped3A_985 : memref<!tpu.dma_semaphore, #tpu.memory_space<semaphore_mem>>) src(%dma_wait3A_991 : memref<128xf32, #tpu.memory_space<vmem_shared>>) dst(%dma_wait3A_989 : memref<128xf32, #tpu.memory_space<hbm>>)
        tpu.yield
      }) : () -> ()
    } else {
    }
    %eq3A_916 = arith.constant 2 : i32
    %eq3A_917 = arith.cmpi eq, %arg1, %eq3A_916 : i32
    %convert_element_type3A_918 = arith.extui %eq3A_917 : i1 to i32
    %cond3A_919 = arith.constant 0 : i32
    %cond3A_920 = arith.cmpi ne, %convert_element_type3A_918, %cond3A_919 : i32
    scf.if %cond3A_920 {
      %mul3A_981 = arith.constant 10112 : i32
      %mul3A_982 = arith.muli %arg0, %mul3A_981 : i32
      %add3A_983 = arith.constant 8448 : i32
      %add3A_984 = arith.addi %mul3A_982, %add3A_983 : i32
      "tpu.region"() ({
        %run_scoped3A_985 = tpu.sem_alloc : memref<!tpu.dma_semaphore, #tpu.memory_space<semaphore_mem>>
        %dma_start3A_986 = tpu.memref_slice %arg6[%add3A_984] : memref<20224xf32, #tpu.memory_space<hbm>> -> memref<128xf32, #tpu.memory_space<hbm>>
        %dma_start3A_987 = arith.constant 8448 : i32
        %dma_start3A_988 = tpu.memref_slice %arg14[%dma_start3A_987] : memref<10112xf32, #tpu.memory_space<vmem_shared>> -> memref<128xf32, #tpu.memory_space<vmem_shared>>
        tpu.enqueue_dma source(%dma_start3A_988 : memref<128xf32, #tpu.memory_space<vmem_shared>>) target(%dma_start3A_986 : memref<128xf32, #tpu.memory_space<hbm>>) target_semaphore(%run_scoped3A_985 : memref<!tpu.dma_semaphore, #tpu.memory_space<semaphore_mem>>)
        %dma_wait3A_989 = tpu.memref_slice %arg6[%add3A_984] : memref<20224xf32, #tpu.memory_space<hbm>> -> memref<128xf32, #tpu.memory_space<hbm>>
        %dma_wait3A_990 = arith.constant 8448 : i32
        %dma_wait3A_991 = tpu.memref_slice %arg14[%dma_wait3A_990] : memref<10112xf32, #tpu.memory_space<vmem_shared>> -> memref<128xf32, #tpu.memory_space<vmem_shared>>
        tpu.wait_dma2 semaphore(%run_scoped3A_985 : memref<!tpu.dma_semaphore, #tpu.memory_space<semaphore_mem>>) src(%dma_wait3A_991 : memref<128xf32, #tpu.memory_space<vmem_shared>>) dst(%dma_wait3A_989 : memref<128xf32, #tpu.memory_space<hbm>>)
        tpu.yield
      }) : () -> ()
    } else {
    }
    %eq3A_921 = arith.constant 3 : i32
    %eq3A_922 = arith.cmpi eq, %arg1, %eq3A_921 : i32
    %convert_element_type3A_923 = arith.extui %eq3A_922 : i1 to i32
    %cond3A_924 = arith.constant 0 : i32
    %cond3A_925 = arith.cmpi ne, %convert_element_type3A_923, %cond3A_924 : i32
    scf.if %cond3A_925 {
      %mul3A_981 = arith.constant 10112 : i32
      %mul3A_982 = arith.muli %arg0, %mul3A_981 : i32
      %add3A_983 = arith.constant 8576 : i32
      %add3A_984 = arith.addi %mul3A_982, %add3A_983 : i32
      "tpu.region"() ({
        %run_scoped3A_985 = tpu.sem_alloc : memref<!tpu.dma_semaphore, #tpu.memory_space<semaphore_mem>>
        %dma_start3A_986 = tpu.memref_slice %arg6[%add3A_984] : memref<20224xf32, #tpu.memory_space<hbm>> -> memref<128xf32, #tpu.memory_space<hbm>>
        %dma_start3A_987 = arith.constant 8576 : i32
        %dma_start3A_988 = tpu.memref_slice %arg14[%dma_start3A_987] : memref<10112xf32, #tpu.memory_space<vmem_shared>> -> memref<128xf32, #tpu.memory_space<vmem_shared>>
        tpu.enqueue_dma source(%dma_start3A_988 : memref<128xf32, #tpu.memory_space<vmem_shared>>) target(%dma_start3A_986 : memref<128xf32, #tpu.memory_space<hbm>>) target_semaphore(%run_scoped3A_985 : memref<!tpu.dma_semaphore, #tpu.memory_space<semaphore_mem>>)
        %dma_wait3A_989 = tpu.memref_slice %arg6[%add3A_984] : memref<20224xf32, #tpu.memory_space<hbm>> -> memref<128xf32, #tpu.memory_space<hbm>>
        %dma_wait3A_990 = arith.constant 8576 : i32
        %dma_wait3A_991 = tpu.memref_slice %arg14[%dma_wait3A_990] : memref<10112xf32, #tpu.memory_space<vmem_shared>> -> memref<128xf32, #tpu.memory_space<vmem_shared>>
        tpu.wait_dma2 semaphore(%run_scoped3A_985 : memref<!tpu.dma_semaphore, #tpu.memory_space<semaphore_mem>>) src(%dma_wait3A_991 : memref<128xf32, #tpu.memory_space<vmem_shared>>) dst(%dma_wait3A_989 : memref<128xf32, #tpu.memory_space<hbm>>)
        tpu.yield
      }) : () -> ()
    } else {
    }
    %eq3A_926 = arith.constant 4 : i32
    %eq3A_927 = arith.cmpi eq, %arg1, %eq3A_926 : i32
    %convert_element_type3A_928 = arith.extui %eq3A_927 : i1 to i32
    %cond3A_929 = arith.constant 0 : i32
    %cond3A_930 = arith.cmpi ne, %convert_element_type3A_928, %cond3A_929 : i32
    scf.if %cond3A_930 {
      %mul3A_981 = arith.constant 10112 : i32
      %mul3A_982 = arith.muli %arg0, %mul3A_981 : i32
      %add3A_983 = arith.constant 8704 : i32
      %add3A_984 = arith.addi %mul3A_982, %add3A_983 : i32
      "tpu.region"() ({
        %run_scoped3A_985 = tpu.sem_alloc : memref<!tpu.dma_semaphore, #tpu.memory_space<semaphore_mem>>
        %dma_start3A_986 = tpu.memref_slice %arg6[%add3A_984] : memref<20224xf32, #tpu.memory_space<hbm>> -> memref<128xf32, #tpu.memory_space<hbm>>
        %dma_start3A_987 = arith.constant 8704 : i32
        %dma_start3A_988 = tpu.memref_slice %arg14[%dma_start3A_987] : memref<10112xf32, #tpu.memory_space<vmem_shared>> -> memref<128xf32, #tpu.memory_space<vmem_shared>>
        tpu.enqueue_dma source(%dma_start3A_988 : memref<128xf32, #tpu.memory_space<vmem_shared>>) target(%dma_start3A_986 : memref<128xf32, #tpu.memory_space<hbm>>) target_semaphore(%run_scoped3A_985 : memref<!tpu.dma_semaphore, #tpu.memory_space<semaphore_mem>>)
        %dma_wait3A_989 = tpu.memref_slice %arg6[%add3A_984] : memref<20224xf32, #tpu.memory_space<hbm>> -> memref<128xf32, #tpu.memory_space<hbm>>
        %dma_wait3A_990 = arith.constant 8704 : i32
        %dma_wait3A_991 = tpu.memref_slice %arg14[%dma_wait3A_990] : memref<10112xf32, #tpu.memory_space<vmem_shared>> -> memref<128xf32, #tpu.memory_space<vmem_shared>>
        tpu.wait_dma2 semaphore(%run_scoped3A_985 : memref<!tpu.dma_semaphore, #tpu.memory_space<semaphore_mem>>) src(%dma_wait3A_991 : memref<128xf32, #tpu.memory_space<vmem_shared>>) dst(%dma_wait3A_989 : memref<128xf32, #tpu.memory_space<hbm>>)
        tpu.yield
      }) : () -> ()
    } else {
    }
    %eq3A_931 = arith.constant 5 : i32
    %eq3A_932 = arith.cmpi eq, %arg1, %eq3A_931 : i32
    %convert_element_type3A_933 = arith.extui %eq3A_932 : i1 to i32
    %cond3A_934 = arith.constant 0 : i32
    %cond3A_935 = arith.cmpi ne, %convert_element_type3A_933, %cond3A_934 : i32
    scf.if %cond3A_935 {
      %mul3A_981 = arith.constant 10112 : i32
      %mul3A_982 = arith.muli %arg0, %mul3A_981 : i32
      %add3A_983 = arith.constant 8832 : i32
      %add3A_984 = arith.addi %mul3A_982, %add3A_983 : i32
      "tpu.region"() ({
        %run_scoped3A_985 = tpu.sem_alloc : memref<!tpu.dma_semaphore, #tpu.memory_space<semaphore_mem>>
        %dma_start3A_986 = tpu.memref_slice %arg6[%add3A_984] : memref<20224xf32, #tpu.memory_space<hbm>> -> memref<128xf32, #tpu.memory_space<hbm>>
        %dma_start3A_987 = arith.constant 8832 : i32
        %dma_start3A_988 = tpu.memref_slice %arg14[%dma_start3A_987] : memref<10112xf32, #tpu.memory_space<vmem_shared>> -> memref<128xf32, #tpu.memory_space<vmem_shared>>
        tpu.enqueue_dma source(%dma_start3A_988 : memref<128xf32, #tpu.memory_space<vmem_shared>>) target(%dma_start3A_986 : memref<128xf32, #tpu.memory_space<hbm>>) target_semaphore(%run_scoped3A_985 : memref<!tpu.dma_semaphore, #tpu.memory_space<semaphore_mem>>)
        %dma_wait3A_989 = tpu.memref_slice %arg6[%add3A_984] : memref<20224xf32, #tpu.memory_space<hbm>> -> memref<128xf32, #tpu.memory_space<hbm>>
        %dma_wait3A_990 = arith.constant 8832 : i32
        %dma_wait3A_991 = tpu.memref_slice %arg14[%dma_wait3A_990] : memref<10112xf32, #tpu.memory_space<vmem_shared>> -> memref<128xf32, #tpu.memory_space<vmem_shared>>
        tpu.wait_dma2 semaphore(%run_scoped3A_985 : memref<!tpu.dma_semaphore, #tpu.memory_space<semaphore_mem>>) src(%dma_wait3A_991 : memref<128xf32, #tpu.memory_space<vmem_shared>>) dst(%dma_wait3A_989 : memref<128xf32, #tpu.memory_space<hbm>>)
        tpu.yield
      }) : () -> ()
    } else {
    }
    %eq3A_936 = arith.constant 6 : i32
    %eq3A_937 = arith.cmpi eq, %arg1, %eq3A_936 : i32
    %convert_element_type3A_938 = arith.extui %eq3A_937 : i1 to i32
    %cond3A_939 = arith.constant 0 : i32
    %cond3A_940 = arith.cmpi ne, %convert_element_type3A_938, %cond3A_939 : i32
    scf.if %cond3A_940 {
      %mul3A_981 = arith.constant 10112 : i32
      %mul3A_982 = arith.muli %arg0, %mul3A_981 : i32
      %add3A_983 = arith.constant 8960 : i32
      %add3A_984 = arith.addi %mul3A_982, %add3A_983 : i32
      "tpu.region"() ({
        %run_scoped3A_985 = tpu.sem_alloc : memref<!tpu.dma_semaphore, #tpu.memory_space<semaphore_mem>>
        %dma_start3A_986 = tpu.memref_slice %arg6[%add3A_984] : memref<20224xf32, #tpu.memory_space<hbm>> -> memref<128xf32, #tpu.memory_space<hbm>>
        %dma_start3A_987 = arith.constant 8960 : i32
        %dma_start3A_988 = tpu.memref_slice %arg14[%dma_start3A_987] : memref<10112xf32, #tpu.memory_space<vmem_shared>> -> memref<128xf32, #tpu.memory_space<vmem_shared>>
        tpu.enqueue_dma source(%dma_start3A_988 : memref<128xf32, #tpu.memory_space<vmem_shared>>) target(%dma_start3A_986 : memref<128xf32, #tpu.memory_space<hbm>>) target_semaphore(%run_scoped3A_985 : memref<!tpu.dma_semaphore, #tpu.memory_space<semaphore_mem>>)
        %dma_wait3A_989 = tpu.memref_slice %arg6[%add3A_984] : memref<20224xf32, #tpu.memory_space<hbm>> -> memref<128xf32, #tpu.memory_space<hbm>>
        %dma_wait3A_990 = arith.constant 8960 : i32
        %dma_wait3A_991 = tpu.memref_slice %arg14[%dma_wait3A_990] : memref<10112xf32, #tpu.memory_space<vmem_shared>> -> memref<128xf32, #tpu.memory_space<vmem_shared>>
        tpu.wait_dma2 semaphore(%run_scoped3A_985 : memref<!tpu.dma_semaphore, #tpu.memory_space<semaphore_mem>>) src(%dma_wait3A_991 : memref<128xf32, #tpu.memory_space<vmem_shared>>) dst(%dma_wait3A_989 : memref<128xf32, #tpu.memory_space<hbm>>)
        tpu.yield
      }) : () -> ()
    } else {
    }
    %eq3A_941 = arith.constant 7 : i32
    %eq3A_942 = arith.cmpi eq, %arg1, %eq3A_941 : i32
    %convert_element_type3A_943 = arith.extui %eq3A_942 : i1 to i32
    %cond3A_944 = arith.constant 0 : i32
    %cond3A_945 = arith.cmpi ne, %convert_element_type3A_943, %cond3A_944 : i32
    scf.if %cond3A_945 {
      %mul3A_981 = arith.constant 10112 : i32
      %mul3A_982 = arith.muli %arg0, %mul3A_981 : i32
      %add3A_983 = arith.constant 9088 : i32
      %add3A_984 = arith.addi %mul3A_982, %add3A_983 : i32
      "tpu.region"() ({
        %run_scoped3A_985 = tpu.sem_alloc : memref<!tpu.dma_semaphore, #tpu.memory_space<semaphore_mem>>
        %dma_start3A_986 = tpu.memref_slice %arg6[%add3A_984] : memref<20224xf32, #tpu.memory_space<hbm>> -> memref<128xf32, #tpu.memory_space<hbm>>
        %dma_start3A_987 = arith.constant 9088 : i32
        %dma_start3A_988 = tpu.memref_slice %arg14[%dma_start3A_987] : memref<10112xf32, #tpu.memory_space<vmem_shared>> -> memref<128xf32, #tpu.memory_space<vmem_shared>>
        tpu.enqueue_dma source(%dma_start3A_988 : memref<128xf32, #tpu.memory_space<vmem_shared>>) target(%dma_start3A_986 : memref<128xf32, #tpu.memory_space<hbm>>) target_semaphore(%run_scoped3A_985 : memref<!tpu.dma_semaphore, #tpu.memory_space<semaphore_mem>>)
        %dma_wait3A_989 = tpu.memref_slice %arg6[%add3A_984] : memref<20224xf32, #tpu.memory_space<hbm>> -> memref<128xf32, #tpu.memory_space<hbm>>
        %dma_wait3A_990 = arith.constant 9088 : i32
        %dma_wait3A_991 = tpu.memref_slice %arg14[%dma_wait3A_990] : memref<10112xf32, #tpu.memory_space<vmem_shared>> -> memref<128xf32, #tpu.memory_space<vmem_shared>>
        tpu.wait_dma2 semaphore(%run_scoped3A_985 : memref<!tpu.dma_semaphore, #tpu.memory_space<semaphore_mem>>) src(%dma_wait3A_991 : memref<128xf32, #tpu.memory_space<vmem_shared>>) dst(%dma_wait3A_989 : memref<128xf32, #tpu.memory_space<hbm>>)
        tpu.yield
      }) : () -> ()
    } else {
    }
    %eq3A_946 = arith.constant 8 : i32
    %eq3A_947 = arith.cmpi eq, %arg1, %eq3A_946 : i32
    %convert_element_type3A_948 = arith.extui %eq3A_947 : i1 to i32
    %cond3A_949 = arith.constant 0 : i32
    %cond3A_950 = arith.cmpi ne, %convert_element_type3A_948, %cond3A_949 : i32
    scf.if %cond3A_950 {
      %mul3A_981 = arith.constant 10112 : i32
      %mul3A_982 = arith.muli %arg0, %mul3A_981 : i32
      %add3A_983 = arith.constant 9216 : i32
      %add3A_984 = arith.addi %mul3A_982, %add3A_983 : i32
      "tpu.region"() ({
        %run_scoped3A_985 = tpu.sem_alloc : memref<!tpu.dma_semaphore, #tpu.memory_space<semaphore_mem>>
        %dma_start3A_986 = tpu.memref_slice %arg6[%add3A_984] : memref<20224xf32, #tpu.memory_space<hbm>> -> memref<128xf32, #tpu.memory_space<hbm>>
        %dma_start3A_987 = arith.constant 9216 : i32
        %dma_start3A_988 = tpu.memref_slice %arg14[%dma_start3A_987] : memref<10112xf32, #tpu.memory_space<vmem_shared>> -> memref<128xf32, #tpu.memory_space<vmem_shared>>
        tpu.enqueue_dma source(%dma_start3A_988 : memref<128xf32, #tpu.memory_space<vmem_shared>>) target(%dma_start3A_986 : memref<128xf32, #tpu.memory_space<hbm>>) target_semaphore(%run_scoped3A_985 : memref<!tpu.dma_semaphore, #tpu.memory_space<semaphore_mem>>)
        %dma_wait3A_989 = tpu.memref_slice %arg6[%add3A_984] : memref<20224xf32, #tpu.memory_space<hbm>> -> memref<128xf32, #tpu.memory_space<hbm>>
        %dma_wait3A_990 = arith.constant 9216 : i32
        %dma_wait3A_991 = tpu.memref_slice %arg14[%dma_wait3A_990] : memref<10112xf32, #tpu.memory_space<vmem_shared>> -> memref<128xf32, #tpu.memory_space<vmem_shared>>
        tpu.wait_dma2 semaphore(%run_scoped3A_985 : memref<!tpu.dma_semaphore, #tpu.memory_space<semaphore_mem>>) src(%dma_wait3A_991 : memref<128xf32, #tpu.memory_space<vmem_shared>>) dst(%dma_wait3A_989 : memref<128xf32, #tpu.memory_space<hbm>>)
        tpu.yield
      }) : () -> ()
    } else {
    }
    %eq3A_951 = arith.constant 9 : i32
    %eq3A_952 = arith.cmpi eq, %arg1, %eq3A_951 : i32
    %convert_element_type3A_953 = arith.extui %eq3A_952 : i1 to i32
    %cond3A_954 = arith.constant 0 : i32
    %cond3A_955 = arith.cmpi ne, %convert_element_type3A_953, %cond3A_954 : i32
    scf.if %cond3A_955 {
      %mul3A_981 = arith.constant 10112 : i32
      %mul3A_982 = arith.muli %arg0, %mul3A_981 : i32
      %add3A_983 = arith.constant 9344 : i32
      %add3A_984 = arith.addi %mul3A_982, %add3A_983 : i32
      "tpu.region"() ({
        %run_scoped3A_985 = tpu.sem_alloc : memref<!tpu.dma_semaphore, #tpu.memory_space<semaphore_mem>>
        %dma_start3A_986 = tpu.memref_slice %arg6[%add3A_984] : memref<20224xf32, #tpu.memory_space<hbm>> -> memref<128xf32, #tpu.memory_space<hbm>>
        %dma_start3A_987 = arith.constant 9344 : i32
        %dma_start3A_988 = tpu.memref_slice %arg14[%dma_start3A_987] : memref<10112xf32, #tpu.memory_space<vmem_shared>> -> memref<128xf32, #tpu.memory_space<vmem_shared>>
        tpu.enqueue_dma source(%dma_start3A_988 : memref<128xf32, #tpu.memory_space<vmem_shared>>) target(%dma_start3A_986 : memref<128xf32, #tpu.memory_space<hbm>>) target_semaphore(%run_scoped3A_985 : memref<!tpu.dma_semaphore, #tpu.memory_space<semaphore_mem>>)
        %dma_wait3A_989 = tpu.memref_slice %arg6[%add3A_984] : memref<20224xf32, #tpu.memory_space<hbm>> -> memref<128xf32, #tpu.memory_space<hbm>>
        %dma_wait3A_990 = arith.constant 9344 : i32
        %dma_wait3A_991 = tpu.memref_slice %arg14[%dma_wait3A_990] : memref<10112xf32, #tpu.memory_space<vmem_shared>> -> memref<128xf32, #tpu.memory_space<vmem_shared>>
        tpu.wait_dma2 semaphore(%run_scoped3A_985 : memref<!tpu.dma_semaphore, #tpu.memory_space<semaphore_mem>>) src(%dma_wait3A_991 : memref<128xf32, #tpu.memory_space<vmem_shared>>) dst(%dma_wait3A_989 : memref<128xf32, #tpu.memory_space<hbm>>)
        tpu.yield
      }) : () -> ()
    } else {
    }
    %eq3A_956 = arith.constant 10 : i32
    %eq3A_957 = arith.cmpi eq, %arg1, %eq3A_956 : i32
    %convert_element_type3A_958 = arith.extui %eq3A_957 : i1 to i32
    %cond3A_959 = arith.constant 0 : i32
    %cond3A_960 = arith.cmpi ne, %convert_element_type3A_958, %cond3A_959 : i32
    scf.if %cond3A_960 {
      %mul3A_981 = arith.constant 10112 : i32
      %mul3A_982 = arith.muli %arg0, %mul3A_981 : i32
      %add3A_983 = arith.constant 9472 : i32
      %add3A_984 = arith.addi %mul3A_982, %add3A_983 : i32
      "tpu.region"() ({
        %run_scoped3A_985 = tpu.sem_alloc : memref<!tpu.dma_semaphore, #tpu.memory_space<semaphore_mem>>
        %dma_start3A_986 = tpu.memref_slice %arg6[%add3A_984] : memref<20224xf32, #tpu.memory_space<hbm>> -> memref<128xf32, #tpu.memory_space<hbm>>
        %dma_start3A_987 = arith.constant 9472 : i32
        %dma_start3A_988 = tpu.memref_slice %arg14[%dma_start3A_987] : memref<10112xf32, #tpu.memory_space<vmem_shared>> -> memref<128xf32, #tpu.memory_space<vmem_shared>>
        tpu.enqueue_dma source(%dma_start3A_988 : memref<128xf32, #tpu.memory_space<vmem_shared>>) target(%dma_start3A_986 : memref<128xf32, #tpu.memory_space<hbm>>) target_semaphore(%run_scoped3A_985 : memref<!tpu.dma_semaphore, #tpu.memory_space<semaphore_mem>>)
        %dma_wait3A_989 = tpu.memref_slice %arg6[%add3A_984] : memref<20224xf32, #tpu.memory_space<hbm>> -> memref<128xf32, #tpu.memory_space<hbm>>
        %dma_wait3A_990 = arith.constant 9472 : i32
        %dma_wait3A_991 = tpu.memref_slice %arg14[%dma_wait3A_990] : memref<10112xf32, #tpu.memory_space<vmem_shared>> -> memref<128xf32, #tpu.memory_space<vmem_shared>>
        tpu.wait_dma2 semaphore(%run_scoped3A_985 : memref<!tpu.dma_semaphore, #tpu.memory_space<semaphore_mem>>) src(%dma_wait3A_991 : memref<128xf32, #tpu.memory_space<vmem_shared>>) dst(%dma_wait3A_989 : memref<128xf32, #tpu.memory_space<hbm>>)
        tpu.yield
      }) : () -> ()
    } else {
    }
    %eq3A_961 = arith.constant 11 : i32
    %eq3A_962 = arith.cmpi eq, %arg1, %eq3A_961 : i32
    %convert_element_type3A_963 = arith.extui %eq3A_962 : i1 to i32
    %cond3A_964 = arith.constant 0 : i32
    %cond3A_965 = arith.cmpi ne, %convert_element_type3A_963, %cond3A_964 : i32
    scf.if %cond3A_965 {
      %mul3A_981 = arith.constant 10112 : i32
      %mul3A_982 = arith.muli %arg0, %mul3A_981 : i32
      %add3A_983 = arith.constant 9600 : i32
      %add3A_984 = arith.addi %mul3A_982, %add3A_983 : i32
      "tpu.region"() ({
        %run_scoped3A_985 = tpu.sem_alloc : memref<!tpu.dma_semaphore, #tpu.memory_space<semaphore_mem>>
        %dma_start3A_986 = tpu.memref_slice %arg6[%add3A_984] : memref<20224xf32, #tpu.memory_space<hbm>> -> memref<128xf32, #tpu.memory_space<hbm>>
        %dma_start3A_987 = arith.constant 9600 : i32
        %dma_start3A_988 = tpu.memref_slice %arg14[%dma_start3A_987] : memref<10112xf32, #tpu.memory_space<vmem_shared>> -> memref<128xf32, #tpu.memory_space<vmem_shared>>
        tpu.enqueue_dma source(%dma_start3A_988 : memref<128xf32, #tpu.memory_space<vmem_shared>>) target(%dma_start3A_986 : memref<128xf32, #tpu.memory_space<hbm>>) target_semaphore(%run_scoped3A_985 : memref<!tpu.dma_semaphore, #tpu.memory_space<semaphore_mem>>)
        %dma_wait3A_989 = tpu.memref_slice %arg6[%add3A_984] : memref<20224xf32, #tpu.memory_space<hbm>> -> memref<128xf32, #tpu.memory_space<hbm>>
        %dma_wait3A_990 = arith.constant 9600 : i32
        %dma_wait3A_991 = tpu.memref_slice %arg14[%dma_wait3A_990] : memref<10112xf32, #tpu.memory_space<vmem_shared>> -> memref<128xf32, #tpu.memory_space<vmem_shared>>
        tpu.wait_dma2 semaphore(%run_scoped3A_985 : memref<!tpu.dma_semaphore, #tpu.memory_space<semaphore_mem>>) src(%dma_wait3A_991 : memref<128xf32, #tpu.memory_space<vmem_shared>>) dst(%dma_wait3A_989 : memref<128xf32, #tpu.memory_space<hbm>>)
        tpu.yield
      }) : () -> ()
    } else {
    }
    %eq3A_966 = arith.constant 12 : i32
    %eq3A_967 = arith.cmpi eq, %arg1, %eq3A_966 : i32
    %convert_element_type3A_968 = arith.extui %eq3A_967 : i1 to i32
    %cond3A_969 = arith.constant 0 : i32
    %cond3A_970 = arith.cmpi ne, %convert_element_type3A_968, %cond3A_969 : i32
    scf.if %cond3A_970 {
      %mul3A_981 = arith.constant 10112 : i32
      %mul3A_982 = arith.muli %arg0, %mul3A_981 : i32
      %add3A_983 = arith.constant 9728 : i32
      %add3A_984 = arith.addi %mul3A_982, %add3A_983 : i32
      "tpu.region"() ({
        %run_scoped3A_985 = tpu.sem_alloc : memref<!tpu.dma_semaphore, #tpu.memory_space<semaphore_mem>>
        %dma_start3A_986 = tpu.memref_slice %arg6[%add3A_984] : memref<20224xf32, #tpu.memory_space<hbm>> -> memref<128xf32, #tpu.memory_space<hbm>>
        %dma_start3A_987 = arith.constant 9728 : i32
        %dma_start3A_988 = tpu.memref_slice %arg14[%dma_start3A_987] : memref<10112xf32, #tpu.memory_space<vmem_shared>> -> memref<128xf32, #tpu.memory_space<vmem_shared>>
        tpu.enqueue_dma source(%dma_start3A_988 : memref<128xf32, #tpu.memory_space<vmem_shared>>) target(%dma_start3A_986 : memref<128xf32, #tpu.memory_space<hbm>>) target_semaphore(%run_scoped3A_985 : memref<!tpu.dma_semaphore, #tpu.memory_space<semaphore_mem>>)
        %dma_wait3A_989 = tpu.memref_slice %arg6[%add3A_984] : memref<20224xf32, #tpu.memory_space<hbm>> -> memref<128xf32, #tpu.memory_space<hbm>>
        %dma_wait3A_990 = arith.constant 9728 : i32
        %dma_wait3A_991 = tpu.memref_slice %arg14[%dma_wait3A_990] : memref<10112xf32, #tpu.memory_space<vmem_shared>> -> memref<128xf32, #tpu.memory_space<vmem_shared>>
        tpu.wait_dma2 semaphore(%run_scoped3A_985 : memref<!tpu.dma_semaphore, #tpu.memory_space<semaphore_mem>>) src(%dma_wait3A_991 : memref<128xf32, #tpu.memory_space<vmem_shared>>) dst(%dma_wait3A_989 : memref<128xf32, #tpu.memory_space<hbm>>)
        tpu.yield
      }) : () -> ()
    } else {
    }
    %eq3A_971 = arith.constant 13 : i32
    %eq3A_972 = arith.cmpi eq, %arg1, %eq3A_971 : i32
    %convert_element_type3A_973 = arith.extui %eq3A_972 : i1 to i32
    %cond3A_974 = arith.constant 0 : i32
    %cond3A_975 = arith.cmpi ne, %convert_element_type3A_973, %cond3A_974 : i32
    scf.if %cond3A_975 {
      %mul3A_981 = arith.constant 10112 : i32
      %mul3A_982 = arith.muli %arg0, %mul3A_981 : i32
      %add3A_983 = arith.constant 9856 : i32
      %add3A_984 = arith.addi %mul3A_982, %add3A_983 : i32
      "tpu.region"() ({
        %run_scoped3A_985 = tpu.sem_alloc : memref<!tpu.dma_semaphore, #tpu.memory_space<semaphore_mem>>
        %dma_start3A_986 = tpu.memref_slice %arg6[%add3A_984] : memref<20224xf32, #tpu.memory_space<hbm>> -> memref<128xf32, #tpu.memory_space<hbm>>
        %dma_start3A_987 = arith.constant 9856 : i32
        %dma_start3A_988 = tpu.memref_slice %arg14[%dma_start3A_987] : memref<10112xf32, #tpu.memory_space<vmem_shared>> -> memref<128xf32, #tpu.memory_space<vmem_shared>>
        tpu.enqueue_dma source(%dma_start3A_988 : memref<128xf32, #tpu.memory_space<vmem_shared>>) target(%dma_start3A_986 : memref<128xf32, #tpu.memory_space<hbm>>) target_semaphore(%run_scoped3A_985 : memref<!tpu.dma_semaphore, #tpu.memory_space<semaphore_mem>>)
        %dma_wait3A_989 = tpu.memref_slice %arg6[%add3A_984] : memref<20224xf32, #tpu.memory_space<hbm>> -> memref<128xf32, #tpu.memory_space<hbm>>
        %dma_wait3A_990 = arith.constant 9856 : i32
        %dma_wait3A_991 = tpu.memref_slice %arg14[%dma_wait3A_990] : memref<10112xf32, #tpu.memory_space<vmem_shared>> -> memref<128xf32, #tpu.memory_space<vmem_shared>>
        tpu.wait_dma2 semaphore(%run_scoped3A_985 : memref<!tpu.dma_semaphore, #tpu.memory_space<semaphore_mem>>) src(%dma_wait3A_991 : memref<128xf32, #tpu.memory_space<vmem_shared>>) dst(%dma_wait3A_989 : memref<128xf32, #tpu.memory_space<hbm>>)
        tpu.yield
      }) : () -> ()
    } else {
    }
    %eq3A_976 = arith.constant 14 : i32
    %eq3A_977 = arith.cmpi eq, %arg1, %eq3A_976 : i32
    %convert_element_type3A_978 = arith.extui %eq3A_977 : i1 to i32
    %cond3A_979 = arith.constant 0 : i32
    %cond3A_980 = arith.cmpi ne, %convert_element_type3A_978, %cond3A_979 : i32
    scf.if %cond3A_980 {
      %mul3A_981 = arith.constant 10112 : i32
      %mul3A_982 = arith.muli %arg0, %mul3A_981 : i32
      %add3A_983 = arith.constant 9984 : i32
      %add3A_984 = arith.addi %mul3A_982, %add3A_983 : i32
      "tpu.region"() ({
        %run_scoped3A_985 = tpu.sem_alloc : memref<!tpu.dma_semaphore, #tpu.memory_space<semaphore_mem>>
        %dma_start3A_986 = tpu.memref_slice %arg6[%add3A_984] : memref<20224xf32, #tpu.memory_space<hbm>> -> memref<128xf32, #tpu.memory_space<hbm>>
        %dma_start3A_987 = arith.constant 9984 : i32
        %dma_start3A_988 = tpu.memref_slice %arg14[%dma_start3A_987] : memref<10112xf32, #tpu.memory_space<vmem_shared>> -> memref<128xf32, #tpu.memory_space<vmem_shared>>
        tpu.enqueue_dma source(%dma_start3A_988 : memref<128xf32, #tpu.memory_space<vmem_shared>>) target(%dma_start3A_986 : memref<128xf32, #tpu.memory_space<hbm>>) target_semaphore(%run_scoped3A_985 : memref<!tpu.dma_semaphore, #tpu.memory_space<semaphore_mem>>)
        %dma_wait3A_989 = tpu.memref_slice %arg6[%add3A_984] : memref<20224xf32, #tpu.memory_space<hbm>> -> memref<128xf32, #tpu.memory_space<hbm>>
        %dma_wait3A_990 = arith.constant 9984 : i32
        %dma_wait3A_991 = tpu.memref_slice %arg14[%dma_wait3A_990] : memref<10112xf32, #tpu.memory_space<vmem_shared>> -> memref<128xf32, #tpu.memory_space<vmem_shared>>
        tpu.wait_dma2 semaphore(%run_scoped3A_985 : memref<!tpu.dma_semaphore, #tpu.memory_space<semaphore_mem>>) src(%dma_wait3A_991 : memref<128xf32, #tpu.memory_space<vmem_shared>>) dst(%dma_wait3A_989 : memref<128xf32, #tpu.memory_space<hbm>>)
        tpu.yield
      }) : () -> ()
    } else {
    }
    return
  }
}

module attributes {stable_mosaic.version = 14 : i64} {
  func.func @tc_kernel(%arg0: i32, %arg1: memref<400x128xf32, #tpu.memory_space<vmem>>, %arg2: memref<400x128xf32, #tpu.memory_space<vmem>>, %arg3: memref<400x1xf32, #tpu.memory_space<vmem>>, %arg4: memref<400x1xf32, #tpu.memory_space<vmem>>, %arg5: memref<400x128xf32, #tpu.memory_space<vmem>>, %arg6: memref<128x128xf32, #tpu.memory_space<vmem>>, %arg7: memref<128x128xf32, #tpu.memory_space<vmem>>, %arg8: memref<1x128xf32, #tpu.memory_space<vmem>>, %arg9: memref<400x128xf32, #tpu.memory_space<vmem>>) attributes {dimension_semantics = [#tpu.dimension_semantics<arbitrary>], iteration_bounds = array<i64: 25>, scalar_prefetch = 0 : i64, scratch_operands = 0 : i64, tpu.core_type = #tpu.core_type<tc>, window_params = [{transform_indices = @transform_0, window_bounds = array<i64: 400, 128>}, {transform_indices = @transform_1, window_bounds = array<i64: 400, 128>}, {transform_indices = @transform_2, window_bounds = array<i64: 400, 1>}, {transform_indices = @transform_3, window_bounds = array<i64: 400, 1>}, {transform_indices = @transform_4, window_bounds = array<i64: 400, 128>}, {pipeline_mode = #tpu.pipeline_mode<synchronous>, transform_indices = @transform_5, window_bounds = array<i64: 128, 128>}, {pipeline_mode = #tpu.pipeline_mode<synchronous>, transform_indices = @transform_6, window_bounds = array<i64: 128, 128>}, {pipeline_mode = #tpu.pipeline_mode<synchronous>, transform_indices = @transform_7, window_bounds = array<i64: 1, 128>}, {transform_indices = @transform_8, window_bounds = array<i64: 400, 128>}]} {
    %get3A = arith.constant 0 : index
    %get3A_0 = arith.constant 0 : index
    %get3A_1 = vector.load %arg3[%get3A, %get3A_0] : memref<400x1xf32, #tpu.memory_space<vmem>>, vector<400x1xf32>
    %get3A_2 = arith.constant 0 : index
    %get3A_3 = arith.constant 0 : index
    %get3A_4 = vector.load %arg4[%get3A_2, %get3A_3] : memref<400x1xf32, #tpu.memory_space<vmem>>, vector<400x1xf32>
    %add3A = arith.addf %get3A_1, %get3A_4 : vector<400x1xf32>
    %add3A_5 = arith.constant 1.000000e+00 : f32
    %add3A_6 = vector.broadcast %add3A_5 : f32 to vector<400x1xf32>
    %add3A_7 = arith.addf %add3A, %add3A_6 : vector<400x1xf32>
    %div3A = arith.constant 1.000000e+00 : f32
    %div3A_8 = vector.broadcast %div3A : f32 to vector<400x1xf32>
    %div3A_9 = arith.divf %div3A_8, %add3A_7 : vector<400x1xf32>
    %get3A_10 = arith.constant 0 : index
    %get3A_11 = arith.constant 0 : index
    %get3A_12 = vector.load %arg5[%get3A_10, %get3A_11] : memref<400x128xf32, #tpu.memory_space<vmem>>, vector<400x128xf32>
    %get3A_13 = arith.constant 0 : index
    %get3A_14 = arith.constant 0 : index
    %get3A_15 = vector.load %arg1[%get3A_13, %get3A_14] : memref<400x128xf32, #tpu.memory_space<vmem>>, vector<400x128xf32>
    %get3A_16 = arith.constant 0 : index
    %get3A_17 = arith.constant 0 : index
    %get3A_18 = vector.load %arg2[%get3A_16, %get3A_17] : memref<400x128xf32, #tpu.memory_space<vmem>>, vector<400x128xf32>
    %add3A_19 = arith.addf %get3A_15, %get3A_18 : vector<400x128xf32>
    %mul3A = arith.constant 1.200000e+00 : f32
    %mul3A_20 = vector.broadcast %mul3A : f32 to vector<400x128xf32>
    %mul3A_21 = arith.mulf %mul3A_20, %get3A_12 : vector<400x128xf32>
    %add3A_22 = arith.addf %add3A_19, %mul3A_21 : vector<400x128xf32>
    %mul3A_23 = vector.broadcast %div3A_9 : vector<400x1xf32> to vector<400x128xf32>
    %mul3A_24 = arith.mulf %add3A_22, %mul3A_23 : vector<400x128xf32>
    %get3A_25 = arith.constant 0 : index
    %get3A_26 = arith.constant 0 : index
    %get3A_27 = vector.load %arg6[%get3A_25, %get3A_26] : memref<128x128xf32, #tpu.memory_space<vmem>>, vector<128x128xf32>
    %dot_general3A = arith.constant dense<0.000000e+00> : vector<400x128xf32>
    %dot_general3A_28 = tpu.matmul %mul3A_24, %get3A_27, %dot_general3A {dimension_numbers = #tpu.dot_dimension_numbers<[1], [0], [0], [1], [0, 0, 1, 1], [], []>, transpose_lhs_hint = false} : vector<400x128xf32>, vector<128x128xf32>, vector<400x128xf32> -> vector<400x128xf32>
    %get3A_29 = arith.constant 0 : index
    %get3A_30 = arith.constant 0 : index
    %get3A_31 = vector.load %arg7[%get3A_29, %get3A_30] : memref<128x128xf32, #tpu.memory_space<vmem>>, vector<128x128xf32>
    %dot_general3A_32 = arith.constant dense<0.000000e+00> : vector<400x128xf32>
    %dot_general3A_33 = tpu.matmul %get3A_12, %get3A_31, %dot_general3A_32 {dimension_numbers = #tpu.dot_dimension_numbers<[1], [0], [0], [1], [0, 0, 1, 1], [], []>, transpose_lhs_hint = false} : vector<400x128xf32>, vector<128x128xf32>, vector<400x128xf32> -> vector<400x128xf32>
    %add3A_34 = arith.addf %dot_general3A_28, %dot_general3A_33 : vector<400x128xf32>
    %get3A_35 = arith.constant 0 : index
    %get3A_36 = arith.constant 0 : index
    %get3A_37 = vector.load %arg8[%get3A_35, %get3A_36] : memref<1x128xf32, #tpu.memory_space<vmem>>, vector<1x128xf32>
    %add3A_38 = vector.broadcast %get3A_37 : vector<1x128xf32> to vector<400x128xf32>
    %add3A_39 = arith.addf %add3A_34, %add3A_38 : vector<400x128xf32>
    %max3A = arith.constant 0.000000e+00 : f32
    %max3A_40 = vector.broadcast %max3A : f32 to vector<400x128xf32>
    %max3A_41 = arith.maximumf %add3A_39, %max3A_40 : vector<400x128xf32>
    %swap3A = arith.constant 0 : index
    %swap3A_42 = arith.constant 0 : index
    %swap3A_43 = vector.load %arg9[%swap3A, %swap3A_42] : memref<400x128xf32, #tpu.memory_space<vmem>>, vector<400x128xf32>
    tpu.vector_store %arg9[%swap3A, %swap3A_42], %max3A_41 {strides = array<i32>} : memref<400x128xf32, #tpu.memory_space<vmem>>, vector<400x128xf32>,
    return
  }
  func.func @transform_0(%arg0: i32) -> (i32, i32) {
    %c0_i32 = arith.constant 0 : i32
    %c0_i32_0 = arith.constant 0 : i32
    return %arg0, %c0_i32 : i32, i32
  }
  func.func @transform_1(%arg0: i32) -> (i32, i32) {
    %c0_i32 = arith.constant 0 : i32
    %c0_i32_0 = arith.constant 0 : i32
    return %arg0, %c0_i32 : i32, i32
  }
  func.func @transform_2(%arg0: i32) -> (i32, i32) {
    %c0_i32 = arith.constant 0 : i32
    %c0_i32_0 = arith.constant 0 : i32
    return %arg0, %c0_i32 : i32, i32
  }
  func.func @transform_3(%arg0: i32) -> (i32, i32) {
    %c0_i32 = arith.constant 0 : i32
    %c0_i32_0 = arith.constant 0 : i32
    return %arg0, %c0_i32 : i32, i32
  }
  func.func @transform_4(%arg0: i32) -> (i32, i32) {
    %c0_i32 = arith.constant 0 : i32
    %c0_i32_0 = arith.constant 0 : i32
    return %arg0, %c0_i32 : i32, i32
  }
  func.func @transform_5(%arg0: i32) -> (i32, i32) {
    %c0_i32 = arith.constant 0 : i32
    %c0_i32_0 = arith.constant 0 : i32
    %c0_i32_1 = arith.constant 0 : i32
    return %c0_i32, %c0_i32_0 : i32, i32
  }
  func.func @transform_6(%arg0: i32) -> (i32, i32) {
    %c0_i32 = arith.constant 0 : i32
    %c0_i32_0 = arith.constant 0 : i32
    %c0_i32_1 = arith.constant 0 : i32
    return %c0_i32, %c0_i32_0 : i32, i32
  }
  func.func @transform_7(%arg0: i32) -> (i32, i32) {
    %c0_i32 = arith.constant 0 : i32
    %c0_i32_0 = arith.constant 0 : i32
    %c0_i32_1 = arith.constant 0 : i32
    return %c0_i32, %c0_i32_0 : i32, i32
  }
  func.func @transform_8(%arg0: i32) -> (i32, i32) {
    %c0_i32 = arith.constant 0 : i32
    %c0_i32_0 = arith.constant 0 : i32
    return %arg0, %c0_i32 : i32, i32
  }
}

</mosaic_0001>

<sc_bundles>
// kernel: kernel.4.cloned.1.call-start
scs
__scs_entry_jumppad:
0x0: {  	(pc) =	sbr.rel $0x88, $3  }
0x1: {  	(tag) =	ssettag $0x0;
	lr =	simm.s32 $0x1  }
0x2: {  	[smem:$0x3F9C] =	sst lr;
	_ =	strace $0xD0000000  }
0x3: {  	_ = 	snop  }
0x4: {  	_ = 	snop  }
0x5: {  	_ = 	snop  }
0x6: {  	_ = 	snop  }
0x7: {  	_ = 	snop  }
__scs_overlays_trampoline_lowered:
0x8: {  	[smem:$0x3FAB] =	sst s0  }
0x9: {  	[smem:$0x3FAC] =	sst s1  }
0xa: {  	[smem:$0x3FAD] =	sst s2  }
0xb: {  	[smem:$0x3FAE] =	sst s3  }
0xc: {  	[smem:$0x3FAF] =	sst s4  }
0xd: {  	[smem:$0x3FB0] =	sst s5  }
0xe: {  	[smem:$0x3FB1] =	sst s6  }
0xf: {  	[smem:$0x3FB2] =	sst s7  }
0x10: {  	[smem:$0x3FB3] =	sst s8  }
0x11: {  	[smem:$0x3FB4] =	sst s9;
	s0 =	simm.s32 @!p0 $0x0  }
0x12: {  	s1 =	sld [smem:$0x3F9A];
	s0 =	simm.s32 @p0 $0x1  }
0x13: {  	[smem:$0x3FB5] =	sst s0;
	s0 =	simm.s32 @!p1 $0x0  }
0x14: {  	s2 =	sld [smem:$0x3F99];
	s0 =	simm.s32 @p1 $0x1  }
0x15: {  	[smem:$0x3FB6] =	sst s0;
	s0 =	simm.s32 @!p2 $0x0  }
0x16: {  	s3 =	sld [smem:$0x3FDB];
	s0 =	simm.s32 @p2 $0x1  }
0x17: {  	s4 =	simm.s32 $0x1BF5;
	[smem:$0x3FB8] =	sst s0  }
0x18: {  	s0 =	sld [smem:$0x3F9B];
	_ =	swait.ge [sflag:s4], $0x0  }
0x19: {  	s7 =	sld [smem:$0x3F9C]  }
0x1a: {  	s8 =	sadd.s32 $0xFFFFE003, lr  }
0x1b: {  	s9 =	sadd.s32 $0xFFFFFEF7, lr;
	s5 =	simm.s32 $0xFFFFFFFF;
	p2 =	slt.u32 s8, $0xFFFFF086  }
0x1c: {  	p1 =	slt.u32 s9, $0xF7A;
	s5 =	simm.s32 @!p2 $0x0  }
0x1d: {  	s5 =	simm.s32 @p1 $0x1;
	p0 =	seq.s32 s7, s2  }
0x1e: {  	s7 =	smul.u32 @!p0 $0xF7A, s2;
	p2 =	seq.s32 @!p0 s5, $0x0  }
0x1f: {  	s9 =	smul.u32 $0xF7A, s1;
	s8 =	simm.s32 @!p0 $0x1BF5;
	p2 =	por !p2, p0  }
0x20: {  	[sflag:s8] =	ssyncset.s32 @!p0 $0xFFFFF086;
	s6 =	sadd.s32 @!p0 s3, s7;
	s7 =	simm.s32 @!p0 $0x108  }
0x21: {  	s3 =	sadd.s32 s3, s9;
	s6 =	sadd.s32 @!p0 $0x88, s6;
	s7 =	simm.s32 @p2 $0x1082  }
0x22: {  	[simem:s7], [sflag:s8] =	dma.local @!p0 [hbm:s6], $0xF7A  }
0x23: {  	s9 =	sor.u32 $0xD0000000, s2;
	s6 =	simm.s32 $0x108;
	_ =	swait.ge @!p0 [sflag:s8], $0x0  }
0x24: {  	s3 =	sadd.s32 $0x88, s3;
	s6 =	simm.s32 @!p1 $0x1082;
	[sflag:s4] =	ssyncset.s32 $0xFFFFF086  }
0x25: {  	[simem:s6], [sflag:s4] =	dma.local [hbm:s3], $0xF7A  }
0x26: {  	[smem:$0x3F9C] =	sst s1;
	(tag) =	ssettag s2;
	_ =	strace s9  }
0x27: {  	s1 =	sld [smem:$0x3FAC]  }
0x28: {  	s2 =	sld [smem:$0x3FAD]  }
0x29: {  	s4 =	sld [smem:$0x3FAF]  }
0x2a: {  	p0 =	seq.s32 s5, $0x0;
	s5 =	sld [smem:$0x3FB0]  }
0x2b: {  	s6 =	sld [smem:$0x3FB1]  }
0x2c: {  	s7 =	sld [smem:$0x3FB2]  }
0x2d: {  	s3 =	simm.s32 $0x108;
	s8 =	sld [smem:$0x3FB3]  }
0x2e: {  	s3 =	simm.s32 @!p0 $0x1082;
	s9 =	sld [smem:$0x3FB4]  }
0x2f: {  	lr =	sadd.s32 s0, s3;
	s0 =	sld [smem:$0x3FAB]  }
0x30: {  	s3 =	sld [smem:$0x3FAE]  }
0x31: {  	[smem:$0x3FB7] =	sst s10  }
0x32: {  	s10 =	sld [smem:$0x3FB5];
	_ =	sdelay $0x3  }
0x33: {  	p0 =	seq.s32 s10, $0x1;
	s10 =	sld [smem:$0x3FB7];
	_ =	sdelay $0x3  }
0x34: {  	[smem:$0x3FB7] =	sst s10  }
0x35: {  	s10 =	sld [smem:$0x3FB6];
	_ =	sdelay $0x3  }
0x36: {  	p1 =	seq.s32 s10, $0x1;
	s10 =	sld [smem:$0x3FB7];
	_ =	sdelay $0x3  }
0x37: {  	[smem:$0x3FB7] =	sst s10  }
0x38: {  	s10 =	sld [smem:$0x3FB8]  }
0x39: {  	_ = 	snop;
	(pc) =	sbr.ind lr, $3  }
0x3a: {  	_ = 	snop  }
0x3b: {  	_ = 	snop  }
0x3c: {  	p2 =	seq.s32 s10, $0x1;
	s10 =	sld [smem:$0x3FB7]  }
0x3d: {  	_ =	shalt  }
0x3e: {  	_ =	shalt  }
0x3f: {  	_ =	shalt  }
0x40: {  	_ =	shalt  }
0x41: {  	_ =	shalt  }
0x42: {  	_ =	shalt  }
0x43: {  	_ =	shalt  }
0x44: {  	_ =	shalt  }
0x45: {  	_ =	shalt  }
0x46: {  	_ =	shalt  }
0x47: {  	_ =	shalt  }
0x48: {  	_ =	shalt  }
0x49: {  	_ =	shalt  }
0x4a: {  	_ =	shalt  }
0x4b: {  	_ =	shalt  }
0x4c: {  	_ =	shalt  }
0x4d: {  	_ =	shalt  }
0x4e: {  	_ =	shalt  }
0x4f: {  	_ =	shalt  }
0x50: {  	_ =	shalt  }
0x51: {  	_ =	shalt  }
0x52: {  	_ =	shalt  }
0x53: {  	_ =	shalt  }
0x54: {  	_ =	shalt  }
0x55: {  	_ =	shalt  }
0x56: {  	_ =	shalt  }
0x57: {  	_ =	shalt  }
0x58: {  	_ =	shalt  }
0x59: {  	_ =	shalt  }
0x5a: {  	_ =	shalt  }
0x5b: {  	_ =	shalt  }
0x5c: {  	_ =	shalt  }
0x5d: {  	_ =	shalt  }
0x5e: {  	_ =	shalt  }
0x5f: {  	_ =	shalt  }
0x60: {  	_ =	shalt  }
0x61: {  	_ =	shalt  }
0x62: {  	_ =	shalt  }
0x63: {  	_ =	shalt  }
0x64: {  	_ =	shalt  }
0x65: {  	_ =	shalt  }
0x66: {  	_ =	shalt  }
0x67: {  	_ =	shalt  }
0x68: {  	_ =	shalt  }
0x69: {  	_ =	shalt  }
0x6a: {  	_ =	shalt  }
0x6b: {  	_ =	shalt  }
0x6c: {  	_ =	shalt  }
0x6d: {  	_ =	shalt  }
0x6e: {  	_ =	shalt  }
0x6f: {  	_ =	shalt  }
0x70: {  	_ =	shalt  }
0x71: {  	_ =	shalt  }
0x72: {  	_ =	shalt  }
0x73: {  	_ =	shalt  }
0x74: {  	_ =	shalt  }
0x75: {  	_ =	shalt  }
0x76: {  	_ =	shalt  }
0x77: {  	_ =	shalt  }
0x78: {  	_ =	shalt  }
0x79: {  	_ =	shalt  }
0x7a: {  	_ =	shalt  }
0x7b: {  	_ =	shalt  }
0x7c: {  	_ =	shalt  }
0x7d: {  	_ =	shalt  }
0x7e: {  	_ =	shalt  }
0x7f: {  	_ =	shalt  }
0x80: {  	_ =	shalt  }
0x81: {  	_ =	shalt  }
0x82: {  	_ =	shalt  }
0x83: {  	_ =	shalt  }
0x84: {  	_ =	shalt  }
0x85: {  	_ =	shalt  }
0x86: {  	_ =	shalt  }
0x87: {  	_ =	shalt  }
.Lfunc_end0:
.L_simem_size_0:
called_computation_lowered:
.L_overlay_start_0:
0x88: {  	s2 =	sld [smem:$0x3FD9]  }
0x89: {  	s3 =	sld [smem:$0x3FFE];
	_ =	sdelay $0x1  }
0x8a: {  	s1 =	srdreg.scid  }
0x8b: {  	s0 =	sand.u32 $0x1, s1  }
0x8c: {  	s17 =	sshll.u32 s0, $0xA;
	s2 =	sadd.s32 s3, s2  }
0x8d: {  	s2 =	sadd.s32 s2, s17  }
0x8e: {  	[smem:$0x3FC3] =	sst s2  }
0x8f: {  	_ = 	snop  }
0x90: {  	s2 =	sld [smem:$0x3FC9]  }
0x91: {  	s18 =	sld [smem:$0x3FD0];
	(tm) =	ssettm $0x1  }
0x92: {  	s4 =	sld [smem:$0x3FFB];
	_ =	sdelay $0x3  }
0x93: {  	_ =	strace s4  }
0x94: {  	s4 =	sld [smem:$0x3FFC];
	_ =	sdelay $0x3  }
0x95: {  	_ =	strace s4  }
0x96: {  	s4 =	sld [smem:$0x3FFD];
	_ =	sdelay $0x3  }
0x97: {  	_ =	strace s4  }
0x98: {  	_ =	strace $0x8FFFFFFF  }
0x99: {  	s19 =	sld [smem:$0x3FDB];
	_ =	sdelay $0x1  }
0x9a: {  	s5 =	simm.s32 $_scs_section_size  }
0x9b: {  	s6 =	simm.s32 $_size__tile_overlayer_lowered;
	s7 =	simm.s32 $_tile_overlayer_lowered  }
0x9c: {  	s22 =	simm.s32 $0x1BFF;
	s21 =	sshll.u32 s7, $0x1;
	s4 =	sadd.s32 s5, s19  }
0x9d: {  	s8 =	simm.s32 $0x0;
	s20 =	sshll.u32 s6, $0x1;
	s6 =	sadd.s32 s21, s4  }
0x9e: {  	[timem:s8], [sflag:s22] =	dma.local [hbm:s6], s20  }
0x9f: {  	_ =	swait.ge [sflag:s22], s20  }
0xa0: {  	s5 =	ssub.s32 $0x0, s20;
	[sflag:s22] =	ssyncset.done $0x0  }
0xa1: {  	[sflag:s22] =	ssyncadd.s32 s5;
	_ =	sdelay $0x1  }
0xa2: {  	s23 =	simm.s32 $0x1B8B  }
0xa3: {  	_ =	swait.ge [sflag:s23], $0x1  }
0xa4: {  	[sflag:s23] =	ssyncset.done $0x0  }
0xa5: {  	s25 =	simm.s32 $0x1B8E;
	s24 =	sld [smem:$0x3FFE];
	[sflag:s23] =	ssyncadd.s32 $0xFFFFFFFF  }
0xa6: {  	s26 =	simm.s32 $execute0_lowered;
	[smem:$0x3FD2] =	sst s25  }
0xa7: {  	s6 =	sshll.u32 s26, $0x1;
	_ =	strace $0x80000046;
	[dreg:$0x1] =	wrdreg $0xFFFFFFFF  }
0xa8: {  	s28 =	simm.s32 $_size_execute0_lowered;
	s4 =	sadd.s32 s4, s6;
	[dreg:$0x0] =	wrdreg $0x0  }
0xa9: {  	s6 =	sshll.u32 s28, $0x1;
	[dreg:$0x2] =	wrdreg s4  }
0xaa: {  	[dreg:$0x3] =	wrdreg s6  }
0xab: {  	[dreg:$0x4] =	wrdreg $0xC0  }
0xac: {  	_ =	task [dreg:s8], $0x5FFFF  }
0xad: {  	[dreg:$0x1] =	wrdreg $0xFFFFFFFF  }
0xae: {  	[dreg:$0x0] =	wrdreg $0x60  }
0xaf: {  	[dreg:$0x2] =	wrdreg s2  }
0xb0: {  	[dreg:$0x3] =	wrdreg s24  }
0xb1: {  	[dreg:$0x4] =	wrdreg s18  }
0xb2: {  	[dreg:$0x5] =	wrdreg $0xC0800  }
0xb3: {  	[dreg:$0x6] =	wrdreg $0x1FC800  }
0xb4: {  	[dreg:$0x7] =	wrdreg $0x9  }
0xb5: {  	_ =	task.clear_ibuf [dreg:s8], $0x8FFFF;
	_ =	strace $0x90000046  }
0xb6: {  	s29 =	simm.s32 $0x9;
	_ =	strace $0x80000048  }
0xb7: {  	_ =	swait.ge [sflag:s29], $0x1  }
0xb8: {  	[sflag:s29] =	ssyncadd.s32 $0xFFFFFFFF  }
0xb9: {  	_ =	strace $0x90000048  }
0xba: {  	_ =	sfence  }
0xbb: {  	s30 =	sld [smem:$0x0];
	_ =	sdelay $0x2  }
0xbc: {  	s31 =	sshll.u32 s1, $0xD;
	s1 =	sshrl.u32 s1, $0x2  }
0xbd: {  	s3 =	sand.u32 $0x4000, s31;
	s1 =	sadd.s32 s1, s30  }
0xbe: {  	s0 =	sor.u32 s3, s0;
	s1 =	sshll.u32 s1, $0x11  }
0xbf: {  	s0 =	sor.u32 s1, s0  }
0xc0: {  	s0 =	sadd.s32 $0x8F2B, s0  }
0xc1: {  	[sflag:s0] =	ssyncadd.remote.s32 $0x1  }
0xc2: {  	_ =	sfence.sel $0xFFFF  }
0xc3: {  	[dreg:$0x0] =	wrdreg $0xFFFFFFFF;
	(pc) =	sbr.abs _section_cstart, $3  }
0xc4: {  	[dreg:$0x1] =	wrdreg $0xFFFFFFFF  }
0xc5: {  	_ =	task.clear_ibuf [dreg:s8], $0x2FFFF;
	_ =	strace $0x9FFFFFFF  }
0xc6: {  	(tm) =	ssettm $0x7FFFFFFF  }
0xc7: {  	_ =	shalt  }
tec
execute0_lowered:
.L_overlay_start_1:
0x0: {  	(tag) =	ssettag $0x1  }
0x1: {  	s0 =	rddreg [dreg:$0x0]  }
0x2: {  	s1 =	rddreg [dreg:$0x1];
	s4 =	srdreg.scid  }
0x3: {  	s5 =	rddreg [dreg:$0x2];
	s12 =	stileid.u32;
	s4 =	sand.u32 $0x1, s4  }
0x4: {  	s2 =	rddreg [dreg:$0x3];
	s7 =	smul.u32 $0x278, s12;
	s6 =	sshll.u32 s4, $0x4  }
0x5: {  	s13 =	simm.s32 $0x0;
	s8 =	smul.u32 $0x2780, s4;
	s6 =	sor.u32 s12, s6  }
0x6: {  	[smem:$0x7FF] =	sst s13;
	s6 =	smul.u32 $0x4E2, s6  }
0x7: {  	s3 =	rddreg [dreg:$0x4];
	_ =	strace $0x80000047;
	s7 =	sadd.s32 s7, s8  }
0x8: {  	s8 =	sshrl.u32 s8, $0x3;
	s7 =	sshll.u32 s7, $0x4;
	s5 =	sadd.s32 s5, s6  }
0x9: {  	s9 =	sadd.s32 s6, s1;
	s6 =	sadd.s32 $0x400, s3;
	[dreg:$0x6] =	wrdreg s5  }
0xa: {  	s7 =	sadd.s32 s7, s1;
	s17 =	sadd.s32 $0xC00, s9;
	[smem:$0x7B9] =	sst s6  }
0xb: {  	s1 =	sadd.s32 s8, s1;
	s19 =	sadd.s32 $0xAA00, s7;
	[dreg:$0x7] =	wrdreg s17  }
0xc: {  	s20 =	sadd.s32 $0x59A00, s1;
	[dreg:$0x9] =	wrdreg s19  }
0xd: {  	s21 =	sadd.s32 $0x59A10, s1;
	[dreg:$0xa] =	wrdreg s20  }
0xe: {  	s22 =	sadd.s32 $0x59A20, s1;
	[dreg:$0xb] =	wrdreg s21  }
0xf: {  	s23 =	sadd.s32 $0x59A30, s1;
	[dreg:$0xc] =	wrdreg s22  }
0x10: {  	s24 =	sadd.s32 $0x59A40, s1;
	[dreg:$0xd] =	wrdreg s23  }
0x11: {  	s25 =	sadd.s32 $0x59A50, s1;
	[dreg:$0xe] =	wrdreg s24  }
0x12: {  	s26 =	sadd.s32 $0x59A60, s1;
	[dreg:$0xf] =	wrdreg s25  }
0x13: {  	s29 =	sadd.s32 $0x59A70, s1;
	[dreg:$0x10] =	wrdreg s26  }
0x14: {  	s30 =	sadd.s32 $0x59A80, s1;
	[dreg:$0x11] =	wrdreg s29  }
0x15: {  	s31 =	sadd.s32 $0x59A90, s1;
	[dreg:$0x12] =	wrdreg s30  }
0x16: {  	s11 =	smul.u32 $0x4F000, s12;
	s7 =	sadd.s32 $0x59AA0, s1;
	[dreg:$0x13] =	wrdreg s31  }
0x17: {  	s4 =	ssub.s32 $0x2, s4;
	s8 =	sadd.s32 $0x59AB0, s1;
	[dreg:$0x14] =	wrdreg s7  }
0x18: {  	s10 =	sshrl.u32 s4, $0x1;
	s9 =	sadd.s32 $0x59AC0, s1;
	[dreg:$0x15] =	wrdreg s8  }
0x19: {  	s4 =	ssub.s32 s4, s10;
	s10 =	sadd.s32 $0x59AD0, s1;
	[dreg:$0x16] =	wrdreg s9  }
0x1a: {  	s18 =	sshrl.u32 s11, $0x2;
	s11 =	sadd.s32 $0x59AE0, s1;
	[dreg:$0x17] =	wrdreg s10  }
0x1b: {  	s14 =	sadd.s32 $0x59AF0, s1;
	[dreg:$0x18] =	wrdreg s11  }
0x1c: {  	s15 =	sadd.s32 $0x59B00, s1;
	[dreg:$0x19] =	wrdreg s14  }
0x1d: {  	s16 =	sadd.s32 $0x59B10, s1;
	[dreg:$0x1a] =	wrdreg s15  }
0x1e: {  	s5 =	sadd.s32 s18, s2;
	s18 =	sadd.s32 $0x59B30, s1;
	[dreg:$0x1b] =	wrdreg s16  }
0x1f: {  	s6 =	sadd.s32 $0x1300, s3;
	[dreg:$0x1d] =	wrdreg s18  }
0x20: {  	[smem:$0x7D0] =	sst s6  }
0x21: {  	s17 =	sadd.s32 $0x59B20, s1;
	[dreg:$0x8] =	wrdreg s5  }
0x22: {  	s19 =	sadd.s32 $0x59B40, s1;
	[dreg:$0x1c] =	wrdreg s17  }
0x23: {  	s20 =	sadd.s32 $0x59B50, s1;
	[dreg:$0x1e] =	wrdreg s19  }
0x24: {  	s21 =	sadd.s32 $0x59B60, s1;
	[dreg:$0x1f] =	wrdreg s20  }
0x25: {  	s22 =	sadd.s32 $0x59B70, s1;
	[smem:$0x761] =	sst s21  }
0x26: {  	s23 =	sadd.s32 $0x59B80, s1;
	[smem:$0x762] =	sst s22  }
0x27: {  	s24 =	sadd.s32 $0x59B90, s1;
	[smem:$0x763] =	sst s23  }
0x28: {  	s25 =	sadd.s32 $0x59BA0, s1;
	[smem:$0x764] =	sst s24  }
0x29: {  	s26 =	sadd.s32 $0x59BB0, s1;
	[smem:$0x765] =	sst s25  }
0x2a: {  	s29 =	sadd.s32 $0x59BC0, s1;
	[smem:$0x766] =	sst s26  }
0x2b: {  	s30 =	sadd.s32 $0x59BD0, s1;
	[smem:$0x767] =	sst s29  }
0x2c: {  	s31 =	sadd.s32 $0x59BE0, s1;
	[smem:$0x768] =	sst s30  }
0x2d: {  	s7 =	sadd.s32 $0x59BF0, s1;
	[smem:$0x769] =	sst s31  }
0x2e: {  	s8 =	sadd.s32 $0x59C00, s1;
	[smem:$0x76A] =	sst s7  }
0x2f: {  	s9 =	sadd.s32 $0x59C10, s1;
	[smem:$0x76B] =	sst s8  }
0x30: {  	s10 =	sadd.s32 $0x59C20, s1;
	[smem:$0x76C] =	sst s9  }
0x31: {  	s11 =	sadd.s32 $0x59C30, s1;
	[smem:$0x76D] =	sst s10  }
0x32: {  	s14 =	sadd.s32 $0x59C40, s1;
	[smem:$0x76E] =	sst s11  }
0x33: {  	s15 =	sadd.s32 $0x59C50, s1;
	[smem:$0x76F] =	sst s14  }
0x34: {  	s16 =	sadd.s32 $0x59C60, s1;
	[smem:$0x770] =	sst s15  }
0x35: {  	s18 =	sadd.s32 $0x59C80, s1;
	[smem:$0x771] =	sst s16  }
0x36: {  	s6 =	sadd.s32 $0x1E80, s3;
	[smem:$0x773] =	sst s18  }
0x37: {  	s17 =	sadd.s32 $0x59C70, s1;
	[smem:$0x7E7] =	sst s6  }
0x38: {  	s19 =	sadd.s32 $0x59C90, s1;
	[smem:$0x772] =	sst s17  }
0x39: {  	s20 =	sadd.s32 $0x59CA0, s1;
	[smem:$0x774] =	sst s19  }
0x3a: {  	s21 =	sadd.s32 $0x59CB0, s1;
	[smem:$0x775] =	sst s20  }
0x3b: {  	s22 =	sadd.s32 $0x59CC0, s1;
	[smem:$0x776] =	sst s21  }
0x3c: {  	s23 =	sadd.s32 $0x59CD0, s1;
	[smem:$0x777] =	sst s22  }
0x3d: {  	s24 =	sadd.s32 $0x59CE0, s1;
	[smem:$0x778] =	sst s23  }
0x3e: {  	s25 =	sadd.s32 $0x59CF0, s1;
	[smem:$0x779] =	sst s24  }
0x3f: {  	s26 =	sadd.s32 $0x59D00, s1;
	[smem:$0x77A] =	sst s25  }
0x40: {  	s29 =	sadd.s32 $0x59D10, s1;
	[smem:$0x77B] =	sst s26  }
0x41: {  	s30 =	sadd.s32 $0x59D20, s1;
	[smem:$0x77C] =	sst s29  }
0x42: {  	s31 =	sadd.s32 $0x59D30, s1;
	[smem:$0x77D] =	sst s30  }
0x43: {  	s7 =	sadd.s32 $0x59D40, s1;
	[smem:$0x77E] =	sst s31  }
0x44: {  	s8 =	sadd.s32 $0x59D50, s1;
	[smem:$0x77F] =	sst s7  }
0x45: {  	s9 =	sadd.s32 $0x59D60, s1;
	[smem:$0x780] =	sst s8  }
0x46: {  	s10 =	sadd.s32 $0x59D70, s1;
	[smem:$0x781] =	sst s9  }
0x47: {  	s11 =	sadd.s32 $0x59D80, s1;
	[smem:$0x782] =	sst s10  }
0x48: {  	s14 =	sadd.s32 $0x59D90, s1;
	[smem:$0x783] =	sst s11  }
0x49: {  	s15 =	sadd.s32 $0x59DA0, s1;
	[smem:$0x784] =	sst s14  }
0x4a: {  	s16 =	sadd.s32 $0x59DB0, s1;
	[smem:$0x785] =	sst s15  }
0x4b: {  	s18 =	sadd.s32 $0x59DD0, s1;
	[smem:$0x786] =	sst s16  }
0x4c: {  	s17 =	sadd.s32 $0x59DC0, s1;
	[smem:$0x788] =	sst s18  }
0x4d: {  	s19 =	sadd.s32 $0x59DE0, s1;
	[smem:$0x787] =	sst s17  }
0x4e: {  	s20 =	sadd.s32 $0x59DF0, s1;
	[smem:$0x789] =	sst s19  }
0x4f: {  	s21 =	sadd.s32 $0x59E00, s1;
	[smem:$0x78A] =	sst s20  }
0x50: {  	s22 =	sadd.s32 $0x59E10, s1;
	[smem:$0x78B] =	sst s21  }
0x51: {  	s23 =	sadd.s32 $0x59E20, s1;
	[smem:$0x78C] =	sst s22  }
0x52: {  	s24 =	sadd.s32 $0x59E30, s1;
	[smem:$0x78D] =	sst s23  }
0x53: {  	s25 =	sadd.s32 $0x59E40, s1;
	[smem:$0x78E] =	sst s24  }
0x54: {  	s26 =	sadd.s32 $0x59E50, s1;
	[smem:$0x78F] =	sst s25  }
0x55: {  	s29 =	sadd.s32 $0x59E60, s1;
	[smem:$0x790] =	sst s26  }
0x56: {  	s30 =	sadd.s32 $0x59E70, s1;
	[smem:$0x791] =	sst s29  }
0x57: {  	s31 =	sadd.s32 $0x59E80, s1;
	[smem:$0x792] =	sst s30  }
0x58: {  	s7 =	sadd.s32 $0x59E90, s1;
	[smem:$0x793] =	sst s31  }
0x59: {  	s8 =	sadd.s32 $0x59EA0, s1;
	[smem:$0x794] =	sst s7  }
0x5a: {  	s9 =	sadd.s32 $0x59EB0, s1;
	[smem:$0x795] =	sst s8  }
0x5b: {  	s10 =	sadd.s32 $0x59EC0, s1;
	[smem:$0x796] =	sst s9  }
0x5c: {  	s11 =	sadd.s32 $0x59ED0, s1;
	[smem:$0x797] =	sst s10  }
0x5d: {  	s1 =	sadd.s32 $0x59EE0, s1;
	[smem:$0x798] =	sst s11  }
0x5e: {  	s14 =	smax.u32 s4, $0x1;
	[smem:$0x799] =	sst s1  }
0x5f: {  	s15 =	sadd.s32 $0x12000, s5;
	[smem:$0x79A] =	sst s14  }
0x60: {  	s16 =	sadd.s32 $0x780, s3;
	[smem:$0x7AA] =	sst s15  }
0x61: {  	s18 =	sadd.s32 $0x700, s3;
	[smem:$0x7AB] =	sst s16  }
0x62: {  	s17 =	sadd.s32 $0xF80, s3;
	[smem:$0x7AD] =	sst s18  }
0x63: {  	s19 =	sadd.s32 $0xF00, s3;
	[smem:$0x7AC] =	sst s17  }
0x64: {  	s20 =	sadd.s32 $0x680, s3;
	[smem:$0x7AE] =	sst s19  }
0x65: {  	s21 =	sadd.s32 $0xE80, s3;
	[smem:$0x7AF] =	sst s20  }
0x66: {  	s22 =	sadd.s32 $0x600, s3;
	[smem:$0x7B0] =	sst s21  }
0x67: {  	s23 =	sadd.s32 $0xE00, s3;
	[smem:$0x7B1] =	sst s22  }
0x68: {  	s24 =	sadd.s32 $0x580, s3;
	[smem:$0x7B2] =	sst s23  }
0x69: {  	s25 =	sadd.s32 $0xD80, s3;
	[smem:$0x7B3] =	sst s24  }
0x6a: {  	s26 =	sadd.s32 $0x500, s3;
	[smem:$0x7B4] =	sst s25  }
0x6b: {  	s29 =	sadd.s32 $0xD00, s3;
	[smem:$0x7B5] =	sst s26  }
0x6c: {  	s30 =	sadd.s32 $0x480, s3;
	[smem:$0x7B6] =	sst s29  }
0x6d: {  	s31 =	sadd.s32 $0xC80, s3;
	[smem:$0x7B7] =	sst s30  }
0x6e: {  	s7 =	sadd.s32 $0x380, s3;
	[smem:$0x7B8] =	sst s31  }
0x6f: {  	s8 =	sadd.s32 $0x300, s3;
	[smem:$0x7BA] =	sst s7  }
0x70: {  	s9 =	sadd.s32 $0x280, s3;
	[smem:$0x7BB] =	sst s8  }
0x71: {  	s10 =	sadd.s32 $0x200, s3;
	[smem:$0x7BC] =	sst s9  }
0x72: {  	p2 =	sgt.s32 s12, $0x1;
	s11 =	sadd.s32 $0x180, s3;
	[smem:$0x7BD] =	sst s10  }
0x73: {  	p0 =	seq.s32 @p2 s12, $0x2;
	s14 =	sadd.s32 $0x80, s3;
	[smem:$0x7BE] =	sst s11  }
0x74: {  	p3 =	por !p0, !p2;
	s15 =	sadd.s32 $0x800, s3;
	[smem:$0x7C0] =	sst s14  }
0x75: {  	p0 =	por p0, !p2;
	s16 =	sadd.s32 $0x880, s3;
	[smem:$0x7C1] =	sst s15  }
0x76: {  	s1 =	simm.s32 @!p0 $0x0;
	s18 =	sadd.s32 $0x980, s3;
	[smem:$0x7C2] =	sst s16  }
0x77: {  	s1 =	simm.s32 @p0 $0x1;
	[smem:$0x7C4] =	sst s18  }
0x78: {  	s17 =	sadd.s32 $0x900, s3;
	[smem:$0x79B] =	sst s1  }
0x79: {  	s19 =	sadd.s32 $0xA00, s3;
	[smem:$0x7C3] =	sst s17  }
0x7a: {  	s20 =	sadd.s32 $0xA80, s3;
	[smem:$0x7C5] =	sst s19  }
0x7b: {  	s21 =	sadd.s32 $0xB00, s3;
	[smem:$0x7C6] =	sst s20  }
0x7c: {  	s22 =	sadd.s32 $0xB80, s3;
	[smem:$0x7C7] =	sst s21  }
0x7d: {  	s23 =	sadd.s32 $0xC00, s3;
	[smem:$0x7C8] =	sst s22  }
0x7e: {  	s24 =	sadd.s32 $0x1000, s3;
	[smem:$0x7C9] =	sst s23  }
0x7f: {  	s25 =	sadd.s32 $0x1080, s3;
	[smem:$0x7CA] =	sst s24  }
0x80: {  	s26 =	sadd.s32 $0x1100, s3;
	[smem:$0x7CB] =	sst s25  }
0x81: {  	s29 =	sadd.s32 $0x1180, s3;
	[smem:$0x7CC] =	sst s26  }
0x82: {  	s30 =	sadd.s32 $0x1200, s3;
	[smem:$0x7CD] =	sst s29  }
0x83: {  	s31 =	sadd.s32 $0x1280, s3;
	[smem:$0x7CE] =	sst s30  }
0x84: {  	s7 =	sadd.s32 $0x1380, s3;
	[smem:$0x7CF] =	sst s31  }
0x85: {  	s8 =	sadd.s32 $0x1400, s3;
	[smem:$0x7D1] =	sst s7  }
0x86: {  	s9 =	sadd.s32 $0x1480, s3;
	[smem:$0x7D2] =	sst s8  }
0x87: {  	s10 =	sadd.s32 $0x1500, s3;
	[smem:$0x7D3] =	sst s9  }
0x88: {  	s11 =	sadd.s32 $0x1580, s3;
	[smem:$0x7D4] =	sst s10  }
0x89: {  	s14 =	sadd.s32 $0x1680, s3;
	[smem:$0x7D5] =	sst s11  }
0x8a: {  	s15 =	sadd.s32 $0x1700, s3;
	[smem:$0x7D7] =	sst s14  }
0x8b: {  	s16 =	sadd.s32 $0x1780, s3;
	[smem:$0x7D8] =	sst s15  }
0x8c: {  	s18 =	sadd.s32 $0x1880, s3;
	[smem:$0x7D9] =	sst s16  }
0x8d: {  	s17 =	sadd.s32 $0x1800, s3;
	[smem:$0x7DB] =	sst s18  }
0x8e: {  	s19 =	sadd.s32 $0x1900, s3;
	[smem:$0x7DA] =	sst s17  }
0x8f: {  	s20 =	sadd.s32 $0x1980, s3;
	[smem:$0x7DC] =	sst s19  }
0x90: {  	s21 =	sadd.s32 $0x1A00, s3;
	[smem:$0x7DD] =	sst s20  }
0x91: {  	s22 =	sadd.s32 $0x1A80, s3;
	[smem:$0x7DE] =	sst s21  }
0x92: {  	s23 =	sadd.s32 $0x1B00, s3;
	[smem:$0x7DF] =	sst s22  }
0x93: {  	s24 =	sadd.s32 $0x1B80, s3;
	[smem:$0x7E0] =	sst s23  }
0x94: {  	s25 =	sadd.s32 $0x1C00, s3;
	[smem:$0x7E1] =	sst s24  }
0x95: {  	s26 =	sadd.s32 $0x1C80, s3;
	[smem:$0x7E2] =	sst s25  }
0x96: {  	s29 =	sadd.s32 $0x1D00, s3;
	[smem:$0x7E3] =	sst s26  }
0x97: {  	s30 =	sadd.s32 $0x1D80, s3;
	[smem:$0x7E4] =	sst s29  }
0x98: {  	s31 =	sadd.s32 $0x1E00, s3;
	[smem:$0x7E5] =	sst s30  }
0x99: {  	s7 =	sadd.s32 $0x1F00, s3;
	[smem:$0x7E6] =	sst s31  }
0x9a: {  	s8 =	sadd.s32 $0x1F80, s3;
	[smem:$0x7E8] =	sst s7  }
0x9b: {  	s9 =	sadd.s32 $0x2000, s3;
	[smem:$0x7E9] =	sst s8  }
0x9c: {  	s10 =	sadd.s32 $0x2080, s3;
	[smem:$0x7EA] =	sst s9  }
0x9d: {  	s11 =	sadd.s32 $0x2100, s3;
	[smem:$0x7EB] =	sst s10  }
0x9e: {  	s14 =	sadd.s32 $0x2200, s3;
	[smem:$0x7EC] =	sst s11  }
0x9f: {  	p1 =	seq.s32 @!p2 s12, $0x0;
	s15 =	sadd.s32 $0x2280, s3;
	[smem:$0x7EE] =	sst s14  }
0xa0: {  	p0 =	por p1, p2;
	s16 =	sadd.s32 $0x2300, s3;
	[smem:$0x7EF] =	sst s15  }
0xa1: {  	s1 =	simm.s32 @!p0 $0x0;
	s18 =	sadd.s32 $0x2400, s3;
	[smem:$0x7F0] =	sst s16  }
0xa2: {  	s1 =	simm.s32 @p0 $0x1;
	[smem:$0x7F2] =	sst s18  }
0xa3: {  	s28 =	simm.s32 $0x2;
	s17 =	sadd.s32 $0x2380, s3;
	[smem:$0x79C] =	sst s1  }
0xa4: {  	p4 =	sgt.s32 s12, $0x5;
	s19 =	sadd.s32 $0x2480, s3;
	[smem:$0x7F1] =	sst s17  }
0xa5: {  	s6 =	simm.s32 $0x8F80;
	s20 =	sadd.s32 $0x2500, s3;
	[smem:$0x7F3] =	sst s19  }
0xa6: {  	s4 =	sor.u32 $0x2710, s12;
	s21 =	sadd.s32 $0x2580, s3;
	[smem:$0x7F4] =	sst s20  }
0xa7: {  	p1 =	por !p1, p2;
	s22 =	sadd.s32 $0x2600, s3;
	[smem:$0x7F5] =	sst s21  }
0xa8: {  	s23 =	sadd.s32 $0x2680, s3;
	s1 =	simm.s32 @!p2 $0x0;
	[smem:$0x7F6] =	sst s22  }
0xa9: {  	p0 =	seq.s32 @p4 s12, $0x6;
	[smem:$0x7F7] =	sst s23;
	s1 =	simm.s32 @p2 $0x1  }
0xaa: {  	s24 =	sadd.s32 $0x2700, s3;
	[smem:$0x79D] =	sst s1;
	s1 =	simm.s32 @!p1 $0x0  }
0xab: {  	p2 =	por !p0, !p4;
	p0 =	por p0, !p4;
	s1 =	simm.s32 @p1 $0x1  }
0xac: {  	s25 =	sadd.s32 $0x3000, s5;
	[smem:$0x79E] =	sst s1;
	s1 =	simm.s32 @!p0 $0x0  }
0xad: {  	s26 =	sadd.s32 $0x6000, s5;
	[smem:$0x7F8] =	sst s24;
	s1 =	simm.s32 @p0 $0x1  }
0xae: {  	p1 =	seq.s32 @!p4 s12, $0x4;
	[smem:$0x79F] =	sst s1;
	s1 =	simm.s32 @!p4 $0x0  }
0xaf: {  	p0 =	por !p1, p4;
	p1 =	por p1, p4;
	s1 =	simm.s32 @p4 $0x1  }
0xb0: {  	s29 =	sadd.s32 $0x9000, s5;
	[smem:$0x7A0] =	sst s1;
	s1 =	simm.s32 @!p1 $0x0  }
0xb1: {  	[smem:$0x7F9] =	sst s25;
	s1 =	simm.s32 @p1 $0x1;
	p1 =	sgt.s32 s12, $0x7  }
0xb2: {  	s30 =	sadd.s32 $0xC000, s5;
	[smem:$0x7A1] =	sst s1;
	s1 =	simm.s32 @!p1 $0x0  }
0xb3: {  	[smem:$0x7FA] =	sst s26;
	s1 =	simm.s32 @p1 $0x1;
	p1 =	sgt.s32 s12, $0x3  }
0xb4: {  	s31 =	sadd.s32 $0xF000, s5;
	[smem:$0x7A2] =	sst s1;
	s1 =	simm.s32 @!p1 $0x0  }
0xb5: {  	s16 =	simm.s32 $0x5F80;
	[smem:$0x7FB] =	sst s29;
	s1 =	simm.s32 @p1 $0x1  }
0xb6: {  	s7 =	simm.s32 $0x7780;
	[smem:$0x7A3] =	sst s1;
	s1 =	simm.s32 @!p3 $0x0  }
0xb7: {  	[smem:$0x7FC] =	sst s30;
	p1 =	por @!p3 $0x1, $0x1;
	s1 =	simm.s32 @p3 $0x1  }
0xb8: {  	s9 =	simm.s32 $0xA780;
	[smem:$0x7A4] =	sst s1;
	s1 =	simm.s32 @!p1 $0x0  }
0xb9: {  	s8 =	simm.s32 $0x0;
	[smem:$0x7FD] =	sst s31;
	s1 =	simm.s32 @p1 $0x1  }
0xba: {  	s26 =	simm.s32 $0x3;
	[smem:$0x7A5] =	sst s1;
	s1 =	simm.s32 @!p2 $0x0  }
0xbb: {  	s22 =	simm.s32 $0xBF80;
	p1 =	por @!p2 $0x1, $0x1;
	s1 =	simm.s32 @p2 $0x1  }
0xbc: {  	s12 =	sadd.s32 $0x100, s3;
	[smem:$0x7A6] =	sst s1;
	s1 =	simm.s32 @!p1 $0x0  }
0xbd: {  	s20 =	simm.s32 $0x30;
	[smem:$0x7BF] =	sst s12;
	s1 =	simm.s32 @p1 $0x1  }
0xbe: {  	s12 =	sadd.s32 $0x1600, s3;
	[smem:$0x7A7] =	sst s1;
	s1 =	simm.s32 @!p0 $0x0  }
0xbf: {  	[smem:$0x7D6] =	sst s12;
	s1 =	simm.s32 @p0 $0x1;
	p0 =	por @!p0 $0x1, $0x1  }
0xc0: {  	s12 =	sadd.s32 $0x2180, s3;
	[smem:$0x7A8] =	sst s1;
	s1 =	simm.s32 @!p0 $0x0  }
0xc1: {  	v1 =	vimm.s32 $0x0;
	s23 =	simm.s32 $0x1;
	[smem:$0x7ED] =	sst s12;
	s1 =	simm.s32 @p0 $0x1  }
0xc2: {  	v2 =	vimm.f32 $0.0e+00;
	v3 =	vimm.f32 $1.000000000e+00;
	v0 =	vmov s4;
	s12 =	simm.s32 $0xC000;
	[smem:$0x7A9] =	sst s1;
	s1 =	simm.s32 $0x60  }
.LBB2_1:
0xc3: {  	[smem:$0x760] =	sst s8  }
0xc4: {  	s4 =	rddreg [dreg:$0x6]  }
0xc5: {  	[tilespmem:s13], [sflag:$0x3] =	stream.linear.gather [hbm4b:s4+s13], $0x2710, $0x38;
	[tilespmem:$0x1FEF8] =	vst v63  }
0xc6: {  	_ =	swait.ge [sflag:s26], $0x2710  }
0xc7: {  	[sflag:s26] =	ssyncset.done $0x0  }
0xc8: {  	[sflag:s26] =	ssyncadd.s32 $0xFFFFD8F0  }
0xc9: {  	s5 =	simm.s32 $0x200;
	s8 =	simm.s32 $0x0;
	s4 =	simm.s32 $0x30;
	v4 =	vld [tilespmem:s20+$0xFFFFFFD0]  }
.LBB2_2:
0xca: {  	p0 =	sne.s32 s5, $0xCE00;
	_ =	sdelay $0x2  }
0xcb: {  	s10 =	sshra.s32 s8, $0x2;
	s8 =	smov.u32 s5  }
0xcc: {  	[tilespmem:s10+$0x2780] =	vst v4  }
0xcd: {  	v4 =	vld [tilespmem:s4+$0xFFFFFFE0];
	_ =	sdelay $0x4  }
0xce: {  	[tilespmem:s10+$0x2790] =	vst v4  }
0xcf: {  	v4 =	vld [tilespmem:s4+$0xFFFFFFF0];
	_ =	sdelay $0x4  }
0xd0: {  	[tilespmem:s10+$0x27A0] =	vst v4  }
0xd1: {  	v4 =	vld [tilespmem:s4+$0x0];
	_ =	sdelay $0x4  }
0xd2: {  	[tilespmem:s10+$0x27B0] =	vst v4  }
0xd3: {  	v4 =	vld [tilespmem:s4+$0x10];
	_ =	sdelay $0x4  }
0xd4: {  	[tilespmem:s10+$0x27C0] =	vst v4  }
0xd5: {  	v4 =	vld [tilespmem:s4+$0x20];
	_ =	sdelay $0x1  }
.Ltmp0:
0xd6: {  	(pc) =	sbr.rel @p0 .LBB2_2-.Ltmp0, $3  }
0xd7: {  	_ =	sdelay $0x1  }
0xd8: {  	s4 =	sadd.s32 $0x60, s4;
	[tilespmem:s10+$0x27D0] =	vst v4  }
0xd9: {  	s5 =	sadd.s32 $0x200, s5;
	v4 =	vld [tilespmem:s4+$0xFFFFFFD0]  }
0xda: {  	_ =	sdelay $0x2  }
0xdb: {  	s5 =	sshra.s32 s8, $0x2  }
0xdc: {  	[tilespmem:s5+$0x2780] =	vst v4  }
0xdd: {  	v4 =	vld [tilespmem:s4+$0xFFFFFFE0];
	_ =	sdelay $0x4  }
0xde: {  	[tilespmem:s5+$0x2790] =	vst v4  }
0xdf: {  	v4 =	vld [tilespmem:s4+$0xFFFFFFF0];
	_ =	sdelay $0x4  }
0xe0: {  	[tilespmem:s5+$0x27A0] =	vst v4  }
0xe1: {  	v4 =	vld [tilespmem:s4+$0x0];
	_ =	sdelay $0x4  }
0xe2: {  	[tilespmem:s5+$0x27B0] =	vst v4  }
0xe3: {  	v4 =	vld [tilespmem:s4+$0x10];
	_ =	sdelay $0x4  }
0xe4: {  	[tilespmem:s5+$0x27C0] =	vst v4  }
0xe5: {  	v4 =	vld [tilespmem:s4+$0x20];
	_ =	sdelay $0x4  }
0xe6: {  	[tilespmem:s5+$0x27D0] =	vst v4  }
0xe7: {  	v4 =	vld [tilespmem:$0x2700];
	_ =	sdelay $0x4  }
0xe8: {  	s31 =	rddreg [dreg:$0x7];
	[tilespmem:$0x5B80] =	vst v4  }
0xe9: {  	[tilespmem:s13], [sflag:$0x3] =	stream.linear.gather [hbm4b:s31+s13], $0x2710, $0x38;
	[tilespmem:$0x1FEF8] =	vst v63  }
0xea: {  	_ =	swait.ge [sflag:s26], $0x2710  }
0xeb: {  	[sflag:s26] =	ssyncset.done $0x0  }
0xec: {  	[sflag:s26] =	ssyncadd.s32 $0xFFFFD8F0  }
0xed: {  	[tilespmem:$0x2710] =	vst v1  }
0xee: {  	[tilespmem:$0x5B90] =	vst v0  }
0xef: {  	[tilespmem:$0x2720] =	vst v1  }
0xf0: {  	[tilespmem:$0x5BA0] =	vst v0  }
0xf1: {  	[tilespmem:$0x2730] =	vst v1  }
0xf2: {  	[tilespmem:$0x5BB0] =	vst v0  }
0xf3: {  	[tilespmem:$0x2740] =	vst v1  }
0xf4: {  	[tilespmem:$0x5BC0] =	vst v0  }
0xf5: {  	[tilespmem:$0x2750] =	vst v1  }
0xf6: {  	s8 =	simm.s32 $0x50;
	s4 =	simm.s32 $0x27B0;
	[tilespmem:$0x5BD0] =	vst v0  }
0xf7: {  	s10 =	simm.s32 $0x2C0;
	s11 =	stileid.u32;
	s5 =	simm.s32 $0x27B0;
	v4 =	vld [tilespmem:s4+$0xFFFFFFD0]  }
.LBB2_4:
0xf8: {  	p0 =	sne.s32 s10, $0x9BC0;
	v5 =	vld [tilespmem:s8+$0xFFFFFFB0];
	_ =	sdelay $0x4  }
0xf9: {  	vm0 =	veq.s32 v5, v4  }
0xfa: {  	v4 =	vsel vm0, v0, v4  }
0xfb: {  	[tilespmem:s4+$0xFFFFFFD0] =	vst v4;
	v4 =	vld [tilespmem:s4+$0xFFFFFFE0]  }
0xfc: {  	v5 =	vld [tilespmem:s8+$0xFFFFFFC0];
	_ =	sdelay $0x4  }
0xfd: {  	vm0 =	veq.s32 v5, v4  }
0xfe: {  	v4 =	vsel vm0, v0, v4  }
0xff: {  	[tilespmem:s4+$0xFFFFFFE0] =	vst v4;
	v4 =	vld [tilespmem:s4+$0xFFFFFFF0]  }
0x100: {  	v5 =	vld [tilespmem:s8+$0xFFFFFFD0];
	_ =	sdelay $0x4  }
0x101: {  	vm0 =	veq.s32 v5, v4  }
0x102: {  	v4 =	vsel vm0, v0, v4  }
0x103: {  	[tilespmem:s4+$0xFFFFFFF0] =	vst v4;
	v4 =	vld [tilespmem:s4+$0x0]  }
0x104: {  	v5 =	vld [tilespmem:s8+$0xFFFFFFE0];
	_ =	sdelay $0x4  }
0x105: {  	vm0 =	veq.s32 v5, v4  }
0x106: {  	v4 =	vsel vm0, v0, v4  }
0x107: {  	[tilespmem:s4+$0x0] =	vst v4;
	v4 =	vld [tilespmem:s4+$0x10]  }
0x108: {  	v5 =	vld [tilespmem:s8+$0xFFFFFFF0];
	_ =	sdelay $0x4  }
0x109: {  	vm0 =	veq.s32 v5, v4  }
0x10a: {  	v4 =	vsel vm0, v0, v4  }
0x10b: {  	[tilespmem:s4+$0x10] =	vst v4;
	v4 =	vld [tilespmem:s4+$0x20]  }
0x10c: {  	v5 =	vld [tilespmem:s8+$0x0];
	_ =	sdelay $0x2  }
.Ltmp1:
0x10d: {  	(pc) =	sbr.rel @p0 .LBB2_4-.Ltmp1, $4  }
0x10e: {  	_ = 	snop  }
0x10f: {  	vm0 =	veq.s32 v5, v4  }
0x110: {  	s4 =	sadd.s32 $0x80, s4;
	v5 =	vsel vm0, v0, v4  }
0x111: {  	s8 =	sshra.s32 s10, $0x2;
	s10 =	sadd.s32 $0x180, s10;
	v4 =	vld [tilespmem:s4+$0xFFFFFFD0];
	[tilespmem:s5+$0x20] =	vst v5;
	s5 =	smov.u32 s4  }
0x112: {  	v5 =	vld [tilespmem:s8+$0xFFFFFFB0];
	_ =	sdelay $0x4  }
0x113: {  	vm0 =	veq.s32 v5, v4  }
0x114: {  	v4 =	vsel vm0, v0, v4  }
0x115: {  	[tilespmem:s4+$0xFFFFFFD0] =	vst v4;
	v4 =	vld [tilespmem:s4+$0xFFFFFFE0]  }
0x116: {  	v5 =	vld [tilespmem:s8+$0xFFFFFFC0];
	_ =	sdelay $0x4  }
0x117: {  	vm10 =	veq.s32 v5, v4  }
0x118: {  	v4 =	vsel vm10, v0, v4  }
0x119: {  	[tilespmem:s4+$0xFFFFFFE0] =	vst v4;
	v4 =	vld [tilespmem:s4+$0xFFFFFFF0]  }
0x11a: {  	v5 =	vld [tilespmem:s8+$0xFFFFFFD0];
	_ =	sdelay $0x4  }
0x11b: {  	vm11 =	veq.s32 v5, v4  }
0x11c: {  	v4 =	vsel vm11, v0, v4  }
0x11d: {  	[tilespmem:s4+$0xFFFFFFF0] =	vst v4;
	v4 =	vld [tilespmem:s4+$0x0]  }
0x11e: {  	v5 =	vld [tilespmem:s8+$0xFFFFFFE0];
	_ =	sdelay $0x4  }
0x11f: {  	vm12 =	veq.s32 v5, v4  }
0x120: {  	v4 =	vsel vm12, v0, v4  }
0x121: {  	[tilespmem:s4+$0x0] =	vst v4;
	v4 =	vld [tilespmem:s4+$0x10]  }
0x122: {  	v5 =	vld [tilespmem:s8+$0xFFFFFFF0];
	_ =	sdelay $0x4  }
0x123: {  	vm13 =	veq.s32 v5, v4  }
0x124: {  	v4 =	vsel vm13, v0, v4  }
0x125: {  	[tilespmem:s4+$0x10] =	vst v4;
	v4 =	vld [tilespmem:s4+$0x20]  }
0x126: {  	v5 =	vld [tilespmem:s8+$0x0];
	_ =	sdelay $0x4  }
0x127: {  	vm14 =	veq.s32 v5, v4  }
0x128: {  	v4 =	vsel vm14, v0, v4  }
0x129: {  	[tilespmem:s5+$0x20] =	vst v4  }
0x12a: {  	v4 =	vld [tilespmem:$0x2700]  }
0x12b: {  	v5 =	vld [tilespmem:$0x5B80];
	_ =	sdelay $0x4  }
0x12c: {  	vm15 =	veq.s32 v4, v5  }
0x12d: {  	v4 =	vsel vm15, v0, v5  }
0x12e: {  	s4 =	simm.s32 $0x70;
	s5 =	simm.s32 $0x3C0;
	[tilespmem:$0x5B80] =	vst v4  }
.LBB2_6:
0x12f: {  	p0 =	sne.s32 s5, $0xBFC0;
	[tilespmem:s4+$0x5F80] =	vst v2  }
0x130: {  	[tilespmem:s4+$0x5F10] =	vst v2  }
0x131: {  	[tilespmem:s4+$0x5F20] =	vst v2  }
.Ltmp2:
0x132: {  	[tilespmem:s4+$0x5F30] =	vst v2;
	(pc) =	sbr.rel @p0 .LBB2_6-.Ltmp2, $4  }
0x133: {  	[tilespmem:s4+$0x5F40] =	vst v2  }
0x134: {  	[tilespmem:s4+$0x5F50] =	vst v2  }
0x135: {  	[tilespmem:s4+$0x5F60] =	vst v2  }
0x136: {  	[tilespmem:s4+$0x5F70] =	vst v2;
	s4 =	sshra.s32 s5, $0x2;
	s5 =	sadd.s32 $0x200, s5  }
0x137: {  	[tilespmem:s4+$0x5F80] =	vst v2  }
0x138: {  	[tilespmem:s4+$0x5F10] =	vst v2  }
0x139: {  	[tilespmem:s4+$0x5F20] =	vst v2  }
0x13a: {  	[tilespmem:s4+$0x5F30] =	vst v2  }
0x13b: {  	[tilespmem:s4+$0x5F40] =	vst v2  }
0x13c: {  	[tilespmem:s4+$0x5F50] =	vst v2  }
0x13d: {  	[tilespmem:s4+$0x5F60] =	vst v2  }
0x13e: {  	[tilespmem:s4+$0x5F70] =	vst v2  }
0x13f: {  	[tilespmem:$0xBF80] =	vst v2  }
0x140: {  	[tilespmem:$0xBF90] =	vst v2  }
0x141: {  	[tilespmem:$0xBFA0] =	vst v2  }
0x142: {  	[tilespmem:$0xBFB0] =	vst v2  }
0x143: {  	[tilespmem:$0xBFC0] =	vst v2  }
0x144: {  	[tilespmem:$0xBFD0] =	vst v2  }
0x145: {  	[tilespmem:$0xBFE0] =	vst v2  }
0x146: {  	[tilespmem:$0xBFF0] =	vst v2  }
0x147: {  	[tilespmem:$0xC000] =	vst v3  }
0x148: {  	[tilespmem:$0xC010] =	vst v3  }
0x149: {  	[tilespmem:$0xC020] =	vst v3  }
0x14a: {  	[tilespmem:$0xC030] =	vst v3  }
0x14b: {  	[tilespmem:$0xC040] =	vst v3  }
0x14c: {  	s18 =	rddreg [dreg:$0x8];
	[tilespmem:$0xC050] =	vst v3  }
0x14d: {  	[spmem:s18] =	stream.linear.scatter [tilespmem:s16], [sflag:$0x3], $0x3000, $0x38;
	[tilespmem:$0x1FEF8] =	vst v63  }
0x14e: {  	_ =	swait.ge [sflag:s26], $0x3000  }
0x14f: {  	s19 =	sld [smem:$0x7F9]  }
0x150: {  	[sflag:s26] =	ssyncset.done $0x0  }
0x151: {  	[sflag:s26] =	ssyncadd.s32 $0xFFFFD000  }
0x152: {  	[spmem:s19] =	stream.linear.scatter [tilespmem:s16], [sflag:$0x3], $0x3000, $0x38;
	[tilespmem:$0x1FEF8] =	vst v63  }
0x153: {  	_ =	swait.ge [sflag:s26], $0x3000  }
0x154: {  	s21 =	sld [smem:$0x7FA]  }
0x155: {  	[sflag:s26] =	ssyncset.done $0x0  }
0x156: {  	[sflag:s26] =	ssyncadd.s32 $0xFFFFD000  }
0x157: {  	[spmem:s21] =	stream.linear.scatter [tilespmem:s16], [sflag:$0x3], $0x3000, $0x38;
	[tilespmem:$0x1FEF8] =	vst v63  }
0x158: {  	_ =	swait.ge [sflag:s26], $0x3000  }
0x159: {  	s24 =	sld [smem:$0x7FB]  }
0x15a: {  	[sflag:s26] =	ssyncset.done $0x0  }
0x15b: {  	[sflag:s26] =	ssyncadd.s32 $0xFFFFD000  }
0x15c: {  	[spmem:s24] =	stream.linear.scatter [tilespmem:s16], [sflag:$0x3], $0x3000, $0x38;
	[tilespmem:$0x1FEF8] =	vst v63  }
0x15d: {  	_ =	swait.ge [sflag:s26], $0x3000  }
0x15e: {  	s25 =	sld [smem:$0x7FC]  }
0x15f: {  	[sflag:s26] =	ssyncset.done $0x0  }
0x160: {  	[sflag:s26] =	ssyncadd.s32 $0xFFFFD000  }
0x161: {  	[spmem:s25] =	stream.linear.scatter [tilespmem:s16], [sflag:$0x3], $0x3000, $0x38;
	[tilespmem:$0x1FEF8] =	vst v63  }
0x162: {  	_ =	swait.ge [sflag:s26], $0x3000  }
0x163: {  	s29 =	sld [smem:$0x7FD]  }
0x164: {  	[sflag:s26] =	ssyncset.done $0x0  }
0x165: {  	[sflag:s26] =	ssyncadd.s32 $0xFFFFD000  }
0x166: {  	[spmem:s29] =	stream.linear.scatter [tilespmem:s16], [sflag:$0x3], $0x3000, $0x38;
	[tilespmem:$0x1FEF8] =	vst v63  }
0x167: {  	_ =	swait.ge [sflag:s26], $0x3000  }
0x168: {  	s30 =	sld [smem:$0x7AA]  }
0x169: {  	[sflag:s26] =	ssyncset.done $0x0  }
0x16a: {  	[sflag:s26] =	ssyncadd.s32 $0xFFFFD000  }
0x16b: {  	[spmem:s30] =	stream.linear.scatter [tilespmem:s16], [sflag:$0x3], $0x1C00, $0x38;
	[tilespmem:$0x1FEF8] =	vst v63  }
0x16c: {  	_ =	swait.ge [sflag:s26], $0x1C00  }
0x16d: {  	s31 =	sld [smem:$0x7A2];
	_ =	sdelay $0x2  }
0x16e: {  	p0 =	seq.s32 s31, $0x1  }
.Ltmp3:
0x16f: {  	_ = 	snop;
	(pc) =	sbr.rel @p0 .LBB2_11-.Ltmp3, $3  }
0x170: {  	_ =	sdelay $0x1  }
0x171: {  	[sflag:s26] =	ssyncset.done $0x0  }
0x172: {  	p5 =	por $0x0, $0x0;
	[sflag:s26] =	ssyncadd.s32 $0xFFFFE400  }
0x173: {  	s4 =	sld [smem:$0x7A3];
	_ =	sdelay $0x2  }
0x174: {  	p0 =	seq.s32 s4, $0x1  }
.Ltmp4:
0x175: {  	_ = 	snop;
	(pc) =	sbr.rel @p0 .LBB2_10-.Ltmp4, $1  }
0x176: {  	_ =	sdelay $0x3  }
0x177: {  	s4 =	sld [smem:$0x7A4]  }
0x178: {  	s18 =	sld [smem:$0x79B];
	_ =	sdelay $0x2  }
0x179: {  	s19 =	sld [smem:$0x7A5];
	p3 =	seq.s32 s4, $0x1;
	p0 =	seq.s32 s18, $0x1  }
0x17a: {  	s21 =	sld [smem:$0x79C];
	p1 =	por @!p3 $0x0, $0x0;
	p4 =	por @!p0 $0x0, $0x0  }
0x17b: {  	s24 =	sld [smem:$0x79E];
	p4 =	por @!p3 p1, p1;
	p1 =	por @!p3 $0x0, $0x0  }
0x17c: {  	s29 =	sld [smem:$0x79D];
	s4 =	simm.s32 @!p1 $0x0  }
0x17d: {  	p2 =	por @!p0 $0x0, $0x0;
	s4 =	simm.s32 @p1 $0x1;
	p1 =	seq.s32 s19, $0x1  }
0x17e: {  	[smem:$0x752] =	sst s4;
	p2 =	por @!p3 p1, p1  }
0x17f: {  	p1 =	seq.s32 s21, $0x1;
	s4 =	simm.s32 @!p2 $0x0;
	s25 =	sld [smem:$0x752]  }
0x180: {  	p6 =	por @!p1 $0x1, $0x1;
	s4 =	simm.s32 @p2 $0x1;
	p2 =	por p3, p3  }
0x181: {  	p3 =	por @!p1 $0x0, $0x0;
	p1 =	por @!p0 $0x1, $0x1;
	p0 =	seq.s32 s24, $0x1  }
0x182: {  	p3 =	por @!p0 p5, p5;
	p6 =	por @!p0 p5, p5;
	p5 =	seq.s32 s25, $0x1  }
0x183: {  	[smem:$0x75A] =	sst s4;
	p1 =	por @!p2 p5, p5  }
0x184: {  	p0 =	por p4, p4;
	p5 =	seq.s32 s29, $0x1;
	s4 =	simm.s32 @!p1 $0x0  }
0x185: {  	p0 =	por @!p5 p6, p6;
	s4 =	simm.s32 @p1 $0x1  }
0x186: {  	p2 =	por p4, p4;
	[smem:$0x75B] =	sst s4;
	s4 =	simm.s32 @!p0 $0x0  }
0x187: {  	p2 =	por @!p5 p3, p3;
	s4 =	simm.s32 @p0 $0x1  }
0x188: {  	p6 =	por p4, p4;
	[smem:$0x753] =	sst s4;
	s4 =	simm.s32 @!p2 $0x0  }
0x189: {  	p6 =	por @!p5 p3, p3;
	s4 =	simm.s32 @p2 $0x1  }
0x18a: {  	p2 =	por p4, p4;
	[smem:$0x754] =	sst s4;
	s4 =	simm.s32 @!p6 $0x0  }
0x18b: {  	p2 =	por @!p5 p3, p3;
	s4 =	simm.s32 @p6 $0x1  }
0x18c: {  	p0 =	por p4, p4;
	[smem:$0x755] =	sst s4;
	s4 =	simm.s32 @!p2 $0x0  }
0x18d: {  	p0 =	por @!p5 p3, p3;
	s4 =	simm.s32 @p2 $0x1  }
0x18e: {  	[smem:$0x756] =	sst s4;
	s4 =	simm.s32 @!p0 $0x0  }
0x18f: {  	s4 =	simm.s32 @p0 $0x1;
	p0 =	por p4, p4  }
0x190: {  	s30 =	sld [smem:$0x75A];
	p0 =	por @!p5 p3, p3  }
0x191: {  	p1 =	por p4, p4;
	[smem:$0x757] =	sst s4;
	s4 =	simm.s32 @!p0 $0x0  }
0x192: {  	p1 =	por @!p5 p3, p3;
	s4 =	simm.s32 @p0 $0x1  }
0x193: {  	p0 =	seq.s32 s30, $0x1;
	[smem:$0x758] =	sst s4;
	s4 =	simm.s32 @!p1 $0x0  }
0x194: {  	p0 =	por @!p5 p3, p3;
	s4 =	simm.s32 @p1 $0x1  }
0x195: {  	p2 =	por p4, p4;
	[smem:$0x759] =	sst s4;
	s4 =	simm.s32 @!p0 $0x0  }
0x196: {  	p2 =	por @!p5 p3, p3;
	s4 =	simm.s32 @p0 $0x1  }
0x197: {  	p1 =	por p4, p4;
	[smem:$0x75A] =	sst s4;
	s4 =	simm.s32 @!p2 $0x0  }
0x198: {  	p1 =	por @!p5 p3, p3;
	s4 =	simm.s32 @p2 $0x1  }
0x199: {  	[smem:$0x75C] =	sst s4;
	s4 =	simm.s32 @!p1 $0x0  }
0x19a: {  	s8 =	sld [smem:$0x7BF];
	s4 =	simm.s32 @p1 $0x1;
	p1 =	por p4, p4  }
0x19b: {  	s5 =	sld [smem:$0x7A4];
	p1 =	por @!p5 p3, p3  }
0x19c: {  	[smem:$0x75D] =	sst s4;
	s4 =	simm.s32 @!p1 $0x0  }
0x19d: {  	p6 =	por p4, p4;
	p4 =	por @!p5 p3, p3;
	s4 =	simm.s32 @p1 $0x1  }
0x19e: {  	[smem:$0x75E] =	sst s4;
	s4 =	simm.s32 @!p4 $0x0  }
0x19f: {  	s10 =	sld [smem:$0x7C3];
	s4 =	simm.s32 @p4 $0x1  }
0x1a0: {  	[smem:$0x75F] =	sst s4  }
0x1a1: {  	s4 =	sld [smem:$0x7BE]  }
0x1a2: {  	s13 =	sld [smem:$0x7CC]  }
0x1a3: {  	s14 =	sld [smem:$0x7DC];
	p2 =	seq.s32 s5, $0x1  }
0x1a4: {  	s8 =	smov.u32 @p2 s4;
	s4 =	sld [smem:$0x7C4]  }
0x1a5: {  	s5 =	sld [smem:$0x7DD]  }
0x1a6: {  	s17 =	sld [smem:$0x79E]  }
0x1a7: {  	s10 =	smov.u32 @p2 s4;
	s4 =	sld [smem:$0x7CD]  }
0x1a8: {  	s14 =	smov.u32 @p2 s5;
	s5 =	sld [smem:$0x7C0]  }
0x1a9: {  	s15 =	sld [smem:$0x7EC]  }
0x1aa: {  	p1 =	seq.s32 s17, $0x1;
	s13 =	smov.u32 @p2 s4;
	s4 =	smov.u32 s3  }
0x1ab: {  	s4 =	smov.u32 @p1 s5;
	s5 =	sld [smem:$0x7ED];
	_ =	sdelay $0x1  }
0x1ac: {  	s17 =	sld [smem:$0x7C2]  }
0x1ad: {  	s15 =	smov.u32 @p2 s5;
	s5 =	sld [smem:$0x7C1];
	_ =	sdelay $0x1  }
0x1ae: {  	s4 =	smov.u32 @p5 s8;
	s8 =	sld [smem:$0x7CA]  }
0x1af: {  	s5 =	smov.u32 @p1 s17;
	s17 =	sld [smem:$0x7CB];
	_ =	sdelay $0x1  }
0x1b0: {  	s5 =	smov.u32 @p5 s10;
	s10 =	sld [smem:$0x7DA]  }
0x1b1: {  	s8 =	smov.u32 @p1 s17;
	s17 =	sld [smem:$0x7DB]  }
0x1b2: {  	s31 =	sld [smem:$0x75B]  }
0x1b3: {  	s8 =	smov.u32 @p5 s13;
	s13 =	sld [smem:$0x7EA]  }
.Ltmp5:
0x1b4: {  	s10 =	smov.u32 @p1 s17;
	s17 =	sld [smem:$0x7EB];
	(pc) =	sbr.rel .LBB2_17-.Ltmp5, $3  }
0x1b5: {  	_ =	sdelay $0x1  }
0x1b6: {  	p6 =	por @!p5 p3, p3;
	p0 =	seq.s32 s31, $0x1;
	s13 =	smov.u32 @p1 s17  }
0x1b7: {  	p0 =	por @!p5 p3, p3;
	s10 =	smov.u32 @p5 s14;
	s13 =	smov.u32 @p5 s15  }
.LBB2_11:
0x1b8: {  	p0 =	sgt.s32 s11, $0xB  }
.Ltmp6:
0x1b9: {  	_ = 	snop;
	(pc) =	sbr.rel @p0 .LBB2_13-.Ltmp6, $1  }
0x1ba: {  	_ =	sdelay $0x3  }
0x1bb: {  	s14 =	sld [smem:$0x7B5]  }
0x1bc: {  	p5 =	sgt.s32 s11, $0x9;
	s4 =	sld [smem:$0x7B3]  }
0x1bd: {  	p1 =	seq.s32 @p5 s11, $0xA  }
0x1be: {  	s15 =	sld [smem:$0x7B6];
	p0 =	por !p1, !p5  }
0x1bf: {  	p1 =	por p1, !p5;
	s14 =	smov.u32 @p0 s4;
	s4 =	sld [smem:$0x7B4]  }
0x1c0: {  	p2 =	por @!p0 $0x1, $0x1;
	p4 =	por @!p1 $0x0, $0x0  }
0x1c1: {  	p6 =	por @!p1 $0x1, $0x1;
	p1 =	por p4, p4;
	p4 =	por @!p0 p2, p2  }
0x1c2: {  	p3 =	por @!p0 $0x0, $0x0;
	s15 =	smov.u32 @p0 s4;
	s4 =	simm.s32 @!p4 $0x0  }
0x1c3: {  	p6 =	por @!p0 p3, p3;
	s4 =	simm.s32 @p4 $0x1  }
0x1c4: {  	[smem:$0x756] =	sst s4;
	s4 =	simm.s32 @!p6 $0x0  }
0x1c5: {  	s17 =	sld [smem:$0x7D4];
	s4 =	simm.s32 @p6 $0x1  }
0x1c6: {  	[smem:$0x75E] =	sst s4  }
0x1c7: {  	s4 =	sld [smem:$0x7D5];
	_ =	sdelay $0x1  }
0x1c8: {  	s18 =	sld [smem:$0x7E4]  }
0x1c9: {  	s17 =	smov.u32 @p0 s4;
	s4 =	sld [smem:$0x7E5];
	_ =	sdelay $0x1  }
0x1ca: {  	s19 =	sld [smem:$0x7F4]  }
0x1cb: {  	s18 =	smov.u32 @p0 s4;
	s4 =	sld [smem:$0x7F5];
	_ =	sdelay $0x1  }
0x1cc: {  	s8 =	sld [smem:$0x7B7]  }
0x1cd: {  	s19 =	smov.u32 @p0 s4;
	s4 =	sld [smem:$0x7B9]  }
0x1ce: {  	p2 =	seq.s32 @!p5 s11, $0x8  }
0x1cf: {  	s5 =	sld [smem:$0x7C9];
	p6 =	por p2, p5;
	p2 =	por !p2, p5  }
0x1d0: {  	s4 =	smov.u32 @p2 s8;
	s8 =	sld [smem:$0x7B8];
	_ =	sdelay $0x1  }
0x1d1: {  	s13 =	sld [smem:$0x7D3]  }
0x1d2: {  	s5 =	smov.u32 @p2 s8;
	s8 =	sld [smem:$0x7D2]  }
0x1d3: {  	s10 =	sld [smem:$0x7E2]  }
0x1d4: {  	s21 =	sld [smem:$0x7F3]  }
0x1d5: {  	s8 =	smov.u32 @p2 s13;
	s13 =	sld [smem:$0x7E3]  }
0x1d6: {  	p1 =	por @!p0 p3, p3;
	p4 =	por @!p6 $0x0, $0x0;
	p0 =	por @!p2 $0x1, $0x1  }
0x1d7: {  	p3 =	por p4, p4;
	p4 =	por @!p2 p0, p0;
	p0 =	por @!p6 $0x1, $0x1  }
0x1d8: {  	p6 =	por @!p2 $0x0, $0x0;
	s10 =	smov.u32 @p2 s13;
	s13 =	sld [smem:$0x7F2]  }
0x1d9: {  	p3 =	por @!p2 p6, p6;
	p0 =	por @!p2 p6, p6;
	p6 =	por p1, p1  }
0x1da: {  	p6 =	por @!p5 p4, p4  }
0x1db: {  	s13 =	smov.u32 @p2 s21;
	s21 =	simm.s32 @!p6 $0x0  }
0x1dc: {  	s30 =	sld [smem:$0x756];
	p4 =	por p1, p1;
	s21 =	simm.s32 @p6 $0x1  }
0x1dd: {  	p4 =	por @!p5 p3, p3;
	p6 =	por p1, p1;
	[smem:$0x757] =	sst s21  }
0x1de: {  	p6 =	por @!p5 p0, p0;
	s21 =	simm.s32 @!p4 $0x0;
	p0 =	por p1, p1  }
0x1df: {  	s21 =	simm.s32 @p4 $0x1;
	p0 =	por @!p5 p3, p3  }
0x1e0: {  	[smem:$0x754] =	sst s21;
	s21 =	simm.s32 @!p0 $0x0  }
0x1e1: {  	s21 =	simm.s32 @p0 $0x1;
	p0 =	seq.s32 s30, $0x1  }
0x1e2: {  	p0 =	por @!p5 p3, p3  }
0x1e3: {  	[smem:$0x755] =	sst s21;
	s21 =	simm.s32 @!p0 $0x0  }
0x1e4: {  	s21 =	simm.s32 @p0 $0x1;
	p0 =	por p1, p1  }
0x1e5: {  	p0 =	por @!p5 p3, p3  }
0x1e6: {  	p4 =	por p1, p1;
	[smem:$0x756] =	sst s21;
	s21 =	simm.s32 @!p0 $0x0  }
0x1e7: {  	p4 =	por @!p5 p3, p3;
	s21 =	simm.s32 @p0 $0x1  }
0x1e8: {  	[smem:$0x758] =	sst s21;
	s21 =	simm.s32 @!p4 $0x0  }
0x1e9: {  	s21 =	simm.s32 @p4 $0x1;
	p4 =	por p1, p1  }
0x1ea: {  	p4 =	por @!p5 p3, p3  }
0x1eb: {  	p0 =	por p1, p1;
	[smem:$0x759] =	sst s21;
	s21 =	simm.s32 @!p4 $0x0  }
0x1ec: {  	p0 =	por @!p5 p3, p3;
	s21 =	simm.s32 @p4 $0x1  }
0x1ed: {  	p4 =	por p1, p1;
	[smem:$0x75A] =	sst s21;
	s21 =	simm.s32 @!p0 $0x0  }
0x1ee: {  	s31 =	sld [smem:$0x75E];
	p4 =	por @!p5 p3, p3;
	s21 =	simm.s32 @p0 $0x1  }
0x1ef: {  	[smem:$0x753] =	sst s21;
	s21 =	simm.s32 @!p4 $0x0  }
0x1f0: {  	s21 =	simm.s32 @p4 $0x1;
	p4 =	por p1, p1  }
0x1f1: {  	p4 =	por @!p5 p3, p3  }
0x1f2: {  	p2 =	seq.s32 s31, $0x1;
	[smem:$0x75C] =	sst s21;
	s21 =	simm.s32 @!p4 $0x0  }
0x1f3: {  	s4 =	smov.u32 @p5 s14;
	p2 =	por @!p5 p3, p3;
	s21 =	simm.s32 @p4 $0x1  }
.Ltmp7:
0x1f4: {  	[smem:$0x75D] =	sst s21;
	s21 =	simm.s32 @!p2 $0x0;
	(pc) =	sbr.rel .LBB2_17-.Ltmp7, $4  }
0x1f5: {  	p0 =	por p1, p1;
	p1 =	por @!p5 p3, p3;
	s21 =	simm.s32 @p2 $0x1  }
0x1f6: {  	s5 =	smov.u32 @p5 s15;
	[smem:$0x75E] =	sst s21;
	s21 =	simm.s32 @!p1 $0x0  }
0x1f7: {  	s8 =	smov.u32 @p5 s17;
	s10 =	smov.u32 @p5 s18;
	s21 =	simm.s32 @p1 $0x1  }
0x1f8: {  	s13 =	smov.u32 @p5 s19;
	p0 =	por @!p5 p3, p3;
	[smem:$0x75F] =	sst s21  }
.LBB2_10:
0x1f9: {  	s4 =	sld [smem:$0x7A6]  }
0x1fa: {  	s17 =	sld [smem:$0x79F]  }
0x1fb: {  	s18 =	sld [smem:$0x7A8]  }
0x1fc: {  	s19 =	sld [smem:$0x7A1]  }
0x1fd: {  	s21 =	sld [smem:$0x7A9]  }
0x1fe: {  	s24 =	sld [smem:$0x7A0]  }
0x1ff: {  	s25 =	sld [smem:$0x79F]  }
0x200: {  	s29 =	sld [smem:$0x7A7];
	p0 =	seq.s32 s4, $0x1;
	p2 =	seq.s32 s17, $0x1  }
0x201: {  	p1 =	por @!p0 $0x0, $0x0;
	p4 =	por @!p2 $0x0, $0x0;
	p2 =	por @!p2 $0x1, $0x1  }
0x202: {  	s30 =	sld [smem:$0x7A6];
	p2 =	por @!p0 p1, p1  }
0x203: {  	p5 =	seq.s32 s21, $0x1;
	p4 =	por @!p0 p1, p1;
	s4 =	simm.s32 @!p2 $0x0  }
0x204: {  	p0 =	seq.s32 s18, $0x1;
	s4 =	simm.s32 @p2 $0x1;
	p2 =	seq.s32 s19, $0x1  }
0x205: {  	p6 =	por @!p0 $0x0, $0x0;
	p3 =	por @!p2 $0x0, $0x0;
	p1 =	por @!p2 $0x0, $0x0  }
0x206: {  	p2 =	por @!p2 $0x1, $0x1;
	p3 =	por @!p0 p6, p6;
	p1 =	por @!p0 p5, p5  }
0x207: {  	p2 =	por @!p0 p6, p6;
	p6 =	por p4, p4;
	p5 =	seq.s32 s24, $0x1  }
0x208: {  	[smem:$0x75D] =	sst s4;
	p6 =	por @!p5 p1, p1  }
0x209: {  	p0 =	por p4, p4;
	p1 =	seq.s32 s25, $0x1;
	s4 =	simm.s32 @!p6 $0x0  }
0x20a: {  	p0 =	por @!p5 p2, p2;
	s4 =	simm.s32 @p6 $0x1;
	p6 =	por @!p1 $0x0, $0x0  }
0x20b: {  	p1 =	por p4, p4;
	[smem:$0x759] =	sst s4;
	s4 =	simm.s32 @!p0 $0x0  }
0x20c: {  	p1 =	por @!p5 p3, p3;
	s4 =	simm.s32 @p0 $0x1  }
0x20d: {  	p2 =	seq.s32 s30, $0x1;
	[smem:$0x75C] =	sst s4;
	s4 =	simm.s32 @!p1 $0x0  }
0x20e: {  	p0 =	seq.s32 s29, $0x1;
	s4 =	simm.s32 @p1 $0x1;
	p1 =	por p4, p4  }
0x20f: {  	p6 =	por @!p2 p0, p0;
	p1 =	por @!p5 p3, p3  }
0x210: {  	p0 =	por p4, p4;
	[smem:$0x754] =	sst s4;
	s4 =	simm.s32 @!p1 $0x0  }
0x211: {  	p0 =	por @!p5 p3, p3;
	s4 =	simm.s32 @p1 $0x1  }
0x212: {  	[smem:$0x755] =	sst s4;
	s4 =	simm.s32 @!p0 $0x0  }
0x213: {  	s4 =	simm.s32 @p0 $0x1;
	p0 =	por p4, p4  }
0x214: {  	p0 =	por @!p5 p3, p3  }
0x215: {  	[smem:$0x756] =	sst s4;
	s4 =	simm.s32 @!p0 $0x0  }
0x216: {  	p6 =	por @!p5 p3, p3;
	s4 =	simm.s32 @p0 $0x1  }
0x217: {  	p1 =	por p4, p4;
	[smem:$0x757] =	sst s4;
	s4 =	simm.s32 @!p6 $0x0  }
0x218: {  	s31 =	sld [smem:$0x75D];
	p1 =	por @!p5 p3, p3;
	s4 =	simm.s32 @p6 $0x1  }
0x219: {  	p0 =	por p4, p4;
	[smem:$0x758] =	sst s4;
	s4 =	simm.s32 @!p1 $0x0  }
0x21a: {  	p0 =	por @!p5 p3, p3;
	s4 =	simm.s32 @p1 $0x1  }
0x21b: {  	p1 =	seq.s32 s31, $0x1;
	[smem:$0x75A] =	sst s4;
	s4 =	simm.s32 @!p0 $0x0  }
0x21c: {  	p1 =	por @!p5 p3, p3;
	s4 =	simm.s32 @p0 $0x1  }
0x21d: {  	[smem:$0x753] =	sst s4;
	s4 =	simm.s32 @!p1 $0x0  }
0x21e: {  	s4 =	simm.s32 @p1 $0x1;
	p1 =	por p4, p4  }
0x21f: {  	p1 =	por @!p5 p3, p3  }
0x220: {  	p6 =	por p4, p4;
	[smem:$0x75D] =	sst s4;
	s4 =	simm.s32 @!p1 $0x0  }
0x221: {  	p0 =	por p4, p4;
	p4 =	por @!p5 p3, p3;
	s4 =	simm.s32 @p1 $0x1  }
0x222: {  	[smem:$0x75E] =	sst s4;
	s4 =	simm.s32 @!p4 $0x0  }
0x223: {  	s8 =	sld [smem:$0x7BB];
	s4 =	simm.s32 @p4 $0x1  }
0x224: {  	[smem:$0x75F] =	sst s4  }
0x225: {  	s4 =	sld [smem:$0x7BA]  }
0x226: {  	s10 =	sld [smem:$0x7C7]  }
0x227: {  	s13 =	sld [smem:$0x7D0]  }
0x228: {  	s8 =	smov.u32 @p2 s4;
	s4 =	sld [smem:$0x7C8]  }
0x229: {  	s14 =	sld [smem:$0x7E0]  }
0x22a: {  	s5 =	sld [smem:$0x7E1]  }
0x22b: {  	s10 =	smov.u32 @p2 s4;
	s4 =	sld [smem:$0x7D1]  }
0x22c: {  	s17 =	sld [smem:$0x7A8]  }
0x22d: {  	s14 =	smov.u32 @p2 s5;
	s5 =	sld [smem:$0x7BC]  }
0x22e: {  	s13 =	smov.u32 @p2 s4;
	s4 =	sld [smem:$0x7BD];
	_ =	sdelay $0x1  }
0x22f: {  	s15 =	sld [smem:$0x7F0];
	p1 =	por p2, p2;
	p2 =	seq.s32 s17, $0x1  }
0x230: {  	s4 =	smov.u32 @p2 s5;
	s5 =	sld [smem:$0x7F1];
	_ =	sdelay $0x1  }
0x231: {  	s17 =	sld [smem:$0x7C6]  }
0x232: {  	s15 =	smov.u32 @p1 s5;
	s5 =	sld [smem:$0x7C5];
	_ =	sdelay $0x1  }
0x233: {  	s4 =	smov.u32 @p5 s8;
	s8 =	sld [smem:$0x7CE]  }
0x234: {  	s5 =	smov.u32 @p2 s17;
	s17 =	sld [smem:$0x7CF];
	_ =	sdelay $0x1  }
0x235: {  	s5 =	smov.u32 @p5 s10;
	s10 =	sld [smem:$0x7DE]  }
0x236: {  	s8 =	smov.u32 @p2 s17;
	s17 =	sld [smem:$0x7DF];
	_ =	sdelay $0x1  }
0x237: {  	s8 =	smov.u32 @p5 s13;
	s13 =	sld [smem:$0x7EE]  }
.Ltmp8:
0x238: {  	s10 =	smov.u32 @p2 s17;
	s17 =	sld [smem:$0x7EF];
	(pc) =	sbr.rel .LBB2_17-.Ltmp8, $3  }
0x239: {  	_ =	sdelay $0x1  }
0x23a: {  	p6 =	por @!p5 p3, p3;
	s13 =	smov.u32 @p2 s17  }
0x23b: {  	p0 =	por @!p5 p3, p3;
	s10 =	smov.u32 @p5 s14;
	s13 =	smov.u32 @p5 s15  }
.LBB2_13:
0x23c: {  	p0 =	sgt.s32 s11, $0xD  }
.Ltmp9:
0x23d: {  	_ = 	snop;
	(pc) =	sbr.rel @p0 .LBB2_15-.Ltmp9, $1  }
0x23e: {  	_ =	sdelay $0x3  }
0x23f: {  	p5 =	seq.s32 s11, $0xC  }
0x240: {  	p3 =	por @!p5 $0x0, $0x0;
	p0 =	por @p5 $0x0, $0x0  }
0x241: {  	p0 =	por @!p5 p3, p3  }
0x242: {  	p1 =	por @p5 $0x1, $0x1;
	s4 =	simm.s32 @!p0 $0x0  }
0x243: {  	p1 =	por @!p5 p3, p3;
	s4 =	simm.s32 @p0 $0x1  }
0x244: {  	p0 =	por @p5 $0x0, $0x0;
	[smem:$0x754] =	sst s4;
	s4 =	simm.s32 @!p1 $0x0  }
0x245: {  	p0 =	por @!p5 p3, p3;
	s4 =	simm.s32 @p1 $0x1  }
0x246: {  	[smem:$0x755] =	sst s4;
	s4 =	simm.s32 @!p0 $0x0  }
0x247: {  	s4 =	simm.s32 @p0 $0x1;
	p0 =	por @p5 $0x0, $0x0  }
0x248: {  	p0 =	por @!p5 p3, p3  }
0x249: {  	[smem:$0x756] =	sst s4;
	s4 =	simm.s32 @!p0 $0x0  }
0x24a: {  	s4 =	simm.s32 @p0 $0x1;
	p0 =	por @p5 $0x0, $0x0  }
0x24b: {  	p0 =	por @!p5 p3, p3  }
0x24c: {  	p1 =	por @p5 $0x0, $0x0;
	[smem:$0x757] =	sst s4;
	s4 =	simm.s32 @!p0 $0x0  }
0x24d: {  	p1 =	por @!p5 p3, p3;
	s4 =	simm.s32 @p0 $0x1  }
0x24e: {  	[smem:$0x758] =	sst s4;
	s4 =	simm.s32 @!p1 $0x0  }
0x24f: {  	s4 =	simm.s32 @p1 $0x1;
	p1 =	por @p5 $0x0, $0x0  }
0x250: {  	p1 =	por @!p5 p3, p3  }
0x251: {  	[smem:$0x759] =	sst s4;
	s4 =	simm.s32 @!p1 $0x0  }
0x252: {  	s4 =	simm.s32 @p1 $0x1;
	p1 =	por @p5 $0x0, $0x0  }
0x253: {  	p1 =	por @!p5 p3, p3  }
0x254: {  	[smem:$0x75A] =	sst s4;
	s4 =	simm.s32 @!p1 $0x0  }
0x255: {  	s4 =	simm.s32 @p1 $0x1;
	p1 =	por @p5 $0x0, $0x0  }
0x256: {  	p1 =	por @!p5 p3, p3  }
0x257: {  	[smem:$0x753] =	sst s4;
	s4 =	simm.s32 @!p1 $0x0  }
0x258: {  	s4 =	simm.s32 @p1 $0x1;
	p1 =	por @p5 $0x0, $0x0  }
0x259: {  	p1 =	por @!p5 p3, p3  }
0x25a: {  	[smem:$0x75C] =	sst s4;
	s4 =	simm.s32 @!p1 $0x0  }
0x25b: {  	p6 =	por @p5 $0x0, $0x0;
	s4 =	simm.s32 @p1 $0x1;
	p1 =	por @p5 $0x0, $0x0  }
0x25c: {  	p6 =	por @!p5 p3, p3;
	p0 =	por @p5 $0x0, $0x0;
	p1 =	por @!p5 p3, p3  }
0x25d: {  	p0 =	por @!p5 p3, p3;
	[smem:$0x75D] =	sst s4;
	s4 =	simm.s32 @!p1 $0x0  }
0x25e: {  	p3 =	por @!p5 $0x1, $0x1;
	s4 =	simm.s32 @p1 $0x1;
	p1 =	por @p5 $0x0, $0x0  }
0x25f: {  	p1 =	por @!p5 p3, p3  }
0x260: {  	[smem:$0x75E] =	sst s4;
	s5 =	simm.s32 @!p1 $0x0  }
0x261: {  	s4 =	sld [smem:$0x7AF];
	s5 =	simm.s32 @p1 $0x1  }
0x262: {  	[smem:$0x75F] =	sst s5  }
0x263: {  	s5 =	sld [smem:$0x7B1];
	_ =	sdelay $0x1  }
0x264: {  	s10 =	sld [smem:$0x7B2]  }
0x265: {  	s4 =	smov.u32 @p5 s5;
	s5 =	sld [smem:$0x7B0];
	_ =	sdelay $0x1  }
0x266: {  	s8 =	sld [smem:$0x7D7]  }
0x267: {  	s5 =	smov.u32 @p5 s10;
	s10 =	sld [smem:$0x7D6];
	_ =	sdelay $0x1  }
0x268: {  	s14 =	sld [smem:$0x7E6]  }
0x269: {  	s8 =	smov.u32 @p5 s10;
	s10 =	sld [smem:$0x7E7];
	_ =	sdelay $0x1  }
.Ltmp10:
0x26a: {  	s13 =	sld [smem:$0x7F7];
	(pc) =	sbr.rel .LBB2_17-.Ltmp10, $2  }
0x26b: {  	s10 =	smov.u32 @p5 s14;
	s14 =	sld [smem:$0x7F6];
	_ =	sdelay $0x2  }
0x26c: {  	s13 =	smov.u32 @p5 s14  }
.LBB2_15:
0x26d: {  	p0 =	por $0x0, $0x0  }
0x26e: {  	s4 =	simm.s32 @!p0 $0x0  }
0x26f: {  	s4 =	simm.s32 @p0 $0x1;
	p0 =	por $0x0, $0x0  }
0x270: {  	[smem:$0x754] =	sst s4;
	s4 =	simm.s32 @!p0 $0x0  }
0x271: {  	s4 =	simm.s32 @p0 $0x1;
	p0 =	por $0x0, $0x0  }
0x272: {  	[smem:$0x755] =	sst s4;
	s4 =	simm.s32 @!p0 $0x0  }
0x273: {  	s4 =	simm.s32 @p0 $0x1;
	p0 =	por $0x0, $0x0  }
0x274: {  	[smem:$0x756] =	sst s4;
	s4 =	simm.s32 @!p0 $0x0  }
0x275: {  	s4 =	simm.s32 @p0 $0x1;
	p0 =	por $0x0, $0x0  }
0x276: {  	[smem:$0x757] =	sst s4;
	s4 =	simm.s32 @!p0 $0x0  }
0x277: {  	p1 =	por $0x0, $0x0;
	s4 =	simm.s32 @p0 $0x1  }
0x278: {  	[smem:$0x758] =	sst s4;
	s4 =	simm.s32 @!p1 $0x0  }
0x279: {  	s4 =	simm.s32 @p1 $0x1;
	p1 =	por $0x0, $0x0  }
0x27a: {  	[smem:$0x759] =	sst s4;
	s4 =	simm.s32 @!p1 $0x0  }
0x27b: {  	p0 =	por $0x0, $0x0;
	s4 =	simm.s32 @p1 $0x1  }
0x27c: {  	[smem:$0x75A] =	sst s4;
	s4 =	simm.s32 @!p0 $0x0  }
0x27d: {  	p1 =	por $0x0, $0x0;
	s4 =	simm.s32 @p0 $0x1  }
0x27e: {  	[smem:$0x753] =	sst s4;
	s4 =	simm.s32 @!p1 $0x0  }
0x27f: {  	s5 =	sld [smem:$0x7AB];
	s4 =	simm.s32 @p1 $0x1;
	p1 =	por $0x0, $0x0  }
0x280: {  	p3 =	seq.s32 s11, $0xE;
	[smem:$0x75C] =	sst s4;
	s4 =	simm.s32 @!p1 $0x0  }
0x281: {  	s8 =	sld [smem:$0x7AC];
	s4 =	simm.s32 @p1 $0x1;
	p1 =	por $0x0, $0x0  }
.Ltmp11:
0x282: {  	[smem:$0x75D] =	sst s4;
	s4 =	simm.s32 @!p1 $0x0;
	(pc) =	sbr.rel @!p3 .LBB2_18-.Ltmp11, $4  }
0x283: {  	s10 =	sld [smem:$0x7D9];
	s4 =	simm.s32 @p1 $0x1;
	p1 =	por $0x0, $0x0  }
0x284: {  	[smem:$0x75E] =	sst s4;
	s4 =	simm.s32 @!p1 $0x0  }
0x285: {  	p4 =	por $0x1, $0x1;
	s13 =	sld [smem:$0x7E9];
	s4 =	simm.s32 @p1 $0x1  }
0x286: {  	p6 =	por $0x0, $0x0;
	p0 =	por $0x0, $0x0;
	[smem:$0x75F] =	sst s4  }
0x287: {  	p0 =	por $0x0, $0x0  }
0x288: {  	s4 =	simm.s32 @!p0 $0x0  }
0x289: {  	s4 =	simm.s32 @p0 $0x1;
	p0 =	por $0x1, $0x1  }
0x28a: {  	[smem:$0x755] =	sst s4;
	s4 =	simm.s32 @!p0 $0x0  }
0x28b: {  	s4 =	simm.s32 @p0 $0x1;
	p0 =	por $0x0, $0x0  }
0x28c: {  	[smem:$0x754] =	sst s4;
	s4 =	simm.s32 @!p0 $0x0  }
0x28d: {  	s4 =	simm.s32 @p0 $0x1;
	p0 =	por $0x0, $0x0  }
0x28e: {  	[smem:$0x756] =	sst s4;
	s4 =	simm.s32 @!p0 $0x0  }
0x28f: {  	s4 =	simm.s32 @p0 $0x1;
	p0 =	por $0x0, $0x0  }
0x290: {  	[smem:$0x757] =	sst s4;
	s4 =	simm.s32 @!p0 $0x0  }
0x291: {  	p1 =	por $0x0, $0x0;
	s4 =	simm.s32 @p0 $0x1  }
0x292: {  	[smem:$0x758] =	sst s4;
	s4 =	simm.s32 @!p1 $0x0  }
0x293: {  	s4 =	simm.s32 @p1 $0x1;
	p1 =	por $0x0, $0x0  }
0x294: {  	[smem:$0x759] =	sst s4;
	s4 =	simm.s32 @!p1 $0x0  }
0x295: {  	p0 =	por $0x0, $0x0;
	s4 =	simm.s32 @p1 $0x1  }
0x296: {  	[smem:$0x75A] =	sst s4;
	s4 =	simm.s32 @!p0 $0x0  }
0x297: {  	s5 =	sld [smem:$0x7AE];
	p1 =	por $0x0, $0x0;
	s4 =	simm.s32 @p0 $0x1  }
0x298: {  	[smem:$0x753] =	sst s4;
	s4 =	simm.s32 @!p1 $0x0  }
0x299: {  	s8 =	sld [smem:$0x7D8];
	s4 =	simm.s32 @p1 $0x1;
	p1 =	por $0x0, $0x0  }
0x29a: {  	[smem:$0x75C] =	sst s4;
	s4 =	simm.s32 @!p1 $0x0  }
0x29b: {  	s10 =	sld [smem:$0x7E8];
	s4 =	simm.s32 @p1 $0x1;
	p1 =	por $0x0, $0x0  }
0x29c: {  	s13 =	sld [smem:$0x7F8];
	s14 =	simm.s32 @!p1 $0x0  }
0x29d: {  	[smem:$0x75D] =	sst s4;
	s14 =	simm.s32 @p1 $0x1;
	p1 =	por $0x0, $0x0  }
0x29e: {  	[smem:$0x75E] =	sst s14;
	s14 =	simm.s32 @!p1 $0x0  }
0x29f: {  	s4 =	sld [smem:$0x7AD];
	s14 =	simm.s32 @p1 $0x1  }
0x2a0: {  	p6 =	por $0x0, $0x0;
	p0 =	por $0x0, $0x0;
	[smem:$0x75F] =	sst s14  }
.LBB2_17:
0x2a1: {  	_ = 	snop  }
0x2a2: {  	[spmem:s4] =	stream.linear.scatter [tilespmem:s22], [sflag:$0x3], $0x80, $0x38;
	[tilespmem:$0x1FEF8] =	vst v63  }
0x2a3: {  	_ =	swait.ge [sflag:s26], $0x80  }
0x2a4: {  	[sflag:s26] =	ssyncset.done $0x0  }
0x2a5: {  	p4 =	por $0x0, $0x0;
	[sflag:s26] =	ssyncadd.s32 $0xFFFFFF80  }
.LBB2_18:
0x2a6: {  	s4 =	simm.s32 @!p4 $0x0  }
0x2a7: {  	[spmem:s5] =	stream.linear.scatter [tilespmem:s22], [sflag:$0x3], $0x80, $0x38;
	[tilespmem:$0x1FEF8] =	vst v63  }
0x2a8: {  	s4 =	simm.s32 @p4 $0x1  }
0x2a9: {  	[smem:$0x751] =	sst s4  }
0x2aa: {  	_ =	swait.ge [sflag:s26], $0x80  }
0x2ab: {  	[sflag:s26] =	ssyncset.done $0x0  }
0x2ac: {  	[sflag:s26] =	ssyncadd.s32 $0xFFFFFF80  }
0x2ad: {  	[spmem:s8] =	stream.linear.scatter [tilespmem:s22], [sflag:$0x3], $0x80, $0x38;
	[tilespmem:$0x1FEF8] =	vst v63  }
0x2ae: {  	_ =	swait.ge [sflag:s26], $0x80  }
0x2af: {  	[sflag:s26] =	ssyncset.done $0x0  }
0x2b0: {  	[sflag:s26] =	ssyncadd.s32 $0xFFFFFF80  }
0x2b1: {  	[spmem:s10] =	stream.linear.scatter [tilespmem:s22], [sflag:$0x3], $0x80, $0x38;
	[tilespmem:$0x1FEF8] =	vst v63  }
0x2b2: {  	_ =	swait.ge [sflag:s26], $0x80  }
0x2b3: {  	[sflag:s26] =	ssyncset.done $0x0  }
0x2b4: {  	[sflag:s26] =	ssyncadd.s32 $0xFFFFFF80  }
0x2b5: {  	[spmem:s13] =	stream.linear.scatter [tilespmem:s22], [sflag:$0x3], $0x80, $0x38;
	[tilespmem:$0x1FEF8] =	vst v63  }
0x2b6: {  	_ =	swait.ge [sflag:s26], $0x80  }
0x2b7: {  	[sflag:s26] =	ssyncset.done $0x0  }
0x2b8: {  	[sflag:s26] =	ssyncadd.s32 $0xFFFFFF80  }
0x2b9: {  	s21 =	simm.s32 $0x0;
	[bflag:$0x0] =	sbarrier.arrive $0xFFFF  }
0x2ba: {  	[tilespmem:s16], [sflag:$0x1] =	stream.indirect.gather [hbm4b:s0+s20], $0x80, s21, s20, $0xb8;
	[tilespmem:$0x1FEF8] =	vst v63  }
0x2bb: {  	_ = 	snop  }
0x2bc: {  	[tilespmem:s7], [sflag:$0x1] =	stream.indirect.gather [hbm4b:s0+s20], $0x80, s20, s20, $0xb8;
	[tilespmem:$0x1FEF8] =	vst v63  }
0x2bd: {  	_ = 	snop  }
0x2be: {  	[tilespmem:s6], [sflag:$0x2] =	stream.indirect.gather [hbm4b:s0+s20], $0x80, s1, s20, $0xb8;
	[tilespmem:$0x1FEF8] =	vst v63  }
0x2bf: {  	s22 =	simm.s32 $0x90  }
0x2c0: {  	[tilespmem:s9], [sflag:$0x2] =	stream.indirect.gather [hbm4b:s0+s20], $0x80, s22, s20, $0xb8;
	[tilespmem:$0x1FEF8] =	vst v63  }
0x2c1: {  	_ =	swait.ge [sflag:s23], $0x1800  }
0x2c2: {  	[sflag:s23] =	ssyncset.done $0x0  }
0x2c3: {  	[sflag:s23] =	ssyncadd.s32 $0xFFFFE800  }
0x2c4: {  	_ =	swait.ge [sflag:s23], $0x1800  }
0x2c5: {  	[sflag:s23] =	ssyncset.done $0x0  }
0x2c6: {  	s24 =	simm.s32 $0x2780;
	[sflag:s23] =	ssyncadd.s32 $0xFFFFE800  }
0x2c7: {  	[spmem:s2] =	stream.indirect.scatter.add.f32 [tilespmem:s16], [sflag:$0x3], $0x80, s24, s1, $0xb8;
	[tilespmem:$0x1FEF8] =	vst v63  }
0x2c8: {  	_ =	swait.ge [sflag:s26], $0x3000  }
0x2c9: {  	[sflag:s26] =	ssyncset.done $0x0  }
0x2ca: {  	s25 =	simm.s32 $0xC0;
	[sflag:s26] =	ssyncadd.s32 $0xFFFFD000  }
0x2cb: {  	[tilespmem:s16], [sflag:$0x1] =	stream.indirect.gather [hbm4b:s0+s20], $0x80, s25, s20, $0xb8;
	[tilespmem:$0x1FEF8] =	vst v63  }
0x2cc: {  	s29 =	simm.s32 $0xF0  }
0x2cd: {  	[tilespmem:s7], [sflag:$0x1] =	stream.indirect.gather [hbm4b:s0+s20], $0x80, s29, s20, $0xb8;
	[tilespmem:$0x1FEF8] =	vst v63  }
0x2ce: {  	_ = 	snop  }
0x2cf: {  	[spmem:s3] =	stream.indirect.scatter.add.f32 [tilespmem:s12], [sflag:$0x3], $0x1, s24, s1, $0xb8;
	[tilespmem:$0x1FEF8] =	vst v63  }
0x2d0: {  	_ =	swait.ge [sflag:s26], $0x60  }
0x2d1: {  	[sflag:s26] =	ssyncset.done $0x0  }
0x2d2: {  	[sflag:s26] =	ssyncadd.s32 $0xFFFFFFA0  }
0x2d3: {  	_ =	swait.ge [sflag:s28], $0x1800  }
0x2d4: {  	[sflag:s28] =	ssyncset.done $0x0  }
0x2d5: {  	[sflag:s28] =	ssyncadd.s32 $0xFFFFE800  }
0x2d6: {  	_ =	swait.ge [sflag:s28], $0x1800  }
0x2d7: {  	[sflag:s28] =	ssyncset.done $0x0  }
0x2d8: {  	s4 =	simm.s32 $0x2800;
	[sflag:s28] =	ssyncadd.s32 $0xFFFFE800  }
0x2d9: {  	[spmem:s2] =	stream.indirect.scatter.add.f32 [tilespmem:s6], [sflag:$0x3], $0x80, s4, s1, $0xb8;
	[tilespmem:$0x1FEF8] =	vst v63  }
0x2da: {  	_ =	swait.ge [sflag:s26], $0x3000  }
0x2db: {  	[sflag:s26] =	ssyncset.done $0x0  }
0x2dc: {  	s30 =	simm.s32 $0x120;
	[sflag:s26] =	ssyncadd.s32 $0xFFFFD000  }
0x2dd: {  	[tilespmem:s6], [sflag:$0x2] =	stream.indirect.gather [hbm4b:s0+s20], $0x80, s30, s20, $0xb8;
	[tilespmem:$0x1FEF8] =	vst v63  }
0x2de: {  	s31 =	simm.s32 $0x150  }
0x2df: {  	[tilespmem:s9], [sflag:$0x2] =	stream.indirect.gather [hbm4b:s0+s20], $0x80, s31, s20, $0xb8;
	[tilespmem:$0x1FEF8] =	vst v63  }
0x2e0: {  	_ = 	snop  }
0x2e1: {  	[spmem:s3] =	stream.indirect.scatter.add.f32 [tilespmem:s12], [sflag:$0x3], $0x1, s4, s1, $0xb8;
	[tilespmem:$0x1FEF8] =	vst v63  }
0x2e2: {  	_ =	swait.ge [sflag:s26], $0x60  }
0x2e3: {  	s5 =	simm.s32 $0x300;
	[sflag:s26] =	ssyncset.done $0x0  }
.LBB2_19:
0x2e4: {  	p5 =	sne.s32 s5, $0x9600;
	[sflag:s26] =	ssyncadd.s32 $0xFFFFFFA0;
	s4 =	sadd.s32 $0x100, s4  }
0x2e5: {  	s8 =	smov.u32 s5;
	s5 =	sadd.s32 $0x300, s5  }
0x2e6: {  	_ =	swait.ge [sflag:s23], $0x1800  }
0x2e7: {  	[sflag:s23] =	ssyncset.done $0x0  }
0x2e8: {  	[sflag:s23] =	ssyncadd.s32 $0xFFFFE800  }
0x2e9: {  	_ =	swait.ge [sflag:s23], $0x1800  }
0x2ea: {  	[sflag:s23] =	ssyncset.done $0x0  }
0x2eb: {  	s10 =	sadd.s32 $0xFFFFFF80, s4;
	[sflag:s23] =	ssyncadd.s32 $0xFFFFE800  }
0x2ec: {  	[spmem:s2] =	stream.indirect.scatter.add.f32 [tilespmem:s16], [sflag:$0x3], $0x80, s10, s1, $0xb8;
	[tilespmem:$0x1FEF8] =	vst v63  }
0x2ed: {  	_ =	swait.ge [sflag:s26], $0x3000  }
0x2ee: {  	s8 =	sshra.s32 s8, $0x2;
	[sflag:s26] =	ssyncset.done $0x0  }
0x2ef: {  	s13 =	sadd.s32 $0xC0, s8;
	[sflag:s26] =	ssyncadd.s32 $0xFFFFD000  }
0x2f0: {  	[tilespmem:s16], [sflag:$0x1] =	stream.indirect.gather [hbm4b:s0+s20], $0x80, s13, s20, $0xb8;
	[tilespmem:$0x1FEF8] =	vst v63  }
0x2f1: {  	s13 =	sadd.s32 $0xF0, s8  }
0x2f2: {  	[tilespmem:s7], [sflag:$0x1] =	stream.indirect.gather [hbm4b:s0+s20], $0x80, s13, s20, $0xb8;
	[tilespmem:$0x1FEF8] =	vst v63  }
0x2f3: {  	_ = 	snop  }
0x2f4: {  	[spmem:s3] =	stream.indirect.scatter.add.f32 [tilespmem:s12], [sflag:$0x3], $0x1, s10, s1, $0xb8;
	[tilespmem:$0x1FEF8] =	vst v63  }
0x2f5: {  	_ =	swait.ge [sflag:s26], $0x60  }
0x2f6: {  	[sflag:s26] =	ssyncset.done $0x0  }
0x2f7: {  	[sflag:s26] =	ssyncadd.s32 $0xFFFFFFA0  }
0x2f8: {  	_ =	swait.ge [sflag:s28], $0x1800  }
0x2f9: {  	[sflag:s28] =	ssyncset.done $0x0  }
0x2fa: {  	[sflag:s28] =	ssyncadd.s32 $0xFFFFE800  }
0x2fb: {  	_ =	swait.ge [sflag:s28], $0x1800  }
0x2fc: {  	[sflag:s28] =	ssyncset.done $0x0  }
0x2fd: {  	[sflag:s28] =	ssyncadd.s32 $0xFFFFE800  }
0x2fe: {  	[spmem:s2] =	stream.indirect.scatter.add.f32 [tilespmem:s6], [sflag:$0x3], $0x80, s4, s1, $0xb8;
	[tilespmem:$0x1FEF8] =	vst v63  }
0x2ff: {  	_ =	swait.ge [sflag:s26], $0x3000  }
0x300: {  	[sflag:s26] =	ssyncset.done $0x0  }
0x301: {  	s10 =	sadd.s32 $0x120, s8;
	[sflag:s26] =	ssyncadd.s32 $0xFFFFD000  }
0x302: {  	[tilespmem:s6], [sflag:$0x2] =	stream.indirect.gather [hbm4b:s0+s20], $0x80, s10, s20, $0xb8;
	[tilespmem:$0x1FEF8] =	vst v63  }
0x303: {  	s8 =	sadd.s32 $0x150, s8  }
0x304: {  	[tilespmem:s9], [sflag:$0x2] =	stream.indirect.gather [hbm4b:s0+s20], $0x80, s8, s20, $0xb8;
	[tilespmem:$0x1FEF8] =	vst v63  }
.Ltmp12:
0x305: {  	_ = 	snop;
	(pc) =	sbr.rel @p5 .LBB2_19-.Ltmp12, $4  }
0x306: {  	_ = 	snop  }
0x307: {  	[spmem:s3] =	stream.indirect.scatter.add.f32 [tilespmem:s12], [sflag:$0x3], $0x1, s4, s1, $0xb8;
	[tilespmem:$0x1FEF8] =	vst v63  }
0x308: {  	_ =	swait.ge [sflag:s26], $0x60  }
0x309: {  	[sflag:s26] =	ssyncset.done $0x0  }
0x30a: {  	[sflag:s26] =	ssyncadd.s32 $0xFFFFFFA0  }
0x30b: {  	_ =	swait.ge [sflag:s23], $0x1800  }
0x30c: {  	[sflag:s23] =	ssyncset.done $0x0  }
0x30d: {  	[sflag:s23] =	ssyncadd.s32 $0xFFFFE800  }
0x30e: {  	_ =	swait.ge [sflag:s23], $0x1800  }
0x30f: {  	[sflag:s23] =	ssyncset.done $0x0  }
0x310: {  	s4 =	simm.s32 $0x5A80;
	[sflag:s23] =	ssyncadd.s32 $0xFFFFE800  }
0x311: {  	[spmem:s2] =	stream.indirect.scatter.add.f32 [tilespmem:s16], [sflag:$0x3], $0x80, s4, s1, $0xb8;
	[tilespmem:$0x1FEF8] =	vst v63  }
0x312: {  	_ =	swait.ge [sflag:s26], $0x3000  }
0x313: {  	[sflag:s26] =	ssyncset.done $0x0  }
0x314: {  	s5 =	simm.s32 $0x2700;
	[sflag:s26] =	ssyncadd.s32 $0xFFFFD000  }
0x315: {  	[tilespmem:s16], [sflag:$0x1] =	stream.indirect.gather [hbm4b:s0+s20], $0x80, s5, s20, $0xb8;
	[tilespmem:$0x1FEF8] =	vst v63  }
0x316: {  	s18 =	simm.s32 $0x2730  }
0x317: {  	[tilespmem:s7], [sflag:$0x1] =	stream.indirect.gather [hbm4b:s0+s20], $0x80, s18, s20, $0xb8;
	[tilespmem:$0x1FEF8] =	vst v63  }
0x318: {  	_ = 	snop  }
0x319: {  	[spmem:s3] =	stream.indirect.scatter.add.f32 [tilespmem:s12], [sflag:$0x3], $0x1, s4, s1, $0xb8;
	[tilespmem:$0x1FEF8] =	vst v63  }
0x31a: {  	_ =	swait.ge [sflag:s26], $0x60  }
0x31b: {  	[sflag:s26] =	ssyncset.done $0x0  }
0x31c: {  	[sflag:s26] =	ssyncadd.s32 $0xFFFFFFA0  }
0x31d: {  	_ =	swait.ge [sflag:s28], $0x1800  }
0x31e: {  	[sflag:s28] =	ssyncset.done $0x0  }
0x31f: {  	[sflag:s28] =	ssyncadd.s32 $0xFFFFE800  }
0x320: {  	_ =	swait.ge [sflag:s28], $0x1800  }
0x321: {  	[sflag:s28] =	ssyncset.done $0x0  }
0x322: {  	s19 =	simm.s32 $0x5B00;
	[sflag:s28] =	ssyncadd.s32 $0xFFFFE800  }
0x323: {  	[spmem:s2] =	stream.indirect.scatter.add.f32 [tilespmem:s6], [sflag:$0x3], $0x80, s19, s1, $0xb8;
	[tilespmem:$0x1FEF8] =	vst v63  }
0x324: {  	_ =	swait.ge [sflag:s26], $0x3000  }
0x325: {  	[sflag:s26] =	ssyncset.done $0x0  }
0x326: {  	[sflag:s26] =	ssyncadd.s32 $0xFFFFD000  }
0x327: {  	[spmem:s3] =	stream.indirect.scatter.add.f32 [tilespmem:s12], [sflag:$0x3], $0x1, s19, s1, $0xb8;
	[tilespmem:$0x1FEF8] =	vst v63  }
0x328: {  	_ =	swait.ge [sflag:s26], $0x60  }
0x329: {  	[sflag:s26] =	ssyncset.done $0x0  }
0x32a: {  	[sflag:s26] =	ssyncadd.s32 $0xFFFFFFA0  }
0x32b: {  	_ =	swait.ge [sflag:s23], $0x1800  }
0x32c: {  	[sflag:s23] =	ssyncset.done $0x0  }
0x32d: {  	[sflag:s23] =	ssyncadd.s32 $0xFFFFE800  }
0x32e: {  	_ =	swait.ge [sflag:s23], $0x1800  }
0x32f: {  	[sflag:s23] =	ssyncset.done $0x0  }
0x330: {  	s21 =	simm.s32 $0x5B80;
	[sflag:s23] =	ssyncadd.s32 $0xFFFFE800  }
0x331: {  	[spmem:s2] =	stream.indirect.scatter.add.f32 [tilespmem:s16], [sflag:$0x3], $0x80, s21, s1, $0xb8;
	[tilespmem:$0x1FEF8] =	vst v63  }
0x332: {  	_ =	swait.ge [sflag:s26], $0x3000  }
0x333: {  	[sflag:s26] =	ssyncset.done $0x0  }
0x334: {  	[sflag:s26] =	ssyncadd.s32 $0xFFFFD000  }
0x335: {  	[spmem:s3] =	stream.indirect.scatter.add.f32 [tilespmem:s12], [sflag:$0x3], $0x1, s21, s1, $0xb8;
	[tilespmem:$0x1FEF8] =	vst v63  }
0x336: {  	_ =	swait.ge [sflag:s26], $0x60  }
0x337: {  	[sflag:s26] =	ssyncset.done $0x0  }
0x338: {  	[sflag:s26] =	ssyncadd.s32 $0xFFFFFFA0  }
0x339: {  	[bflag:$0x0] =	sbarrier.arrive $0xFFFF  }
0x33a: {  	s22 =	sshll.u32 s11, $0x6;
	s24 =	rddreg [dreg:$0x8]  }
0x33b: {  	s30 =	sor.u32 $0x1C03, s22;
	s25 =	rddreg [dreg:$0x9];
	s4 =	sshrl.u32 s24, $0x3  }
0x33c: {  	[hbm:s25], [sflag:s30] =	dma.local [spmem:s4], $0x2780  }
0x33d: {  	_ =	swait.ge [sflag:s26], $0x2780  }
0x33e: {  	p4 =	sne.s32 s11, $0x0;
	[sflag:s26] =	ssyncset.done $0x0  }
0x33f: {  	s4 =	sshrl.u32 @!p4 s3, $0x3;
	s5 =	rddreg [dreg:$0xa];
	[sflag:s26] =	ssyncadd.s32 $0xFFFFD880  }
0x340: {  	[hbm:s5], [sflag:s30] =	dma.local @!p4 [spmem:s4], $0x10  }
0x341: {  	s4 =	simm.s32 @!p4 $0x3  }
0x342: {  	_ =	swait.ge @!p4 [sflag:s4], $0x10  }
0x343: {  	s29 =	sld [smem:$0x753];
	_ =	sdelay $0x2  }
0x344: {  	[sflag:s4] =	ssyncset.done @!p4 $0x0;
	p1 =	seq.s32 s29, $0x1  }
0x345: {  	[sflag:s4] =	ssyncadd.s32 @!p4 $0xFFFFFFF0;
	s4 =	sld [smem:$0x7C0];
	s5 =	simm.s32 @!p1 $0x0  }
0x346: {  	s5 =	simm.s32 @p1 $0x1  }
0x347: {  	[smem:$0x753] =	sst s5  }
0x348: {  	s4 =	sshrl.u32 @p1 s4, $0x3;
	s17 =	simm.s32 @p1 $0x3;
	s5 =	rddreg [dreg:$0xb]  }
0x349: {  	[hbm:s5], [sflag:s30] =	dma.local @p1 [spmem:s4], $0x10  }
0x34a: {  	_ =	swait.ge @p1 [sflag:s17], $0x10  }
0x34b: {  	s31 =	sld [smem:$0x75A];
	_ =	sdelay $0x2  }
0x34c: {  	p2 =	seq.s32 s31, $0x1  }
0x34d: {  	s4 =	sld [smem:$0x7BF];
	s5 =	simm.s32 @!p2 $0x0  }
0x34e: {  	[sflag:s17] =	ssyncset.done @p1 $0x0;
	s5 =	simm.s32 @p2 $0x1  }
0x34f: {  	[sflag:s17] =	ssyncadd.s32 @p1 $0xFFFFFFF0;
	[smem:$0x75A] =	sst s5  }
0x350: {  	s4 =	sshrl.u32 @p2 s4, $0x3;
	s19 =	simm.s32 @p2 $0x3;
	s5 =	rddreg [dreg:$0xc]  }
0x351: {  	[hbm:s5], [sflag:s30] =	dma.local @p2 [spmem:s4], $0x10  }
0x352: {  	_ =	swait.ge @p2 [sflag:s19], $0x10  }
0x353: {  	s4 =	sld [smem:$0x7BE];
	_ =	sdelay $0x1  }
0x354: {  	s21 =	simm.s32 @p0 $0x3;
	[sflag:s19] =	ssyncset.done @p2 $0x0  }
0x355: {  	s5 =	rddreg [dreg:$0xd];
	[sflag:s19] =	ssyncadd.s32 @p2 $0xFFFFFFF0;
	s4 =	sshrl.u32 @p0 s4, $0x3  }
0x356: {  	[hbm:s5], [sflag:s30] =	dma.local @p0 [spmem:s4], $0x10  }
0x357: {  	_ =	swait.ge @p0 [sflag:s21], $0x10  }
0x358: {  	s8 =	sld [smem:$0x759]  }
0x359: {  	s5 =	simm.s32 @!p0 $0x0  }
0x35a: {  	s5 =	simm.s32 @p0 $0x1;
	[sflag:s21] =	ssyncset.done @p0 $0x0  }
0x35b: {  	s4 =	sld [smem:$0x7BD];
	[sflag:s21] =	ssyncadd.s32 @p0 $0xFFFFFFF0;
	p0 =	seq.s32 s8, $0x1  }
0x35c: {  	[smem:$0x75B] =	sst s5;
	s5 =	simm.s32 @!p0 $0x0  }
0x35d: {  	s5 =	simm.s32 @p0 $0x1  }
0x35e: {  	[smem:$0x759] =	sst s5  }
0x35f: {  	s4 =	sshrl.u32 @p0 s4, $0x3;
	s13 =	simm.s32 @p0 $0x3;
	s5 =	rddreg [dreg:$0xe]  }
0x360: {  	[hbm:s5], [sflag:s30] =	dma.local @p0 [spmem:s4], $0x10  }
0x361: {  	_ =	swait.ge @p0 [sflag:s13], $0x10  }
0x362: {  	s10 =	sld [smem:$0x75C];
	_ =	sdelay $0x1  }
0x363: {  	[sflag:s13] =	ssyncset.done @p0 $0x0  }
0x364: {  	[sflag:s13] =	ssyncadd.s32 @p0 $0xFFFFFFF0;
	p0 =	seq.s32 s10, $0x1  }
0x365: {  	s4 =	sld [smem:$0x7BC];
	s5 =	simm.s32 @!p0 $0x0  }
0x366: {  	s5 =	simm.s32 @p0 $0x1  }
0x367: {  	[smem:$0x75C] =	sst s5  }
0x368: {  	s4 =	sshrl.u32 @p0 s4, $0x3;
	s18 =	simm.s32 @p0 $0x3;
	s5 =	rddreg [dreg:$0xf]  }
0x369: {  	[hbm:s5], [sflag:s30] =	dma.local @p0 [spmem:s4], $0x10  }
0x36a: {  	_ =	swait.ge @p0 [sflag:s18], $0x10  }
0x36b: {  	s11 =	sld [smem:$0x758];
	_ =	sdelay $0x1  }
0x36c: {  	[sflag:s18] =	ssyncset.done @p0 $0x0  }
0x36d: {  	[sflag:s18] =	ssyncadd.s32 @p0 $0xFFFFFFF0;
	p0 =	seq.s32 s11, $0x1  }
0x36e: {  	s4 =	sld [smem:$0x7BB];
	s5 =	simm.s32 @!p0 $0x0  }
0x36f: {  	s5 =	simm.s32 @p0 $0x1  }
0x370: {  	[smem:$0x758] =	sst s5  }
0x371: {  	s4 =	sshrl.u32 @p0 s4, $0x3;
	s24 =	simm.s32 @p0 $0x3;
	s5 =	rddreg [dreg:$0x10]  }
0x372: {  	[hbm:s5], [sflag:s30] =	dma.local @p0 [spmem:s4], $0x10  }
0x373: {  	_ =	swait.ge @p0 [sflag:s24], $0x10  }
0x374: {  	s14 =	sld [smem:$0x75D];
	_ =	sdelay $0x1  }
0x375: {  	[sflag:s24] =	ssyncset.done @p0 $0x0  }
0x376: {  	[sflag:s24] =	ssyncadd.s32 @p0 $0xFFFFFFF0;
	p0 =	seq.s32 s14, $0x1  }
0x377: {  	s4 =	sld [smem:$0x7BA];
	s5 =	simm.s32 @!p0 $0x0  }
0x378: {  	s5 =	simm.s32 @p0 $0x1  }
0x379: {  	[smem:$0x75D] =	sst s5  }
0x37a: {  	s4 =	sshrl.u32 @p0 s4, $0x3;
	s25 =	simm.s32 @p0 $0x3;
	s5 =	rddreg [dreg:$0x11]  }
0x37b: {  	[hbm:s5], [sflag:s30] =	dma.local @p0 [spmem:s4], $0x10  }
0x37c: {  	_ =	swait.ge @p0 [sflag:s25], $0x10  }
0x37d: {  	s15 =	sld [smem:$0x757];
	_ =	sdelay $0x1  }
0x37e: {  	[sflag:s25] =	ssyncset.done @p0 $0x0  }
0x37f: {  	[sflag:s25] =	ssyncadd.s32 @p0 $0xFFFFFFF0;
	p0 =	seq.s32 s15, $0x1  }
0x380: {  	s4 =	sld [smem:$0x7B9];
	s5 =	simm.s32 @!p0 $0x0  }
0x381: {  	s5 =	simm.s32 @p0 $0x1  }
0x382: {  	[smem:$0x757] =	sst s5  }
0x383: {  	s4 =	sshrl.u32 @p0 s4, $0x3;
	s29 =	simm.s32 @p0 $0x3;
	s5 =	rddreg [dreg:$0x12]  }
0x384: {  	[hbm:s5], [sflag:s30] =	dma.local @p0 [spmem:s4], $0x10  }
0x385: {  	_ =	swait.ge @p0 [sflag:s29], $0x10  }
0x386: {  	s5 =	simm.s32 @!p6 $0x0;
	s4 =	sld [smem:$0x7B7]  }
0x387: {  	s5 =	simm.s32 @p6 $0x1  }
0x388: {  	[sflag:s29] =	ssyncset.done @p0 $0x0;
	[smem:$0x750] =	sst s5  }
0x389: {  	s5 =	rddreg [dreg:$0x13];
	[sflag:s29] =	ssyncadd.s32 @p0 $0xFFFFFFF0;
	s4 =	sshrl.u32 @p6 s4, $0x3  }
0x38a: {  	[hbm:s5], [sflag:s30] =	dma.local @p6 [spmem:s4], $0x10  }
0x38b: {  	s5 =	simm.s32 @p6 $0x3  }
0x38c: {  	_ =	swait.ge @p6 [sflag:s5], $0x10  }
0x38d: {  	s8 =	sld [smem:$0x756]  }
0x38e: {  	s4 =	sld [smem:$0x7B5]  }
0x38f: {  	[sflag:s5] =	ssyncset.done @p6 $0x0  }
0x390: {  	[sflag:s5] =	ssyncadd.s32 @p6 $0xFFFFFFF0;
	p6 =	seq.s32 s8, $0x1  }
0x391: {  	s8 =	rddreg [dreg:$0x14];
	s4 =	sshrl.u32 @p6 s4, $0x3;
	s10 =	simm.s32 @p6 $0x3  }
0x392: {  	[hbm:s8], [sflag:s30] =	dma.local @p6 [spmem:s4], $0x10  }
0x393: {  	_ =	swait.ge @p6 [sflag:s10], $0x10  }
0x394: {  	s22 =	sld [smem:$0x75E];
	_ =	sdelay $0x2  }
0x395: {  	p1 =	seq.s32 s22, $0x1  }
0x396: {  	s4 =	sld [smem:$0x7B3];
	s8 =	simm.s32 @!p1 $0x0  }
0x397: {  	[sflag:s10] =	ssyncset.done @p6 $0x0;
	s8 =	simm.s32 @p1 $0x1  }
0x398: {  	[sflag:s10] =	ssyncadd.s32 @p6 $0xFFFFFFF0;
	[smem:$0x75E] =	sst s8  }
0x399: {  	s4 =	sshrl.u32 @p1 s4, $0x3;
	s14 =	simm.s32 @p1 $0x3;
	s8 =	rddreg [dreg:$0x15]  }
0x39a: {  	[hbm:s8], [sflag:s30] =	dma.local @p1 [spmem:s4], $0x10  }
0x39b: {  	_ =	swait.ge @p1 [sflag:s14], $0x10  }
0x39c: {  	s31 =	sld [smem:$0x755]  }
0x39d: {  	s4 =	sld [smem:$0x7B1];
	_ =	sdelay $0x1  }
0x39e: {  	[sflag:s14] =	ssyncset.done @p1 $0x0;
	s8 =	rddreg [dreg:$0x16];
	p2 =	seq.s32 s31, $0x1  }
0x39f: {  	[sflag:s14] =	ssyncadd.s32 @p1 $0xFFFFFFF0;
	s4 =	sshrl.u32 @p2 s4, $0x3;
	s22 =	simm.s32 @p2 $0x3  }
0x3a0: {  	[hbm:s8], [sflag:s30] =	dma.local @p2 [spmem:s4], $0x10  }
0x3a1: {  	_ =	swait.ge @p2 [sflag:s22], $0x10  }
0x3a2: {  	s11 =	sld [smem:$0x75F]  }
0x3a3: {  	s4 =	sld [smem:$0x7AF];
	_ =	sdelay $0x1  }
0x3a4: {  	[sflag:s22] =	ssyncset.done @p2 $0x0;
	p5 =	seq.s32 s11, $0x1  }
0x3a5: {  	s8 =	rddreg [dreg:$0x17];
	[sflag:s22] =	ssyncadd.s32 @p2 $0xFFFFFFF0;
	s4 =	sshrl.u32 @p5 s4, $0x3  }
0x3a6: {  	[hbm:s8], [sflag:s30] =	dma.local @p5 [spmem:s4], $0x10  }
0x3a7: {  	s8 =	simm.s32 @p5 $0x3  }
0x3a8: {  	_ =	swait.ge @p5 [sflag:s8], $0x10  }
0x3a9: {  	s15 =	sld [smem:$0x754]  }
0x3aa: {  	s4 =	sld [smem:$0x7AD];
	_ =	sdelay $0x1  }
0x3ab: {  	[sflag:s8] =	ssyncset.done @p5 $0x0;
	p3 =	seq.s32 s15, $0x1  }
0x3ac: {  	s11 =	rddreg [dreg:$0x18];
	[sflag:s8] =	ssyncadd.s32 @p5 $0xFFFFFFF0;
	s4 =	sshrl.u32 @p3 s4, $0x3  }
0x3ad: {  	[hbm:s11], [sflag:s30] =	dma.local @p3 [spmem:s4], $0x10  }
0x3ae: {  	s4 =	simm.s32 @p3 $0x3  }
0x3af: {  	_ =	swait.ge @p3 [sflag:s4], $0x10  }
0x3b0: {  	s15 =	sld [smem:$0x751]  }
0x3b1: {  	s11 =	sld [smem:$0x7AB];
	_ =	sdelay $0x1  }
0x3b2: {  	[sflag:s4] =	ssyncset.done @p3 $0x0;
	p1 =	seq.s32 s15, $0x1  }
0x3b3: {  	[sflag:s4] =	ssyncadd.s32 @p3 $0xFFFFFFF0;
	s31 =	sshrl.u32 @p1 s11, $0x3;
	s11 =	rddreg [dreg:$0x19]  }
0x3b4: {  	[hbm:s11], [sflag:s30] =	dma.local @p1 [spmem:s31], $0x10  }
0x3b5: {  	s31 =	simm.s32 @p1 $0x3  }
0x3b6: {  	_ =	swait.ge @p1 [sflag:s31], $0x10  }
0x3b7: {  	s11 =	sld [smem:$0x7C1];
	_ =	sdelay $0x1  }
0x3b8: {  	[sflag:s31] =	ssyncset.done @p1 $0x0  }
0x3b9: {  	s15 =	rddreg [dreg:$0x1a];
	[sflag:s31] =	ssyncadd.s32 @p1 $0xFFFFFFF0;
	s11 =	sshrl.u32 @!p4 s11, $0x3  }
0x3ba: {  	[hbm:s15], [sflag:s30] =	dma.local @!p4 [spmem:s11], $0x10  }
0x3bb: {  	s11 =	simm.s32 @!p4 $0x3  }
0x3bc: {  	_ =	swait.ge @!p4 [sflag:s11], $0x10  }
0x3bd: {  	[sflag:s11] =	ssyncset.done @!p4 $0x0;
	s15 =	sld [smem:$0x753]  }
0x3be: {  	[sflag:s11] =	ssyncadd.s32 @!p4 $0xFFFFFFF0;
	s11 =	sld [smem:$0x7C2];
	_ =	sdelay $0x1  }
0x3bf: {  	p0 =	seq.s32 s15, $0x1  }
0x3c0: {  	s15 =	rddreg [dreg:$0x1b];
	s11 =	sshrl.u32 @p0 s11, $0x3  }
0x3c1: {  	[hbm:s15], [sflag:s30] =	dma.local @p0 [spmem:s11], $0x10  }
0x3c2: {  	_ =	swait.ge @p0 [sflag:s17], $0x10  }
0x3c3: {  	s15 =	sld [smem:$0x75A]  }
0x3c4: {  	s11 =	sld [smem:$0x7C3]  }
0x3c5: {  	[sflag:s17] =	ssyncset.done @p0 $0x0  }
0x3c6: {  	[sflag:s17] =	ssyncadd.s32 @p0 $0xFFFFFFF0;
	p0 =	seq.s32 s15, $0x1  }
0x3c7: {  	s15 =	rddreg [dreg:$0x1c];
	s11 =	sshrl.u32 @p0 s11, $0x3  }
0x3c8: {  	[hbm:s15], [sflag:s30] =	dma.local @p0 [spmem:s11], $0x10  }
0x3c9: {  	_ =	swait.ge @p0 [sflag:s19], $0x10  }
0x3ca: {  	s15 =	sld [smem:$0x75B]  }
0x3cb: {  	s11 =	sld [smem:$0x7C4]  }
0x3cc: {  	[sflag:s19] =	ssyncset.done @p0 $0x0  }
0x3cd: {  	[sflag:s19] =	ssyncadd.s32 @p0 $0xFFFFFFF0;
	p0 =	seq.s32 s15, $0x1  }
0x3ce: {  	s15 =	rddreg [dreg:$0x1d];
	s11 =	sshrl.u32 @p0 s11, $0x3  }
0x3cf: {  	[hbm:s15], [sflag:s30] =	dma.local @p0 [spmem:s11], $0x10  }
0x3d0: {  	_ =	swait.ge @p0 [sflag:s21], $0x10  }
0x3d1: {  	s15 =	sld [smem:$0x759]  }
0x3d2: {  	s11 =	sld [smem:$0x7C5]  }
0x3d3: {  	[sflag:s21] =	ssyncset.done @p0 $0x0  }
0x3d4: {  	[sflag:s21] =	ssyncadd.s32 @p0 $0xFFFFFFF0;
	p0 =	seq.s32 s15, $0x1  }
0x3d5: {  	s15 =	rddreg [dreg:$0x1e];
	s11 =	sshrl.u32 @p0 s11, $0x3  }
0x3d6: {  	[hbm:s15], [sflag:s30] =	dma.local @p0 [spmem:s11], $0x10  }
0x3d7: {  	_ =	swait.ge @p0 [sflag:s13], $0x10  }
0x3d8: {  	s15 =	sld [smem:$0x75C]  }
0x3d9: {  	s11 =	sld [smem:$0x7C6]  }
0x3da: {  	[sflag:s13] =	ssyncset.done @p0 $0x0  }
0x3db: {  	[sflag:s13] =	ssyncadd.s32 @p0 $0xFFFFFFF0;
	p0 =	seq.s32 s15, $0x1  }
0x3dc: {  	s15 =	rddreg [dreg:$0x1f];
	s11 =	sshrl.u32 @p0 s11, $0x3  }
0x3dd: {  	[hbm:s15], [sflag:s30] =	dma.local @p0 [spmem:s11], $0x10  }
0x3de: {  	_ =	swait.ge @p0 [sflag:s18], $0x10  }
0x3df: {  	s15 =	sld [smem:$0x758];
	_ =	sdelay $0x1  }
0x3e0: {  	[sflag:s18] =	ssyncset.done @p0 $0x0;
	s11 =	sld [smem:$0x7C7]  }
0x3e1: {  	[sflag:s18] =	ssyncadd.s32 @p0 $0xFFFFFFF0;
	p0 =	seq.s32 s15, $0x1;
	s15 =	sld [smem:$0x761]  }
0x3e2: {  	_ = 	snop  }
0x3e3: {  	s11 =	sshrl.u32 @p0 s11, $0x3  }
0x3e4: {  	[hbm:s15], [sflag:s30] =	dma.local @p0 [spmem:s11], $0x10  }
0x3e5: {  	_ =	swait.ge @p0 [sflag:s24], $0x10  }
0x3e6: {  	s15 =	sld [smem:$0x75D];
	_ =	sdelay $0x1  }
0x3e7: {  	[sflag:s24] =	ssyncset.done @p0 $0x0;
	s11 =	sld [smem:$0x7C8]  }
0x3e8: {  	[sflag:s24] =	ssyncadd.s32 @p0 $0xFFFFFFF0;
	p0 =	seq.s32 s15, $0x1;
	s15 =	sld [smem:$0x762]  }
0x3e9: {  	_ = 	snop  }
0x3ea: {  	s11 =	sshrl.u32 @p0 s11, $0x3  }
0x3eb: {  	[hbm:s15], [sflag:s30] =	dma.local @p0 [spmem:s11], $0x10  }
0x3ec: {  	_ =	swait.ge @p0 [sflag:s25], $0x10  }
0x3ed: {  	s15 =	sld [smem:$0x757];
	_ =	sdelay $0x1  }
0x3ee: {  	[sflag:s25] =	ssyncset.done @p0 $0x0;
	s11 =	sld [smem:$0x7C9]  }
0x3ef: {  	[sflag:s25] =	ssyncadd.s32 @p0 $0xFFFFFFF0;
	p0 =	seq.s32 s15, $0x1;
	s15 =	sld [smem:$0x763]  }
0x3f0: {  	_ = 	snop  }
0x3f1: {  	s11 =	sshrl.u32 @p0 s11, $0x3  }
0x3f2: {  	[hbm:s15], [sflag:s30] =	dma.local @p0 [spmem:s11], $0x10  }
0x3f3: {  	_ =	swait.ge @p0 [sflag:s29], $0x10  }
0x3f4: {  	s15 =	sld [smem:$0x750];
	_ =	sdelay $0x1  }
0x3f5: {  	[sflag:s29] =	ssyncset.done @p0 $0x0;
	s11 =	sld [smem:$0x7B8]  }
0x3f6: {  	[sflag:s29] =	ssyncadd.s32 @p0 $0xFFFFFFF0;
	p0 =	seq.s32 s15, $0x1;
	s15 =	sld [smem:$0x764]  }
0x3f7: {  	_ = 	snop  }
0x3f8: {  	s11 =	sshrl.u32 @p0 s11, $0x3  }
0x3f9: {  	[hbm:s15], [sflag:s30] =	dma.local @p0 [spmem:s11], $0x10  }
0x3fa: {  	_ =	swait.ge @p0 [sflag:s5], $0x10  }
0x3fb: {  	s11 =	sld [smem:$0x7B6]  }
0x3fc: {  	s15 =	sld [smem:$0x765]  }
0x3fd: {  	[sflag:s5] =	ssyncset.done @p0 $0x0  }
0x3fe: {  	[sflag:s5] =	ssyncadd.s32 @p0 $0xFFFFFFF0;
	s11 =	sshrl.u32 @p6 s11, $0x3  }
0x3ff: {  	[hbm:s15], [sflag:s30] =	dma.local @p6 [spmem:s11], $0x10  }
0x400: {  	_ =	swait.ge @p6 [sflag:s10], $0x10  }
0x401: {  	s15 =	sld [smem:$0x75E];
	_ =	sdelay $0x1  }
0x402: {  	s11 =	sld [smem:$0x7B4]  }
0x403: {  	p0 =	seq.s32 s15, $0x1;
	s15 =	sld [smem:$0x766]  }
0x404: {  	[sflag:s10] =	ssyncset.done @p6 $0x0  }
0x405: {  	[sflag:s10] =	ssyncadd.s32 @p6 $0xFFFFFFF0;
	s11 =	sshrl.u32 @p0 s11, $0x3  }
0x406: {  	[hbm:s15], [sflag:s30] =	dma.local @p0 [spmem:s11], $0x10  }
0x407: {  	_ =	swait.ge @p0 [sflag:s14], $0x10  }
0x408: {  	s11 =	sld [smem:$0x7B2]  }
0x409: {  	s15 =	sld [smem:$0x767]  }
0x40a: {  	[sflag:s14] =	ssyncset.done @p0 $0x0  }
0x40b: {  	[sflag:s14] =	ssyncadd.s32 @p0 $0xFFFFFFF0;
	s11 =	sshrl.u32 @p2 s11, $0x3  }
0x40c: {  	[hbm:s15], [sflag:s30] =	dma.local @p2 [spmem:s11], $0x10  }
0x40d: {  	_ =	swait.ge @p2 [sflag:s22], $0x10  }
0x40e: {  	s11 =	sld [smem:$0x7B0]  }
0x40f: {  	s15 =	sld [smem:$0x768]  }
0x410: {  	[sflag:s22] =	ssyncset.done @p2 $0x0  }
0x411: {  	[sflag:s22] =	ssyncadd.s32 @p2 $0xFFFFFFF0;
	s11 =	sshrl.u32 @p5 s11, $0x3  }
0x412: {  	[hbm:s15], [sflag:s30] =	dma.local @p5 [spmem:s11], $0x10  }
0x413: {  	_ =	swait.ge @p5 [sflag:s8], $0x10  }
0x414: {  	s11 =	sld [smem:$0x7AE]  }
0x415: {  	s15 =	sld [smem:$0x769]  }
0x416: {  	[sflag:s8] =	ssyncset.done @p5 $0x0  }
0x417: {  	[sflag:s8] =	ssyncadd.s32 @p5 $0xFFFFFFF0;
	s11 =	sshrl.u32 @p3 s11, $0x3  }
0x418: {  	[hbm:s15], [sflag:s30] =	dma.local @p3 [spmem:s11], $0x10  }
0x419: {  	_ =	swait.ge @p3 [sflag:s4], $0x10  }
0x41a: {  	s11 =	sld [smem:$0x7AC]  }
0x41b: {  	s15 =	sld [smem:$0x76A]  }
0x41c: {  	[sflag:s4] =	ssyncset.done @p3 $0x0  }
0x41d: {  	[sflag:s4] =	ssyncadd.s32 @p3 $0xFFFFFFF0;
	s11 =	sshrl.u32 @p1 s11, $0x3  }
0x41e: {  	[hbm:s15], [sflag:s30] =	dma.local @p1 [spmem:s11], $0x10  }
0x41f: {  	_ =	swait.ge @p1 [sflag:s31], $0x10  }
0x420: {  	s11 =	sld [smem:$0x7CA]  }
0x421: {  	s15 =	sld [smem:$0x76B]  }
0x422: {  	[sflag:s31] =	ssyncset.done @p1 $0x0  }
0x423: {  	[sflag:s31] =	ssyncadd.s32 @p1 $0xFFFFFFF0;
	s11 =	sshrl.u32 @!p4 s11, $0x3  }
0x424: {  	[hbm:s15], [sflag:s30] =	dma.local @!p4 [spmem:s11], $0x10  }
0x425: {  	s11 =	simm.s32 @!p4 $0x3  }
0x426: {  	_ =	swait.ge @!p4 [sflag:s11], $0x10  }
0x427: {  	s15 =	sld [smem:$0x753]  }
0x428: {  	[sflag:s11] =	ssyncset.done @!p4 $0x0  }
0x429: {  	[sflag:s11] =	ssyncadd.s32 @!p4 $0xFFFFFFF0;
	s11 =	sld [smem:$0x7CB]  }
0x42a: {  	p0 =	seq.s32 s15, $0x1;
	s15 =	sld [smem:$0x76C];
	_ =	sdelay $0x1  }
0x42b: {  	s11 =	sshrl.u32 @p0 s11, $0x3  }
0x42c: {  	[hbm:s15], [sflag:s30] =	dma.local @p0 [spmem:s11], $0x10  }
0x42d: {  	_ =	swait.ge @p0 [sflag:s17], $0x10  }
0x42e: {  	s15 =	sld [smem:$0x75A];
	_ =	sdelay $0x1  }
0x42f: {  	[sflag:s17] =	ssyncset.done @p0 $0x0;
	s11 =	sld [smem:$0x7CC]  }
0x430: {  	[sflag:s17] =	ssyncadd.s32 @p0 $0xFFFFFFF0;
	p0 =	seq.s32 s15, $0x1;
	s15 =	sld [smem:$0x76D]  }
0x431: {  	_ = 	snop  }
0x432: {  	s11 =	sshrl.u32 @p0 s11, $0x3  }
0x433: {  	[hbm:s15], [sflag:s30] =	dma.local @p0 [spmem:s11], $0x10  }
0x434: {  	_ =	swait.ge @p0 [sflag:s19], $0x10  }
0x435: {  	s15 =	sld [smem:$0x75B];
	_ =	sdelay $0x1  }
0x436: {  	[sflag:s19] =	ssyncset.done @p0 $0x0;
	s11 =	sld [smem:$0x7CD]  }
0x437: {  	[sflag:s19] =	ssyncadd.s32 @p0 $0xFFFFFFF0;
	p0 =	seq.s32 s15, $0x1;
	s15 =	sld [smem:$0x76E]  }
0x438: {  	_ = 	snop  }
0x439: {  	s11 =	sshrl.u32 @p0 s11, $0x3  }
0x43a: {  	[hbm:s15], [sflag:s30] =	dma.local @p0 [spmem:s11], $0x10  }
0x43b: {  	_ =	swait.ge @p0 [sflag:s21], $0x10  }
0x43c: {  	s15 =	sld [smem:$0x759];
	_ =	sdelay $0x1  }
0x43d: {  	[sflag:s21] =	ssyncset.done @p0 $0x0;
	s11 =	sld [smem:$0x7CE]  }
0x43e: {  	[sflag:s21] =	ssyncadd.s32 @p0 $0xFFFFFFF0;
	p0 =	seq.s32 s15, $0x1;
	s15 =	sld [smem:$0x76F]  }
0x43f: {  	_ = 	snop  }
0x440: {  	s11 =	sshrl.u32 @p0 s11, $0x3  }
0x441: {  	[hbm:s15], [sflag:s30] =	dma.local @p0 [spmem:s11], $0x10  }
0x442: {  	_ =	swait.ge @p0 [sflag:s13], $0x10  }
0x443: {  	s15 =	sld [smem:$0x75C];
	_ =	sdelay $0x1  }
0x444: {  	[sflag:s13] =	ssyncset.done @p0 $0x0;
	s11 =	sld [smem:$0x7CF]  }
0x445: {  	[sflag:s13] =	ssyncadd.s32 @p0 $0xFFFFFFF0;
	p0 =	seq.s32 s15, $0x1;
	s15 =	sld [smem:$0x770]  }
0x446: {  	_ = 	snop  }
0x447: {  	s11 =	sshrl.u32 @p0 s11, $0x3  }
0x448: {  	[hbm:s15], [sflag:s30] =	dma.local @p0 [spmem:s11], $0x10  }
0x449: {  	_ =	swait.ge @p0 [sflag:s18], $0x10  }
0x44a: {  	s15 =	sld [smem:$0x758];
	_ =	sdelay $0x1  }
0x44b: {  	[sflag:s18] =	ssyncset.done @p0 $0x0;
	s11 =	sld [smem:$0x7D0]  }
0x44c: {  	[sflag:s18] =	ssyncadd.s32 @p0 $0xFFFFFFF0;
	p0 =	seq.s32 s15, $0x1;
	s15 =	sld [smem:$0x771]  }
0x44d: {  	_ = 	snop  }
0x44e: {  	s11 =	sshrl.u32 @p0 s11, $0x3  }
0x44f: {  	[hbm:s15], [sflag:s30] =	dma.local @p0 [spmem:s11], $0x10  }
0x450: {  	_ =	swait.ge @p0 [sflag:s24], $0x10  }
0x451: {  	s15 =	sld [smem:$0x75D];
	_ =	sdelay $0x1  }
0x452: {  	[sflag:s24] =	ssyncset.done @p0 $0x0;
	s11 =	sld [smem:$0x7D1]  }
0x453: {  	[sflag:s24] =	ssyncadd.s32 @p0 $0xFFFFFFF0;
	p0 =	seq.s32 s15, $0x1;
	s15 =	sld [smem:$0x772]  }
0x454: {  	_ = 	snop  }
0x455: {  	s11 =	sshrl.u32 @p0 s11, $0x3  }
0x456: {  	[hbm:s15], [sflag:s30] =	dma.local @p0 [spmem:s11], $0x10  }
0x457: {  	_ =	swait.ge @p0 [sflag:s25], $0x10  }
0x458: {  	s15 =	sld [smem:$0x757];
	_ =	sdelay $0x1  }
0x459: {  	[sflag:s25] =	ssyncset.done @p0 $0x0;
	s11 =	sld [smem:$0x7D2]  }
0x45a: {  	[sflag:s25] =	ssyncadd.s32 @p0 $0xFFFFFFF0;
	p0 =	seq.s32 s15, $0x1;
	s15 =	sld [smem:$0x773]  }
0x45b: {  	_ = 	snop  }
0x45c: {  	s11 =	sshrl.u32 @p0 s11, $0x3  }
0x45d: {  	[hbm:s15], [sflag:s30] =	dma.local @p0 [spmem:s11], $0x10  }
0x45e: {  	_ =	swait.ge @p0 [sflag:s29], $0x10  }
0x45f: {  	s15 =	sld [smem:$0x750];
	_ =	sdelay $0x1  }
0x460: {  	[sflag:s29] =	ssyncset.done @p0 $0x0;
	s11 =	sld [smem:$0x7D3]  }
0x461: {  	[sflag:s29] =	ssyncadd.s32 @p0 $0xFFFFFFF0;
	p0 =	seq.s32 s15, $0x1;
	s15 =	sld [smem:$0x774]  }
0x462: {  	_ = 	snop  }
0x463: {  	s11 =	sshrl.u32 @p0 s11, $0x3  }
0x464: {  	[hbm:s15], [sflag:s30] =	dma.local @p0 [spmem:s11], $0x10  }
0x465: {  	_ =	swait.ge @p0 [sflag:s5], $0x10  }
0x466: {  	s11 =	sld [smem:$0x7D4]  }
0x467: {  	s15 =	sld [smem:$0x775]  }
0x468: {  	[sflag:s5] =	ssyncset.done @p0 $0x0  }
0x469: {  	[sflag:s5] =	ssyncadd.s32 @p0 $0xFFFFFFF0;
	s11 =	sshrl.u32 @p6 s11, $0x3  }
0x46a: {  	[hbm:s15], [sflag:s30] =	dma.local @p6 [spmem:s11], $0x10  }
0x46b: {  	_ =	swait.ge @p6 [sflag:s10], $0x10  }
0x46c: {  	s15 =	sld [smem:$0x75E];
	_ =	sdelay $0x1  }
0x46d: {  	s11 =	sld [smem:$0x7D5]  }
0x46e: {  	p0 =	seq.s32 s15, $0x1;
	s15 =	sld [smem:$0x776]  }
0x46f: {  	[sflag:s10] =	ssyncset.done @p6 $0x0  }
0x470: {  	[sflag:s10] =	ssyncadd.s32 @p6 $0xFFFFFFF0;
	s11 =	sshrl.u32 @p0 s11, $0x3  }
0x471: {  	[hbm:s15], [sflag:s30] =	dma.local @p0 [spmem:s11], $0x10  }
0x472: {  	_ =	swait.ge @p0 [sflag:s14], $0x10  }
0x473: {  	s11 =	sld [smem:$0x7D6]  }
0x474: {  	s15 =	sld [smem:$0x777]  }
0x475: {  	[sflag:s14] =	ssyncset.done @p0 $0x0  }
0x476: {  	[sflag:s14] =	ssyncadd.s32 @p0 $0xFFFFFFF0;
	s11 =	sshrl.u32 @p2 s11, $0x3  }
0x477: {  	[hbm:s15], [sflag:s30] =	dma.local @p2 [spmem:s11], $0x10  }
0x478: {  	_ =	swait.ge @p2 [sflag:s22], $0x10  }
0x479: {  	s11 =	sld [smem:$0x7D7]  }
0x47a: {  	s15 =	sld [smem:$0x778]  }
0x47b: {  	[sflag:s22] =	ssyncset.done @p2 $0x0  }
0x47c: {  	[sflag:s22] =	ssyncadd.s32 @p2 $0xFFFFFFF0;
	s11 =	sshrl.u32 @p5 s11, $0x3  }
0x47d: {  	[hbm:s15], [sflag:s30] =	dma.local @p5 [spmem:s11], $0x10  }
0x47e: {  	_ =	swait.ge @p5 [sflag:s8], $0x10  }
0x47f: {  	s11 =	sld [smem:$0x7D8]  }
0x480: {  	s15 =	sld [smem:$0x779]  }
0x481: {  	[sflag:s8] =	ssyncset.done @p5 $0x0  }
0x482: {  	[sflag:s8] =	ssyncadd.s32 @p5 $0xFFFFFFF0;
	s11 =	sshrl.u32 @p3 s11, $0x3  }
0x483: {  	[hbm:s15], [sflag:s30] =	dma.local @p3 [spmem:s11], $0x10  }
0x484: {  	_ =	swait.ge @p3 [sflag:s4], $0x10  }
0x485: {  	s11 =	sld [smem:$0x7D9]  }
0x486: {  	s15 =	sld [smem:$0x77A]  }
0x487: {  	[sflag:s4] =	ssyncset.done @p3 $0x0  }
0x488: {  	[sflag:s4] =	ssyncadd.s32 @p3 $0xFFFFFFF0;
	s11 =	sshrl.u32 @p1 s11, $0x3  }
0x489: {  	[hbm:s15], [sflag:s30] =	dma.local @p1 [spmem:s11], $0x10  }
0x48a: {  	_ =	swait.ge @p1 [sflag:s31], $0x10  }
0x48b: {  	s11 =	sld [smem:$0x7DA]  }
0x48c: {  	s15 =	sld [smem:$0x77B]  }
0x48d: {  	[sflag:s31] =	ssyncset.done @p1 $0x0  }
0x48e: {  	[sflag:s31] =	ssyncadd.s32 @p1 $0xFFFFFFF0;
	s11 =	sshrl.u32 @!p4 s11, $0x3  }
0x48f: {  	[hbm:s15], [sflag:s30] =	dma.local @!p4 [spmem:s11], $0x10  }
0x490: {  	s11 =	simm.s32 @!p4 $0x3  }
0x491: {  	_ =	swait.ge @!p4 [sflag:s11], $0x10  }
0x492: {  	s15 =	sld [smem:$0x753]  }
0x493: {  	[sflag:s11] =	ssyncset.done @!p4 $0x0  }
0x494: {  	[sflag:s11] =	ssyncadd.s32 @!p4 $0xFFFFFFF0;
	s11 =	sld [smem:$0x7DB]  }
0x495: {  	p0 =	seq.s32 s15, $0x1;
	s15 =	sld [smem:$0x77C];
	_ =	sdelay $0x1  }
0x496: {  	s11 =	sshrl.u32 @p0 s11, $0x3  }
0x497: {  	[hbm:s15], [sflag:s30] =	dma.local @p0 [spmem:s11], $0x10  }
0x498: {  	_ =	swait.ge @p0 [sflag:s17], $0x10  }
0x499: {  	s15 =	sld [smem:$0x75A];
	_ =	sdelay $0x1  }
0x49a: {  	[sflag:s17] =	ssyncset.done @p0 $0x0;
	s11 =	sld [smem:$0x7DC]  }
0x49b: {  	[sflag:s17] =	ssyncadd.s32 @p0 $0xFFFFFFF0;
	p0 =	seq.s32 s15, $0x1;
	s15 =	sld [smem:$0x77D]  }
0x49c: {  	_ = 	snop  }
0x49d: {  	s11 =	sshrl.u32 @p0 s11, $0x3  }
0x49e: {  	[hbm:s15], [sflag:s30] =	dma.local @p0 [spmem:s11], $0x10  }
0x49f: {  	_ =	swait.ge @p0 [sflag:s19], $0x10  }
0x4a0: {  	s15 =	sld [smem:$0x75B];
	_ =	sdelay $0x1  }
0x4a1: {  	[sflag:s19] =	ssyncset.done @p0 $0x0;
	s11 =	sld [smem:$0x7DD]  }
0x4a2: {  	[sflag:s19] =	ssyncadd.s32 @p0 $0xFFFFFFF0;
	p0 =	seq.s32 s15, $0x1;
	s15 =	sld [smem:$0x77E]  }
0x4a3: {  	_ = 	snop  }
0x4a4: {  	s11 =	sshrl.u32 @p0 s11, $0x3  }
0x4a5: {  	[hbm:s15], [sflag:s30] =	dma.local @p0 [spmem:s11], $0x10  }
0x4a6: {  	_ =	swait.ge @p0 [sflag:s21], $0x10  }
0x4a7: {  	s15 =	sld [smem:$0x759];
	_ =	sdelay $0x1  }
0x4a8: {  	[sflag:s21] =	ssyncset.done @p0 $0x0;
	s11 =	sld [smem:$0x7DE]  }
0x4a9: {  	[sflag:s21] =	ssyncadd.s32 @p0 $0xFFFFFFF0;
	p0 =	seq.s32 s15, $0x1;
	s15 =	sld [smem:$0x77F]  }
0x4aa: {  	_ = 	snop  }
0x4ab: {  	s11 =	sshrl.u32 @p0 s11, $0x3  }
0x4ac: {  	[hbm:s15], [sflag:s30] =	dma.local @p0 [spmem:s11], $0x10  }
0x4ad: {  	_ =	swait.ge @p0 [sflag:s13], $0x10  }
0x4ae: {  	s15 =	sld [smem:$0x75C];
	_ =	sdelay $0x1  }
0x4af: {  	[sflag:s13] =	ssyncset.done @p0 $0x0;
	s11 =	sld [smem:$0x7DF]  }
0x4b0: {  	[sflag:s13] =	ssyncadd.s32 @p0 $0xFFFFFFF0;
	p0 =	seq.s32 s15, $0x1;
	s15 =	sld [smem:$0x780]  }
0x4b1: {  	_ = 	snop  }
0x4b2: {  	s11 =	sshrl.u32 @p0 s11, $0x3  }
0x4b3: {  	[hbm:s15], [sflag:s30] =	dma.local @p0 [spmem:s11], $0x10  }
0x4b4: {  	_ =	swait.ge @p0 [sflag:s18], $0x10  }
0x4b5: {  	s15 =	sld [smem:$0x758];
	_ =	sdelay $0x1  }
0x4b6: {  	[sflag:s18] =	ssyncset.done @p0 $0x0;
	s11 =	sld [smem:$0x7E0]  }
0x4b7: {  	[sflag:s18] =	ssyncadd.s32 @p0 $0xFFFFFFF0;
	p0 =	seq.s32 s15, $0x1;
	s15 =	sld [smem:$0x781]  }
0x4b8: {  	_ = 	snop  }
0x4b9: {  	s11 =	sshrl.u32 @p0 s11, $0x3  }
0x4ba: {  	[hbm:s15], [sflag:s30] =	dma.local @p0 [spmem:s11], $0x10  }
0x4bb: {  	_ =	swait.ge @p0 [sflag:s24], $0x10  }
0x4bc: {  	s15 =	sld [smem:$0x75D];
	_ =	sdelay $0x1  }
0x4bd: {  	[sflag:s24] =	ssyncset.done @p0 $0x0;
	s11 =	sld [smem:$0x7E1]  }
0x4be: {  	[sflag:s24] =	ssyncadd.s32 @p0 $0xFFFFFFF0;
	p0 =	seq.s32 s15, $0x1;
	s15 =	sld [smem:$0x782]  }
0x4bf: {  	_ = 	snop  }
0x4c0: {  	s11 =	sshrl.u32 @p0 s11, $0x3  }
0x4c1: {  	[hbm:s15], [sflag:s30] =	dma.local @p0 [spmem:s11], $0x10  }
0x4c2: {  	_ =	swait.ge @p0 [sflag:s25], $0x10  }
0x4c3: {  	s15 =	sld [smem:$0x757];
	_ =	sdelay $0x1  }
0x4c4: {  	[sflag:s25] =	ssyncset.done @p0 $0x0;
	s11 =	sld [smem:$0x7E2]  }
0x4c5: {  	[sflag:s25] =	ssyncadd.s32 @p0 $0xFFFFFFF0;
	p0 =	seq.s32 s15, $0x1;
	s15 =	sld [smem:$0x783]  }
0x4c6: {  	_ = 	snop  }
0x4c7: {  	s11 =	sshrl.u32 @p0 s11, $0x3  }
0x4c8: {  	[hbm:s15], [sflag:s30] =	dma.local @p0 [spmem:s11], $0x10  }
0x4c9: {  	_ =	swait.ge @p0 [sflag:s29], $0x10  }
0x4ca: {  	s15 =	sld [smem:$0x750];
	_ =	sdelay $0x1  }
0x4cb: {  	[sflag:s29] =	ssyncset.done @p0 $0x0;
	s11 =	sld [smem:$0x7E3]  }
0x4cc: {  	[sflag:s29] =	ssyncadd.s32 @p0 $0xFFFFFFF0;
	p0 =	seq.s32 s15, $0x1;
	s15 =	sld [smem:$0x784]  }
0x4cd: {  	_ = 	snop  }
0x4ce: {  	s11 =	sshrl.u32 @p0 s11, $0x3  }
0x4cf: {  	[hbm:s15], [sflag:s30] =	dma.local @p0 [spmem:s11], $0x10  }
0x4d0: {  	_ =	swait.ge @p0 [sflag:s5], $0x10  }
0x4d1: {  	s11 =	sld [smem:$0x7E4]  }
0x4d2: {  	s15 =	sld [smem:$0x785]  }
0x4d3: {  	[sflag:s5] =	ssyncset.done @p0 $0x0  }
0x4d4: {  	[sflag:s5] =	ssyncadd.s32 @p0 $0xFFFFFFF0;
	s11 =	sshrl.u32 @p6 s11, $0x3  }
0x4d5: {  	[hbm:s15], [sflag:s30] =	dma.local @p6 [spmem:s11], $0x10  }
0x4d6: {  	_ =	swait.ge @p6 [sflag:s10], $0x10  }
0x4d7: {  	s15 =	sld [smem:$0x75E];
	_ =	sdelay $0x1  }
0x4d8: {  	s11 =	sld [smem:$0x7E5]  }
0x4d9: {  	p0 =	seq.s32 s15, $0x1;
	s15 =	sld [smem:$0x786]  }
0x4da: {  	[sflag:s10] =	ssyncset.done @p6 $0x0  }
0x4db: {  	[sflag:s10] =	ssyncadd.s32 @p6 $0xFFFFFFF0;
	s11 =	sshrl.u32 @p0 s11, $0x3  }
0x4dc: {  	[hbm:s15], [sflag:s30] =	dma.local @p0 [spmem:s11], $0x10  }
0x4dd: {  	_ =	swait.ge @p0 [sflag:s14], $0x10  }
0x4de: {  	s11 =	sld [smem:$0x7E6]  }
0x4df: {  	s15 =	sld [smem:$0x787]  }
0x4e0: {  	[sflag:s14] =	ssyncset.done @p0 $0x0  }
0x4e1: {  	[sflag:s14] =	ssyncadd.s32 @p0 $0xFFFFFFF0;
	s11 =	sshrl.u32 @p2 s11, $0x3  }
0x4e2: {  	[hbm:s15], [sflag:s30] =	dma.local @p2 [spmem:s11], $0x10  }
0x4e3: {  	_ =	swait.ge @p2 [sflag:s22], $0x10  }
0x4e4: {  	s11 =	sld [smem:$0x7E7]  }
0x4e5: {  	s15 =	sld [smem:$0x788]  }
0x4e6: {  	[sflag:s22] =	ssyncset.done @p2 $0x0  }
0x4e7: {  	[sflag:s22] =	ssyncadd.s32 @p2 $0xFFFFFFF0;
	s11 =	sshrl.u32 @p5 s11, $0x3  }
0x4e8: {  	[hbm:s15], [sflag:s30] =	dma.local @p5 [spmem:s11], $0x10  }
0x4e9: {  	_ =	swait.ge @p5 [sflag:s8], $0x10  }
0x4ea: {  	s11 =	sld [smem:$0x7E8]  }
0x4eb: {  	s15 =	sld [smem:$0x789]  }
0x4ec: {  	[sflag:s8] =	ssyncset.done @p5 $0x0  }
0x4ed: {  	[sflag:s8] =	ssyncadd.s32 @p5 $0xFFFFFFF0;
	s11 =	sshrl.u32 @p3 s11, $0x3  }
0x4ee: {  	[hbm:s15], [sflag:s30] =	dma.local @p3 [spmem:s11], $0x10  }
0x4ef: {  	_ =	swait.ge @p3 [sflag:s4], $0x10  }
0x4f0: {  	s11 =	sld [smem:$0x7E9]  }
0x4f1: {  	s15 =	sld [smem:$0x78A]  }
0x4f2: {  	[sflag:s4] =	ssyncset.done @p3 $0x0  }
0x4f3: {  	[sflag:s4] =	ssyncadd.s32 @p3 $0xFFFFFFF0;
	s11 =	sshrl.u32 @p1 s11, $0x3  }
0x4f4: {  	[hbm:s15], [sflag:s30] =	dma.local @p1 [spmem:s11], $0x10  }
0x4f5: {  	_ =	swait.ge @p1 [sflag:s31], $0x10  }
0x4f6: {  	s11 =	sld [smem:$0x7EA]  }
0x4f7: {  	s15 =	sld [smem:$0x78B]  }
0x4f8: {  	[sflag:s31] =	ssyncset.done @p1 $0x0  }
0x4f9: {  	[sflag:s31] =	ssyncadd.s32 @p1 $0xFFFFFFF0;
	s11 =	sshrl.u32 @!p4 s11, $0x3  }
0x4fa: {  	[hbm:s15], [sflag:s30] =	dma.local @!p4 [spmem:s11], $0x10  }
0x4fb: {  	s11 =	simm.s32 @!p4 $0x3;
	s15 =	simm.s32 @!p4 $0x0  }
0x4fc: {  	_ =	swait.ge @!p4 [sflag:s11], $0x10;
	s15 =	simm.s32 @p4 $0x1  }
0x4fd: {  	[smem:$0x74F] =	sst s15  }
0x4fe: {  	[sflag:s11] =	ssyncset.done @!p4 $0x0;
	s31 =	sld [smem:$0x753]  }
0x4ff: {  	[sflag:s11] =	ssyncadd.s32 @!p4 $0xFFFFFFF0;
	s11 =	sld [smem:$0x7EB]  }
0x500: {  	s15 =	sld [smem:$0x78C]  }
0x501: {  	p0 =	seq.s32 s31, $0x1  }
0x502: {  	s11 =	sshrl.u32 @p0 s11, $0x3  }
0x503: {  	[hbm:s15], [sflag:s30] =	dma.local @p0 [spmem:s11], $0x10  }
0x504: {  	_ =	swait.ge @p0 [sflag:s17], $0x10  }
0x505: {  	[sflag:s17] =	ssyncset.done @p0 $0x0  }
0x506: {  	[sflag:s17] =	ssyncadd.s32 @p0 $0xFFFFFFF0;
	s17 =	sld [smem:$0x75A]  }
0x507: {  	s11 =	sld [smem:$0x7EC]  }
0x508: {  	s15 =	sld [smem:$0x78D]  }
0x509: {  	p0 =	seq.s32 s17, $0x1  }
0x50a: {  	s11 =	sshrl.u32 @p0 s11, $0x3  }
0x50b: {  	[hbm:s15], [sflag:s30] =	dma.local @p0 [spmem:s11], $0x10  }
0x50c: {  	_ =	swait.ge @p0 [sflag:s19], $0x10  }
0x50d: {  	[sflag:s19] =	ssyncset.done @p0 $0x0  }
0x50e: {  	[sflag:s19] =	ssyncadd.s32 @p0 $0xFFFFFFF0;
	s19 =	sld [smem:$0x75B]  }
0x50f: {  	s11 =	sld [smem:$0x7ED]  }
0x510: {  	s15 =	sld [smem:$0x78E]  }
0x511: {  	p0 =	seq.s32 s19, $0x1  }
0x512: {  	s11 =	sshrl.u32 @p0 s11, $0x3  }
0x513: {  	[hbm:s15], [sflag:s30] =	dma.local @p0 [spmem:s11], $0x10  }
0x514: {  	_ =	swait.ge @p0 [sflag:s21], $0x10  }
0x515: {  	s31 =	sld [smem:$0x759]  }
0x516: {  	s11 =	sld [smem:$0x7EE]  }
0x517: {  	[sflag:s21] =	ssyncset.done @p0 $0x0;
	s15 =	sld [smem:$0x78F]  }
0x518: {  	[sflag:s21] =	ssyncadd.s32 @p0 $0xFFFFFFF0;
	p0 =	seq.s32 s31, $0x1  }
0x519: {  	s11 =	sshrl.u32 @p0 s11, $0x3  }
0x51a: {  	[hbm:s15], [sflag:s30] =	dma.local @p0 [spmem:s11], $0x10  }
0x51b: {  	_ =	swait.ge @p0 [sflag:s13], $0x10  }
0x51c: {  	s17 =	sld [smem:$0x75C]  }
0x51d: {  	[sflag:s13] =	ssyncset.done @p0 $0x0;
	s11 =	sld [smem:$0x7EF]  }
0x51e: {  	[sflag:s13] =	ssyncadd.s32 @p0 $0xFFFFFFF0;
	s13 =	sld [smem:$0x790]  }
0x51f: {  	p0 =	seq.s32 s17, $0x1  }
0x520: {  	s11 =	sshrl.u32 @p0 s11, $0x3  }
0x521: {  	[hbm:s13], [sflag:s30] =	dma.local @p0 [spmem:s11], $0x10  }
0x522: {  	_ =	swait.ge @p0 [sflag:s18], $0x10  }
0x523: {  	s19 =	sld [smem:$0x758]  }
0x524: {  	s11 =	sld [smem:$0x7F0]  }
0x525: {  	[sflag:s18] =	ssyncset.done @p0 $0x0;
	s13 =	sld [smem:$0x791]  }
0x526: {  	[sflag:s18] =	ssyncadd.s32 @p0 $0xFFFFFFF0;
	p0 =	seq.s32 s19, $0x1  }
0x527: {  	s11 =	sshrl.u32 @p0 s11, $0x3  }
0x528: {  	[hbm:s13], [sflag:s30] =	dma.local @p0 [spmem:s11], $0x10  }
0x529: {  	_ =	swait.ge @p0 [sflag:s24], $0x10  }
0x52a: {  	s21 =	sld [smem:$0x75D]  }
0x52b: {  	s11 =	sld [smem:$0x7F1]  }
0x52c: {  	[sflag:s24] =	ssyncset.done @p0 $0x0;
	s13 =	sld [smem:$0x792]  }
0x52d: {  	[sflag:s24] =	ssyncadd.s32 @p0 $0xFFFFFFF0;
	p0 =	seq.s32 s21, $0x1  }
0x52e: {  	s11 =	sshrl.u32 @p0 s11, $0x3  }
0x52f: {  	[hbm:s13], [sflag:s30] =	dma.local @p0 [spmem:s11], $0x10  }
0x530: {  	_ =	swait.ge @p0 [sflag:s25], $0x10  }
0x531: {  	s24 =	sld [smem:$0x757]  }
0x532: {  	s11 =	sld [smem:$0x7F2]  }
0x533: {  	[sflag:s25] =	ssyncset.done @p0 $0x0;
	s13 =	sld [smem:$0x793]  }
0x534: {  	[sflag:s25] =	ssyncadd.s32 @p0 $0xFFFFFFF0;
	p0 =	seq.s32 s24, $0x1  }
0x535: {  	s11 =	sshrl.u32 @p0 s11, $0x3  }
0x536: {  	[hbm:s13], [sflag:s30] =	dma.local @p0 [spmem:s11], $0x10  }
0x537: {  	_ =	swait.ge @p0 [sflag:s29], $0x10  }
0x538: {  	s25 =	sld [smem:$0x750]  }
0x539: {  	s11 =	sld [smem:$0x7F3]  }
0x53a: {  	[sflag:s29] =	ssyncset.done @p0 $0x0;
	s13 =	sld [smem:$0x794]  }
0x53b: {  	[sflag:s29] =	ssyncadd.s32 @p0 $0xFFFFFFF0;
	p0 =	seq.s32 s25, $0x1  }
0x53c: {  	s11 =	sshrl.u32 @p0 s11, $0x3  }
0x53d: {  	[hbm:s13], [sflag:s30] =	dma.local @p0 [spmem:s11], $0x10  }
0x53e: {  	_ =	swait.ge @p0 [sflag:s5], $0x10  }
0x53f: {  	[sflag:s5] =	ssyncset.done @p0 $0x0  }
0x540: {  	[sflag:s5] =	ssyncadd.s32 @p0 $0xFFFFFFF0;
	s5 =	sld [smem:$0x7F4]  }
0x541: {  	s11 =	sld [smem:$0x795];
	_ =	sdelay $0x1  }
0x542: {  	s5 =	sshrl.u32 @p6 s5, $0x3  }
0x543: {  	[hbm:s11], [sflag:s30] =	dma.local @p6 [spmem:s5], $0x10  }
0x544: {  	_ =	swait.ge @p6 [sflag:s10], $0x10  }
0x545: {  	s29 =	sld [smem:$0x75E]  }
0x546: {  	[sflag:s10] =	ssyncset.done @p6 $0x0;
	s5 =	sld [smem:$0x7F5]  }
0x547: {  	[sflag:s10] =	ssyncadd.s32 @p6 $0xFFFFFFF0;
	s10 =	sld [smem:$0x796]  }
0x548: {  	p0 =	seq.s32 s29, $0x1  }
0x549: {  	s5 =	sshrl.u32 @p0 s5, $0x3  }
0x54a: {  	[hbm:s10], [sflag:s30] =	dma.local @p0 [spmem:s5], $0x10  }
0x54b: {  	_ =	swait.ge @p0 [sflag:s14], $0x10  }
0x54c: {  	s5 =	sld [smem:$0x7F6]  }
0x54d: {  	s10 =	sld [smem:$0x797]  }
0x54e: {  	[sflag:s14] =	ssyncset.done @p0 $0x0  }
0x54f: {  	[sflag:s14] =	ssyncadd.s32 @p0 $0xFFFFFFF0;
	s5 =	sshrl.u32 @p2 s5, $0x3  }
0x550: {  	[hbm:s10], [sflag:s30] =	dma.local @p2 [spmem:s5], $0x10  }
0x551: {  	_ =	swait.ge @p2 [sflag:s22], $0x10  }
0x552: {  	s5 =	sld [smem:$0x7F7]  }
0x553: {  	s10 =	sld [smem:$0x798]  }
0x554: {  	[sflag:s22] =	ssyncset.done @p2 $0x0  }
0x555: {  	[sflag:s22] =	ssyncadd.s32 @p2 $0xFFFFFFF0;
	s5 =	sshrl.u32 @p5 s5, $0x3  }
0x556: {  	[hbm:s10], [sflag:s30] =	dma.local @p5 [spmem:s5], $0x10  }
0x557: {  	_ =	swait.ge @p5 [sflag:s8], $0x10  }
0x558: {  	[sflag:s8] =	ssyncset.done @p5 $0x0;
	s5 =	sld [smem:$0x7F8]  }
0x559: {  	[sflag:s8] =	ssyncadd.s32 @p5 $0xFFFFFFF0;
	s8 =	sld [smem:$0x799];
	_ =	sdelay $0x1  }
0x55a: {  	s5 =	sshrl.u32 @p3 s5, $0x3  }
0x55b: {  	[hbm:s8], [sflag:s30] =	dma.local @p3 [spmem:s5], $0x10  }
0x55c: {  	_ =	swait.ge @p3 [sflag:s4], $0x10  }
0x55d: {  	s30 =	sld [smem:$0x760]  }
0x55e: {  	s31 =	sld [smem:$0x79A];
	_ =	sdelay $0x1  }
0x55f: {  	s8 =	sadd.s32 $0x1, s30  }
0x560: {  	p0 =	sne.s32 s8, s31  }
.Ltmp13:
0x561: {  	_ = 	snop;
	(pc) =	sbr.rel @p0 .LBB2_1-.Ltmp13, $3  }
0x562: {  	_ =	sdelay $0x1  }
0x563: {  	[sflag:s4] =	ssyncset.done @p3 $0x0  }
0x564: {  	s13 =	simm.s32 $0x0;
	s22 =	simm.s32 $0xBF80;
	[sflag:s4] =	ssyncadd.s32 @p3 $0xFFFFFFF0  }
0x565: {  	_ =	sfence.sel $0x180000  }
0x566: {  	[bflag:$0x0] =	sbarrier.arrive $0xFFFF  }
0x567: {  	_ =	strace $0x90000047  }
0x568: {  	[bflag:$0x2] =	sbarrier.arrive $0xFFFF  }
0x569: {  	s1 =	sld [smem:$0x74F];
	_ =	sdelay $0x2  }
0x56a: {  	s0 =	rddreg [dreg:$0x5];
	p0 =	seq.s32 s1, $0x1  }
0x56b: {  	s0 =	sadd.s32 @!p0 $0x100000, s0  }
0x56c: {  	[sflag:s0] =	ssyncadd.tile.s32 @!p0 $0x1;
	_ =	shalt  }
.Lfunc_end2:
_tile_overlayer_lowered:
.L_overlay_start_2:
0x56d: {  	(tag) =	ssettag $0x2  }
0x56e: {  	s0 =	rddreg [dreg:$0x0];
	s2 =	stileid.u32  }
0x56f: {  	s1 =	rddreg [dreg:$0x1];
	p0 =	sne.s32 s2, $0x0  }
0x570: {  	s3 =	rddreg [dreg:$0x2];
	[bflag:$0x3] =	sbarrier.arrive $0xFFFF;
	s2 =	simm.s32 @!p0 $0x1C03  }
0x571: {  	[timem:s3], [sflag:s2] =	dma.local @!p0 [hbm:s0], s1  }
0x572: {  	s0 =	simm.s32 @!p0 $0x3  }
0x573: {  	_ =	swait.ge @!p0 [sflag:s0], s1  }
0x574: {  	s1 =	ssub.s32 @!p0 $0x0, s1;
	[sflag:s0] =	ssyncset.done @!p0 $0x0  }
0x575: {  	[sflag:s0] =	ssyncadd.s32 @!p0 s1  }
0x576: {  	[bflag:$0x3] =	sbarrier.arrive $0xFFFF  }
0x577: {  	_ =	shalt  }

</sc_bundles>
